<compile_context>
chip_gen: v7x
topology: tpu7x:2x2x1
jax: 0.10.2.dev20260603
libtpu: 0.0.44.dev20260713+nightly
codegen_flags: <defaults>
</compile_context>

<pallas_src>
import functools

import jax
import jax.numpy as jnp
import numpy as np
from jax import lax
from jax.experimental import pallas as pl
from jax.experimental.pallas import tpu as pltpu
from jax.experimental.pallas import tpu_sc as plsc

_HI = lax.Precision.DEFAULT
_SC_PARAMS = pltpu.CompilerParams(use_tc_tiling_on_sc=False)

_D = 32
_CHUNK = 128
_NC = 2
_NS = 16
_NW = _NC * _NS
_G = 8
_GS = 4
_BLK_E = 2048
_BLK_N = 2000



def _sc_gather(tab, idx):
    e = idx.shape[0]
    nch = e // _CHUNK
    assert nch % (_NW * _G) == 0
    groups = nch // (_NW * _G)
    mesh = plsc.VectorSubcoreMesh(core_axis_name="c", subcore_axis_name="s")

    @functools.partial(
        pl.kernel,
        out_type=jax.ShapeDtypeStruct((e, _D), tab.dtype),
        mesh=mesh,
        scratch_types=[
            pltpu.VMEM((_G, _CHUNK), jnp.int32),
            pltpu.VMEM((_G, _CHUNK, _D), tab.dtype),
            pltpu.SemaphoreType.DMA,
            pltpu.SemaphoreType.DMA,
            pltpu.SemaphoreType.DMA,
        ],
        compiler_params=_SC_PARAMS,
    )
    def gk(tab_hbm, idx_hbm, out_hbm, idx_v, rows_v, semi, semg, semw):
        wid = lax.axis_index("s") * _NC + lax.axis_index("c")

        def grp(g, carry):
            bases = [(wid + (g * _G + b) * _NW) * _CHUNK for b in range(_G)]
            di = [pltpu.async_copy(idx_hbm.at[pl.ds(bases[b], _CHUNK)],
                                   idx_v.at[b], semi) for b in range(_G)]
            for d in di:
                d.wait()
            dg = [pltpu.async_copy(tab_hbm.at[idx_v.at[b]], rows_v.at[b],
                                   semg) for b in range(_G)]
            for d in dg:
                d.wait()
            dw = [pltpu.async_copy(rows_v.at[b],
                                   out_hbm.at[pl.ds(bases[b], _CHUNK)],
                                   semw) for b in range(_G)]
            for d in dw:
                d.wait()
            return carry

        lax.fori_loop(0, groups, grp, 0)

    return gk(tab, idx)


def _sc_scatter(msg, dst, zer):
    e = dst.shape[0]
    n = zer.shape[0] * _NS
    rows_t = n // _NS
    nch = e // _CHUNK
    assert nch % (_NW * _GS) == 0
    groups = nch // (_NW * _GS)
    mesh = plsc.VectorSubcoreMesh(core_axis_name="c", subcore_axis_name="s")

    @functools.partial(
        pl.kernel,
        out_type=jax.ShapeDtypeStruct((_NC, n, _D), jnp.float32),
        mesh=mesh,
        scratch_types=[
            pltpu.VMEM((_GS, _CHUNK), jnp.int32),
            pltpu.VMEM((_GS, _CHUNK, _D), jnp.float32),
            pltpu.VMEM_SHARED((n, _D), jnp.float32),
            pltpu.SemaphoreType.DMA,
            pltpu.SemaphoreType.DMA,
        ],
        compiler_params=_SC_PARAMS,
    )
    def sk(msg_hbm, dst_hbm, zer_hbm, out_hbm, idx_v, msg_v, acc, seml, sems):
        cid = lax.axis_index("c")
        sid = lax.axis_index("s")
        wid = sid * _NC + cid
        row0 = sid * rows_t

        pltpu.sync_copy(zer_hbm, acc.at[pl.ds(row0, rows_t)])
        plsc.subcore_barrier()

        def grp(g, carry):
            bases = [(wid + (g * _GS + b) * _NW) * _CHUNK for b in range(_GS)]
            dl = []
            for b in range(_GS):
                dl.append(pltpu.async_copy(
                    dst_hbm.at[pl.ds(bases[b], _CHUNK)], idx_v.at[b], seml))
                dl.append(pltpu.async_copy(
                    msg_hbm.at[pl.ds(bases[b], _CHUNK)], msg_v.at[b], seml))
            for d in dl:
                d.wait()
            da = [pltpu.async_copy(msg_v.at[b], acc.at[idx_v.at[b]], sems,
                                   add=True) for b in range(_GS)]
            for d in da:
                d.wait()
            return carry

        lax.fori_loop(0, groups, grp, 0)
        plsc.subcore_barrier()
        pltpu.sync_copy(acc.at[pl.ds(row0, rows_t)],
                        out_hbm.at[cid, pl.ds(row0, rows_t)])

    return sk(msg, dst, zer)



def _trig_kernel(cn_ref, co_ref, si_ref):
    th = cn_ref[...]
    co_ref[...] = jnp.cos(th)
    si_ref[...] = jnp.sin(th)


def _trig_call(cn2d):
    rows = cn2d.shape[0]
    out = jax.ShapeDtypeStruct((rows, 128), jnp.float32)
    return pl.pallas_call(
        _trig_kernel,
        grid=(1,),
        in_specs=[pl.BlockSpec((rows, 128), lambda i: (0, 0))],
        out_specs=[pl.BlockSpec((rows, 128), lambda i: (0, 0))] * 2,
        out_shape=[out, out],
    )(cn2d)


def _edge_math(xs, co, si, p6, r, wrad, nvalid, rowbase):
    xs = xs.astype(jnp.float32)
    rows = xs.shape[0]
    nr = co.shape[0]
    ri = lax.broadcasted_iota(jnp.int32, (rows, nr), 0)
    ci = lax.broadcasted_iota(jnp.int32, (rows, nr), 1)
    pmat = (ri // 128 == ci).astype(jnp.float32)
    r2 = lax.broadcasted_iota(jnp.int32, (rows, 128), 0)
    l2 = lax.broadcasted_iota(jnp.int32, (rows, 128), 1)
    dmask = (l2 == r2 % 128).astype(jnp.float32)
    co = jnp.sum(jnp.dot(pmat, co, precision=_HI) * dmask, axis=1,
                 keepdims=True)
    si = jnp.sum(jnp.dot(pmat, si, precision=_HI) * dmask, axis=1,
                 keepdims=True)
    col = lax.broadcasted_iota(jnp.int32, xs.shape, 1)
    o = col % 3
    m1 = jnp.where(o != 0, 1.0, 0.0).astype(xs.dtype)
    sg = jnp.where(o == 1, 1.0, jnp.where(o == 2, -1.0, 0.0)).astype(xs.dtype)
    u = (1.0 - m1) + co * m1
    w = si * sg
    l = jnp.concatenate([xs * u, xs * w], axis=1).astype(jnp.bfloat16)
    y = jnp.dot(l, r, preferred_element_type=jnp.float32)
    coeff = lax.dot_general(p6, wrad, (((0,), (0,)), ((), ())),
                            preferred_element_type=jnp.float32)
    msg = (coeff[:, 0:1] * y[:, 0:32]
           + coeff[:, 1:2] * y[:, 32:64]
           + coeff[:, 2:3] * y[:, 64:96])
    row = rowbase + lax.broadcasted_iota(jnp.int32, xs.shape, 0)
    return jnp.where(row < nvalid, msg, 0.0)


def _edge_kernel(nvalid, xs_ref, co_ref, si_ref, p6_ref, r_ref, wrad_ref,
                 o_ref):
    o_ref[...] = _edge_math(xs_ref[...], co_ref[...], si_ref[...], p6_ref[...],
                            r_ref[...], wrad_ref[...], nvalid,
                            pl.program_id(0) * _BLK_E)


def _edge_call(xs, co, si, p6t, r, wrad, nvalid):
    e = xs.shape[0]
    grid = e // _BLK_E
    return pl.pallas_call(
        functools.partial(_edge_kernel, nvalid),
        grid=(grid,),
        in_specs=[
            pl.BlockSpec((_BLK_E, _D), lambda i: (i, 0)),
            pl.BlockSpec((_BLK_E // 128, 128), lambda i: (i, 0)),
            pl.BlockSpec((_BLK_E // 128, 128), lambda i: (i, 0)),
            pl.BlockSpec((8, _BLK_E), lambda i: (0, i)),
            pl.BlockSpec((64, 96), lambda i: (0, 0)),
            pl.BlockSpec((8, 8), lambda i: (0, 0)),
        ],
        out_specs=pl.BlockSpec((_BLK_E, _D), lambda i: (i, 0)),
        out_shape=jax.ShapeDtypeStruct((e, _D), jnp.float32),
    )(xs, co, si, p6t, r, wrad)


def _node_math(p0, p1, xin, res, a1cat, brow, a2):
    base = p0 + p1
    if res is not None:
        base = base + res
    l = jnp.concatenate([base, xin.astype(jnp.float32)], axis=1)
    z = jnp.maximum(jnp.dot(l, a1cat, precision=_HI) + brow[0:1, :], 0.0)
    return jnp.dot(z, a2, precision=_HI)


def _combine_kernel_nores(p0_ref, p1_ref, x_ref, a1_ref, b_ref, a2_ref, o_ref):
    o_ref[...] = _node_math(p0_ref[...], p1_ref[...], x_ref[...], None,
                            a1_ref[...], b_ref[...], a2_ref[...]
                            ).astype(o_ref.dtype)


def _combine_kernel_res(p0_ref, p1_ref, x_ref, r_ref, a1_ref, b_ref, a2_ref,
                        o_ref):
    o_ref[...] = _node_math(p0_ref[...], p1_ref[...], x_ref[...], r_ref[...],
                            a1_ref[...], b_ref[...], a2_ref[...]
                            ).astype(o_ref.dtype)


def _combine_call(p0, p1, xin, res, a1cat, brow, a2, out_dtype=jnp.float32):
    n = xin.shape[0]
    grid = n // _BLK_N
    blk = lambda: pl.BlockSpec((_BLK_N, _D), lambda i: (i, 0))
    full = lambda *shape: pl.BlockSpec(shape, lambda i: (0,) * len(shape))
    args = [p0, p1, xin] + ([] if res is None else [res])
    in_specs = [blk() for _ in args] + [
        full(64, 40), full(8, 40), full(40, _D)]
    body = _combine_kernel_nores if res is None else _combine_kernel_res
    return pl.pallas_call(
        body,
        grid=(grid,),
        in_specs=in_specs,
        out_specs=blk(),
        out_shape=jax.ShapeDtypeStruct((n, _D), out_dtype),
    )(*args, a1cat, brow, a2)



def _prep_conv_weights(w_rad, w, pswap):
    wc = jnp.transpose(w, (3, 4, 0, 1, 2)).reshape(24, 3, 24)
    wc = jnp.pad(wc, ((0, 8), (0, 0), (0, 8))).reshape(_D, 96)
    r = jnp.concatenate([wc, jnp.dot(pswap, wc)], axis=0)
    wrad = jnp.zeros((8, 8), jnp.float32)
    for b in range(3):
        for k in range(2):
            wrad = wrad.at[b * 2 + k, b].set(w_rad[b, k])
    return r, wrad


def _prep_self(w_self):
    ws = jnp.transpose(w_self, (2, 3, 0, 1)).reshape(24, 24)
    return jnp.pad(ws, ((0, 8), (0, 8)))


def _prep_bias(bias, a1):
    bv = jnp.zeros((_D,), jnp.float32).at[jnp.arange(8) * 3].set(bias)
    return jnp.broadcast_to(jnp.dot(bv, a1), (8, 40))


def _static_mats():
    pswap = np.zeros((_D, _D), np.float32)
    for c in range(8):
        pswap[c * 3 + 2, c * 3 + 1] = 1.0
        pswap[c * 3 + 1, c * 3 + 2] = 1.0
    thetas = 2.0 * np.pi * np.arange(5) / 5
    a = np.stack([np.ones(5), np.cos(thetas), np.sin(thetas)], 1)
    scale = np.array([1.0, 2.0, 2.0], np.float32) / 5.0
    a1 = np.zeros((_D, 40), np.float32)
    a2 = np.zeros((40, _D), np.float32)
    for c in range(8):
        for s in range(5):
            for o in range(3):
                a1[c * 3 + o, c * 5 + s] = a[s, o]
                a2[c * 5 + s, c * 3 + o] = a[s, o] * scale[o]
    return (jnp.asarray(pswap), jnp.asarray(a1), jnp.asarray(a2))



def kernel(x, edge_index, precomp_neigh_edge, connection,
           W_rad1, W1, Wself1, b1, W_rad2, W2, Wself2, b2):
    n, e = x.shape[0], edge_index.shape[0]
    assert n % _NS == 0 and n % _BLK_N == 0

    e2 = _NW * _G * 25 * _CHUNK
    assert e2 >= e and e2 % _BLK_E == 0 and e2 % 128 == 0
    pad_e = ((0, e2 - e),)

    src = jnp.pad(edge_index[:, 0].astype(jnp.int32), pad_e)
    dst = jnp.pad(edge_index[:, 1].astype(jnp.int32), pad_e)
    xp = jnp.pad(x.reshape(n, 24), ((0, 0), (0, 8)))
    p6t = jnp.pad(jnp.transpose(precomp_neigh_edge.reshape(e, 6)),
                  ((0, 2), pad_e[0]))
    zer = jnp.zeros((n // _NS, _D), jnp.float32)

    pswap, a1, a2 = _static_mats()
    r1, wrad1 = _prep_conv_weights(W_rad1, W1, pswap)
    r2, wrad2 = _prep_conv_weights(W_rad2, W2, pswap)
    a1c1 = jnp.concatenate([a1, jnp.dot(_prep_self(Wself1), a1)], axis=0)
    a1c2 = jnp.concatenate([a1, jnp.dot(_prep_self(Wself2), a1)], axis=0)
    bv1, bv2 = _prep_bias(b1, a1), _prep_bias(b2, a1)

    cn2 = jnp.pad(connection, pad_e)
    co, si = _trig_call(cn2.reshape(e2 // 128, 128))

    g1 = _sc_gather(xp.astype(jnp.bfloat16), src)
    p6tb = p6t.astype(jnp.bfloat16)
    m1 = _edge_call(g1, co, si, p6tb, r1.astype(jnp.bfloat16),
                    wrad1.astype(jnp.bfloat16), e)
    pr1 = _sc_scatter(m1, dst, zer)
    h = _combine_call(pr1[0], pr1[1], xp, None, a1c1, bv1, a2,
                      out_dtype=jnp.bfloat16)

    g2 = _sc_gather(h, src)
    m2 = _edge_call(g2, co, si, p6tb, r2.astype(jnp.bfloat16),
                    wrad2.astype(jnp.bfloat16), e)
    pr2 = _sc_scatter(m2, dst, zer)
    y = _combine_call(pr2[0], pr2[1], h, xp, a1c2, bv2, a2)

    return y[:, :24].reshape(n, 8, 3)

# --- scband reference (transcript-rebuilt; emitter-appended) ---
"""Pipeline reference for scband-gem-res-net-block-13005160972930 (READ-ONLY COPY).

The authoritative reference and input builder live on the scoring server;
editing this copy changes nothing except your own understanding.
"""

import jax, jax.numpy as jnp
import numpy as np

N = 50000
E = 800000
C_IN = 8
C_HID = 8
C_OUT = 8
IN_ORDER = 1
HID_ORDER = 1
OUT_ORDER = 1
N_RINGS = 2
BAND_LIMIT = 1
NUM_SAMPLES = 5
B = 2 * BAND_LIMIT + 1


def setup_inputs(seed: int = 0) -> dict:
    key = jax.random.key(seed)
    ks = jax.random.split(key, 12)
    s = 0.1
    x = jax.random.normal(ks[0], (N, C_IN, 2 * IN_ORDER + 1), dtype=jnp.float32)
    edge_index = jax.random.randint(ks[1], (E, 2), 0, N)
    precomp_neigh_edge = jax.random.uniform(ks[2], (E, B, N_RINGS), dtype=jnp.float32)
    connection = jax.random.normal(ks[3], (E,), dtype=jnp.float32)
    W_rad1 = jax.random.normal(ks[4], (B, N_RINGS), dtype=jnp.float32) * s
    W1 = jax.random.normal(ks[5], (B, C_HID, 2 * HID_ORDER + 1, C_IN, 2 * IN_ORDER + 1), dtype=jnp.float32) * s
    Wself1 = jax.random.normal(ks[6], (C_HID, 2 * HID_ORDER + 1, C_IN, 2 * IN_ORDER + 1), dtype=jnp.float32) * s
    b1 = jnp.zeros((C_HID,), dtype=jnp.float32)
    W_rad2 = jax.random.normal(ks[7], (B, N_RINGS), dtype=jnp.float32) * s
    W2 = jax.random.normal(ks[8], (B, C_OUT, 2 * OUT_ORDER + 1, C_HID, 2 * HID_ORDER + 1), dtype=jnp.float32) * s
    Wself2 = jax.random.normal(ks[9], (C_OUT, 2 * OUT_ORDER + 1, C_HID, 2 * HID_ORDER + 1), dtype=jnp.float32) * s
    b2 = jnp.zeros((C_OUT,), dtype=jnp.float32)
    return {
        'x': x, 'edge_index': edge_index, 'precomp_neigh_edge': precomp_neigh_edge,
        'connection': connection,
        'W_rad1': W_rad1, 'W1': W1, 'Wself1': Wself1, 'b1': b1,
        'W_rad2': W_rad2, 'W2': W2, 'Wself2': Wself2, 'b2': b2,
    }


def _transport(x_src, theta, order):
    # rotate order-m component pairs by m*theta (parallel transport via connection)
    parts = [x_src[..., 0:1]]
    for m in range(1, order + 1):
        c = jnp.cos(m * theta)[:, None]
        s = jnp.sin(m * theta)[:, None]
        a = x_src[..., 2 * m - 1]
        b = x_src[..., 2 * m]
        parts.append((c * a - s * b)[..., None])
        parts.append((s * a + c * b)[..., None])
    return jnp.concatenate(parts, axis=-1)


def _gem_conv(x, edge_index, precomp, connection, W_rad, W, W_self, bias, in_order):
    src = edge_index[:, 0]
    dst = edge_index[:, 1]
    x_src = jnp.take(x, src, axis=0)                      # [E, C_in, O_in] gather
    x_t = _transport(x_src, connection, in_order)         # parallel transport
    coeff = jnp.einsum('ebr,br->eb', precomp, W_rad)      # radial profile per band
    msg = jnp.einsum('eb,bopci,eci->eop', coeff, W, x_t)  # [E, C_out, O_out]
    agg = jax.ops.segment_sum(msg, dst, num_segments=x.shape[0])  # scatter-add
    self_term = jnp.einsum('opci,nci->nop', W_self, x)
    out = agg + self_term
    out = out.at[:, :, 0].add(bias)                       # bias on order-0 only (equiv_bias=False)
    return out


def _regular_nonlin(x, order, num_samples):
    # irrep -> regular samples -> pointwise ReLU -> project back to irrep
    thetas = 2.0 * np.pi * np.arange(num_samples) / num_samples
    cols = [np.ones(num_samples)]
    for m in range(1, order + 1):
        cols.append(np.cos(m * thetas))
        cols.append(np.sin(m * thetas))
    A = jnp.asarray(np.stack(cols, axis=1), dtype=jnp.float32)  # [S, O]
    scale = jnp.asarray([1.0] + [2.0] * (2 * order), dtype=jnp.float32) / num_samples
    reg = jnp.einsum('nco,so->ncs', x, A)
    reg = jax.nn.relu(reg)
    return jnp.einsum('ncs,so->nco', reg, A) * scale


def reference(x, edge_index, precomp_neigh_edge, connection,
              W_rad1, W1, Wself1, b1, W_rad2, W2, Wself2, b2):
    y = _gem_conv(x, edge_index, precomp_neigh_edge, connection, W_rad1, W1, Wself1, b1, IN_ORDER)
    y = _regular_nonlin(y, HID_ORDER, NUM_SAMPLES)  # regular_non_lin=True
    y = _gem_conv(y, edge_index, precomp_neigh_edge, connection, W_rad2, W2, Wself2, b2, HID_ORDER)
    # residual: in_channels == out_channels -> lin = Identity
    o = min(y.shape[2], x.shape[2])
    y = y.at[:, :, :o].add(x[:, :, :o])
    return _regular_nonlin(y, OUT_ORDER, NUM_SAMPLES)  # final_activation=True

if __name__ == "__main__":
    import jax
    _d = setup_inputs()
    print(jax.jit(kernel)(*tuple(_d.values())))

</pallas_src>

<mosaic_0001>
#map = affine_map<(d0, d1) -> (0, 0)>
#map1 = affine_map<(d0, d1) -> (0)>
module attributes {stable_mosaic.version = 14 : i64} {
  func.func @gk(%arg0: i32, %arg1: i32, %arg2: memref<50000x32xbf16, #tpu.memory_space<hbm>>, %arg3: memref<819200xi32, #tpu.memory_space<hbm>>, %arg4: memref<819200x32xbf16, #tpu.memory_space<hbm>>, %arg5: memref<8x128xi32, #tpu.memory_space<vmem>>, %arg6: memref<8x128x32xbf16, #tpu.memory_space<vmem>>, %arg7: memref<!tpu.dma_semaphore, #tpu.memory_space<semaphore_mem>>, %arg8: memref<!tpu.dma_semaphore, #tpu.memory_space<semaphore_mem>>, %arg9: memref<!tpu.dma_semaphore, #tpu.memory_space<semaphore_mem>>) attributes {dimension_semantics = [#tpu.dimension_semantics<core_parallel>, #tpu.dimension_semantics<subcore_parallel>], iteration_bounds = array<i64: 2, 16>, scalar_prefetch = 0 : i64, scratch_operands = 5 : i64, tpu.core_type = #tpu.core_type<sc_vector_subcore>, window_params = [{transform_indices = #map}, {transform_indices = #map1}, {transform_indices = #map}]} {
    %mul3A = arith.constant 2 : i32
    %mul3A_0 = arith.muli %arg1, %mul3A : i32
    %add3A = arith.addi %mul3A_0, %arg0 : i32
    %scan3A = arith.constant 0 : i32
    %scan3A_1 = arith.constant 0 : i32
    %scan3A_2 = arith.constant 25 : i32
    %scan3A_3 = arith.addi %scan3A_1, %scan3A_2 : i32
    %scan3A_4 = arith.constant 1 : i32
    scf.for %scan3A_6 = %scan3A_1 to %scan3A_3 step %scan3A_4  : i32 {
      %mul3A_7 = arith.constant 8 : i32
      %mul3A_8 = arith.muli %scan3A_6, %mul3A_7 : i32
      %add3A_9 = arith.constant 0 : i32
      %add3A_10 = arith.addi %mul3A_8, %add3A_9 : i32
      %mul3A_11 = arith.constant 32 : i32
      %mul3A_12 = arith.muli %add3A_10, %mul3A_11 : i32
      %add3A_13 = arith.addi %add3A, %mul3A_12 : i32
      %mul3A_14 = arith.constant 128 : i32
      %mul3A_15 = arith.muli %add3A_13, %mul3A_14 : i32
      %mul3A_16 = arith.constant 8 : i32
      %mul3A_17 = arith.muli %scan3A_6, %mul3A_16 : i32
      %add3A_18 = arith.constant 1 : i32
      %add3A_19 = arith.addi %mul3A_17, %add3A_18 : i32
      %mul3A_20 = arith.constant 32 : i32
      %mul3A_21 = arith.muli %add3A_19, %mul3A_20 : i32
      %add3A_22 = arith.addi %add3A, %mul3A_21 : i32
      %mul3A_23 = arith.constant 128 : i32
      %mul3A_24 = arith.muli %add3A_22, %mul3A_23 : i32
      %mul3A_25 = arith.constant 8 : i32
      %mul3A_26 = arith.muli %scan3A_6, %mul3A_25 : i32
      %add3A_27 = arith.constant 2 : i32
      %add3A_28 = arith.addi %mul3A_26, %add3A_27 : i32
      %mul3A_29 = arith.constant 32 : i32
      %mul3A_30 = arith.muli %add3A_28, %mul3A_29 : i32
      %add3A_31 = arith.addi %add3A, %mul3A_30 : i32
      %mul3A_32 = arith.constant 128 : i32
      %mul3A_33 = arith.muli %add3A_31, %mul3A_32 : i32
      %mul3A_34 = arith.constant 8 : i32
      %mul3A_35 = arith.muli %scan3A_6, %mul3A_34 : i32
      %add3A_36 = arith.constant 3 : i32
      %add3A_37 = arith.addi %mul3A_35, %add3A_36 : i32
      %mul3A_38 = arith.constant 32 : i32
      %mul3A_39 = arith.muli %add3A_37, %mul3A_38 : i32
      %add3A_40 = arith.addi %add3A, %mul3A_39 : i32
      %mul3A_41 = arith.constant 128 : i32
      %mul3A_42 = arith.muli %add3A_40, %mul3A_41 : i32
      %mul3A_43 = arith.constant 8 : i32
      %mul3A_44 = arith.muli %scan3A_6, %mul3A_43 : i32
      %add3A_45 = arith.constant 4 : i32
      %add3A_46 = arith.addi %mul3A_44, %add3A_45 : i32
      %mul3A_47 = arith.constant 32 : i32
      %mul3A_48 = arith.muli %add3A_46, %mul3A_47 : i32
      %add3A_49 = arith.addi %add3A, %mul3A_48 : i32
      %mul3A_50 = arith.constant 128 : i32
      %mul3A_51 = arith.muli %add3A_49, %mul3A_50 : i32
      %mul3A_52 = arith.constant 8 : i32
      %mul3A_53 = arith.muli %scan3A_6, %mul3A_52 : i32
      %add3A_54 = arith.constant 5 : i32
      %add3A_55 = arith.addi %mul3A_53, %add3A_54 : i32
      %mul3A_56 = arith.constant 32 : i32
      %mul3A_57 = arith.muli %add3A_55, %mul3A_56 : i32
      %add3A_58 = arith.addi %add3A, %mul3A_57 : i32
      %mul3A_59 = arith.constant 128 : i32
      %mul3A_60 = arith.muli %add3A_58, %mul3A_59 : i32
      %mul3A_61 = arith.constant 8 : i32
      %mul3A_62 = arith.muli %scan3A_6, %mul3A_61 : i32
      %add3A_63 = arith.constant 6 : i32
      %add3A_64 = arith.addi %mul3A_62, %add3A_63 : i32
      %mul3A_65 = arith.constant 32 : i32
      %mul3A_66 = arith.muli %add3A_64, %mul3A_65 : i32
      %add3A_67 = arith.addi %add3A, %mul3A_66 : i32
      %mul3A_68 = arith.constant 128 : i32
      %mul3A_69 = arith.muli %add3A_67, %mul3A_68 : i32
      %mul3A_70 = arith.constant 8 : i32
      %mul3A_71 = arith.muli %scan3A_6, %mul3A_70 : i32
      %add3A_72 = arith.constant 7 : i32
      %add3A_73 = arith.addi %mul3A_71, %add3A_72 : i32
      %mul3A_74 = arith.constant 32 : i32
      %mul3A_75 = arith.muli %add3A_73, %mul3A_74 : i32
      %add3A_76 = arith.addi %add3A, %mul3A_75 : i32
      %mul3A_77 = arith.constant 128 : i32
      %mul3A_78 = arith.muli %add3A_76, %mul3A_77 : i32
      %dma_start3A = arith.constant 0 : i32
      %dma_start3A_79 = arith.constant 0 : i32
      %dma_start3A_80 = tpu.memref_slice %arg5[%dma_start3A, %dma_start3A_79] : memref<8x128xi32, #tpu.memory_space<vmem>> -> memref<1x128xi32, #tpu.memory_space<vmem>>
      %dma_start3A_81 = tpu.memref_squeeze %dma_start3A_80 : memref<1x128xi32, #tpu.memory_space<vmem>> -> memref<128xi32, #tpu.memory_space<vmem>>
      %dma_start3A_82 = tpu.memref_slice %arg3[%mul3A_15] : memref<819200xi32, #tpu.memory_space<hbm>> -> memref<128xi32, #tpu.memory_space<hbm>>
      %dma_start3A_83 = arith.constant 0 : i32
      %dma_start3A_84 = tpu.memref_slice %arg5[%dma_start3A, %dma_start3A_83] : memref<8x128xi32, #tpu.memory_space<vmem>> -> memref<1x128xi32, #tpu.memory_space<vmem>>
      %dma_start3A_85 = tpu.memref_squeeze %dma_start3A_84 : memref<1x128xi32, #tpu.memory_space<vmem>> -> memref<128xi32, #tpu.memory_space<vmem>>
      %dma_start3A_86 = tpu.memref_slice %arg3[%mul3A_15] : memref<819200xi32, #tpu.memory_space<hbm>> -> memref<128xi32, #tpu.memory_space<hbm>>
      tpu.enqueue_dma source(%dma_start3A_86 : memref<128xi32, #tpu.memory_space<hbm>>) target(%dma_start3A_85 : memref<128xi32, #tpu.memory_space<vmem>>) target_semaphore(%arg7 : memref<!tpu.dma_semaphore, #tpu.memory_space<semaphore_mem>>)
      %dma_start3A_87 = arith.constant 1 : i32
      %dma_start3A_88 = arith.constant 0 : i32
      %dma_start3A_89 = tpu.memref_slice %arg5[%dma_start3A_87, %dma_start3A_88] : memref<8x128xi32, #tpu.memory_space<vmem>> -> memref<1x128xi32, #tpu.memory_space<vmem>>
      %dma_start3A_90 = tpu.memref_squeeze %dma_start3A_89 : memref<1x128xi32, #tpu.memory_space<vmem>> -> memref<128xi32, #tpu.memory_space<vmem>>
      %dma_start3A_91 = tpu.memref_slice %arg3[%mul3A_24] : memref<819200xi32, #tpu.memory_space<hbm>> -> memref<128xi32, #tpu.memory_space<hbm>>
      %dma_start3A_92 = arith.constant 0 : i32
      %dma_start3A_93 = tpu.memref_slice %arg5[%dma_start3A_87, %dma_start3A_92] : memref<8x128xi32, #tpu.memory_space<vmem>> -> memref<1x128xi32, #tpu.memory_space<vmem>>
      %dma_start3A_94 = tpu.memref_squeeze %dma_start3A_93 : memref<1x128xi32, #tpu.memory_space<vmem>> -> memref<128xi32, #tpu.memory_space<vmem>>
      %dma_start3A_95 = tpu.memref_slice %arg3[%mul3A_24] : memref<819200xi32, #tpu.memory_space<hbm>> -> memref<128xi32, #tpu.memory_space<hbm>>
      tpu.enqueue_dma source(%dma_start3A_95 : memref<128xi32, #tpu.memory_space<hbm>>) target(%dma_start3A_94 : memref<128xi32, #tpu.memory_space<vmem>>) target_semaphore(%arg7 : memref<!tpu.dma_semaphore, #tpu.memory_space<semaphore_mem>>)
      %dma_start3A_96 = arith.constant 2 : i32
      %dma_start3A_97 = arith.constant 0 : i32
      %dma_start3A_98 = tpu.memref_slice %arg5[%dma_start3A_96, %dma_start3A_97] : memref<8x128xi32, #tpu.memory_space<vmem>> -> memref<1x128xi32, #tpu.memory_space<vmem>>
      %dma_start3A_99 = tpu.memref_squeeze %dma_start3A_98 : memref<1x128xi32, #tpu.memory_space<vmem>> -> memref<128xi32, #tpu.memory_space<vmem>>
      %dma_start3A_100 = tpu.memref_slice %arg3[%mul3A_33] : memref<819200xi32, #tpu.memory_space<hbm>> -> memref<128xi32, #tpu.memory_space<hbm>>
      %dma_start3A_101 = arith.constant 0 : i32
      %dma_start3A_102 = tpu.memref_slice %arg5[%dma_start3A_96, %dma_start3A_101] : memref<8x128xi32, #tpu.memory_space<vmem>> -> memref<1x128xi32, #tpu.memory_space<vmem>>
      %dma_start3A_103 = tpu.memref_squeeze %dma_start3A_102 : memref<1x128xi32, #tpu.memory_space<vmem>> -> memref<128xi32, #tpu.memory_space<vmem>>
      %dma_start3A_104 = tpu.memref_slice %arg3[%mul3A_33] : memref<819200xi32, #tpu.memory_space<hbm>> -> memref<128xi32, #tpu.memory_space<hbm>>
      tpu.enqueue_dma source(%dma_start3A_104 : memref<128xi32, #tpu.memory_space<hbm>>) target(%dma_start3A_103 : memref<128xi32, #tpu.memory_space<vmem>>) target_semaphore(%arg7 : memref<!tpu.dma_semaphore, #tpu.memory_space<semaphore_mem>>)
      %dma_start3A_105 = arith.constant 3 : i32
      %dma_start3A_106 = arith.constant 0 : i32
      %dma_start3A_107 = tpu.memref_slice %arg5[%dma_start3A_105, %dma_start3A_106] : memref<8x128xi32, #tpu.memory_space<vmem>> -> memref<1x128xi32, #tpu.memory_space<vmem>>
      %dma_start3A_108 = tpu.memref_squeeze %dma_start3A_107 : memref<1x128xi32, #tpu.memory_space<vmem>> -> memref<128xi32, #tpu.memory_space<vmem>>
      %dma_start3A_109 = tpu.memref_slice %arg3[%mul3A_42] : memref<819200xi32, #tpu.memory_space<hbm>> -> memref<128xi32, #tpu.memory_space<hbm>>
      %dma_start3A_110 = arith.constant 0 : i32
      %dma_start3A_111 = tpu.memref_slice %arg5[%dma_start3A_105, %dma_start3A_110] : memref<8x128xi32, #tpu.memory_space<vmem>> -> memref<1x128xi32, #tpu.memory_space<vmem>>
      %dma_start3A_112 = tpu.memref_squeeze %dma_start3A_111 : memref<1x128xi32, #tpu.memory_space<vmem>> -> memref<128xi32, #tpu.memory_space<vmem>>
      %dma_start3A_113 = tpu.memref_slice %arg3[%mul3A_42] : memref<819200xi32, #tpu.memory_space<hbm>> -> memref<128xi32, #tpu.memory_space<hbm>>
      tpu.enqueue_dma source(%dma_start3A_113 : memref<128xi32, #tpu.memory_space<hbm>>) target(%dma_start3A_112 : memref<128xi32, #tpu.memory_space<vmem>>) target_semaphore(%arg7 : memref<!tpu.dma_semaphore, #tpu.memory_space<semaphore_mem>>)
      %dma_start3A_114 = arith.constant 4 : i32
      %dma_start3A_115 = arith.constant 0 : i32
      %dma_start3A_116 = tpu.memref_slice %arg5[%dma_start3A_114, %dma_start3A_115] : memref<8x128xi32, #tpu.memory_space<vmem>> -> memref<1x128xi32, #tpu.memory_space<vmem>>
      %dma_start3A_117 = tpu.memref_squeeze %dma_start3A_116 : memref<1x128xi32, #tpu.memory_space<vmem>> -> memref<128xi32, #tpu.memory_space<vmem>>
      %dma_start3A_118 = tpu.memref_slice %arg3[%mul3A_51] : memref<819200xi32, #tpu.memory_space<hbm>> -> memref<128xi32, #tpu.memory_space<hbm>>
      %dma_start3A_119 = arith.constant 0 : i32
      %dma_start3A_120 = tpu.memref_slice %arg5[%dma_start3A_114, %dma_start3A_119] : memref<8x128xi32, #tpu.memory_space<vmem>> -> memref<1x128xi32, #tpu.memory_space<vmem>>
      %dma_start3A_121 = tpu.memref_squeeze %dma_start3A_120 : memref<1x128xi32, #tpu.memory_space<vmem>> -> memref<128xi32, #tpu.memory_space<vmem>>
      %dma_start3A_122 = tpu.memref_slice %arg3[%mul3A_51] : memref<819200xi32, #tpu.memory_space<hbm>> -> memref<128xi32, #tpu.memory_space<hbm>>
      tpu.enqueue_dma source(%dma_start3A_122 : memref<128xi32, #tpu.memory_space<hbm>>) target(%dma_start3A_121 : memref<128xi32, #tpu.memory_space<vmem>>) target_semaphore(%arg7 : memref<!tpu.dma_semaphore, #tpu.memory_space<semaphore_mem>>)
      %dma_start3A_123 = arith.constant 5 : i32
      %dma_start3A_124 = arith.constant 0 : i32
      %dma_start3A_125 = tpu.memref_slice %arg5[%dma_start3A_123, %dma_start3A_124] : memref<8x128xi32, #tpu.memory_space<vmem>> -> memref<1x128xi32, #tpu.memory_space<vmem>>
      %dma_start3A_126 = tpu.memref_squeeze %dma_start3A_125 : memref<1x128xi32, #tpu.memory_space<vmem>> -> memref<128xi32, #tpu.memory_space<vmem>>
      %dma_start3A_127 = tpu.memref_slice %arg3[%mul3A_60] : memref<819200xi32, #tpu.memory_space<hbm>> -> memref<128xi32, #tpu.memory_space<hbm>>
      %dma_start3A_128 = arith.constant 0 : i32
      %dma_start3A_129 = tpu.memref_slice %arg5[%dma_start3A_123, %dma_start3A_128] : memref<8x128xi32, #tpu.memory_space<vmem>> -> memref<1x128xi32, #tpu.memory_space<vmem>>
      %dma_start3A_130 = tpu.memref_squeeze %dma_start3A_129 : memref<1x128xi32, #tpu.memory_space<vmem>> -> memref<128xi32, #tpu.memory_space<vmem>>
      %dma_start3A_131 = tpu.memref_slice %arg3[%mul3A_60] : memref<819200xi32, #tpu.memory_space<hbm>> -> memref<128xi32, #tpu.memory_space<hbm>>
      tpu.enqueue_dma source(%dma_start3A_131 : memref<128xi32, #tpu.memory_space<hbm>>) target(%dma_start3A_130 : memref<128xi32, #tpu.memory_space<vmem>>) target_semaphore(%arg7 : memref<!tpu.dma_semaphore, #tpu.memory_space<semaphore_mem>>)
      %dma_start3A_132 = arith.constant 6 : i32
      %dma_start3A_133 = arith.constant 0 : i32
      %dma_start3A_134 = tpu.memref_slice %arg5[%dma_start3A_132, %dma_start3A_133] : memref<8x128xi32, #tpu.memory_space<vmem>> -> memref<1x128xi32, #tpu.memory_space<vmem>>
      %dma_start3A_135 = tpu.memref_squeeze %dma_start3A_134 : memref<1x128xi32, #tpu.memory_space<vmem>> -> memref<128xi32, #tpu.memory_space<vmem>>
      %dma_start3A_136 = tpu.memref_slice %arg3[%mul3A_69] : memref<819200xi32, #tpu.memory_space<hbm>> -> memref<128xi32, #tpu.memory_space<hbm>>
      %dma_start3A_137 = arith.constant 0 : i32
      %dma_start3A_138 = tpu.memref_slice %arg5[%dma_start3A_132, %dma_start3A_137] : memref<8x128xi32, #tpu.memory_space<vmem>> -> memref<1x128xi32, #tpu.memory_space<vmem>>
      %dma_start3A_139 = tpu.memref_squeeze %dma_start3A_138 : memref<1x128xi32, #tpu.memory_space<vmem>> -> memref<128xi32, #tpu.memory_space<vmem>>
      %dma_start3A_140 = tpu.memref_slice %arg3[%mul3A_69] : memref<819200xi32, #tpu.memory_space<hbm>> -> memref<128xi32, #tpu.memory_space<hbm>>
      tpu.enqueue_dma source(%dma_start3A_140 : memref<128xi32, #tpu.memory_space<hbm>>) target(%dma_start3A_139 : memref<128xi32, #tpu.memory_space<vmem>>) target_semaphore(%arg7 : memref<!tpu.dma_semaphore, #tpu.memory_space<semaphore_mem>>)
      %dma_start3A_141 = arith.constant 7 : i32
      %dma_start3A_142 = arith.constant 0 : i32
      %dma_start3A_143 = tpu.memref_slice %arg5[%dma_start3A_141, %dma_start3A_142] : memref<8x128xi32, #tpu.memory_space<vmem>> -> memref<1x128xi32, #tpu.memory_space<vmem>>
      %dma_start3A_144 = tpu.memref_squeeze %dma_start3A_143 : memref<1x128xi32, #tpu.memory_space<vmem>> -> memref<128xi32, #tpu.memory_space<vmem>>
      %dma_start3A_145 = tpu.memref_slice %arg3[%mul3A_78] : memref<819200xi32, #tpu.memory_space<hbm>> -> memref<128xi32, #tpu.memory_space<hbm>>
      %dma_start3A_146 = arith.constant 0 : i32
      %dma_start3A_147 = tpu.memref_slice %arg5[%dma_start3A_141, %dma_start3A_146] : memref<8x128xi32, #tpu.memory_space<vmem>> -> memref<1x128xi32, #tpu.memory_space<vmem>>
      %dma_start3A_148 = tpu.memref_squeeze %dma_start3A_147 : memref<1x128xi32, #tpu.memory_space<vmem>> -> memref<128xi32, #tpu.memory_space<vmem>>
      %dma_start3A_149 = tpu.memref_slice %arg3[%mul3A_78] : memref<819200xi32, #tpu.memory_space<hbm>> -> memref<128xi32, #tpu.memory_space<hbm>>
      tpu.enqueue_dma source(%dma_start3A_149 : memref<128xi32, #tpu.memory_space<hbm>>) target(%dma_start3A_148 : memref<128xi32, #tpu.memory_space<vmem>>) target_semaphore(%arg7 : memref<!tpu.dma_semaphore, #tpu.memory_space<semaphore_mem>>)
      %dma_wait3A = arith.constant 0 : i32
      %dma_wait3A_150 = arith.constant 0 : i32
      %dma_wait3A_151 = tpu.memref_slice %arg5[%dma_wait3A, %dma_wait3A_150] : memref<8x128xi32, #tpu.memory_space<vmem>> -> memref<1x128xi32, #tpu.memory_space<vmem>>
      %dma_wait3A_152 = tpu.memref_squeeze %dma_wait3A_151 : memref<1x128xi32, #tpu.memory_space<vmem>> -> memref<128xi32, #tpu.memory_space<vmem>>
      %dma_wait3A_153 = tpu.memref_slice %arg3[%mul3A_15] : memref<819200xi32, #tpu.memory_space<hbm>> -> memref<128xi32, #tpu.memory_space<hbm>>
      %dma_wait3A_154 = arith.constant 0 : i32
      %dma_wait3A_155 = tpu.memref_slice %arg5[%dma_wait3A, %dma_wait3A_154] : memref<8x128xi32, #tpu.memory_space<vmem>> -> memref<1x128xi32, #tpu.memory_space<vmem>>
      %dma_wait3A_156 = tpu.memref_squeeze %dma_wait3A_155 : memref<1x128xi32, #tpu.memory_space<vmem>> -> memref<128xi32, #tpu.memory_space<vmem>>
      %dma_wait3A_157 = tpu.memref_slice %arg3[%mul3A_15] : memref<819200xi32, #tpu.memory_space<hbm>> -> memref<128xi32, #tpu.memory_space<hbm>>
      tpu.wait_dma2 semaphore(%arg7 : memref<!tpu.dma_semaphore, #tpu.memory_space<semaphore_mem>>) src(%dma_wait3A_157 : memref<128xi32, #tpu.memory_space<hbm>>) dst(%dma_wait3A_156 : memref<128xi32, #tpu.memory_space<vmem>>)
      %dma_wait3A_158 = arith.constant 1 : i32
      %dma_wait3A_159 = arith.constant 0 : i32
      %dma_wait3A_160 = tpu.memref_slice %arg5[%dma_wait3A_158, %dma_wait3A_159] : memref<8x128xi32, #tpu.memory_space<vmem>> -> memref<1x128xi32, #tpu.memory_space<vmem>>
      %dma_wait3A_161 = tpu.memref_squeeze %dma_wait3A_160 : memref<1x128xi32, #tpu.memory_space<vmem>> -> memref<128xi32, #tpu.memory_space<vmem>>
      %dma_wait3A_162 = tpu.memref_slice %arg3[%mul3A_24] : memref<819200xi32, #tpu.memory_space<hbm>> -> memref<128xi32, #tpu.memory_space<hbm>>
      %dma_wait3A_163 = arith.constant 0 : i32
      %dma_wait3A_164 = tpu.memref_slice %arg5[%dma_wait3A_158, %dma_wait3A_163] : memref<8x128xi32, #tpu.memory_space<vmem>> -> memref<1x128xi32, #tpu.memory_space<vmem>>
      %dma_wait3A_165 = tpu.memref_squeeze %dma_wait3A_164 : memref<1x128xi32, #tpu.memory_space<vmem>> -> memref<128xi32, #tpu.memory_space<vmem>>
      %dma_wait3A_166 = tpu.memref_slice %arg3[%mul3A_24] : memref<819200xi32, #tpu.memory_space<hbm>> -> memref<128xi32, #tpu.memory_space<hbm>>
      tpu.wait_dma2 semaphore(%arg7 : memref<!tpu.dma_semaphore, #tpu.memory_space<semaphore_mem>>) src(%dma_wait3A_166 : memref<128xi32, #tpu.memory_space<hbm>>) dst(%dma_wait3A_165 : memref<128xi32, #tpu.memory_space<vmem>>)
      %dma_wait3A_167 = arith.constant 2 : i32
      %dma_wait3A_168 = arith.constant 0 : i32
      %dma_wait3A_169 = tpu.memref_slice %arg5[%dma_wait3A_167, %dma_wait3A_168] : memref<8x128xi32, #tpu.memory_space<vmem>> -> memref<1x128xi32, #tpu.memory_space<vmem>>
      %dma_wait3A_170 = tpu.memref_squeeze %dma_wait3A_169 : memref<1x128xi32, #tpu.memory_space<vmem>> -> memref<128xi32, #tpu.memory_space<vmem>>
      %dma_wait3A_171 = tpu.memref_slice %arg3[%mul3A_33] : memref<819200xi32, #tpu.memory_space<hbm>> -> memref<128xi32, #tpu.memory_space<hbm>>
      %dma_wait3A_172 = arith.constant 0 : i32
      %dma_wait3A_173 = tpu.memref_slice %arg5[%dma_wait3A_167, %dma_wait3A_172] : memref<8x128xi32, #tpu.memory_space<vmem>> -> memref<1x128xi32, #tpu.memory_space<vmem>>
      %dma_wait3A_174 = tpu.memref_squeeze %dma_wait3A_173 : memref<1x128xi32, #tpu.memory_space<vmem>> -> memref<128xi32, #tpu.memory_space<vmem>>
      %dma_wait3A_175 = tpu.memref_slice %arg3[%mul3A_33] : memref<819200xi32, #tpu.memory_space<hbm>> -> memref<128xi32, #tpu.memory_space<hbm>>
      tpu.wait_dma2 semaphore(%arg7 : memref<!tpu.dma_semaphore, #tpu.memory_space<semaphore_mem>>) src(%dma_wait3A_175 : memref<128xi32, #tpu.memory_space<hbm>>) dst(%dma_wait3A_174 : memref<128xi32, #tpu.memory_space<vmem>>)
      %dma_wait3A_176 = arith.constant 3 : i32
      %dma_wait3A_177 = arith.constant 0 : i32
      %dma_wait3A_178 = tpu.memref_slice %arg5[%dma_wait3A_176, %dma_wait3A_177] : memref<8x128xi32, #tpu.memory_space<vmem>> -> memref<1x128xi32, #tpu.memory_space<vmem>>
      %dma_wait3A_179 = tpu.memref_squeeze %dma_wait3A_178 : memref<1x128xi32, #tpu.memory_space<vmem>> -> memref<128xi32, #tpu.memory_space<vmem>>
      %dma_wait3A_180 = tpu.memref_slice %arg3[%mul3A_42] : memref<819200xi32, #tpu.memory_space<hbm>> -> memref<128xi32, #tpu.memory_space<hbm>>
      %dma_wait3A_181 = arith.constant 0 : i32
      %dma_wait3A_182 = tpu.memref_slice %arg5[%dma_wait3A_176, %dma_wait3A_181] : memref<8x128xi32, #tpu.memory_space<vmem>> -> memref<1x128xi32, #tpu.memory_space<vmem>>
      %dma_wait3A_183 = tpu.memref_squeeze %dma_wait3A_182 : memref<1x128xi32, #tpu.memory_space<vmem>> -> memref<128xi32, #tpu.memory_space<vmem>>
      %dma_wait3A_184 = tpu.memref_slice %arg3[%mul3A_42] : memref<819200xi32, #tpu.memory_space<hbm>> -> memref<128xi32, #tpu.memory_space<hbm>>
      tpu.wait_dma2 semaphore(%arg7 : memref<!tpu.dma_semaphore, #tpu.memory_space<semaphore_mem>>) src(%dma_wait3A_184 : memref<128xi32, #tpu.memory_space<hbm>>) dst(%dma_wait3A_183 : memref<128xi32, #tpu.memory_space<vmem>>)
      %dma_wait3A_185 = arith.constant 4 : i32
      %dma_wait3A_186 = arith.constant 0 : i32
      %dma_wait3A_187 = tpu.memref_slice %arg5[%dma_wait3A_185, %dma_wait3A_186] : memref<8x128xi32, #tpu.memory_space<vmem>> -> memref<1x128xi32, #tpu.memory_space<vmem>>
      %dma_wait3A_188 = tpu.memref_squeeze %dma_wait3A_187 : memref<1x128xi32, #tpu.memory_space<vmem>> -> memref<128xi32, #tpu.memory_space<vmem>>
      %dma_wait3A_189 = tpu.memref_slice %arg3[%mul3A_51] : memref<819200xi32, #tpu.memory_space<hbm>> -> memref<128xi32, #tpu.memory_space<hbm>>
      %dma_wait3A_190 = arith.constant 0 : i32
      %dma_wait3A_191 = tpu.memref_slice %arg5[%dma_wait3A_185, %dma_wait3A_190] : memref<8x128xi32, #tpu.memory_space<vmem>> -> memref<1x128xi32, #tpu.memory_space<vmem>>
      %dma_wait3A_192 = tpu.memref_squeeze %dma_wait3A_191 : memref<1x128xi32, #tpu.memory_space<vmem>> -> memref<128xi32, #tpu.memory_space<vmem>>
      %dma_wait3A_193 = tpu.memref_slice %arg3[%mul3A_51] : memref<819200xi32, #tpu.memory_space<hbm>> -> memref<128xi32, #tpu.memory_space<hbm>>
      tpu.wait_dma2 semaphore(%arg7 : memref<!tpu.dma_semaphore, #tpu.memory_space<semaphore_mem>>) src(%dma_wait3A_193 : memref<128xi32, #tpu.memory_space<hbm>>) dst(%dma_wait3A_192 : memref<128xi32, #tpu.memory_space<vmem>>)
      %dma_wait3A_194 = arith.constant 5 : i32
      %dma_wait3A_195 = arith.constant 0 : i32
      %dma_wait3A_196 = tpu.memref_slice %arg5[%dma_wait3A_194, %dma_wait3A_195] : memref<8x128xi32, #tpu.memory_space<vmem>> -> memref<1x128xi32, #tpu.memory_space<vmem>>
      %dma_wait3A_197 = tpu.memref_squeeze %dma_wait3A_196 : memref<1x128xi32, #tpu.memory_space<vmem>> -> memref<128xi32, #tpu.memory_space<vmem>>
      %dma_wait3A_198 = tpu.memref_slice %arg3[%mul3A_60] : memref<819200xi32, #tpu.memory_space<hbm>> -> memref<128xi32, #tpu.memory_space<hbm>>
      %dma_wait3A_199 = arith.constant 0 : i32
      %dma_wait3A_200 = tpu.memref_slice %arg5[%dma_wait3A_194, %dma_wait3A_199] : memref<8x128xi32, #tpu.memory_space<vmem>> -> memref<1x128xi32, #tpu.memory_space<vmem>>
      %dma_wait3A_201 = tpu.memref_squeeze %dma_wait3A_200 : memref<1x128xi32, #tpu.memory_space<vmem>> -> memref<128xi32, #tpu.memory_space<vmem>>
      %dma_wait3A_202 = tpu.memref_slice %arg3[%mul3A_60] : memref<819200xi32, #tpu.memory_space<hbm>> -> memref<128xi32, #tpu.memory_space<hbm>>
      tpu.wait_dma2 semaphore(%arg7 : memref<!tpu.dma_semaphore, #tpu.memory_space<semaphore_mem>>) src(%dma_wait3A_202 : memref<128xi32, #tpu.memory_space<hbm>>) dst(%dma_wait3A_201 : memref<128xi32, #tpu.memory_space<vmem>>)
      %dma_wait3A_203 = arith.constant 6 : i32
      %dma_wait3A_204 = arith.constant 0 : i32
      %dma_wait3A_205 = tpu.memref_slice %arg5[%dma_wait3A_203, %dma_wait3A_204] : memref<8x128xi32, #tpu.memory_space<vmem>> -> memref<1x128xi32, #tpu.memory_space<vmem>>
      %dma_wait3A_206 = tpu.memref_squeeze %dma_wait3A_205 : memref<1x128xi32, #tpu.memory_space<vmem>> -> memref<128xi32, #tpu.memory_space<vmem>>
      %dma_wait3A_207 = tpu.memref_slice %arg3[%mul3A_69] : memref<819200xi32, #tpu.memory_space<hbm>> -> memref<128xi32, #tpu.memory_space<hbm>>
      %dma_wait3A_208 = arith.constant 0 : i32
      %dma_wait3A_209 = tpu.memref_slice %arg5[%dma_wait3A_203, %dma_wait3A_208] : memref<8x128xi32, #tpu.memory_space<vmem>> -> memref<1x128xi32, #tpu.memory_space<vmem>>
      %dma_wait3A_210 = tpu.memref_squeeze %dma_wait3A_209 : memref<1x128xi32, #tpu.memory_space<vmem>> -> memref<128xi32, #tpu.memory_space<vmem>>
      %dma_wait3A_211 = tpu.memref_slice %arg3[%mul3A_69] : memref<819200xi32, #tpu.memory_space<hbm>> -> memref<128xi32, #tpu.memory_space<hbm>>
      tpu.wait_dma2 semaphore(%arg7 : memref<!tpu.dma_semaphore, #tpu.memory_space<semaphore_mem>>) src(%dma_wait3A_211 : memref<128xi32, #tpu.memory_space<hbm>>) dst(%dma_wait3A_210 : memref<128xi32, #tpu.memory_space<vmem>>)
      %dma_wait3A_212 = arith.constant 7 : i32
      %dma_wait3A_213 = arith.constant 0 : i32
      %dma_wait3A_214 = tpu.memref_slice %arg5[%dma_wait3A_212, %dma_wait3A_213] : memref<8x128xi32, #tpu.memory_space<vmem>> -> memref<1x128xi32, #tpu.memory_space<vmem>>
      %dma_wait3A_215 = tpu.memref_squeeze %dma_wait3A_214 : memref<1x128xi32, #tpu.memory_space<vmem>> -> memref<128xi32, #tpu.memory_space<vmem>>
      %dma_wait3A_216 = tpu.memref_slice %arg3[%mul3A_78] : memref<819200xi32, #tpu.memory_space<hbm>> -> memref<128xi32, #tpu.memory_space<hbm>>
      %dma_wait3A_217 = arith.constant 0 : i32
      %dma_wait3A_218 = tpu.memref_slice %arg5[%dma_wait3A_212, %dma_wait3A_217] : memref<8x128xi32, #tpu.memory_space<vmem>> -> memref<1x128xi32, #tpu.memory_space<vmem>>
      %dma_wait3A_219 = tpu.memref_squeeze %dma_wait3A_218 : memref<1x128xi32, #tpu.memory_space<vmem>> -> memref<128xi32, #tpu.memory_space<vmem>>
      %dma_wait3A_220 = tpu.memref_slice %arg3[%mul3A_78] : memref<819200xi32, #tpu.memory_space<hbm>> -> memref<128xi32, #tpu.memory_space<hbm>>
      tpu.wait_dma2 semaphore(%arg7 : memref<!tpu.dma_semaphore, #tpu.memory_space<semaphore_mem>>) src(%dma_wait3A_220 : memref<128xi32, #tpu.memory_space<hbm>>) dst(%dma_wait3A_219 : memref<128xi32, #tpu.memory_space<vmem>>)
      %dma_start3A_221 = arith.constant 0 : i32
      %dma_start3A_222 = arith.constant 0 : i32
      %dma_start3A_223 = arith.constant 0 : i32
      %dma_start3A_224 = arith.constant 0 : i32
      %dma_start3A_225 = tpu.memref_slice %arg6[%dma_start3A_222, %dma_start3A_223, %dma_start3A_224] : memref<8x128x32xbf16, #tpu.memory_space<vmem>> -> memref<1x128x32xbf16, #tpu.memory_space<vmem>>
      %dma_start3A_226 = tpu.memref_squeeze %dma_start3A_225 : memref<1x128x32xbf16, #tpu.memory_space<vmem>> -> memref<128x32xbf16, #tpu.memory_space<vmem>>
      %dma_start3A_227 = arith.constant 0 : i32
      %dma_start3A_228 = tpu.memref_slice %arg5[%dma_start3A_221, %dma_start3A_227] : memref<8x128xi32, #tpu.memory_space<vmem>> -> memref<1x128xi32, #tpu.memory_space<vmem>>
      %dma_start3A_229 = tpu.memref_squeeze %dma_start3A_228 : memref<1x128xi32, #tpu.memory_space<vmem>> -> memref<128xi32, #tpu.memory_space<vmem>>
      %dma_start3A_230 = arith.constant 0 : i32
      %dma_start3A_231 = arith.constant 0 : i32
      %dma_start3A_232 = tpu.memref_slice %arg2[%dma_start3A_230, %dma_start3A_231] : memref<50000x32xbf16, #tpu.memory_space<hbm>> -> memref<50000x32xbf16, #tpu.memory_space<hbm>>
      tpu.enqueue_indirect_dma source(%dma_start3A_232 : memref<50000x32xbf16, #tpu.memory_space<hbm>>) target(%dma_start3A_226 : memref<128x32xbf16, #tpu.memory_space<vmem>>) offsets(%dma_start3A_229 : memref<128xi32, #tpu.memory_space<vmem>>) semaphore(%arg8 : memref<!tpu.dma_semaphore, #tpu.memory_space<semaphore_mem>>)
      %dma_start3A_233 = arith.constant 1 : i32
      %dma_start3A_234 = arith.constant 1 : i32
      %dma_start3A_235 = arith.constant 0 : i32
      %dma_start3A_236 = arith.constant 0 : i32
      %dma_start3A_237 = tpu.memref_slice %arg6[%dma_start3A_234, %dma_start3A_235, %dma_start3A_236] : memref<8x128x32xbf16, #tpu.memory_space<vmem>> -> memref<1x128x32xbf16, #tpu.memory_space<vmem>>
      %dma_start3A_238 = tpu.memref_squeeze %dma_start3A_237 : memref<1x128x32xbf16, #tpu.memory_space<vmem>> -> memref<128x32xbf16, #tpu.memory_space<vmem>>
      %dma_start3A_239 = arith.constant 0 : i32
      %dma_start3A_240 = tpu.memref_slice %arg5[%dma_start3A_233, %dma_start3A_239] : memref<8x128xi32, #tpu.memory_space<vmem>> -> memref<1x128xi32, #tpu.memory_space<vmem>>
      %dma_start3A_241 = tpu.memref_squeeze %dma_start3A_240 : memref<1x128xi32, #tpu.memory_space<vmem>> -> memref<128xi32, #tpu.memory_space<vmem>>
      %dma_start3A_242 = arith.constant 0 : i32
      %dma_start3A_243 = arith.constant 0 : i32
      %dma_start3A_244 = tpu.memref_slice %arg2[%dma_start3A_242, %dma_start3A_243] : memref<50000x32xbf16, #tpu.memory_space<hbm>> -> memref<50000x32xbf16, #tpu.memory_space<hbm>>
      tpu.enqueue_indirect_dma source(%dma_start3A_244 : memref<50000x32xbf16, #tpu.memory_space<hbm>>) target(%dma_start3A_238 : memref<128x32xbf16, #tpu.memory_space<vmem>>) offsets(%dma_start3A_241 : memref<128xi32, #tpu.memory_space<vmem>>) semaphore(%arg8 : memref<!tpu.dma_semaphore, #tpu.memory_space<semaphore_mem>>)
      %dma_start3A_245 = arith.constant 2 : i32
      %dma_start3A_246 = arith.constant 2 : i32
      %dma_start3A_247 = arith.constant 0 : i32
      %dma_start3A_248 = arith.constant 0 : i32
      %dma_start3A_249 = tpu.memref_slice %arg6[%dma_start3A_246, %dma_start3A_247, %dma_start3A_248] : memref<8x128x32xbf16, #tpu.memory_space<vmem>> -> memref<1x128x32xbf16, #tpu.memory_space<vmem>>
      %dma_start3A_250 = tpu.memref_squeeze %dma_start3A_249 : memref<1x128x32xbf16, #tpu.memory_space<vmem>> -> memref<128x32xbf16, #tpu.memory_space<vmem>>
      %dma_start3A_251 = arith.constant 0 : i32
      %dma_start3A_252 = tpu.memref_slice %arg5[%dma_start3A_245, %dma_start3A_251] : memref<8x128xi32, #tpu.memory_space<vmem>> -> memref<1x128xi32, #tpu.memory_space<vmem>>
      %dma_start3A_253 = tpu.memref_squeeze %dma_start3A_252 : memref<1x128xi32, #tpu.memory_space<vmem>> -> memref<128xi32, #tpu.memory_space<vmem>>
      %dma_start3A_254 = arith.constant 0 : i32
      %dma_start3A_255 = arith.constant 0 : i32
      %dma_start3A_256 = tpu.memref_slice %arg2[%dma_start3A_254, %dma_start3A_255] : memref<50000x32xbf16, #tpu.memory_space<hbm>> -> memref<50000x32xbf16, #tpu.memory_space<hbm>>
      tpu.enqueue_indirect_dma source(%dma_start3A_256 : memref<50000x32xbf16, #tpu.memory_space<hbm>>) target(%dma_start3A_250 : memref<128x32xbf16, #tpu.memory_space<vmem>>) offsets(%dma_start3A_253 : memref<128xi32, #tpu.memory_space<vmem>>) semaphore(%arg8 : memref<!tpu.dma_semaphore, #tpu.memory_space<semaphore_mem>>)
      %dma_start3A_257 = arith.constant 3 : i32
      %dma_start3A_258 = arith.constant 3 : i32
      %dma_start3A_259 = arith.constant 0 : i32
      %dma_start3A_260 = arith.constant 0 : i32
      %dma_start3A_261 = tpu.memref_slice %arg6[%dma_start3A_258, %dma_start3A_259, %dma_start3A_260] : memref<8x128x32xbf16, #tpu.memory_space<vmem>> -> memref<1x128x32xbf16, #tpu.memory_space<vmem>>
      %dma_start3A_262 = tpu.memref_squeeze %dma_start3A_261 : memref<1x128x32xbf16, #tpu.memory_space<vmem>> -> memref<128x32xbf16, #tpu.memory_space<vmem>>
      %dma_start3A_263 = arith.constant 0 : i32
      %dma_start3A_264 = tpu.memref_slice %arg5[%dma_start3A_257, %dma_start3A_263] : memref<8x128xi32, #tpu.memory_space<vmem>> -> memref<1x128xi32, #tpu.memory_space<vmem>>
      %dma_start3A_265 = tpu.memref_squeeze %dma_start3A_264 : memref<1x128xi32, #tpu.memory_space<vmem>> -> memref<128xi32, #tpu.memory_space<vmem>>
      %dma_start3A_266 = arith.constant 0 : i32
      %dma_start3A_267 = arith.constant 0 : i32
      %dma_start3A_268 = tpu.memref_slice %arg2[%dma_start3A_266, %dma_start3A_267] : memref<50000x32xbf16, #tpu.memory_space<hbm>> -> memref<50000x32xbf16, #tpu.memory_space<hbm>>
      tpu.enqueue_indirect_dma source(%dma_start3A_268 : memref<50000x32xbf16, #tpu.memory_space<hbm>>) target(%dma_start3A_262 : memref<128x32xbf16, #tpu.memory_space<vmem>>) offsets(%dma_start3A_265 : memref<128xi32, #tpu.memory_space<vmem>>) semaphore(%arg8 : memref<!tpu.dma_semaphore, #tpu.memory_space<semaphore_mem>>)
      %dma_start3A_269 = arith.constant 4 : i32
      %dma_start3A_270 = arith.constant 4 : i32
      %dma_start3A_271 = arith.constant 0 : i32
      %dma_start3A_272 = arith.constant 0 : i32
      %dma_start3A_273 = tpu.memref_slice %arg6[%dma_start3A_270, %dma_start3A_271, %dma_start3A_272] : memref<8x128x32xbf16, #tpu.memory_space<vmem>> -> memref<1x128x32xbf16, #tpu.memory_space<vmem>>
      %dma_start3A_274 = tpu.memref_squeeze %dma_start3A_273 : memref<1x128x32xbf16, #tpu.memory_space<vmem>> -> memref<128x32xbf16, #tpu.memory_space<vmem>>
      %dma_start3A_275 = arith.constant 0 : i32
      %dma_start3A_276 = tpu.memref_slice %arg5[%dma_start3A_269, %dma_start3A_275] : memref<8x128xi32, #tpu.memory_space<vmem>> -> memref<1x128xi32, #tpu.memory_space<vmem>>
      %dma_start3A_277 = tpu.memref_squeeze %dma_start3A_276 : memref<1x128xi32, #tpu.memory_space<vmem>> -> memref<128xi32, #tpu.memory_space<vmem>>
      %dma_start3A_278 = arith.constant 0 : i32
      %dma_start3A_279 = arith.constant 0 : i32
      %dma_start3A_280 = tpu.memref_slice %arg2[%dma_start3A_278, %dma_start3A_279] : memref<50000x32xbf16, #tpu.memory_space<hbm>> -> memref<50000x32xbf16, #tpu.memory_space<hbm>>
      tpu.enqueue_indirect_dma source(%dma_start3A_280 : memref<50000x32xbf16, #tpu.memory_space<hbm>>) target(%dma_start3A_274 : memref<128x32xbf16, #tpu.memory_space<vmem>>) offsets(%dma_start3A_277 : memref<128xi32, #tpu.memory_space<vmem>>) semaphore(%arg8 : memref<!tpu.dma_semaphore, #tpu.memory_space<semaphore_mem>>)
      %dma_start3A_281 = arith.constant 5 : i32
      %dma_start3A_282 = arith.constant 5 : i32
      %dma_start3A_283 = arith.constant 0 : i32
      %dma_start3A_284 = arith.constant 0 : i32
      %dma_start3A_285 = tpu.memref_slice %arg6[%dma_start3A_282, %dma_start3A_283, %dma_start3A_284] : memref<8x128x32xbf16, #tpu.memory_space<vmem>> -> memref<1x128x32xbf16, #tpu.memory_space<vmem>>
      %dma_start3A_286 = tpu.memref_squeeze %dma_start3A_285 : memref<1x128x32xbf16, #tpu.memory_space<vmem>> -> memref<128x32xbf16, #tpu.memory_space<vmem>>
      %dma_start3A_287 = arith.constant 0 : i32
      %dma_start3A_288 = tpu.memref_slice %arg5[%dma_start3A_281, %dma_start3A_287] : memref<8x128xi32, #tpu.memory_space<vmem>> -> memref<1x128xi32, #tpu.memory_space<vmem>>
      %dma_start3A_289 = tpu.memref_squeeze %dma_start3A_288 : memref<1x128xi32, #tpu.memory_space<vmem>> -> memref<128xi32, #tpu.memory_space<vmem>>
      %dma_start3A_290 = arith.constant 0 : i32
      %dma_start3A_291 = arith.constant 0 : i32
      %dma_start3A_292 = tpu.memref_slice %arg2[%dma_start3A_290, %dma_start3A_291] : memref<50000x32xbf16, #tpu.memory_space<hbm>> -> memref<50000x32xbf16, #tpu.memory_space<hbm>>
      tpu.enqueue_indirect_dma source(%dma_start3A_292 : memref<50000x32xbf16, #tpu.memory_space<hbm>>) target(%dma_start3A_286 : memref<128x32xbf16, #tpu.memory_space<vmem>>) offsets(%dma_start3A_289 : memref<128xi32, #tpu.memory_space<vmem>>) semaphore(%arg8 : memref<!tpu.dma_semaphore, #tpu.memory_space<semaphore_mem>>)
      %dma_start3A_293 = arith.constant 6 : i32
      %dma_start3A_294 = arith.constant 6 : i32
      %dma_start3A_295 = arith.constant 0 : i32
      %dma_start3A_296 = arith.constant 0 : i32
      %dma_start3A_297 = tpu.memref_slice %arg6[%dma_start3A_294, %dma_start3A_295, %dma_start3A_296] : memref<8x128x32xbf16, #tpu.memory_space<vmem>> -> memref<1x128x32xbf16, #tpu.memory_space<vmem>>
      %dma_start3A_298 = tpu.memref_squeeze %dma_start3A_297 : memref<1x128x32xbf16, #tpu.memory_space<vmem>> -> memref<128x32xbf16, #tpu.memory_space<vmem>>
      %dma_start3A_299 = arith.constant 0 : i32
      %dma_start3A_300 = tpu.memref_slice %arg5[%dma_start3A_293, %dma_start3A_299] : memref<8x128xi32, #tpu.memory_space<vmem>> -> memref<1x128xi32, #tpu.memory_space<vmem>>
      %dma_start3A_301 = tpu.memref_squeeze %dma_start3A_300 : memref<1x128xi32, #tpu.memory_space<vmem>> -> memref<128xi32, #tpu.memory_space<vmem>>
      %dma_start3A_302 = arith.constant 0 : i32
      %dma_start3A_303 = arith.constant 0 : i32
      %dma_start3A_304 = tpu.memref_slice %arg2[%dma_start3A_302, %dma_start3A_303] : memref<50000x32xbf16, #tpu.memory_space<hbm>> -> memref<50000x32xbf16, #tpu.memory_space<hbm>>
      tpu.enqueue_indirect_dma source(%dma_start3A_304 : memref<50000x32xbf16, #tpu.memory_space<hbm>>) target(%dma_start3A_298 : memref<128x32xbf16, #tpu.memory_space<vmem>>) offsets(%dma_start3A_301 : memref<128xi32, #tpu.memory_space<vmem>>) semaphore(%arg8 : memref<!tpu.dma_semaphore, #tpu.memory_space<semaphore_mem>>)
      %dma_start3A_305 = arith.constant 7 : i32
      %dma_start3A_306 = arith.constant 7 : i32
      %dma_start3A_307 = arith.constant 0 : i32
      %dma_start3A_308 = arith.constant 0 : i32
      %dma_start3A_309 = tpu.memref_slice %arg6[%dma_start3A_306, %dma_start3A_307, %dma_start3A_308] : memref<8x128x32xbf16, #tpu.memory_space<vmem>> -> memref<1x128x32xbf16, #tpu.memory_space<vmem>>
      %dma_start3A_310 = tpu.memref_squeeze %dma_start3A_309 : memref<1x128x32xbf16, #tpu.memory_space<vmem>> -> memref<128x32xbf16, #tpu.memory_space<vmem>>
      %dma_start3A_311 = arith.constant 0 : i32
      %dma_start3A_312 = tpu.memref_slice %arg5[%dma_start3A_305, %dma_start3A_311] : memref<8x128xi32, #tpu.memory_space<vmem>> -> memref<1x128xi32, #tpu.memory_space<vmem>>
      %dma_start3A_313 = tpu.memref_squeeze %dma_start3A_312 : memref<1x128xi32, #tpu.memory_space<vmem>> -> memref<128xi32, #tpu.memory_space<vmem>>
      %dma_start3A_314 = arith.constant 0 : i32
      %dma_start3A_315 = arith.constant 0 : i32
      %dma_start3A_316 = tpu.memref_slice %arg2[%dma_start3A_314, %dma_start3A_315] : memref<50000x32xbf16, #tpu.memory_space<hbm>> -> memref<50000x32xbf16, #tpu.memory_space<hbm>>
      tpu.enqueue_indirect_dma source(%dma_start3A_316 : memref<50000x32xbf16, #tpu.memory_space<hbm>>) target(%dma_start3A_310 : memref<128x32xbf16, #tpu.memory_space<vmem>>) offsets(%dma_start3A_313 : memref<128xi32, #tpu.memory_space<vmem>>) semaphore(%arg8 : memref<!tpu.dma_semaphore, #tpu.memory_space<semaphore_mem>>)
      %dma_wait3A_317 = arith.constant 0 : i32
      %dma_wait3A_318 = arith.constant 0 : i32
      %dma_wait3A_319 = arith.constant 0 : i32
      %dma_wait3A_320 = arith.constant 0 : i32
      %dma_wait3A_321 = tpu.memref_slice %arg6[%dma_wait3A_318, %dma_wait3A_319, %dma_wait3A_320] : memref<8x128x32xbf16, #tpu.memory_space<vmem>> -> memref<1x128x32xbf16, #tpu.memory_space<vmem>>
      %dma_wait3A_322 = tpu.memref_squeeze %dma_wait3A_321 : memref<1x128x32xbf16, #tpu.memory_space<vmem>> -> memref<128x32xbf16, #tpu.memory_space<vmem>>
      %dma_wait3A_323 = arith.constant 0 : i32
      %dma_wait3A_324 = tpu.memref_slice %arg5[%dma_wait3A_317, %dma_wait3A_323] : memref<8x128xi32, #tpu.memory_space<vmem>> -> memref<1x128xi32, #tpu.memory_space<vmem>>
      %dma_wait3A_325 = tpu.memref_squeeze %dma_wait3A_324 : memref<1x128xi32, #tpu.memory_space<vmem>> -> memref<128xi32, #tpu.memory_space<vmem>>
      %dma_wait3A_326 = arith.constant 0 : i32
      %dma_wait3A_327 = arith.constant 0 : i32
      %dma_wait3A_328 = tpu.memref_slice %arg2[%dma_wait3A_326, %dma_wait3A_327] : memref<50000x32xbf16, #tpu.memory_space<hbm>> -> memref<50000x32xbf16, #tpu.memory_space<hbm>>
      tpu.wait_indirect_dma semaphore(%arg8 : memref<!tpu.dma_semaphore, #tpu.memory_space<semaphore_mem>>) src(%dma_wait3A_328 : memref<50000x32xbf16, #tpu.memory_space<hbm>>) dst(%dma_wait3A_322 : memref<128x32xbf16, #tpu.memory_space<vmem>>)
      %dma_wait3A_329 = arith.constant 1 : i32
      %dma_wait3A_330 = arith.constant 1 : i32
      %dma_wait3A_331 = arith.constant 0 : i32
      %dma_wait3A_332 = arith.constant 0 : i32
      %dma_wait3A_333 = tpu.memref_slice %arg6[%dma_wait3A_330, %dma_wait3A_331, %dma_wait3A_332] : memref<8x128x32xbf16, #tpu.memory_space<vmem>> -> memref<1x128x32xbf16, #tpu.memory_space<vmem>>
      %dma_wait3A_334 = tpu.memref_squeeze %dma_wait3A_333 : memref<1x128x32xbf16, #tpu.memory_space<vmem>> -> memref<128x32xbf16, #tpu.memory_space<vmem>>
      %dma_wait3A_335 = arith.constant 0 : i32
      %dma_wait3A_336 = tpu.memref_slice %arg5[%dma_wait3A_329, %dma_wait3A_335] : memref<8x128xi32, #tpu.memory_space<vmem>> -> memref<1x128xi32, #tpu.memory_space<vmem>>
      %dma_wait3A_337 = tpu.memref_squeeze %dma_wait3A_336 : memref<1x128xi32, #tpu.memory_space<vmem>> -> memref<128xi32, #tpu.memory_space<vmem>>
      %dma_wait3A_338 = arith.constant 0 : i32
      %dma_wait3A_339 = arith.constant 0 : i32
      %dma_wait3A_340 = tpu.memref_slice %arg2[%dma_wait3A_338, %dma_wait3A_339] : memref<50000x32xbf16, #tpu.memory_space<hbm>> -> memref<50000x32xbf16, #tpu.memory_space<hbm>>
      tpu.wait_indirect_dma semaphore(%arg8 : memref<!tpu.dma_semaphore, #tpu.memory_space<semaphore_mem>>) src(%dma_wait3A_340 : memref<50000x32xbf16, #tpu.memory_space<hbm>>) dst(%dma_wait3A_334 : memref<128x32xbf16, #tpu.memory_space<vmem>>)
      %dma_wait3A_341 = arith.constant 2 : i32
      %dma_wait3A_342 = arith.constant 2 : i32
      %dma_wait3A_343 = arith.constant 0 : i32
      %dma_wait3A_344 = arith.constant 0 : i32
      %dma_wait3A_345 = tpu.memref_slice %arg6[%dma_wait3A_342, %dma_wait3A_343, %dma_wait3A_344] : memref<8x128x32xbf16, #tpu.memory_space<vmem>> -> memref<1x128x32xbf16, #tpu.memory_space<vmem>>
      %dma_wait3A_346 = tpu.memref_squeeze %dma_wait3A_345 : memref<1x128x32xbf16, #tpu.memory_space<vmem>> -> memref<128x32xbf16, #tpu.memory_space<vmem>>
      %dma_wait3A_347 = arith.constant 0 : i32
      %dma_wait3A_348 = tpu.memref_slice %arg5[%dma_wait3A_341, %dma_wait3A_347] : memref<8x128xi32, #tpu.memory_space<vmem>> -> memref<1x128xi32, #tpu.memory_space<vmem>>
      %dma_wait3A_349 = tpu.memref_squeeze %dma_wait3A_348 : memref<1x128xi32, #tpu.memory_space<vmem>> -> memref<128xi32, #tpu.memory_space<vmem>>
      %dma_wait3A_350 = arith.constant 0 : i32
      %dma_wait3A_351 = arith.constant 0 : i32
      %dma_wait3A_352 = tpu.memref_slice %arg2[%dma_wait3A_350, %dma_wait3A_351] : memref<50000x32xbf16, #tpu.memory_space<hbm>> -> memref<50000x32xbf16, #tpu.memory_space<hbm>>
      tpu.wait_indirect_dma semaphore(%arg8 : memref<!tpu.dma_semaphore, #tpu.memory_space<semaphore_mem>>) src(%dma_wait3A_352 : memref<50000x32xbf16, #tpu.memory_space<hbm>>) dst(%dma_wait3A_346 : memref<128x32xbf16, #tpu.memory_space<vmem>>)
      %dma_wait3A_353 = arith.constant 3 : i32
      %dma_wait3A_354 = arith.constant 3 : i32
      %dma_wait3A_355 = arith.constant 0 : i32
      %dma_wait3A_356 = arith.constant 0 : i32
      %dma_wait3A_357 = tpu.memref_slice %arg6[%dma_wait3A_354, %dma_wait3A_355, %dma_wait3A_356] : memref<8x128x32xbf16, #tpu.memory_space<vmem>> -> memref<1x128x32xbf16, #tpu.memory_space<vmem>>
      %dma_wait3A_358 = tpu.memref_squeeze %dma_wait3A_357 : memref<1x128x32xbf16, #tpu.memory_space<vmem>> -> memref<128x32xbf16, #tpu.memory_space<vmem>>
      %dma_wait3A_359 = arith.constant 0 : i32
      %dma_wait3A_360 = tpu.memref_slice %arg5[%dma_wait3A_353, %dma_wait3A_359] : memref<8x128xi32, #tpu.memory_space<vmem>> -> memref<1x128xi32, #tpu.memory_space<vmem>>
      %dma_wait3A_361 = tpu.memref_squeeze %dma_wait3A_360 : memref<1x128xi32, #tpu.memory_space<vmem>> -> memref<128xi32, #tpu.memory_space<vmem>>
      %dma_wait3A_362 = arith.constant 0 : i32
      %dma_wait3A_363 = arith.constant 0 : i32
      %dma_wait3A_364 = tpu.memref_slice %arg2[%dma_wait3A_362, %dma_wait3A_363] : memref<50000x32xbf16, #tpu.memory_space<hbm>> -> memref<50000x32xbf16, #tpu.memory_space<hbm>>
      tpu.wait_indirect_dma semaphore(%arg8 : memref<!tpu.dma_semaphore, #tpu.memory_space<semaphore_mem>>) src(%dma_wait3A_364 : memref<50000x32xbf16, #tpu.memory_space<hbm>>) dst(%dma_wait3A_358 : memref<128x32xbf16, #tpu.memory_space<vmem>>)
      %dma_wait3A_365 = arith.constant 4 : i32
      %dma_wait3A_366 = arith.constant 4 : i32
      %dma_wait3A_367 = arith.constant 0 : i32
      %dma_wait3A_368 = arith.constant 0 : i32
      %dma_wait3A_369 = tpu.memref_slice %arg6[%dma_wait3A_366, %dma_wait3A_367, %dma_wait3A_368] : memref<8x128x32xbf16, #tpu.memory_space<vmem>> -> memref<1x128x32xbf16, #tpu.memory_space<vmem>>
      %dma_wait3A_370 = tpu.memref_squeeze %dma_wait3A_369 : memref<1x128x32xbf16, #tpu.memory_space<vmem>> -> memref<128x32xbf16, #tpu.memory_space<vmem>>
      %dma_wait3A_371 = arith.constant 0 : i32
      %dma_wait3A_372 = tpu.memref_slice %arg5[%dma_wait3A_365, %dma_wait3A_371] : memref<8x128xi32, #tpu.memory_space<vmem>> -> memref<1x128xi32, #tpu.memory_space<vmem>>
      %dma_wait3A_373 = tpu.memref_squeeze %dma_wait3A_372 : memref<1x128xi32, #tpu.memory_space<vmem>> -> memref<128xi32, #tpu.memory_space<vmem>>
      %dma_wait3A_374 = arith.constant 0 : i32
      %dma_wait3A_375 = arith.constant 0 : i32
      %dma_wait3A_376 = tpu.memref_slice %arg2[%dma_wait3A_374, %dma_wait3A_375] : memref<50000x32xbf16, #tpu.memory_space<hbm>> -> memref<50000x32xbf16, #tpu.memory_space<hbm>>
      tpu.wait_indirect_dma semaphore(%arg8 : memref<!tpu.dma_semaphore, #tpu.memory_space<semaphore_mem>>) src(%dma_wait3A_376 : memref<50000x32xbf16, #tpu.memory_space<hbm>>) dst(%dma_wait3A_370 : memref<128x32xbf16, #tpu.memory_space<vmem>>)
      %dma_wait3A_377 = arith.constant 5 : i32
      %dma_wait3A_378 = arith.constant 5 : i32
      %dma_wait3A_379 = arith.constant 0 : i32
      %dma_wait3A_380 = arith.constant 0 : i32
      %dma_wait3A_381 = tpu.memref_slice %arg6[%dma_wait3A_378, %dma_wait3A_379, %dma_wait3A_380] : memref<8x128x32xbf16, #tpu.memory_space<vmem>> -> memref<1x128x32xbf16, #tpu.memory_space<vmem>>
      %dma_wait3A_382 = tpu.memref_squeeze %dma_wait3A_381 : memref<1x128x32xbf16, #tpu.memory_space<vmem>> -> memref<128x32xbf16, #tpu.memory_space<vmem>>
      %dma_wait3A_383 = arith.constant 0 : i32
      %dma_wait3A_384 = tpu.memref_slice %arg5[%dma_wait3A_377, %dma_wait3A_383] : memref<8x128xi32, #tpu.memory_space<vmem>> -> memref<1x128xi32, #tpu.memory_space<vmem>>
      %dma_wait3A_385 = tpu.memref_squeeze %dma_wait3A_384 : memref<1x128xi32, #tpu.memory_space<vmem>> -> memref<128xi32, #tpu.memory_space<vmem>>
      %dma_wait3A_386 = arith.constant 0 : i32
      %dma_wait3A_387 = arith.constant 0 : i32
      %dma_wait3A_388 = tpu.memref_slice %arg2[%dma_wait3A_386, %dma_wait3A_387] : memref<50000x32xbf16, #tpu.memory_space<hbm>> -> memref<50000x32xbf16, #tpu.memory_space<hbm>>
      tpu.wait_indirect_dma semaphore(%arg8 : memref<!tpu.dma_semaphore, #tpu.memory_space<semaphore_mem>>) src(%dma_wait3A_388 : memref<50000x32xbf16, #tpu.memory_space<hbm>>) dst(%dma_wait3A_382 : memref<128x32xbf16, #tpu.memory_space<vmem>>)
      %dma_wait3A_389 = arith.constant 6 : i32
      %dma_wait3A_390 = arith.constant 6 : i32
      %dma_wait3A_391 = arith.constant 0 : i32
      %dma_wait3A_392 = arith.constant 0 : i32
      %dma_wait3A_393 = tpu.memref_slice %arg6[%dma_wait3A_390, %dma_wait3A_391, %dma_wait3A_392] : memref<8x128x32xbf16, #tpu.memory_space<vmem>> -> memref<1x128x32xbf16, #tpu.memory_space<vmem>>
      %dma_wait3A_394 = tpu.memref_squeeze %dma_wait3A_393 : memref<1x128x32xbf16, #tpu.memory_space<vmem>> -> memref<128x32xbf16, #tpu.memory_space<vmem>>
      %dma_wait3A_395 = arith.constant 0 : i32
      %dma_wait3A_396 = tpu.memref_slice %arg5[%dma_wait3A_389, %dma_wait3A_395] : memref<8x128xi32, #tpu.memory_space<vmem>> -> memref<1x128xi32, #tpu.memory_space<vmem>>
      %dma_wait3A_397 = tpu.memref_squeeze %dma_wait3A_396 : memref<1x128xi32, #tpu.memory_space<vmem>> -> memref<128xi32, #tpu.memory_space<vmem>>
      %dma_wait3A_398 = arith.constant 0 : i32
      %dma_wait3A_399 = arith.constant 0 : i32
      %dma_wait3A_400 = tpu.memref_slice %arg2[%dma_wait3A_398, %dma_wait3A_399] : memref<50000x32xbf16, #tpu.memory_space<hbm>> -> memref<50000x32xbf16, #tpu.memory_space<hbm>>
      tpu.wait_indirect_dma semaphore(%arg8 : memref<!tpu.dma_semaphore, #tpu.memory_space<semaphore_mem>>) src(%dma_wait3A_400 : memref<50000x32xbf16, #tpu.memory_space<hbm>>) dst(%dma_wait3A_394 : memref<128x32xbf16, #tpu.memory_space<vmem>>)
      %dma_wait3A_401 = arith.constant 7 : i32
      %dma_wait3A_402 = arith.constant 7 : i32
      %dma_wait3A_403 = arith.constant 0 : i32
      %dma_wait3A_404 = arith.constant 0 : i32
      %dma_wait3A_405 = tpu.memref_slice %arg6[%dma_wait3A_402, %dma_wait3A_403, %dma_wait3A_404] : memref<8x128x32xbf16, #tpu.memory_space<vmem>> -> memref<1x128x32xbf16, #tpu.memory_space<vmem>>
      %dma_wait3A_406 = tpu.memref_squeeze %dma_wait3A_405 : memref<1x128x32xbf16, #tpu.memory_space<vmem>> -> memref<128x32xbf16, #tpu.memory_space<vmem>>
      %dma_wait3A_407 = arith.constant 0 : i32
      %dma_wait3A_408 = tpu.memref_slice %arg5[%dma_wait3A_401, %dma_wait3A_407] : memref<8x128xi32, #tpu.memory_space<vmem>> -> memref<1x128xi32, #tpu.memory_space<vmem>>
      %dma_wait3A_409 = tpu.memref_squeeze %dma_wait3A_408 : memref<1x128xi32, #tpu.memory_space<vmem>> -> memref<128xi32, #tpu.memory_space<vmem>>
      %dma_wait3A_410 = arith.constant 0 : i32
      %dma_wait3A_411 = arith.constant 0 : i32
      %dma_wait3A_412 = tpu.memref_slice %arg2[%dma_wait3A_410, %dma_wait3A_411] : memref<50000x32xbf16, #tpu.memory_space<hbm>> -> memref<50000x32xbf16, #tpu.memory_space<hbm>>
      tpu.wait_indirect_dma semaphore(%arg8 : memref<!tpu.dma_semaphore, #tpu.memory_space<semaphore_mem>>) src(%dma_wait3A_412 : memref<50000x32xbf16, #tpu.memory_space<hbm>>) dst(%dma_wait3A_406 : memref<128x32xbf16, #tpu.memory_space<vmem>>)
      %dma_start3A_413 = arith.constant 0 : i32
      %dma_start3A_414 = arith.constant 0 : i32
      %dma_start3A_415 = arith.constant 0 : i32
      %dma_start3A_416 = tpu.memref_slice %arg6[%dma_start3A_413, %dma_start3A_414, %dma_start3A_415] : memref<8x128x32xbf16, #tpu.memory_space<vmem>> -> memref<1x128x32xbf16, #tpu.memory_space<vmem>>
      %dma_start3A_417 = tpu.memref_squeeze %dma_start3A_416 : memref<1x128x32xbf16, #tpu.memory_space<vmem>> -> memref<128x32xbf16, #tpu.memory_space<vmem>>
      %dma_start3A_418 = arith.constant 0 : i32
      %dma_start3A_419 = tpu.memref_slice %arg4[%mul3A_15, %dma_start3A_418] : memref<819200x32xbf16, #tpu.memory_space<hbm>> -> memref<128x32xbf16, #tpu.memory_space<hbm>>
      %dma_start3A_420 = arith.constant 0 : i32
      %dma_start3A_421 = tpu.memref_slice %arg4[%mul3A_15, %dma_start3A_420] : memref<819200x32xbf16, #tpu.memory_space<hbm>> -> memref<128x32xbf16, #tpu.memory_space<hbm>>
      %dma_start3A_422 = arith.constant 0 : i32
      %dma_start3A_423 = arith.constant 0 : i32
      %dma_start3A_424 = tpu.memref_slice %arg6[%dma_start3A_413, %dma_start3A_422, %dma_start3A_423] : memref<8x128x32xbf16, #tpu.memory_space<vmem>> -> memref<1x128x32xbf16, #tpu.memory_space<vmem>>
      %dma_start3A_425 = tpu.memref_squeeze %dma_start3A_424 : memref<1x128x32xbf16, #tpu.memory_space<vmem>> -> memref<128x32xbf16, #tpu.memory_space<vmem>>
      tpu.enqueue_dma source(%dma_start3A_425 : memref<128x32xbf16, #tpu.memory_space<vmem>>) target(%dma_start3A_421 : memref<128x32xbf16, #tpu.memory_space<hbm>>) target_semaphore(%arg9 : memref<!tpu.dma_semaphore, #tpu.memory_space<semaphore_mem>>)
      %dma_start3A_426 = arith.constant 1 : i32
      %dma_start3A_427 = arith.constant 0 : i32
      %dma_start3A_428 = arith.constant 0 : i32
      %dma_start3A_429 = tpu.memref_slice %arg6[%dma_start3A_426, %dma_start3A_427, %dma_start3A_428] : memref<8x128x32xbf16, #tpu.memory_space<vmem>> -> memref<1x128x32xbf16, #tpu.memory_space<vmem>>
      %dma_start3A_430 = tpu.memref_squeeze %dma_start3A_429 : memref<1x128x32xbf16, #tpu.memory_space<vmem>> -> memref<128x32xbf16, #tpu.memory_space<vmem>>
      %dma_start3A_431 = arith.constant 0 : i32
      %dma_start3A_432 = tpu.memref_slice %arg4[%mul3A_24, %dma_start3A_431] : memref<819200x32xbf16, #tpu.memory_space<hbm>> -> memref<128x32xbf16, #tpu.memory_space<hbm>>
      %dma_start3A_433 = arith.constant 0 : i32
      %dma_start3A_434 = tpu.memref_slice %arg4[%mul3A_24, %dma_start3A_433] : memref<819200x32xbf16, #tpu.memory_space<hbm>> -> memref<128x32xbf16, #tpu.memory_space<hbm>>
      %dma_start3A_435 = arith.constant 0 : i32
      %dma_start3A_436 = arith.constant 0 : i32
      %dma_start3A_437 = tpu.memref_slice %arg6[%dma_start3A_426, %dma_start3A_435, %dma_start3A_436] : memref<8x128x32xbf16, #tpu.memory_space<vmem>> -> memref<1x128x32xbf16, #tpu.memory_space<vmem>>
      %dma_start3A_438 = tpu.memref_squeeze %dma_start3A_437 : memref<1x128x32xbf16, #tpu.memory_space<vmem>> -> memref<128x32xbf16, #tpu.memory_space<vmem>>
      tpu.enqueue_dma source(%dma_start3A_438 : memref<128x32xbf16, #tpu.memory_space<vmem>>) target(%dma_start3A_434 : memref<128x32xbf16, #tpu.memory_space<hbm>>) target_semaphore(%arg9 : memref<!tpu.dma_semaphore, #tpu.memory_space<semaphore_mem>>)
      %dma_start3A_439 = arith.constant 2 : i32
      %dma_start3A_440 = arith.constant 0 : i32
      %dma_start3A_441 = arith.constant 0 : i32
      %dma_start3A_442 = tpu.memref_slice %arg6[%dma_start3A_439, %dma_start3A_440, %dma_start3A_441] : memref<8x128x32xbf16, #tpu.memory_space<vmem>> -> memref<1x128x32xbf16, #tpu.memory_space<vmem>>
      %dma_start3A_443 = tpu.memref_squeeze %dma_start3A_442 : memref<1x128x32xbf16, #tpu.memory_space<vmem>> -> memref<128x32xbf16, #tpu.memory_space<vmem>>
      %dma_start3A_444 = arith.constant 0 : i32
      %dma_start3A_445 = tpu.memref_slice %arg4[%mul3A_33, %dma_start3A_444] : memref<819200x32xbf16, #tpu.memory_space<hbm>> -> memref<128x32xbf16, #tpu.memory_space<hbm>>
      %dma_start3A_446 = arith.constant 0 : i32
      %dma_start3A_447 = tpu.memref_slice %arg4[%mul3A_33, %dma_start3A_446] : memref<819200x32xbf16, #tpu.memory_space<hbm>> -> memref<128x32xbf16, #tpu.memory_space<hbm>>
      %dma_start3A_448 = arith.constant 0 : i32
      %dma_start3A_449 = arith.constant 0 : i32
      %dma_start3A_450 = tpu.memref_slice %arg6[%dma_start3A_439, %dma_start3A_448, %dma_start3A_449] : memref<8x128x32xbf16, #tpu.memory_space<vmem>> -> memref<1x128x32xbf16, #tpu.memory_space<vmem>>
      %dma_start3A_451 = tpu.memref_squeeze %dma_start3A_450 : memref<1x128x32xbf16, #tpu.memory_space<vmem>> -> memref<128x32xbf16, #tpu.memory_space<vmem>>
      tpu.enqueue_dma source(%dma_start3A_451 : memref<128x32xbf16, #tpu.memory_space<vmem>>) target(%dma_start3A_447 : memref<128x32xbf16, #tpu.memory_space<hbm>>) target_semaphore(%arg9 : memref<!tpu.dma_semaphore, #tpu.memory_space<semaphore_mem>>)
      %dma_start3A_452 = arith.constant 3 : i32
      %dma_start3A_453 = arith.constant 0 : i32
      %dma_start3A_454 = arith.constant 0 : i32
      %dma_start3A_455 = tpu.memref_slice %arg6[%dma_start3A_452, %dma_start3A_453, %dma_start3A_454] : memref<8x128x32xbf16, #tpu.memory_space<vmem>> -> memref<1x128x32xbf16, #tpu.memory_space<vmem>>
      %dma_start3A_456 = tpu.memref_squeeze %dma_start3A_455 : memref<1x128x32xbf16, #tpu.memory_space<vmem>> -> memref<128x32xbf16, #tpu.memory_space<vmem>>
      %dma_start3A_457 = arith.constant 0 : i32
      %dma_start3A_458 = tpu.memref_slice %arg4[%mul3A_42, %dma_start3A_457] : memref<819200x32xbf16, #tpu.memory_space<hbm>> -> memref<128x32xbf16, #tpu.memory_space<hbm>>
      %dma_start3A_459 = arith.constant 0 : i32
      %dma_start3A_460 = tpu.memref_slice %arg4[%mul3A_42, %dma_start3A_459] : memref<819200x32xbf16, #tpu.memory_space<hbm>> -> memref<128x32xbf16, #tpu.memory_space<hbm>>
      %dma_start3A_461 = arith.constant 0 : i32
      %dma_start3A_462 = arith.constant 0 : i32
      %dma_start3A_463 = tpu.memref_slice %arg6[%dma_start3A_452, %dma_start3A_461, %dma_start3A_462] : memref<8x128x32xbf16, #tpu.memory_space<vmem>> -> memref<1x128x32xbf16, #tpu.memory_space<vmem>>
      %dma_start3A_464 = tpu.memref_squeeze %dma_start3A_463 : memref<1x128x32xbf16, #tpu.memory_space<vmem>> -> memref<128x32xbf16, #tpu.memory_space<vmem>>
      tpu.enqueue_dma source(%dma_start3A_464 : memref<128x32xbf16, #tpu.memory_space<vmem>>) target(%dma_start3A_460 : memref<128x32xbf16, #tpu.memory_space<hbm>>) target_semaphore(%arg9 : memref<!tpu.dma_semaphore, #tpu.memory_space<semaphore_mem>>)
      %dma_start3A_465 = arith.constant 4 : i32
      %dma_start3A_466 = arith.constant 0 : i32
      %dma_start3A_467 = arith.constant 0 : i32
      %dma_start3A_468 = tpu.memref_slice %arg6[%dma_start3A_465, %dma_start3A_466, %dma_start3A_467] : memref<8x128x32xbf16, #tpu.memory_space<vmem>> -> memref<1x128x32xbf16, #tpu.memory_space<vmem>>
      %dma_start3A_469 = tpu.memref_squeeze %dma_start3A_468 : memref<1x128x32xbf16, #tpu.memory_space<vmem>> -> memref<128x32xbf16, #tpu.memory_space<vmem>>
      %dma_start3A_470 = arith.constant 0 : i32
      %dma_start3A_471 = tpu.memref_slice %arg4[%mul3A_51, %dma_start3A_470] : memref<819200x32xbf16, #tpu.memory_space<hbm>> -> memref<128x32xbf16, #tpu.memory_space<hbm>>
      %dma_start3A_472 = arith.constant 0 : i32
      %dma_start3A_473 = tpu.memref_slice %arg4[%mul3A_51, %dma_start3A_472] : memref<819200x32xbf16, #tpu.memory_space<hbm>> -> memref<128x32xbf16, #tpu.memory_space<hbm>>
      %dma_start3A_474 = arith.constant 0 : i32
      %dma_start3A_475 = arith.constant 0 : i32
      %dma_start3A_476 = tpu.memref_slice %arg6[%dma_start3A_465, %dma_start3A_474, %dma_start3A_475] : memref<8x128x32xbf16, #tpu.memory_space<vmem>> -> memref<1x128x32xbf16, #tpu.memory_space<vmem>>
      %dma_start3A_477 = tpu.memref_squeeze %dma_start3A_476 : memref<1x128x32xbf16, #tpu.memory_space<vmem>> -> memref<128x32xbf16, #tpu.memory_space<vmem>>
      tpu.enqueue_dma source(%dma_start3A_477 : memref<128x32xbf16, #tpu.memory_space<vmem>>) target(%dma_start3A_473 : memref<128x32xbf16, #tpu.memory_space<hbm>>) target_semaphore(%arg9 : memref<!tpu.dma_semaphore, #tpu.memory_space<semaphore_mem>>)
      %dma_start3A_478 = arith.constant 5 : i32
      %dma_start3A_479 = arith.constant 0 : i32
      %dma_start3A_480 = arith.constant 0 : i32
      %dma_start3A_481 = tpu.memref_slice %arg6[%dma_start3A_478, %dma_start3A_479, %dma_start3A_480] : memref<8x128x32xbf16, #tpu.memory_space<vmem>> -> memref<1x128x32xbf16, #tpu.memory_space<vmem>>
      %dma_start3A_482 = tpu.memref_squeeze %dma_start3A_481 : memref<1x128x32xbf16, #tpu.memory_space<vmem>> -> memref<128x32xbf16, #tpu.memory_space<vmem>>
      %dma_start3A_483 = arith.constant 0 : i32
      %dma_start3A_484 = tpu.memref_slice %arg4[%mul3A_60, %dma_start3A_483] : memref<819200x32xbf16, #tpu.memory_space<hbm>> -> memref<128x32xbf16, #tpu.memory_space<hbm>>
      %dma_start3A_485 = arith.constant 0 : i32
      %dma_start3A_486 = tpu.memref_slice %arg4[%mul3A_60, %dma_start3A_485] : memref<819200x32xbf16, #tpu.memory_space<hbm>> -> memref<128x32xbf16, #tpu.memory_space<hbm>>
      %dma_start3A_487 = arith.constant 0 : i32
      %dma_start3A_488 = arith.constant 0 : i32
      %dma_start3A_489 = tpu.memref_slice %arg6[%dma_start3A_478, %dma_start3A_487, %dma_start3A_488] : memref<8x128x32xbf16, #tpu.memory_space<vmem>> -> memref<1x128x32xbf16, #tpu.memory_space<vmem>>
      %dma_start3A_490 = tpu.memref_squeeze %dma_start3A_489 : memref<1x128x32xbf16, #tpu.memory_space<vmem>> -> memref<128x32xbf16, #tpu.memory_space<vmem>>
      tpu.enqueue_dma source(%dma_start3A_490 : memref<128x32xbf16, #tpu.memory_space<vmem>>) target(%dma_start3A_486 : memref<128x32xbf16, #tpu.memory_space<hbm>>) target_semaphore(%arg9 : memref<!tpu.dma_semaphore, #tpu.memory_space<semaphore_mem>>)
      %dma_start3A_491 = arith.constant 6 : i32
      %dma_start3A_492 = arith.constant 0 : i32
      %dma_start3A_493 = arith.constant 0 : i32
      %dma_start3A_494 = tpu.memref_slice %arg6[%dma_start3A_491, %dma_start3A_492, %dma_start3A_493] : memref<8x128x32xbf16, #tpu.memory_space<vmem>> -> memref<1x128x32xbf16, #tpu.memory_space<vmem>>
      %dma_start3A_495 = tpu.memref_squeeze %dma_start3A_494 : memref<1x128x32xbf16, #tpu.memory_space<vmem>> -> memref<128x32xbf16, #tpu.memory_space<vmem>>
      %dma_start3A_496 = arith.constant 0 : i32
      %dma_start3A_497 = tpu.memref_slice %arg4[%mul3A_69, %dma_start3A_496] : memref<819200x32xbf16, #tpu.memory_space<hbm>> -> memref<128x32xbf16, #tpu.memory_space<hbm>>
      %dma_start3A_498 = arith.constant 0 : i32
      %dma_start3A_499 = tpu.memref_slice %arg4[%mul3A_69, %dma_start3A_498] : memref<819200x32xbf16, #tpu.memory_space<hbm>> -> memref<128x32xbf16, #tpu.memory_space<hbm>>
      %dma_start3A_500 = arith.constant 0 : i32
      %dma_start3A_501 = arith.constant 0 : i32
      %dma_start3A_502 = tpu.memref_slice %arg6[%dma_start3A_491, %dma_start3A_500, %dma_start3A_501] : memref<8x128x32xbf16, #tpu.memory_space<vmem>> -> memref<1x128x32xbf16, #tpu.memory_space<vmem>>
      %dma_start3A_503 = tpu.memref_squeeze %dma_start3A_502 : memref<1x128x32xbf16, #tpu.memory_space<vmem>> -> memref<128x32xbf16, #tpu.memory_space<vmem>>
      tpu.enqueue_dma source(%dma_start3A_503 : memref<128x32xbf16, #tpu.memory_space<vmem>>) target(%dma_start3A_499 : memref<128x32xbf16, #tpu.memory_space<hbm>>) target_semaphore(%arg9 : memref<!tpu.dma_semaphore, #tpu.memory_space<semaphore_mem>>)
      %dma_start3A_504 = arith.constant 7 : i32
      %dma_start3A_505 = arith.constant 0 : i32
      %dma_start3A_506 = arith.constant 0 : i32
      %dma_start3A_507 = tpu.memref_slice %arg6[%dma_start3A_504, %dma_start3A_505, %dma_start3A_506] : memref<8x128x32xbf16, #tpu.memory_space<vmem>> -> memref<1x128x32xbf16, #tpu.memory_space<vmem>>
      %dma_start3A_508 = tpu.memref_squeeze %dma_start3A_507 : memref<1x128x32xbf16, #tpu.memory_space<vmem>> -> memref<128x32xbf16, #tpu.memory_space<vmem>>
      %dma_start3A_509 = arith.constant 0 : i32
      %dma_start3A_510 = tpu.memref_slice %arg4[%mul3A_78, %dma_start3A_509] : memref<819200x32xbf16, #tpu.memory_space<hbm>> -> memref<128x32xbf16, #tpu.memory_space<hbm>>
      %dma_start3A_511 = arith.constant 0 : i32
      %dma_start3A_512 = tpu.memref_slice %arg4[%mul3A_78, %dma_start3A_511] : memref<819200x32xbf16, #tpu.memory_space<hbm>> -> memref<128x32xbf16, #tpu.memory_space<hbm>>
      %dma_start3A_513 = arith.constant 0 : i32
      %dma_start3A_514 = arith.constant 0 : i32
      %dma_start3A_515 = tpu.memref_slice %arg6[%dma_start3A_504, %dma_start3A_513, %dma_start3A_514] : memref<8x128x32xbf16, #tpu.memory_space<vmem>> -> memref<1x128x32xbf16, #tpu.memory_space<vmem>>
      %dma_start3A_516 = tpu.memref_squeeze %dma_start3A_515 : memref<1x128x32xbf16, #tpu.memory_space<vmem>> -> memref<128x32xbf16, #tpu.memory_space<vmem>>
      tpu.enqueue_dma source(%dma_start3A_516 : memref<128x32xbf16, #tpu.memory_space<vmem>>) target(%dma_start3A_512 : memref<128x32xbf16, #tpu.memory_space<hbm>>) target_semaphore(%arg9 : memref<!tpu.dma_semaphore, #tpu.memory_space<semaphore_mem>>)
      %dma_wait3A_517 = arith.constant 0 : i32
      %dma_wait3A_518 = arith.constant 0 : i32
      %dma_wait3A_519 = arith.constant 0 : i32
      %dma_wait3A_520 = tpu.memref_slice %arg6[%dma_wait3A_517, %dma_wait3A_518, %dma_wait3A_519] : memref<8x128x32xbf16, #tpu.memory_space<vmem>> -> memref<1x128x32xbf16, #tpu.memory_space<vmem>>
      %dma_wait3A_521 = tpu.memref_squeeze %dma_wait3A_520 : memref<1x128x32xbf16, #tpu.memory_space<vmem>> -> memref<128x32xbf16, #tpu.memory_space<vmem>>
      %dma_wait3A_522 = arith.constant 0 : i32
      %dma_wait3A_523 = tpu.memref_slice %arg4[%mul3A_15, %dma_wait3A_522] : memref<819200x32xbf16, #tpu.memory_space<hbm>> -> memref<128x32xbf16, #tpu.memory_space<hbm>>
      %dma_wait3A_524 = arith.constant 0 : i32
      %dma_wait3A_525 = tpu.memref_slice %arg4[%mul3A_15, %dma_wait3A_524] : memref<819200x32xbf16, #tpu.memory_space<hbm>> -> memref<128x32xbf16, #tpu.memory_space<hbm>>
      %dma_wait3A_526 = arith.constant 0 : i32
      %dma_wait3A_527 = arith.constant 0 : i32
      %dma_wait3A_528 = tpu.memref_slice %arg6[%dma_wait3A_517, %dma_wait3A_526, %dma_wait3A_527] : memref<8x128x32xbf16, #tpu.memory_space<vmem>> -> memref<1x128x32xbf16, #tpu.memory_space<vmem>>
      %dma_wait3A_529 = tpu.memref_squeeze %dma_wait3A_528 : memref<1x128x32xbf16, #tpu.memory_space<vmem>> -> memref<128x32xbf16, #tpu.memory_space<vmem>>
      tpu.wait_dma2 semaphore(%arg9 : memref<!tpu.dma_semaphore, #tpu.memory_space<semaphore_mem>>) src(%dma_wait3A_529 : memref<128x32xbf16, #tpu.memory_space<vmem>>) dst(%dma_wait3A_525 : memref<128x32xbf16, #tpu.memory_space<hbm>>)
      %dma_wait3A_530 = arith.constant 1 : i32
      %dma_wait3A_531 = arith.constant 0 : i32
      %dma_wait3A_532 = arith.constant 0 : i32
      %dma_wait3A_533 = tpu.memref_slice %arg6[%dma_wait3A_530, %dma_wait3A_531, %dma_wait3A_532] : memref<8x128x32xbf16, #tpu.memory_space<vmem>> -> memref<1x128x32xbf16, #tpu.memory_space<vmem>>
      %dma_wait3A_534 = tpu.memref_squeeze %dma_wait3A_533 : memref<1x128x32xbf16, #tpu.memory_space<vmem>> -> memref<128x32xbf16, #tpu.memory_space<vmem>>
      %dma_wait3A_535 = arith.constant 0 : i32
      %dma_wait3A_536 = tpu.memref_slice %arg4[%mul3A_24, %dma_wait3A_535] : memref<819200x32xbf16, #tpu.memory_space<hbm>> -> memref<128x32xbf16, #tpu.memory_space<hbm>>
      %dma_wait3A_537 = arith.constant 0 : i32
      %dma_wait3A_538 = tpu.memref_slice %arg4[%mul3A_24, %dma_wait3A_537] : memref<819200x32xbf16, #tpu.memory_space<hbm>> -> memref<128x32xbf16, #tpu.memory_space<hbm>>
      %dma_wait3A_539 = arith.constant 0 : i32
      %dma_wait3A_540 = arith.constant 0 : i32
      %dma_wait3A_541 = tpu.memref_slice %arg6[%dma_wait3A_530, %dma_wait3A_539, %dma_wait3A_540] : memref<8x128x32xbf16, #tpu.memory_space<vmem>> -> memref<1x128x32xbf16, #tpu.memory_space<vmem>>
      %dma_wait3A_542 = tpu.memref_squeeze %dma_wait3A_541 : memref<1x128x32xbf16, #tpu.memory_space<vmem>> -> memref<128x32xbf16, #tpu.memory_space<vmem>>
      tpu.wait_dma2 semaphore(%arg9 : memref<!tpu.dma_semaphore, #tpu.memory_space<semaphore_mem>>) src(%dma_wait3A_542 : memref<128x32xbf16, #tpu.memory_space<vmem>>) dst(%dma_wait3A_538 : memref<128x32xbf16, #tpu.memory_space<hbm>>)
      %dma_wait3A_543 = arith.constant 2 : i32
      %dma_wait3A_544 = arith.constant 0 : i32
      %dma_wait3A_545 = arith.constant 0 : i32
      %dma_wait3A_546 = tpu.memref_slice %arg6[%dma_wait3A_543, %dma_wait3A_544, %dma_wait3A_545] : memref<8x128x32xbf16, #tpu.memory_space<vmem>> -> memref<1x128x32xbf16, #tpu.memory_space<vmem>>
      %dma_wait3A_547 = tpu.memref_squeeze %dma_wait3A_546 : memref<1x128x32xbf16, #tpu.memory_space<vmem>> -> memref<128x32xbf16, #tpu.memory_space<vmem>>
      %dma_wait3A_548 = arith.constant 0 : i32
      %dma_wait3A_549 = tpu.memref_slice %arg4[%mul3A_33, %dma_wait3A_548] : memref<819200x32xbf16, #tpu.memory_space<hbm>> -> memref<128x32xbf16, #tpu.memory_space<hbm>>
      %dma_wait3A_550 = arith.constant 0 : i32
      %dma_wait3A_551 = tpu.memref_slice %arg4[%mul3A_33, %dma_wait3A_550] : memref<819200x32xbf16, #tpu.memory_space<hbm>> -> memref<128x32xbf16, #tpu.memory_space<hbm>>
      %dma_wait3A_552 = arith.constant 0 : i32
      %dma_wait3A_553 = arith.constant 0 : i32
      %dma_wait3A_554 = tpu.memref_slice %arg6[%dma_wait3A_543, %dma_wait3A_552, %dma_wait3A_553] : memref<8x128x32xbf16, #tpu.memory_space<vmem>> -> memref<1x128x32xbf16, #tpu.memory_space<vmem>>
      %dma_wait3A_555 = tpu.memref_squeeze %dma_wait3A_554 : memref<1x128x32xbf16, #tpu.memory_space<vmem>> -> memref<128x32xbf16, #tpu.memory_space<vmem>>
      tpu.wait_dma2 semaphore(%arg9 : memref<!tpu.dma_semaphore, #tpu.memory_space<semaphore_mem>>) src(%dma_wait3A_555 : memref<128x32xbf16, #tpu.memory_space<vmem>>) dst(%dma_wait3A_551 : memref<128x32xbf16, #tpu.memory_space<hbm>>)
      %dma_wait3A_556 = arith.constant 3 : i32
      %dma_wait3A_557 = arith.constant 0 : i32
      %dma_wait3A_558 = arith.constant 0 : i32
      %dma_wait3A_559 = tpu.memref_slice %arg6[%dma_wait3A_556, %dma_wait3A_557, %dma_wait3A_558] : memref<8x128x32xbf16, #tpu.memory_space<vmem>> -> memref<1x128x32xbf16, #tpu.memory_space<vmem>>
      %dma_wait3A_560 = tpu.memref_squeeze %dma_wait3A_559 : memref<1x128x32xbf16, #tpu.memory_space<vmem>> -> memref<128x32xbf16, #tpu.memory_space<vmem>>
      %dma_wait3A_561 = arith.constant 0 : i32
      %dma_wait3A_562 = tpu.memref_slice %arg4[%mul3A_42, %dma_wait3A_561] : memref<819200x32xbf16, #tpu.memory_space<hbm>> -> memref<128x32xbf16, #tpu.memory_space<hbm>>
      %dma_wait3A_563 = arith.constant 0 : i32
      %dma_wait3A_564 = tpu.memref_slice %arg4[%mul3A_42, %dma_wait3A_563] : memref<819200x32xbf16, #tpu.memory_space<hbm>> -> memref<128x32xbf16, #tpu.memory_space<hbm>>
      %dma_wait3A_565 = arith.constant 0 : i32
      %dma_wait3A_566 = arith.constant 0 : i32
      %dma_wait3A_567 = tpu.memref_slice %arg6[%dma_wait3A_556, %dma_wait3A_565, %dma_wait3A_566] : memref<8x128x32xbf16, #tpu.memory_space<vmem>> -> memref<1x128x32xbf16, #tpu.memory_space<vmem>>
      %dma_wait3A_568 = tpu.memref_squeeze %dma_wait3A_567 : memref<1x128x32xbf16, #tpu.memory_space<vmem>> -> memref<128x32xbf16, #tpu.memory_space<vmem>>
      tpu.wait_dma2 semaphore(%arg9 : memref<!tpu.dma_semaphore, #tpu.memory_space<semaphore_mem>>) src(%dma_wait3A_568 : memref<128x32xbf16, #tpu.memory_space<vmem>>) dst(%dma_wait3A_564 : memref<128x32xbf16, #tpu.memory_space<hbm>>)
      %dma_wait3A_569 = arith.constant 4 : i32
      %dma_wait3A_570 = arith.constant 0 : i32
      %dma_wait3A_571 = arith.constant 0 : i32
      %dma_wait3A_572 = tpu.memref_slice %arg6[%dma_wait3A_569, %dma_wait3A_570, %dma_wait3A_571] : memref<8x128x32xbf16, #tpu.memory_space<vmem>> -> memref<1x128x32xbf16, #tpu.memory_space<vmem>>
      %dma_wait3A_573 = tpu.memref_squeeze %dma_wait3A_572 : memref<1x128x32xbf16, #tpu.memory_space<vmem>> -> memref<128x32xbf16, #tpu.memory_space<vmem>>
      %dma_wait3A_574 = arith.constant 0 : i32
      %dma_wait3A_575 = tpu.memref_slice %arg4[%mul3A_51, %dma_wait3A_574] : memref<819200x32xbf16, #tpu.memory_space<hbm>> -> memref<128x32xbf16, #tpu.memory_space<hbm>>
      %dma_wait3A_576 = arith.constant 0 : i32
      %dma_wait3A_577 = tpu.memref_slice %arg4[%mul3A_51, %dma_wait3A_576] : memref<819200x32xbf16, #tpu.memory_space<hbm>> -> memref<128x32xbf16, #tpu.memory_space<hbm>>
      %dma_wait3A_578 = arith.constant 0 : i32
      %dma_wait3A_579 = arith.constant 0 : i32
      %dma_wait3A_580 = tpu.memref_slice %arg6[%dma_wait3A_569, %dma_wait3A_578, %dma_wait3A_579] : memref<8x128x32xbf16, #tpu.memory_space<vmem>> -> memref<1x128x32xbf16, #tpu.memory_space<vmem>>
      %dma_wait3A_581 = tpu.memref_squeeze %dma_wait3A_580 : memref<1x128x32xbf16, #tpu.memory_space<vmem>> -> memref<128x32xbf16, #tpu.memory_space<vmem>>
      tpu.wait_dma2 semaphore(%arg9 : memref<!tpu.dma_semaphore, #tpu.memory_space<semaphore_mem>>) src(%dma_wait3A_581 : memref<128x32xbf16, #tpu.memory_space<vmem>>) dst(%dma_wait3A_577 : memref<128x32xbf16, #tpu.memory_space<hbm>>)
      %dma_wait3A_582 = arith.constant 5 : i32
      %dma_wait3A_583 = arith.constant 0 : i32
      %dma_wait3A_584 = arith.constant 0 : i32
      %dma_wait3A_585 = tpu.memref_slice %arg6[%dma_wait3A_582, %dma_wait3A_583, %dma_wait3A_584] : memref<8x128x32xbf16, #tpu.memory_space<vmem>> -> memref<1x128x32xbf16, #tpu.memory_space<vmem>>
      %dma_wait3A_586 = tpu.memref_squeeze %dma_wait3A_585 : memref<1x128x32xbf16, #tpu.memory_space<vmem>> -> memref<128x32xbf16, #tpu.memory_space<vmem>>
      %dma_wait3A_587 = arith.constant 0 : i32
      %dma_wait3A_588 = tpu.memref_slice %arg4[%mul3A_60, %dma_wait3A_587] : memref<819200x32xbf16, #tpu.memory_space<hbm>> -> memref<128x32xbf16, #tpu.memory_space<hbm>>
      %dma_wait3A_589 = arith.constant 0 : i32
      %dma_wait3A_590 = tpu.memref_slice %arg4[%mul3A_60, %dma_wait3A_589] : memref<819200x32xbf16, #tpu.memory_space<hbm>> -> memref<128x32xbf16, #tpu.memory_space<hbm>>
      %dma_wait3A_591 = arith.constant 0 : i32
      %dma_wait3A_592 = arith.constant 0 : i32
      %dma_wait3A_593 = tpu.memref_slice %arg6[%dma_wait3A_582, %dma_wait3A_591, %dma_wait3A_592] : memref<8x128x32xbf16, #tpu.memory_space<vmem>> -> memref<1x128x32xbf16, #tpu.memory_space<vmem>>
      %dma_wait3A_594 = tpu.memref_squeeze %dma_wait3A_593 : memref<1x128x32xbf16, #tpu.memory_space<vmem>> -> memref<128x32xbf16, #tpu.memory_space<vmem>>
      tpu.wait_dma2 semaphore(%arg9 : memref<!tpu.dma_semaphore, #tpu.memory_space<semaphore_mem>>) src(%dma_wait3A_594 : memref<128x32xbf16, #tpu.memory_space<vmem>>) dst(%dma_wait3A_590 : memref<128x32xbf16, #tpu.memory_space<hbm>>)
      %dma_wait3A_595 = arith.constant 6 : i32
      %dma_wait3A_596 = arith.constant 0 : i32
      %dma_wait3A_597 = arith.constant 0 : i32
      %dma_wait3A_598 = tpu.memref_slice %arg6[%dma_wait3A_595, %dma_wait3A_596, %dma_wait3A_597] : memref<8x128x32xbf16, #tpu.memory_space<vmem>> -> memref<1x128x32xbf16, #tpu.memory_space<vmem>>
      %dma_wait3A_599 = tpu.memref_squeeze %dma_wait3A_598 : memref<1x128x32xbf16, #tpu.memory_space<vmem>> -> memref<128x32xbf16, #tpu.memory_space<vmem>>
      %dma_wait3A_600 = arith.constant 0 : i32
      %dma_wait3A_601 = tpu.memref_slice %arg4[%mul3A_69, %dma_wait3A_600] : memref<819200x32xbf16, #tpu.memory_space<hbm>> -> memref<128x32xbf16, #tpu.memory_space<hbm>>
      %dma_wait3A_602 = arith.constant 0 : i32
      %dma_wait3A_603 = tpu.memref_slice %arg4[%mul3A_69, %dma_wait3A_602] : memref<819200x32xbf16, #tpu.memory_space<hbm>> -> memref<128x32xbf16, #tpu.memory_space<hbm>>
      %dma_wait3A_604 = arith.constant 0 : i32
      %dma_wait3A_605 = arith.constant 0 : i32
      %dma_wait3A_606 = tpu.memref_slice %arg6[%dma_wait3A_595, %dma_wait3A_604, %dma_wait3A_605] : memref<8x128x32xbf16, #tpu.memory_space<vmem>> -> memref<1x128x32xbf16, #tpu.memory_space<vmem>>
      %dma_wait3A_607 = tpu.memref_squeeze %dma_wait3A_606 : memref<1x128x32xbf16, #tpu.memory_space<vmem>> -> memref<128x32xbf16, #tpu.memory_space<vmem>>
      tpu.wait_dma2 semaphore(%arg9 : memref<!tpu.dma_semaphore, #tpu.memory_space<semaphore_mem>>) src(%dma_wait3A_607 : memref<128x32xbf16, #tpu.memory_space<vmem>>) dst(%dma_wait3A_603 : memref<128x32xbf16, #tpu.memory_space<hbm>>)
      %dma_wait3A_608 = arith.constant 7 : i32
      %dma_wait3A_609 = arith.constant 0 : i32
      %dma_wait3A_610 = arith.constant 0 : i32
      %dma_wait3A_611 = tpu.memref_slice %arg6[%dma_wait3A_608, %dma_wait3A_609, %dma_wait3A_610] : memref<8x128x32xbf16, #tpu.memory_space<vmem>> -> memref<1x128x32xbf16, #tpu.memory_space<vmem>>
      %dma_wait3A_612 = tpu.memref_squeeze %dma_wait3A_611 : memref<1x128x32xbf16, #tpu.memory_space<vmem>> -> memref<128x32xbf16, #tpu.memory_space<vmem>>
      %dma_wait3A_613 = arith.constant 0 : i32
      %dma_wait3A_614 = tpu.memref_slice %arg4[%mul3A_78, %dma_wait3A_613] : memref<819200x32xbf16, #tpu.memory_space<hbm>> -> memref<128x32xbf16, #tpu.memory_space<hbm>>
      %dma_wait3A_615 = arith.constant 0 : i32
      %dma_wait3A_616 = tpu.memref_slice %arg4[%mul3A_78, %dma_wait3A_615] : memref<819200x32xbf16, #tpu.memory_space<hbm>> -> memref<128x32xbf16, #tpu.memory_space<hbm>>
      %dma_wait3A_617 = arith.constant 0 : i32
      %dma_wait3A_618 = arith.constant 0 : i32
      %dma_wait3A_619 = tpu.memref_slice %arg6[%dma_wait3A_608, %dma_wait3A_617, %dma_wait3A_618] : memref<8x128x32xbf16, #tpu.memory_space<vmem>> -> memref<1x128x32xbf16, #tpu.memory_space<vmem>>
      %dma_wait3A_620 = tpu.memref_squeeze %dma_wait3A_619 : memref<1x128x32xbf16, #tpu.memory_space<vmem>> -> memref<128x32xbf16, #tpu.memory_space<vmem>>
      tpu.wait_dma2 semaphore(%arg9 : memref<!tpu.dma_semaphore, #tpu.memory_space<semaphore_mem>>) src(%dma_wait3A_620 : memref<128x32xbf16, #tpu.memory_space<vmem>>) dst(%dma_wait3A_616 : memref<128x32xbf16, #tpu.memory_space<hbm>>)
    }
    %scan3A_5 = arith.constant 25 : i32
    return
  }
}

#map = affine_map<(d0, d1) -> (0, 0)>
#map1 = affine_map<(d0, d1) -> (0)>
module attributes {stable_mosaic.version = 14 : i64} {
  func.func @gk(%arg0: i32, %arg1: i32, %arg2: memref<50000x32xbf16, #tpu.memory_space<hbm>>, %arg3: memref<819200xi32, #tpu.memory_space<hbm>>, %arg4: memref<819200x32xbf16, #tpu.memory_space<hbm>>, %arg5: memref<8x128xi32, #tpu.memory_space<vmem>>, %arg6: memref<8x128x32xbf16, #tpu.memory_space<vmem>>, %arg7: memref<!tpu.dma_semaphore, #tpu.memory_space<semaphore_mem>>, %arg8: memref<!tpu.dma_semaphore, #tpu.memory_space<semaphore_mem>>, %arg9: memref<!tpu.dma_semaphore, #tpu.memory_space<semaphore_mem>>) attributes {dimension_semantics = [#tpu.dimension_semantics<core_parallel>, #tpu.dimension_semantics<subcore_parallel>], iteration_bounds = array<i64: 2, 16>, scalar_prefetch = 0 : i64, scratch_operands = 5 : i64, tpu.core_type = #tpu.core_type<sc_vector_subcore>, window_params = [{transform_indices = #map}, {transform_indices = #map1}, {transform_indices = #map}]} {
    %mul3A = arith.constant 2 : i32
    %mul3A_0 = arith.muli %arg1, %mul3A : i32
    %add3A = arith.addi %mul3A_0, %arg0 : i32
    %scan3A = arith.constant 0 : i32
    %scan3A_1 = arith.constant 0 : i32
    %scan3A_2 = arith.constant 25 : i32
    %scan3A_3 = arith.addi %scan3A_1, %scan3A_2 : i32
    %scan3A_4 = arith.constant 1 : i32
    scf.for %scan3A_6 = %scan3A_1 to %scan3A_3 step %scan3A_4  : i32 {
      %mul3A_7 = arith.constant 8 : i32
      %mul3A_8 = arith.muli %scan3A_6, %mul3A_7 : i32
      %add3A_9 = arith.constant 0 : i32
      %add3A_10 = arith.addi %mul3A_8, %add3A_9 : i32
      %mul3A_11 = arith.constant 32 : i32
      %mul3A_12 = arith.muli %add3A_10, %mul3A_11 : i32
      %add3A_13 = arith.addi %add3A, %mul3A_12 : i32
      %mul3A_14 = arith.constant 128 : i32
      %mul3A_15 = arith.muli %add3A_13, %mul3A_14 : i32
      %mul3A_16 = arith.constant 8 : i32
      %mul3A_17 = arith.muli %scan3A_6, %mul3A_16 : i32
      %add3A_18 = arith.constant 1 : i32
      %add3A_19 = arith.addi %mul3A_17, %add3A_18 : i32
      %mul3A_20 = arith.constant 32 : i32
      %mul3A_21 = arith.muli %add3A_19, %mul3A_20 : i32
      %add3A_22 = arith.addi %add3A, %mul3A_21 : i32
      %mul3A_23 = arith.constant 128 : i32
      %mul3A_24 = arith.muli %add3A_22, %mul3A_23 : i32
      %mul3A_25 = arith.constant 8 : i32
      %mul3A_26 = arith.muli %scan3A_6, %mul3A_25 : i32
      %add3A_27 = arith.constant 2 : i32
      %add3A_28 = arith.addi %mul3A_26, %add3A_27 : i32
      %mul3A_29 = arith.constant 32 : i32
      %mul3A_30 = arith.muli %add3A_28, %mul3A_29 : i32
      %add3A_31 = arith.addi %add3A, %mul3A_30 : i32
      %mul3A_32 = arith.constant 128 : i32
      %mul3A_33 = arith.muli %add3A_31, %mul3A_32 : i32
      %mul3A_34 = arith.constant 8 : i32
      %mul3A_35 = arith.muli %scan3A_6, %mul3A_34 : i32
      %add3A_36 = arith.constant 3 : i32
      %add3A_37 = arith.addi %mul3A_35, %add3A_36 : i32
      %mul3A_38 = arith.constant 32 : i32
      %mul3A_39 = arith.muli %add3A_37, %mul3A_38 : i32
      %add3A_40 = arith.addi %add3A, %mul3A_39 : i32
      %mul3A_41 = arith.constant 128 : i32
      %mul3A_42 = arith.muli %add3A_40, %mul3A_41 : i32
      %mul3A_43 = arith.constant 8 : i32
      %mul3A_44 = arith.muli %scan3A_6, %mul3A_43 : i32
      %add3A_45 = arith.constant 4 : i32
      %add3A_46 = arith.addi %mul3A_44, %add3A_45 : i32
      %mul3A_47 = arith.constant 32 : i32
      %mul3A_48 = arith.muli %add3A_46, %mul3A_47 : i32
      %add3A_49 = arith.addi %add3A, %mul3A_48 : i32
      %mul3A_50 = arith.constant 128 : i32
      %mul3A_51 = arith.muli %add3A_49, %mul3A_50 : i32
      %mul3A_52 = arith.constant 8 : i32
      %mul3A_53 = arith.muli %scan3A_6, %mul3A_52 : i32
      %add3A_54 = arith.constant 5 : i32
      %add3A_55 = arith.addi %mul3A_53, %add3A_54 : i32
      %mul3A_56 = arith.constant 32 : i32
      %mul3A_57 = arith.muli %add3A_55, %mul3A_56 : i32
      %add3A_58 = arith.addi %add3A, %mul3A_57 : i32
      %mul3A_59 = arith.constant 128 : i32
      %mul3A_60 = arith.muli %add3A_58, %mul3A_59 : i32
      %mul3A_61 = arith.constant 8 : i32
      %mul3A_62 = arith.muli %scan3A_6, %mul3A_61 : i32
      %add3A_63 = arith.constant 6 : i32
      %add3A_64 = arith.addi %mul3A_62, %add3A_63 : i32
      %mul3A_65 = arith.constant 32 : i32
      %mul3A_66 = arith.muli %add3A_64, %mul3A_65 : i32
      %add3A_67 = arith.addi %add3A, %mul3A_66 : i32
      %mul3A_68 = arith.constant 128 : i32
      %mul3A_69 = arith.muli %add3A_67, %mul3A_68 : i32
      %mul3A_70 = arith.constant 8 : i32
      %mul3A_71 = arith.muli %scan3A_6, %mul3A_70 : i32
      %add3A_72 = arith.constant 7 : i32
      %add3A_73 = arith.addi %mul3A_71, %add3A_72 : i32
      %mul3A_74 = arith.constant 32 : i32
      %mul3A_75 = arith.muli %add3A_73, %mul3A_74 : i32
      %add3A_76 = arith.addi %add3A, %mul3A_75 : i32
      %mul3A_77 = arith.constant 128 : i32
      %mul3A_78 = arith.muli %add3A_76, %mul3A_77 : i32
      %dma_start3A = arith.constant 0 : i32
      %dma_start3A_79 = arith.constant 0 : i32
      %dma_start3A_80 = tpu.memref_slice %arg5[%dma_start3A, %dma_start3A_79] : memref<8x128xi32, #tpu.memory_space<vmem>> -> memref<1x128xi32, #tpu.memory_space<vmem>>
      %dma_start3A_81 = tpu.memref_squeeze %dma_start3A_80 : memref<1x128xi32, #tpu.memory_space<vmem>> -> memref<128xi32, #tpu.memory_space<vmem>>
      %dma_start3A_82 = tpu.memref_slice %arg3[%mul3A_15] : memref<819200xi32, #tpu.memory_space<hbm>> -> memref<128xi32, #tpu.memory_space<hbm>>
      %dma_start3A_83 = arith.constant 0 : i32
      %dma_start3A_84 = tpu.memref_slice %arg5[%dma_start3A, %dma_start3A_83] : memref<8x128xi32, #tpu.memory_space<vmem>> -> memref<1x128xi32, #tpu.memory_space<vmem>>
      %dma_start3A_85 = tpu.memref_squeeze %dma_start3A_84 : memref<1x128xi32, #tpu.memory_space<vmem>> -> memref<128xi32, #tpu.memory_space<vmem>>
      %dma_start3A_86 = tpu.memref_slice %arg3[%mul3A_15] : memref<819200xi32, #tpu.memory_space<hbm>> -> memref<128xi32, #tpu.memory_space<hbm>>
      tpu.enqueue_dma source(%dma_start3A_86 : memref<128xi32, #tpu.memory_space<hbm>>) target(%dma_start3A_85 : memref<128xi32, #tpu.memory_space<vmem>>) target_semaphore(%arg7 : memref<!tpu.dma_semaphore, #tpu.memory_space<semaphore_mem>>)
      %dma_start3A_87 = arith.constant 1 : i32
      %dma_start3A_88 = arith.constant 0 : i32
      %dma_start3A_89 = tpu.memref_slice %arg5[%dma_start3A_87, %dma_start3A_88] : memref<8x128xi32, #tpu.memory_space<vmem>> -> memref<1x128xi32, #tpu.memory_space<vmem>>
      %dma_start3A_90 = tpu.memref_squeeze %dma_start3A_89 : memref<1x128xi32, #tpu.memory_space<vmem>> -> memref<128xi32, #tpu.memory_space<vmem>>
      %dma_start3A_91 = tpu.memref_slice %arg3[%mul3A_24] : memref<819200xi32, #tpu.memory_space<hbm>> -> memref<128xi32, #tpu.memory_space<hbm>>
      %dma_start3A_92 = arith.constant 0 : i32
      %dma_start3A_93 = tpu.memref_slice %arg5[%dma_start3A_87, %dma_start3A_92] : memref<8x128xi32, #tpu.memory_space<vmem>> -> memref<1x128xi32, #tpu.memory_space<vmem>>
      %dma_start3A_94 = tpu.memref_squeeze %dma_start3A_93 : memref<1x128xi32, #tpu.memory_space<vmem>> -> memref<128xi32, #tpu.memory_space<vmem>>
      %dma_start3A_95 = tpu.memref_slice %arg3[%mul3A_24] : memref<819200xi32, #tpu.memory_space<hbm>> -> memref<128xi32, #tpu.memory_space<hbm>>
      tpu.enqueue_dma source(%dma_start3A_95 : memref<128xi32, #tpu.memory_space<hbm>>) target(%dma_start3A_94 : memref<128xi32, #tpu.memory_space<vmem>>) target_semaphore(%arg7 : memref<!tpu.dma_semaphore, #tpu.memory_space<semaphore_mem>>)
      %dma_start3A_96 = arith.constant 2 : i32
      %dma_start3A_97 = arith.constant 0 : i32
      %dma_start3A_98 = tpu.memref_slice %arg5[%dma_start3A_96, %dma_start3A_97] : memref<8x128xi32, #tpu.memory_space<vmem>> -> memref<1x128xi32, #tpu.memory_space<vmem>>
      %dma_start3A_99 = tpu.memref_squeeze %dma_start3A_98 : memref<1x128xi32, #tpu.memory_space<vmem>> -> memref<128xi32, #tpu.memory_space<vmem>>
      %dma_start3A_100 = tpu.memref_slice %arg3[%mul3A_33] : memref<819200xi32, #tpu.memory_space<hbm>> -> memref<128xi32, #tpu.memory_space<hbm>>
      %dma_start3A_101 = arith.constant 0 : i32
      %dma_start3A_102 = tpu.memref_slice %arg5[%dma_start3A_96, %dma_start3A_101] : memref<8x128xi32, #tpu.memory_space<vmem>> -> memref<1x128xi32, #tpu.memory_space<vmem>>
      %dma_start3A_103 = tpu.memref_squeeze %dma_start3A_102 : memref<1x128xi32, #tpu.memory_space<vmem>> -> memref<128xi32, #tpu.memory_space<vmem>>
      %dma_start3A_104 = tpu.memref_slice %arg3[%mul3A_33] : memref<819200xi32, #tpu.memory_space<hbm>> -> memref<128xi32, #tpu.memory_space<hbm>>
      tpu.enqueue_dma source(%dma_start3A_104 : memref<128xi32, #tpu.memory_space<hbm>>) target(%dma_start3A_103 : memref<128xi32, #tpu.memory_space<vmem>>) target_semaphore(%arg7 : memref<!tpu.dma_semaphore, #tpu.memory_space<semaphore_mem>>)
      %dma_start3A_105 = arith.constant 3 : i32
      %dma_start3A_106 = arith.constant 0 : i32
      %dma_start3A_107 = tpu.memref_slice %arg5[%dma_start3A_105, %dma_start3A_106] : memref<8x128xi32, #tpu.memory_space<vmem>> -> memref<1x128xi32, #tpu.memory_space<vmem>>
      %dma_start3A_108 = tpu.memref_squeeze %dma_start3A_107 : memref<1x128xi32, #tpu.memory_space<vmem>> -> memref<128xi32, #tpu.memory_space<vmem>>
      %dma_start3A_109 = tpu.memref_slice %arg3[%mul3A_42] : memref<819200xi32, #tpu.memory_space<hbm>> -> memref<128xi32, #tpu.memory_space<hbm>>
      %dma_start3A_110 = arith.constant 0 : i32
      %dma_start3A_111 = tpu.memref_slice %arg5[%dma_start3A_105, %dma_start3A_110] : memref<8x128xi32, #tpu.memory_space<vmem>> -> memref<1x128xi32, #tpu.memory_space<vmem>>
      %dma_start3A_112 = tpu.memref_squeeze %dma_start3A_111 : memref<1x128xi32, #tpu.memory_space<vmem>> -> memref<128xi32, #tpu.memory_space<vmem>>
      %dma_start3A_113 = tpu.memref_slice %arg3[%mul3A_42] : memref<819200xi32, #tpu.memory_space<hbm>> -> memref<128xi32, #tpu.memory_space<hbm>>
      tpu.enqueue_dma source(%dma_start3A_113 : memref<128xi32, #tpu.memory_space<hbm>>) target(%dma_start3A_112 : memref<128xi32, #tpu.memory_space<vmem>>) target_semaphore(%arg7 : memref<!tpu.dma_semaphore, #tpu.memory_space<semaphore_mem>>)
      %dma_start3A_114 = arith.constant 4 : i32
      %dma_start3A_115 = arith.constant 0 : i32
      %dma_start3A_116 = tpu.memref_slice %arg5[%dma_start3A_114, %dma_start3A_115] : memref<8x128xi32, #tpu.memory_space<vmem>> -> memref<1x128xi32, #tpu.memory_space<vmem>>
      %dma_start3A_117 = tpu.memref_squeeze %dma_start3A_116 : memref<1x128xi32, #tpu.memory_space<vmem>> -> memref<128xi32, #tpu.memory_space<vmem>>
      %dma_start3A_118 = tpu.memref_slice %arg3[%mul3A_51] : memref<819200xi32, #tpu.memory_space<hbm>> -> memref<128xi32, #tpu.memory_space<hbm>>
      %dma_start3A_119 = arith.constant 0 : i32
      %dma_start3A_120 = tpu.memref_slice %arg5[%dma_start3A_114, %dma_start3A_119] : memref<8x128xi32, #tpu.memory_space<vmem>> -> memref<1x128xi32, #tpu.memory_space<vmem>>
      %dma_start3A_121 = tpu.memref_squeeze %dma_start3A_120 : memref<1x128xi32, #tpu.memory_space<vmem>> -> memref<128xi32, #tpu.memory_space<vmem>>
      %dma_start3A_122 = tpu.memref_slice %arg3[%mul3A_51] : memref<819200xi32, #tpu.memory_space<hbm>> -> memref<128xi32, #tpu.memory_space<hbm>>
      tpu.enqueue_dma source(%dma_start3A_122 : memref<128xi32, #tpu.memory_space<hbm>>) target(%dma_start3A_121 : memref<128xi32, #tpu.memory_space<vmem>>) target_semaphore(%arg7 : memref<!tpu.dma_semaphore, #tpu.memory_space<semaphore_mem>>)
      %dma_start3A_123 = arith.constant 5 : i32
      %dma_start3A_124 = arith.constant 0 : i32
      %dma_start3A_125 = tpu.memref_slice %arg5[%dma_start3A_123, %dma_start3A_124] : memref<8x128xi32, #tpu.memory_space<vmem>> -> memref<1x128xi32, #tpu.memory_space<vmem>>
      %dma_start3A_126 = tpu.memref_squeeze %dma_start3A_125 : memref<1x128xi32, #tpu.memory_space<vmem>> -> memref<128xi32, #tpu.memory_space<vmem>>
      %dma_start3A_127 = tpu.memref_slice %arg3[%mul3A_60] : memref<819200xi32, #tpu.memory_space<hbm>> -> memref<128xi32, #tpu.memory_space<hbm>>
      %dma_start3A_128 = arith.constant 0 : i32
      %dma_start3A_129 = tpu.memref_slice %arg5[%dma_start3A_123, %dma_start3A_128] : memref<8x128xi32, #tpu.memory_space<vmem>> -> memref<1x128xi32, #tpu.memory_space<vmem>>
      %dma_start3A_130 = tpu.memref_squeeze %dma_start3A_129 : memref<1x128xi32, #tpu.memory_space<vmem>> -> memref<128xi32, #tpu.memory_space<vmem>>
      %dma_start3A_131 = tpu.memref_slice %arg3[%mul3A_60] : memref<819200xi32, #tpu.memory_space<hbm>> -> memref<128xi32, #tpu.memory_space<hbm>>
      tpu.enqueue_dma source(%dma_start3A_131 : memref<128xi32, #tpu.memory_space<hbm>>) target(%dma_start3A_130 : memref<128xi32, #tpu.memory_space<vmem>>) target_semaphore(%arg7 : memref<!tpu.dma_semaphore, #tpu.memory_space<semaphore_mem>>)
      %dma_start3A_132 = arith.constant 6 : i32
      %dma_start3A_133 = arith.constant 0 : i32
      %dma_start3A_134 = tpu.memref_slice %arg5[%dma_start3A_132, %dma_start3A_133] : memref<8x128xi32, #tpu.memory_space<vmem>> -> memref<1x128xi32, #tpu.memory_space<vmem>>
      %dma_start3A_135 = tpu.memref_squeeze %dma_start3A_134 : memref<1x128xi32, #tpu.memory_space<vmem>> -> memref<128xi32, #tpu.memory_space<vmem>>
      %dma_start3A_136 = tpu.memref_slice %arg3[%mul3A_69] : memref<819200xi32, #tpu.memory_space<hbm>> -> memref<128xi32, #tpu.memory_space<hbm>>
      %dma_start3A_137 = arith.constant 0 : i32
      %dma_start3A_138 = tpu.memref_slice %arg5[%dma_start3A_132, %dma_start3A_137] : memref<8x128xi32, #tpu.memory_space<vmem>> -> memref<1x128xi32, #tpu.memory_space<vmem>>
      %dma_start3A_139 = tpu.memref_squeeze %dma_start3A_138 : memref<1x128xi32, #tpu.memory_space<vmem>> -> memref<128xi32, #tpu.memory_space<vmem>>
      %dma_start3A_140 = tpu.memref_slice %arg3[%mul3A_69] : memref<819200xi32, #tpu.memory_space<hbm>> -> memref<128xi32, #tpu.memory_space<hbm>>
      tpu.enqueue_dma source(%dma_start3A_140 : memref<128xi32, #tpu.memory_space<hbm>>) target(%dma_start3A_139 : memref<128xi32, #tpu.memory_space<vmem>>) target_semaphore(%arg7 : memref<!tpu.dma_semaphore, #tpu.memory_space<semaphore_mem>>)
      %dma_start3A_141 = arith.constant 7 : i32
      %dma_start3A_142 = arith.constant 0 : i32
      %dma_start3A_143 = tpu.memref_slice %arg5[%dma_start3A_141, %dma_start3A_142] : memref<8x128xi32, #tpu.memory_space<vmem>> -> memref<1x128xi32, #tpu.memory_space<vmem>>
      %dma_start3A_144 = tpu.memref_squeeze %dma_start3A_143 : memref<1x128xi32, #tpu.memory_space<vmem>> -> memref<128xi32, #tpu.memory_space<vmem>>
      %dma_start3A_145 = tpu.memref_slice %arg3[%mul3A_78] : memref<819200xi32, #tpu.memory_space<hbm>> -> memref<128xi32, #tpu.memory_space<hbm>>
      %dma_start3A_146 = arith.constant 0 : i32
      %dma_start3A_147 = tpu.memref_slice %arg5[%dma_start3A_141, %dma_start3A_146] : memref<8x128xi32, #tpu.memory_space<vmem>> -> memref<1x128xi32, #tpu.memory_space<vmem>>
      %dma_start3A_148 = tpu.memref_squeeze %dma_start3A_147 : memref<1x128xi32, #tpu.memory_space<vmem>> -> memref<128xi32, #tpu.memory_space<vmem>>
      %dma_start3A_149 = tpu.memref_slice %arg3[%mul3A_78] : memref<819200xi32, #tpu.memory_space<hbm>> -> memref<128xi32, #tpu.memory_space<hbm>>
      tpu.enqueue_dma source(%dma_start3A_149 : memref<128xi32, #tpu.memory_space<hbm>>) target(%dma_start3A_148 : memref<128xi32, #tpu.memory_space<vmem>>) target_semaphore(%arg7 : memref<!tpu.dma_semaphore, #tpu.memory_space<semaphore_mem>>)
      %dma_wait3A = arith.constant 0 : i32
      %dma_wait3A_150 = arith.constant 0 : i32
      %dma_wait3A_151 = tpu.memref_slice %arg5[%dma_wait3A, %dma_wait3A_150] : memref<8x128xi32, #tpu.memory_space<vmem>> -> memref<1x128xi32, #tpu.memory_space<vmem>>
      %dma_wait3A_152 = tpu.memref_squeeze %dma_wait3A_151 : memref<1x128xi32, #tpu.memory_space<vmem>> -> memref<128xi32, #tpu.memory_space<vmem>>
      %dma_wait3A_153 = tpu.memref_slice %arg3[%mul3A_15] : memref<819200xi32, #tpu.memory_space<hbm>> -> memref<128xi32, #tpu.memory_space<hbm>>
      %dma_wait3A_154 = arith.constant 0 : i32
      %dma_wait3A_155 = tpu.memref_slice %arg5[%dma_wait3A, %dma_wait3A_154] : memref<8x128xi32, #tpu.memory_space<vmem>> -> memref<1x128xi32, #tpu.memory_space<vmem>>
      %dma_wait3A_156 = tpu.memref_squeeze %dma_wait3A_155 : memref<1x128xi32, #tpu.memory_space<vmem>> -> memref<128xi32, #tpu.memory_space<vmem>>
      %dma_wait3A_157 = tpu.memref_slice %arg3[%mul3A_15] : memref<819200xi32, #tpu.memory_space<hbm>> -> memref<128xi32, #tpu.memory_space<hbm>>
      tpu.wait_dma2 semaphore(%arg7 : memref<!tpu.dma_semaphore, #tpu.memory_space<semaphore_mem>>) src(%dma_wait3A_157 : memref<128xi32, #tpu.memory_space<hbm>>) dst(%dma_wait3A_156 : memref<128xi32, #tpu.memory_space<vmem>>)
      %dma_wait3A_158 = arith.constant 1 : i32
      %dma_wait3A_159 = arith.constant 0 : i32
      %dma_wait3A_160 = tpu.memref_slice %arg5[%dma_wait3A_158, %dma_wait3A_159] : memref<8x128xi32, #tpu.memory_space<vmem>> -> memref<1x128xi32, #tpu.memory_space<vmem>>
      %dma_wait3A_161 = tpu.memref_squeeze %dma_wait3A_160 : memref<1x128xi32, #tpu.memory_space<vmem>> -> memref<128xi32, #tpu.memory_space<vmem>>
      %dma_wait3A_162 = tpu.memref_slice %arg3[%mul3A_24] : memref<819200xi32, #tpu.memory_space<hbm>> -> memref<128xi32, #tpu.memory_space<hbm>>
      %dma_wait3A_163 = arith.constant 0 : i32
      %dma_wait3A_164 = tpu.memref_slice %arg5[%dma_wait3A_158, %dma_wait3A_163] : memref<8x128xi32, #tpu.memory_space<vmem>> -> memref<1x128xi32, #tpu.memory_space<vmem>>
      %dma_wait3A_165 = tpu.memref_squeeze %dma_wait3A_164 : memref<1x128xi32, #tpu.memory_space<vmem>> -> memref<128xi32, #tpu.memory_space<vmem>>
      %dma_wait3A_166 = tpu.memref_slice %arg3[%mul3A_24] : memref<819200xi32, #tpu.memory_space<hbm>> -> memref<128xi32, #tpu.memory_space<hbm>>
      tpu.wait_dma2 semaphore(%arg7 : memref<!tpu.dma_semaphore, #tpu.memory_space<semaphore_mem>>) src(%dma_wait3A_166 : memref<128xi32, #tpu.memory_space<hbm>>) dst(%dma_wait3A_165 : memref<128xi32, #tpu.memory_space<vmem>>)
      %dma_wait3A_167 = arith.constant 2 : i32
      %dma_wait3A_168 = arith.constant 0 : i32
      %dma_wait3A_169 = tpu.memref_slice %arg5[%dma_wait3A_167, %dma_wait3A_168] : memref<8x128xi32, #tpu.memory_space<vmem>> -> memref<1x128xi32, #tpu.memory_space<vmem>>
      %dma_wait3A_170 = tpu.memref_squeeze %dma_wait3A_169 : memref<1x128xi32, #tpu.memory_space<vmem>> -> memref<128xi32, #tpu.memory_space<vmem>>
      %dma_wait3A_171 = tpu.memref_slice %arg3[%mul3A_33] : memref<819200xi32, #tpu.memory_space<hbm>> -> memref<128xi32, #tpu.memory_space<hbm>>
      %dma_wait3A_172 = arith.constant 0 : i32
      %dma_wait3A_173 = tpu.memref_slice %arg5[%dma_wait3A_167, %dma_wait3A_172] : memref<8x128xi32, #tpu.memory_space<vmem>> -> memref<1x128xi32, #tpu.memory_space<vmem>>
      %dma_wait3A_174 = tpu.memref_squeeze %dma_wait3A_173 : memref<1x128xi32, #tpu.memory_space<vmem>> -> memref<128xi32, #tpu.memory_space<vmem>>
      %dma_wait3A_175 = tpu.memref_slice %arg3[%mul3A_33] : memref<819200xi32, #tpu.memory_space<hbm>> -> memref<128xi32, #tpu.memory_space<hbm>>
      tpu.wait_dma2 semaphore(%arg7 : memref<!tpu.dma_semaphore, #tpu.memory_space<semaphore_mem>>) src(%dma_wait3A_175 : memref<128xi32, #tpu.memory_space<hbm>>) dst(%dma_wait3A_174 : memref<128xi32, #tpu.memory_space<vmem>>)
      %dma_wait3A_176 = arith.constant 3 : i32
      %dma_wait3A_177 = arith.constant 0 : i32
      %dma_wait3A_178 = tpu.memref_slice %arg5[%dma_wait3A_176, %dma_wait3A_177] : memref<8x128xi32, #tpu.memory_space<vmem>> -> memref<1x128xi32, #tpu.memory_space<vmem>>
      %dma_wait3A_179 = tpu.memref_squeeze %dma_wait3A_178 : memref<1x128xi32, #tpu.memory_space<vmem>> -> memref<128xi32, #tpu.memory_space<vmem>>
      %dma_wait3A_180 = tpu.memref_slice %arg3[%mul3A_42] : memref<819200xi32, #tpu.memory_space<hbm>> -> memref<128xi32, #tpu.memory_space<hbm>>
      %dma_wait3A_181 = arith.constant 0 : i32
      %dma_wait3A_182 = tpu.memref_slice %arg5[%dma_wait3A_176, %dma_wait3A_181] : memref<8x128xi32, #tpu.memory_space<vmem>> -> memref<1x128xi32, #tpu.memory_space<vmem>>
      %dma_wait3A_183 = tpu.memref_squeeze %dma_wait3A_182 : memref<1x128xi32, #tpu.memory_space<vmem>> -> memref<128xi32, #tpu.memory_space<vmem>>
      %dma_wait3A_184 = tpu.memref_slice %arg3[%mul3A_42] : memref<819200xi32, #tpu.memory_space<hbm>> -> memref<128xi32, #tpu.memory_space<hbm>>
      tpu.wait_dma2 semaphore(%arg7 : memref<!tpu.dma_semaphore, #tpu.memory_space<semaphore_mem>>) src(%dma_wait3A_184 : memref<128xi32, #tpu.memory_space<hbm>>) dst(%dma_wait3A_183 : memref<128xi32, #tpu.memory_space<vmem>>)
      %dma_wait3A_185 = arith.constant 4 : i32
      %dma_wait3A_186 = arith.constant 0 : i32
      %dma_wait3A_187 = tpu.memref_slice %arg5[%dma_wait3A_185, %dma_wait3A_186] : memref<8x128xi32, #tpu.memory_space<vmem>> -> memref<1x128xi32, #tpu.memory_space<vmem>>
      %dma_wait3A_188 = tpu.memref_squeeze %dma_wait3A_187 : memref<1x128xi32, #tpu.memory_space<vmem>> -> memref<128xi32, #tpu.memory_space<vmem>>
      %dma_wait3A_189 = tpu.memref_slice %arg3[%mul3A_51] : memref<819200xi32, #tpu.memory_space<hbm>> -> memref<128xi32, #tpu.memory_space<hbm>>
      %dma_wait3A_190 = arith.constant 0 : i32
      %dma_wait3A_191 = tpu.memref_slice %arg5[%dma_wait3A_185, %dma_wait3A_190] : memref<8x128xi32, #tpu.memory_space<vmem>> -> memref<1x128xi32, #tpu.memory_space<vmem>>
      %dma_wait3A_192 = tpu.memref_squeeze %dma_wait3A_191 : memref<1x128xi32, #tpu.memory_space<vmem>> -> memref<128xi32, #tpu.memory_space<vmem>>
      %dma_wait3A_193 = tpu.memref_slice %arg3[%mul3A_51] : memref<819200xi32, #tpu.memory_space<hbm>> -> memref<128xi32, #tpu.memory_space<hbm>>
      tpu.wait_dma2 semaphore(%arg7 : memref<!tpu.dma_semaphore, #tpu.memory_space<semaphore_mem>>) src(%dma_wait3A_193 : memref<128xi32, #tpu.memory_space<hbm>>) dst(%dma_wait3A_192 : memref<128xi32, #tpu.memory_space<vmem>>)
      %dma_wait3A_194 = arith.constant 5 : i32
      %dma_wait3A_195 = arith.constant 0 : i32
      %dma_wait3A_196 = tpu.memref_slice %arg5[%dma_wait3A_194, %dma_wait3A_195] : memref<8x128xi32, #tpu.memory_space<vmem>> -> memref<1x128xi32, #tpu.memory_space<vmem>>
      %dma_wait3A_197 = tpu.memref_squeeze %dma_wait3A_196 : memref<1x128xi32, #tpu.memory_space<vmem>> -> memref<128xi32, #tpu.memory_space<vmem>>
      %dma_wait3A_198 = tpu.memref_slice %arg3[%mul3A_60] : memref<819200xi32, #tpu.memory_space<hbm>> -> memref<128xi32, #tpu.memory_space<hbm>>
      %dma_wait3A_199 = arith.constant 0 : i32
      %dma_wait3A_200 = tpu.memref_slice %arg5[%dma_wait3A_194, %dma_wait3A_199] : memref<8x128xi32, #tpu.memory_space<vmem>> -> memref<1x128xi32, #tpu.memory_space<vmem>>
      %dma_wait3A_201 = tpu.memref_squeeze %dma_wait3A_200 : memref<1x128xi32, #tpu.memory_space<vmem>> -> memref<128xi32, #tpu.memory_space<vmem>>
      %dma_wait3A_202 = tpu.memref_slice %arg3[%mul3A_60] : memref<819200xi32, #tpu.memory_space<hbm>> -> memref<128xi32, #tpu.memory_space<hbm>>
      tpu.wait_dma2 semaphore(%arg7 : memref<!tpu.dma_semaphore, #tpu.memory_space<semaphore_mem>>) src(%dma_wait3A_202 : memref<128xi32, #tpu.memory_space<hbm>>) dst(%dma_wait3A_201 : memref<128xi32, #tpu.memory_space<vmem>>)
      %dma_wait3A_203 = arith.constant 6 : i32
      %dma_wait3A_204 = arith.constant 0 : i32
      %dma_wait3A_205 = tpu.memref_slice %arg5[%dma_wait3A_203, %dma_wait3A_204] : memref<8x128xi32, #tpu.memory_space<vmem>> -> memref<1x128xi32, #tpu.memory_space<vmem>>
      %dma_wait3A_206 = tpu.memref_squeeze %dma_wait3A_205 : memref<1x128xi32, #tpu.memory_space<vmem>> -> memref<128xi32, #tpu.memory_space<vmem>>
      %dma_wait3A_207 = tpu.memref_slice %arg3[%mul3A_69] : memref<819200xi32, #tpu.memory_space<hbm>> -> memref<128xi32, #tpu.memory_space<hbm>>
      %dma_wait3A_208 = arith.constant 0 : i32
      %dma_wait3A_209 = tpu.memref_slice %arg5[%dma_wait3A_203, %dma_wait3A_208] : memref<8x128xi32, #tpu.memory_space<vmem>> -> memref<1x128xi32, #tpu.memory_space<vmem>>
      %dma_wait3A_210 = tpu.memref_squeeze %dma_wait3A_209 : memref<1x128xi32, #tpu.memory_space<vmem>> -> memref<128xi32, #tpu.memory_space<vmem>>
      %dma_wait3A_211 = tpu.memref_slice %arg3[%mul3A_69] : memref<819200xi32, #tpu.memory_space<hbm>> -> memref<128xi32, #tpu.memory_space<hbm>>
      tpu.wait_dma2 semaphore(%arg7 : memref<!tpu.dma_semaphore, #tpu.memory_space<semaphore_mem>>) src(%dma_wait3A_211 : memref<128xi32, #tpu.memory_space<hbm>>) dst(%dma_wait3A_210 : memref<128xi32, #tpu.memory_space<vmem>>)
      %dma_wait3A_212 = arith.constant 7 : i32
      %dma_wait3A_213 = arith.constant 0 : i32
      %dma_wait3A_214 = tpu.memref_slice %arg5[%dma_wait3A_212, %dma_wait3A_213] : memref<8x128xi32, #tpu.memory_space<vmem>> -> memref<1x128xi32, #tpu.memory_space<vmem>>
      %dma_wait3A_215 = tpu.memref_squeeze %dma_wait3A_214 : memref<1x128xi32, #tpu.memory_space<vmem>> -> memref<128xi32, #tpu.memory_space<vmem>>
      %dma_wait3A_216 = tpu.memref_slice %arg3[%mul3A_78] : memref<819200xi32, #tpu.memory_space<hbm>> -> memref<128xi32, #tpu.memory_space<hbm>>
      %dma_wait3A_217 = arith.constant 0 : i32
      %dma_wait3A_218 = tpu.memref_slice %arg5[%dma_wait3A_212, %dma_wait3A_217] : memref<8x128xi32, #tpu.memory_space<vmem>> -> memref<1x128xi32, #tpu.memory_space<vmem>>
      %dma_wait3A_219 = tpu.memref_squeeze %dma_wait3A_218 : memref<1x128xi32, #tpu.memory_space<vmem>> -> memref<128xi32, #tpu.memory_space<vmem>>
      %dma_wait3A_220 = tpu.memref_slice %arg3[%mul3A_78] : memref<819200xi32, #tpu.memory_space<hbm>> -> memref<128xi32, #tpu.memory_space<hbm>>
      tpu.wait_dma2 semaphore(%arg7 : memref<!tpu.dma_semaphore, #tpu.memory_space<semaphore_mem>>) src(%dma_wait3A_220 : memref<128xi32, #tpu.memory_space<hbm>>) dst(%dma_wait3A_219 : memref<128xi32, #tpu.memory_space<vmem>>)
      %dma_start3A_221 = arith.constant 0 : i32
      %dma_start3A_222 = arith.constant 0 : i32
      %dma_start3A_223 = arith.constant 0 : i32
      %dma_start3A_224 = arith.constant 0 : i32
      %dma_start3A_225 = tpu.memref_slice %arg6[%dma_start3A_222, %dma_start3A_223, %dma_start3A_224] : memref<8x128x32xbf16, #tpu.memory_space<vmem>> -> memref<1x128x32xbf16, #tpu.memory_space<vmem>>
      %dma_start3A_226 = tpu.memref_squeeze %dma_start3A_225 : memref<1x128x32xbf16, #tpu.memory_space<vmem>> -> memref<128x32xbf16, #tpu.memory_space<vmem>>
      %dma_start3A_227 = arith.constant 0 : i32
      %dma_start3A_228 = tpu.memref_slice %arg5[%dma_start3A_221, %dma_start3A_227] : memref<8x128xi32, #tpu.memory_space<vmem>> -> memref<1x128xi32, #tpu.memory_space<vmem>>
      %dma_start3A_229 = tpu.memref_squeeze %dma_start3A_228 : memref<1x128xi32, #tpu.memory_space<vmem>> -> memref<128xi32, #tpu.memory_space<vmem>>
      %dma_start3A_230 = arith.constant 0 : i32
      %dma_start3A_231 = arith.constant 0 : i32
      %dma_start3A_232 = tpu.memref_slice %arg2[%dma_start3A_230, %dma_start3A_231] : memref<50000x32xbf16, #tpu.memory_space<hbm>> -> memref<50000x32xbf16, #tpu.memory_space<hbm>>
      tpu.enqueue_indirect_dma source(%dma_start3A_232 : memref<50000x32xbf16, #tpu.memory_space<hbm>>) target(%dma_start3A_226 : memref<128x32xbf16, #tpu.memory_space<vmem>>) offsets(%dma_start3A_229 : memref<128xi32, #tpu.memory_space<vmem>>) semaphore(%arg8 : memref<!tpu.dma_semaphore, #tpu.memory_space<semaphore_mem>>)
      %dma_start3A_233 = arith.constant 1 : i32
      %dma_start3A_234 = arith.constant 1 : i32
      %dma_start3A_235 = arith.constant 0 : i32
      %dma_start3A_236 = arith.constant 0 : i32
      %dma_start3A_237 = tpu.memref_slice %arg6[%dma_start3A_234, %dma_start3A_235, %dma_start3A_236] : memref<8x128x32xbf16, #tpu.memory_space<vmem>> -> memref<1x128x32xbf16, #tpu.memory_space<vmem>>
      %dma_start3A_238 = tpu.memref_squeeze %dma_start3A_237 : memref<1x128x32xbf16, #tpu.memory_space<vmem>> -> memref<128x32xbf16, #tpu.memory_space<vmem>>
      %dma_start3A_239 = arith.constant 0 : i32
      %dma_start3A_240 = tpu.memref_slice %arg5[%dma_start3A_233, %dma_start3A_239] : memref<8x128xi32, #tpu.memory_space<vmem>> -> memref<1x128xi32, #tpu.memory_space<vmem>>
      %dma_start3A_241 = tpu.memref_squeeze %dma_start3A_240 : memref<1x128xi32, #tpu.memory_space<vmem>> -> memref<128xi32, #tpu.memory_space<vmem>>
      %dma_start3A_242 = arith.constant 0 : i32
      %dma_start3A_243 = arith.constant 0 : i32
      %dma_start3A_244 = tpu.memref_slice %arg2[%dma_start3A_242, %dma_start3A_243] : memref<50000x32xbf16, #tpu.memory_space<hbm>> -> memref<50000x32xbf16, #tpu.memory_space<hbm>>
      tpu.enqueue_indirect_dma source(%dma_start3A_244 : memref<50000x32xbf16, #tpu.memory_space<hbm>>) target(%dma_start3A_238 : memref<128x32xbf16, #tpu.memory_space<vmem>>) offsets(%dma_start3A_241 : memref<128xi32, #tpu.memory_space<vmem>>) semaphore(%arg8 : memref<!tpu.dma_semaphore, #tpu.memory_space<semaphore_mem>>)
      %dma_start3A_245 = arith.constant 2 : i32
      %dma_start3A_246 = arith.constant 2 : i32
      %dma_start3A_247 = arith.constant 0 : i32
      %dma_start3A_248 = arith.constant 0 : i32
      %dma_start3A_249 = tpu.memref_slice %arg6[%dma_start3A_246, %dma_start3A_247, %dma_start3A_248] : memref<8x128x32xbf16, #tpu.memory_space<vmem>> -> memref<1x128x32xbf16, #tpu.memory_space<vmem>>
      %dma_start3A_250 = tpu.memref_squeeze %dma_start3A_249 : memref<1x128x32xbf16, #tpu.memory_space<vmem>> -> memref<128x32xbf16, #tpu.memory_space<vmem>>
      %dma_start3A_251 = arith.constant 0 : i32
      %dma_start3A_252 = tpu.memref_slice %arg5[%dma_start3A_245, %dma_start3A_251] : memref<8x128xi32, #tpu.memory_space<vmem>> -> memref<1x128xi32, #tpu.memory_space<vmem>>
      %dma_start3A_253 = tpu.memref_squeeze %dma_start3A_252 : memref<1x128xi32, #tpu.memory_space<vmem>> -> memref<128xi32, #tpu.memory_space<vmem>>
      %dma_start3A_254 = arith.constant 0 : i32
      %dma_start3A_255 = arith.constant 0 : i32
      %dma_start3A_256 = tpu.memref_slice %arg2[%dma_start3A_254, %dma_start3A_255] : memref<50000x32xbf16, #tpu.memory_space<hbm>> -> memref<50000x32xbf16, #tpu.memory_space<hbm>>
      tpu.enqueue_indirect_dma source(%dma_start3A_256 : memref<50000x32xbf16, #tpu.memory_space<hbm>>) target(%dma_start3A_250 : memref<128x32xbf16, #tpu.memory_space<vmem>>) offsets(%dma_start3A_253 : memref<128xi32, #tpu.memory_space<vmem>>) semaphore(%arg8 : memref<!tpu.dma_semaphore, #tpu.memory_space<semaphore_mem>>)
      %dma_start3A_257 = arith.constant 3 : i32
      %dma_start3A_258 = arith.constant 3 : i32
      %dma_start3A_259 = arith.constant 0 : i32
      %dma_start3A_260 = arith.constant 0 : i32
      %dma_start3A_261 = tpu.memref_slice %arg6[%dma_start3A_258, %dma_start3A_259, %dma_start3A_260] : memref<8x128x32xbf16, #tpu.memory_space<vmem>> -> memref<1x128x32xbf16, #tpu.memory_space<vmem>>
      %dma_start3A_262 = tpu.memref_squeeze %dma_start3A_261 : memref<1x128x32xbf16, #tpu.memory_space<vmem>> -> memref<128x32xbf16, #tpu.memory_space<vmem>>
      %dma_start3A_263 = arith.constant 0 : i32
      %dma_start3A_264 = tpu.memref_slice %arg5[%dma_start3A_257, %dma_start3A_263] : memref<8x128xi32, #tpu.memory_space<vmem>> -> memref<1x128xi32, #tpu.memory_space<vmem>>
      %dma_start3A_265 = tpu.memref_squeeze %dma_start3A_264 : memref<1x128xi32, #tpu.memory_space<vmem>> -> memref<128xi32, #tpu.memory_space<vmem>>
      %dma_start3A_266 = arith.constant 0 : i32
      %dma_start3A_267 = arith.constant 0 : i32
      %dma_start3A_268 = tpu.memref_slice %arg2[%dma_start3A_266, %dma_start3A_267] : memref<50000x32xbf16, #tpu.memory_space<hbm>> -> memref<50000x32xbf16, #tpu.memory_space<hbm>>
      tpu.enqueue_indirect_dma source(%dma_start3A_268 : memref<50000x32xbf16, #tpu.memory_space<hbm>>) target(%dma_start3A_262 : memref<128x32xbf16, #tpu.memory_space<vmem>>) offsets(%dma_start3A_265 : memref<128xi32, #tpu.memory_space<vmem>>) semaphore(%arg8 : memref<!tpu.dma_semaphore, #tpu.memory_space<semaphore_mem>>)
      %dma_start3A_269 = arith.constant 4 : i32
      %dma_start3A_270 = arith.constant 4 : i32
      %dma_start3A_271 = arith.constant 0 : i32
      %dma_start3A_272 = arith.constant 0 : i32
      %dma_start3A_273 = tpu.memref_slice %arg6[%dma_start3A_270, %dma_start3A_271, %dma_start3A_272] : memref<8x128x32xbf16, #tpu.memory_space<vmem>> -> memref<1x128x32xbf16, #tpu.memory_space<vmem>>
      %dma_start3A_274 = tpu.memref_squeeze %dma_start3A_273 : memref<1x128x32xbf16, #tpu.memory_space<vmem>> -> memref<128x32xbf16, #tpu.memory_space<vmem>>
      %dma_start3A_275 = arith.constant 0 : i32
      %dma_start3A_276 = tpu.memref_slice %arg5[%dma_start3A_269, %dma_start3A_275] : memref<8x128xi32, #tpu.memory_space<vmem>> -> memref<1x128xi32, #tpu.memory_space<vmem>>
      %dma_start3A_277 = tpu.memref_squeeze %dma_start3A_276 : memref<1x128xi32, #tpu.memory_space<vmem>> -> memref<128xi32, #tpu.memory_space<vmem>>
      %dma_start3A_278 = arith.constant 0 : i32
      %dma_start3A_279 = arith.constant 0 : i32
      %dma_start3A_280 = tpu.memref_slice %arg2[%dma_start3A_278, %dma_start3A_279] : memref<50000x32xbf16, #tpu.memory_space<hbm>> -> memref<50000x32xbf16, #tpu.memory_space<hbm>>
      tpu.enqueue_indirect_dma source(%dma_start3A_280 : memref<50000x32xbf16, #tpu.memory_space<hbm>>) target(%dma_start3A_274 : memref<128x32xbf16, #tpu.memory_space<vmem>>) offsets(%dma_start3A_277 : memref<128xi32, #tpu.memory_space<vmem>>) semaphore(%arg8 : memref<!tpu.dma_semaphore, #tpu.memory_space<semaphore_mem>>)
      %dma_start3A_281 = arith.constant 5 : i32
      %dma_start3A_282 = arith.constant 5 : i32
      %dma_start3A_283 = arith.constant 0 : i32
      %dma_start3A_284 = arith.constant 0 : i32
      %dma_start3A_285 = tpu.memref_slice %arg6[%dma_start3A_282, %dma_start3A_283, %dma_start3A_284] : memref<8x128x32xbf16, #tpu.memory_space<vmem>> -> memref<1x128x32xbf16, #tpu.memory_space<vmem>>
      %dma_start3A_286 = tpu.memref_squeeze %dma_start3A_285 : memref<1x128x32xbf16, #tpu.memory_space<vmem>> -> memref<128x32xbf16, #tpu.memory_space<vmem>>
      %dma_start3A_287 = arith.constant 0 : i32
      %dma_start3A_288 = tpu.memref_slice %arg5[%dma_start3A_281, %dma_start3A_287] : memref<8x128xi32, #tpu.memory_space<vmem>> -> memref<1x128xi32, #tpu.memory_space<vmem>>
      %dma_start3A_289 = tpu.memref_squeeze %dma_start3A_288 : memref<1x128xi32, #tpu.memory_space<vmem>> -> memref<128xi32, #tpu.memory_space<vmem>>
      %dma_start3A_290 = arith.constant 0 : i32
      %dma_start3A_291 = arith.constant 0 : i32
      %dma_start3A_292 = tpu.memref_slice %arg2[%dma_start3A_290, %dma_start3A_291] : memref<50000x32xbf16, #tpu.memory_space<hbm>> -> memref<50000x32xbf16, #tpu.memory_space<hbm>>
      tpu.enqueue_indirect_dma source(%dma_start3A_292 : memref<50000x32xbf16, #tpu.memory_space<hbm>>) target(%dma_start3A_286 : memref<128x32xbf16, #tpu.memory_space<vmem>>) offsets(%dma_start3A_289 : memref<128xi32, #tpu.memory_space<vmem>>) semaphore(%arg8 : memref<!tpu.dma_semaphore, #tpu.memory_space<semaphore_mem>>)
      %dma_start3A_293 = arith.constant 6 : i32
      %dma_start3A_294 = arith.constant 6 : i32
      %dma_start3A_295 = arith.constant 0 : i32
      %dma_start3A_296 = arith.constant 0 : i32
      %dma_start3A_297 = tpu.memref_slice %arg6[%dma_start3A_294, %dma_start3A_295, %dma_start3A_296] : memref<8x128x32xbf16, #tpu.memory_space<vmem>> -> memref<1x128x32xbf16, #tpu.memory_space<vmem>>
      %dma_start3A_298 = tpu.memref_squeeze %dma_start3A_297 : memref<1x128x32xbf16, #tpu.memory_space<vmem>> -> memref<128x32xbf16, #tpu.memory_space<vmem>>
      %dma_start3A_299 = arith.constant 0 : i32
      %dma_start3A_300 = tpu.memref_slice %arg5[%dma_start3A_293, %dma_start3A_299] : memref<8x128xi32, #tpu.memory_space<vmem>> -> memref<1x128xi32, #tpu.memory_space<vmem>>
      %dma_start3A_301 = tpu.memref_squeeze %dma_start3A_300 : memref<1x128xi32, #tpu.memory_space<vmem>> -> memref<128xi32, #tpu.memory_space<vmem>>
      %dma_start3A_302 = arith.constant 0 : i32
      %dma_start3A_303 = arith.constant 0 : i32
      %dma_start3A_304 = tpu.memref_slice %arg2[%dma_start3A_302, %dma_start3A_303] : memref<50000x32xbf16, #tpu.memory_space<hbm>> -> memref<50000x32xbf16, #tpu.memory_space<hbm>>
      tpu.enqueue_indirect_dma source(%dma_start3A_304 : memref<50000x32xbf16, #tpu.memory_space<hbm>>) target(%dma_start3A_298 : memref<128x32xbf16, #tpu.memory_space<vmem>>) offsets(%dma_start3A_301 : memref<128xi32, #tpu.memory_space<vmem>>) semaphore(%arg8 : memref<!tpu.dma_semaphore, #tpu.memory_space<semaphore_mem>>)
      %dma_start3A_305 = arith.constant 7 : i32
      %dma_start3A_306 = arith.constant 7 : i32
      %dma_start3A_307 = arith.constant 0 : i32
      %dma_start3A_308 = arith.constant 0 : i32
      %dma_start3A_309 = tpu.memref_slice %arg6[%dma_start3A_306, %dma_start3A_307, %dma_start3A_308] : memref<8x128x32xbf16, #tpu.memory_space<vmem>> -> memref<1x128x32xbf16, #tpu.memory_space<vmem>>
      %dma_start3A_310 = tpu.memref_squeeze %dma_start3A_309 : memref<1x128x32xbf16, #tpu.memory_space<vmem>> -> memref<128x32xbf16, #tpu.memory_space<vmem>>
      %dma_start3A_311 = arith.constant 0 : i32
      %dma_start3A_312 = tpu.memref_slice %arg5[%dma_start3A_305, %dma_start3A_311] : memref<8x128xi32, #tpu.memory_space<vmem>> -> memref<1x128xi32, #tpu.memory_space<vmem>>
      %dma_start3A_313 = tpu.memref_squeeze %dma_start3A_312 : memref<1x128xi32, #tpu.memory_space<vmem>> -> memref<128xi32, #tpu.memory_space<vmem>>
      %dma_start3A_314 = arith.constant 0 : i32
      %dma_start3A_315 = arith.constant 0 : i32
      %dma_start3A_316 = tpu.memref_slice %arg2[%dma_start3A_314, %dma_start3A_315] : memref<50000x32xbf16, #tpu.memory_space<hbm>> -> memref<50000x32xbf16, #tpu.memory_space<hbm>>
      tpu.enqueue_indirect_dma source(%dma_start3A_316 : memref<50000x32xbf16, #tpu.memory_space<hbm>>) target(%dma_start3A_310 : memref<128x32xbf16, #tpu.memory_space<vmem>>) offsets(%dma_start3A_313 : memref<128xi32, #tpu.memory_space<vmem>>) semaphore(%arg8 : memref<!tpu.dma_semaphore, #tpu.memory_space<semaphore_mem>>)
      %dma_wait3A_317 = arith.constant 0 : i32
      %dma_wait3A_318 = arith.constant 0 : i32
      %dma_wait3A_319 = arith.constant 0 : i32
      %dma_wait3A_320 = arith.constant 0 : i32
      %dma_wait3A_321 = tpu.memref_slice %arg6[%dma_wait3A_318, %dma_wait3A_319, %dma_wait3A_320] : memref<8x128x32xbf16, #tpu.memory_space<vmem>> -> memref<1x128x32xbf16, #tpu.memory_space<vmem>>
      %dma_wait3A_322 = tpu.memref_squeeze %dma_wait3A_321 : memref<1x128x32xbf16, #tpu.memory_space<vmem>> -> memref<128x32xbf16, #tpu.memory_space<vmem>>
      %dma_wait3A_323 = arith.constant 0 : i32
      %dma_wait3A_324 = tpu.memref_slice %arg5[%dma_wait3A_317, %dma_wait3A_323] : memref<8x128xi32, #tpu.memory_space<vmem>> -> memref<1x128xi32, #tpu.memory_space<vmem>>
      %dma_wait3A_325 = tpu.memref_squeeze %dma_wait3A_324 : memref<1x128xi32, #tpu.memory_space<vmem>> -> memref<128xi32, #tpu.memory_space<vmem>>
      %dma_wait3A_326 = arith.constant 0 : i32
      %dma_wait3A_327 = arith.constant 0 : i32
      %dma_wait3A_328 = tpu.memref_slice %arg2[%dma_wait3A_326, %dma_wait3A_327] : memref<50000x32xbf16, #tpu.memory_space<hbm>> -> memref<50000x32xbf16, #tpu.memory_space<hbm>>
      tpu.wait_indirect_dma semaphore(%arg8 : memref<!tpu.dma_semaphore, #tpu.memory_space<semaphore_mem>>) src(%dma_wait3A_328 : memref<50000x32xbf16, #tpu.memory_space<hbm>>) dst(%dma_wait3A_322 : memref<128x32xbf16, #tpu.memory_space<vmem>>)
      %dma_wait3A_329 = arith.constant 1 : i32
      %dma_wait3A_330 = arith.constant 1 : i32
      %dma_wait3A_331 = arith.constant 0 : i32
      %dma_wait3A_332 = arith.constant 0 : i32
      %dma_wait3A_333 = tpu.memref_slice %arg6[%dma_wait3A_330, %dma_wait3A_331, %dma_wait3A_332] : memref<8x128x32xbf16, #tpu.memory_space<vmem>> -> memref<1x128x32xbf16, #tpu.memory_space<vmem>>
      %dma_wait3A_334 = tpu.memref_squeeze %dma_wait3A_333 : memref<1x128x32xbf16, #tpu.memory_space<vmem>> -> memref<128x32xbf16, #tpu.memory_space<vmem>>
      %dma_wait3A_335 = arith.constant 0 : i32
      %dma_wait3A_336 = tpu.memref_slice %arg5[%dma_wait3A_329, %dma_wait3A_335] : memref<8x128xi32, #tpu.memory_space<vmem>> -> memref<1x128xi32, #tpu.memory_space<vmem>>
      %dma_wait3A_337 = tpu.memref_squeeze %dma_wait3A_336 : memref<1x128xi32, #tpu.memory_space<vmem>> -> memref<128xi32, #tpu.memory_space<vmem>>
      %dma_wait3A_338 = arith.constant 0 : i32
      %dma_wait3A_339 = arith.constant 0 : i32
      %dma_wait3A_340 = tpu.memref_slice %arg2[%dma_wait3A_338, %dma_wait3A_339] : memref<50000x32xbf16, #tpu.memory_space<hbm>> -> memref<50000x32xbf16, #tpu.memory_space<hbm>>
      tpu.wait_indirect_dma semaphore(%arg8 : memref<!tpu.dma_semaphore, #tpu.memory_space<semaphore_mem>>) src(%dma_wait3A_340 : memref<50000x32xbf16, #tpu.memory_space<hbm>>) dst(%dma_wait3A_334 : memref<128x32xbf16, #tpu.memory_space<vmem>>)
      %dma_wait3A_341 = arith.constant 2 : i32
      %dma_wait3A_342 = arith.constant 2 : i32
      %dma_wait3A_343 = arith.constant 0 : i32
      %dma_wait3A_344 = arith.constant 0 : i32
      %dma_wait3A_345 = tpu.memref_slice %arg6[%dma_wait3A_342, %dma_wait3A_343, %dma_wait3A_344] : memref<8x128x32xbf16, #tpu.memory_space<vmem>> -> memref<1x128x32xbf16, #tpu.memory_space<vmem>>
      %dma_wait3A_346 = tpu.memref_squeeze %dma_wait3A_345 : memref<1x128x32xbf16, #tpu.memory_space<vmem>> -> memref<128x32xbf16, #tpu.memory_space<vmem>>
      %dma_wait3A_347 = arith.constant 0 : i32
      %dma_wait3A_348 = tpu.memref_slice %arg5[%dma_wait3A_341, %dma_wait3A_347] : memref<8x128xi32, #tpu.memory_space<vmem>> -> memref<1x128xi32, #tpu.memory_space<vmem>>
      %dma_wait3A_349 = tpu.memref_squeeze %dma_wait3A_348 : memref<1x128xi32, #tpu.memory_space<vmem>> -> memref<128xi32, #tpu.memory_space<vmem>>
      %dma_wait3A_350 = arith.constant 0 : i32
      %dma_wait3A_351 = arith.constant 0 : i32
      %dma_wait3A_352 = tpu.memref_slice %arg2[%dma_wait3A_350, %dma_wait3A_351] : memref<50000x32xbf16, #tpu.memory_space<hbm>> -> memref<50000x32xbf16, #tpu.memory_space<hbm>>
      tpu.wait_indirect_dma semaphore(%arg8 : memref<!tpu.dma_semaphore, #tpu.memory_space<semaphore_mem>>) src(%dma_wait3A_352 : memref<50000x32xbf16, #tpu.memory_space<hbm>>) dst(%dma_wait3A_346 : memref<128x32xbf16, #tpu.memory_space<vmem>>)
      %dma_wait3A_353 = arith.constant 3 : i32
      %dma_wait3A_354 = arith.constant 3 : i32
      %dma_wait3A_355 = arith.constant 0 : i32
      %dma_wait3A_356 = arith.constant 0 : i32
      %dma_wait3A_357 = tpu.memref_slice %arg6[%dma_wait3A_354, %dma_wait3A_355, %dma_wait3A_356] : memref<8x128x32xbf16, #tpu.memory_space<vmem>> -> memref<1x128x32xbf16, #tpu.memory_space<vmem>>
      %dma_wait3A_358 = tpu.memref_squeeze %dma_wait3A_357 : memref<1x128x32xbf16, #tpu.memory_space<vmem>> -> memref<128x32xbf16, #tpu.memory_space<vmem>>
      %dma_wait3A_359 = arith.constant 0 : i32
      %dma_wait3A_360 = tpu.memref_slice %arg5[%dma_wait3A_353, %dma_wait3A_359] : memref<8x128xi32, #tpu.memory_space<vmem>> -> memref<1x128xi32, #tpu.memory_space<vmem>>
      %dma_wait3A_361 = tpu.memref_squeeze %dma_wait3A_360 : memref<1x128xi32, #tpu.memory_space<vmem>> -> memref<128xi32, #tpu.memory_space<vmem>>
      %dma_wait3A_362 = arith.constant 0 : i32
      %dma_wait3A_363 = arith.constant 0 : i32
      %dma_wait3A_364 = tpu.memref_slice %arg2[%dma_wait3A_362, %dma_wait3A_363] : memref<50000x32xbf16, #tpu.memory_space<hbm>> -> memref<50000x32xbf16, #tpu.memory_space<hbm>>
      tpu.wait_indirect_dma semaphore(%arg8 : memref<!tpu.dma_semaphore, #tpu.memory_space<semaphore_mem>>) src(%dma_wait3A_364 : memref<50000x32xbf16, #tpu.memory_space<hbm>>) dst(%dma_wait3A_358 : memref<128x32xbf16, #tpu.memory_space<vmem>>)
      %dma_wait3A_365 = arith.constant 4 : i32
      %dma_wait3A_366 = arith.constant 4 : i32
      %dma_wait3A_367 = arith.constant 0 : i32
      %dma_wait3A_368 = arith.constant 0 : i32
      %dma_wait3A_369 = tpu.memref_slice %arg6[%dma_wait3A_366, %dma_wait3A_367, %dma_wait3A_368] : memref<8x128x32xbf16, #tpu.memory_space<vmem>> -> memref<1x128x32xbf16, #tpu.memory_space<vmem>>
      %dma_wait3A_370 = tpu.memref_squeeze %dma_wait3A_369 : memref<1x128x32xbf16, #tpu.memory_space<vmem>> -> memref<128x32xbf16, #tpu.memory_space<vmem>>
      %dma_wait3A_371 = arith.constant 0 : i32
      %dma_wait3A_372 = tpu.memref_slice %arg5[%dma_wait3A_365, %dma_wait3A_371] : memref<8x128xi32, #tpu.memory_space<vmem>> -> memref<1x128xi32, #tpu.memory_space<vmem>>
      %dma_wait3A_373 = tpu.memref_squeeze %dma_wait3A_372 : memref<1x128xi32, #tpu.memory_space<vmem>> -> memref<128xi32, #tpu.memory_space<vmem>>
      %dma_wait3A_374 = arith.constant 0 : i32
      %dma_wait3A_375 = arith.constant 0 : i32
      %dma_wait3A_376 = tpu.memref_slice %arg2[%dma_wait3A_374, %dma_wait3A_375] : memref<50000x32xbf16, #tpu.memory_space<hbm>> -> memref<50000x32xbf16, #tpu.memory_space<hbm>>
      tpu.wait_indirect_dma semaphore(%arg8 : memref<!tpu.dma_semaphore, #tpu.memory_space<semaphore_mem>>) src(%dma_wait3A_376 : memref<50000x32xbf16, #tpu.memory_space<hbm>>) dst(%dma_wait3A_370 : memref<128x32xbf16, #tpu.memory_space<vmem>>)
      %dma_wait3A_377 = arith.constant 5 : i32
      %dma_wait3A_378 = arith.constant 5 : i32
      %dma_wait3A_379 = arith.constant 0 : i32
      %dma_wait3A_380 = arith.constant 0 : i32
      %dma_wait3A_381 = tpu.memref_slice %arg6[%dma_wait3A_378, %dma_wait3A_379, %dma_wait3A_380] : memref<8x128x32xbf16, #tpu.memory_space<vmem>> -> memref<1x128x32xbf16, #tpu.memory_space<vmem>>
      %dma_wait3A_382 = tpu.memref_squeeze %dma_wait3A_381 : memref<1x128x32xbf16, #tpu.memory_space<vmem>> -> memref<128x32xbf16, #tpu.memory_space<vmem>>
      %dma_wait3A_383 = arith.constant 0 : i32
      %dma_wait3A_384 = tpu.memref_slice %arg5[%dma_wait3A_377, %dma_wait3A_383] : memref<8x128xi32, #tpu.memory_space<vmem>> -> memref<1x128xi32, #tpu.memory_space<vmem>>
      %dma_wait3A_385 = tpu.memref_squeeze %dma_wait3A_384 : memref<1x128xi32, #tpu.memory_space<vmem>> -> memref<128xi32, #tpu.memory_space<vmem>>
      %dma_wait3A_386 = arith.constant 0 : i32
      %dma_wait3A_387 = arith.constant 0 : i32
      %dma_wait3A_388 = tpu.memref_slice %arg2[%dma_wait3A_386, %dma_wait3A_387] : memref<50000x32xbf16, #tpu.memory_space<hbm>> -> memref<50000x32xbf16, #tpu.memory_space<hbm>>
      tpu.wait_indirect_dma semaphore(%arg8 : memref<!tpu.dma_semaphore, #tpu.memory_space<semaphore_mem>>) src(%dma_wait3A_388 : memref<50000x32xbf16, #tpu.memory_space<hbm>>) dst(%dma_wait3A_382 : memref<128x32xbf16, #tpu.memory_space<vmem>>)
      %dma_wait3A_389 = arith.constant 6 : i32
      %dma_wait3A_390 = arith.constant 6 : i32
      %dma_wait3A_391 = arith.constant 0 : i32
      %dma_wait3A_392 = arith.constant 0 : i32
      %dma_wait3A_393 = tpu.memref_slice %arg6[%dma_wait3A_390, %dma_wait3A_391, %dma_wait3A_392] : memref<8x128x32xbf16, #tpu.memory_space<vmem>> -> memref<1x128x32xbf16, #tpu.memory_space<vmem>>
      %dma_wait3A_394 = tpu.memref_squeeze %dma_wait3A_393 : memref<1x128x32xbf16, #tpu.memory_space<vmem>> -> memref<128x32xbf16, #tpu.memory_space<vmem>>
      %dma_wait3A_395 = arith.constant 0 : i32
      %dma_wait3A_396 = tpu.memref_slice %arg5[%dma_wait3A_389, %dma_wait3A_395] : memref<8x128xi32, #tpu.memory_space<vmem>> -> memref<1x128xi32, #tpu.memory_space<vmem>>
      %dma_wait3A_397 = tpu.memref_squeeze %dma_wait3A_396 : memref<1x128xi32, #tpu.memory_space<vmem>> -> memref<128xi32, #tpu.memory_space<vmem>>
      %dma_wait3A_398 = arith.constant 0 : i32
      %dma_wait3A_399 = arith.constant 0 : i32
      %dma_wait3A_400 = tpu.memref_slice %arg2[%dma_wait3A_398, %dma_wait3A_399] : memref<50000x32xbf16, #tpu.memory_space<hbm>> -> memref<50000x32xbf16, #tpu.memory_space<hbm>>
      tpu.wait_indirect_dma semaphore(%arg8 : memref<!tpu.dma_semaphore, #tpu.memory_space<semaphore_mem>>) src(%dma_wait3A_400 : memref<50000x32xbf16, #tpu.memory_space<hbm>>) dst(%dma_wait3A_394 : memref<128x32xbf16, #tpu.memory_space<vmem>>)
      %dma_wait3A_401 = arith.constant 7 : i32
      %dma_wait3A_402 = arith.constant 7 : i32
      %dma_wait3A_403 = arith.constant 0 : i32
      %dma_wait3A_404 = arith.constant 0 : i32
      %dma_wait3A_405 = tpu.memref_slice %arg6[%dma_wait3A_402, %dma_wait3A_403, %dma_wait3A_404] : memref<8x128x32xbf16, #tpu.memory_space<vmem>> -> memref<1x128x32xbf16, #tpu.memory_space<vmem>>
      %dma_wait3A_406 = tpu.memref_squeeze %dma_wait3A_405 : memref<1x128x32xbf16, #tpu.memory_space<vmem>> -> memref<128x32xbf16, #tpu.memory_space<vmem>>
      %dma_wait3A_407 = arith.constant 0 : i32
      %dma_wait3A_408 = tpu.memref_slice %arg5[%dma_wait3A_401, %dma_wait3A_407] : memref<8x128xi32, #tpu.memory_space<vmem>> -> memref<1x128xi32, #tpu.memory_space<vmem>>
      %dma_wait3A_409 = tpu.memref_squeeze %dma_wait3A_408 : memref<1x128xi32, #tpu.memory_space<vmem>> -> memref<128xi32, #tpu.memory_space<vmem>>
      %dma_wait3A_410 = arith.constant 0 : i32
      %dma_wait3A_411 = arith.constant 0 : i32
      %dma_wait3A_412 = tpu.memref_slice %arg2[%dma_wait3A_410, %dma_wait3A_411] : memref<50000x32xbf16, #tpu.memory_space<hbm>> -> memref<50000x32xbf16, #tpu.memory_space<hbm>>
      tpu.wait_indirect_dma semaphore(%arg8 : memref<!tpu.dma_semaphore, #tpu.memory_space<semaphore_mem>>) src(%dma_wait3A_412 : memref<50000x32xbf16, #tpu.memory_space<hbm>>) dst(%dma_wait3A_406 : memref<128x32xbf16, #tpu.memory_space<vmem>>)
      %dma_start3A_413 = arith.constant 0 : i32
      %dma_start3A_414 = arith.constant 0 : i32
      %dma_start3A_415 = arith.constant 0 : i32
      %dma_start3A_416 = tpu.memref_slice %arg6[%dma_start3A_413, %dma_start3A_414, %dma_start3A_415] : memref<8x128x32xbf16, #tpu.memory_space<vmem>> -> memref<1x128x32xbf16, #tpu.memory_space<vmem>>
      %dma_start3A_417 = tpu.memref_squeeze %dma_start3A_416 : memref<1x128x32xbf16, #tpu.memory_space<vmem>> -> memref<128x32xbf16, #tpu.memory_space<vmem>>
      %dma_start3A_418 = arith.constant 0 : i32
      %dma_start3A_419 = tpu.memref_slice %arg4[%mul3A_15, %dma_start3A_418] : memref<819200x32xbf16, #tpu.memory_space<hbm>> -> memref<128x32xbf16, #tpu.memory_space<hbm>>
      %dma_start3A_420 = arith.constant 0 : i32
      %dma_start3A_421 = tpu.memref_slice %arg4[%mul3A_15, %dma_start3A_420] : memref<819200x32xbf16, #tpu.memory_space<hbm>> -> memref<128x32xbf16, #tpu.memory_space<hbm>>
      %dma_start3A_422 = arith.constant 0 : i32
      %dma_start3A_423 = arith.constant 0 : i32
      %dma_start3A_424 = tpu.memref_slice %arg6[%dma_start3A_413, %dma_start3A_422, %dma_start3A_423] : memref<8x128x32xbf16, #tpu.memory_space<vmem>> -> memref<1x128x32xbf16, #tpu.memory_space<vmem>>
      %dma_start3A_425 = tpu.memref_squeeze %dma_start3A_424 : memref<1x128x32xbf16, #tpu.memory_space<vmem>> -> memref<128x32xbf16, #tpu.memory_space<vmem>>
      tpu.enqueue_dma source(%dma_start3A_425 : memref<128x32xbf16, #tpu.memory_space<vmem>>) target(%dma_start3A_421 : memref<128x32xbf16, #tpu.memory_space<hbm>>) target_semaphore(%arg9 : memref<!tpu.dma_semaphore, #tpu.memory_space<semaphore_mem>>)
      %dma_start3A_426 = arith.constant 1 : i32
      %dma_start3A_427 = arith.constant 0 : i32
      %dma_start3A_428 = arith.constant 0 : i32
      %dma_start3A_429 = tpu.memref_slice %arg6[%dma_start3A_426, %dma_start3A_427, %dma_start3A_428] : memref<8x128x32xbf16, #tpu.memory_space<vmem>> -> memref<1x128x32xbf16, #tpu.memory_space<vmem>>
      %dma_start3A_430 = tpu.memref_squeeze %dma_start3A_429 : memref<1x128x32xbf16, #tpu.memory_space<vmem>> -> memref<128x32xbf16, #tpu.memory_space<vmem>>
      %dma_start3A_431 = arith.constant 0 : i32
      %dma_start3A_432 = tpu.memref_slice %arg4[%mul3A_24, %dma_start3A_431] : memref<819200x32xbf16, #tpu.memory_space<hbm>> -> memref<128x32xbf16, #tpu.memory_space<hbm>>
      %dma_start3A_433 = arith.constant 0 : i32
      %dma_start3A_434 = tpu.memref_slice %arg4[%mul3A_24, %dma_start3A_433] : memref<819200x32xbf16, #tpu.memory_space<hbm>> -> memref<128x32xbf16, #tpu.memory_space<hbm>>
      %dma_start3A_435 = arith.constant 0 : i32
      %dma_start3A_436 = arith.constant 0 : i32
      %dma_start3A_437 = tpu.memref_slice %arg6[%dma_start3A_426, %dma_start3A_435, %dma_start3A_436] : memref<8x128x32xbf16, #tpu.memory_space<vmem>> -> memref<1x128x32xbf16, #tpu.memory_space<vmem>>
      %dma_start3A_438 = tpu.memref_squeeze %dma_start3A_437 : memref<1x128x32xbf16, #tpu.memory_space<vmem>> -> memref<128x32xbf16, #tpu.memory_space<vmem>>
      tpu.enqueue_dma source(%dma_start3A_438 : memref<128x32xbf16, #tpu.memory_space<vmem>>) target(%dma_start3A_434 : memref<128x32xbf16, #tpu.memory_space<hbm>>) target_semaphore(%arg9 : memref<!tpu.dma_semaphore, #tpu.memory_space<semaphore_mem>>)
      %dma_start3A_439 = arith.constant 2 : i32
      %dma_start3A_440 = arith.constant 0 : i32
      %dma_start3A_441 = arith.constant 0 : i32
      %dma_start3A_442 = tpu.memref_slice %arg6[%dma_start3A_439, %dma_start3A_440, %dma_start3A_441] : memref<8x128x32xbf16, #tpu.memory_space<vmem>> -> memref<1x128x32xbf16, #tpu.memory_space<vmem>>
      %dma_start3A_443 = tpu.memref_squeeze %dma_start3A_442 : memref<1x128x32xbf16, #tpu.memory_space<vmem>> -> memref<128x32xbf16, #tpu.memory_space<vmem>>
      %dma_start3A_444 = arith.constant 0 : i32
      %dma_start3A_445 = tpu.memref_slice %arg4[%mul3A_33, %dma_start3A_444] : memref<819200x32xbf16, #tpu.memory_space<hbm>> -> memref<128x32xbf16, #tpu.memory_space<hbm>>
      %dma_start3A_446 = arith.constant 0 : i32
      %dma_start3A_447 = tpu.memref_slice %arg4[%mul3A_33, %dma_start3A_446] : memref<819200x32xbf16, #tpu.memory_space<hbm>> -> memref<128x32xbf16, #tpu.memory_space<hbm>>
      %dma_start3A_448 = arith.constant 0 : i32
      %dma_start3A_449 = arith.constant 0 : i32
      %dma_start3A_450 = tpu.memref_slice %arg6[%dma_start3A_439, %dma_start3A_448, %dma_start3A_449] : memref<8x128x32xbf16, #tpu.memory_space<vmem>> -> memref<1x128x32xbf16, #tpu.memory_space<vmem>>
      %dma_start3A_451 = tpu.memref_squeeze %dma_start3A_450 : memref<1x128x32xbf16, #tpu.memory_space<vmem>> -> memref<128x32xbf16, #tpu.memory_space<vmem>>
      tpu.enqueue_dma source(%dma_start3A_451 : memref<128x32xbf16, #tpu.memory_space<vmem>>) target(%dma_start3A_447 : memref<128x32xbf16, #tpu.memory_space<hbm>>) target_semaphore(%arg9 : memref<!tpu.dma_semaphore, #tpu.memory_space<semaphore_mem>>)
      %dma_start3A_452 = arith.constant 3 : i32
      %dma_start3A_453 = arith.constant 0 : i32
      %dma_start3A_454 = arith.constant 0 : i32
      %dma_start3A_455 = tpu.memref_slice %arg6[%dma_start3A_452, %dma_start3A_453, %dma_start3A_454] : memref<8x128x32xbf16, #tpu.memory_space<vmem>> -> memref<1x128x32xbf16, #tpu.memory_space<vmem>>
      %dma_start3A_456 = tpu.memref_squeeze %dma_start3A_455 : memref<1x128x32xbf16, #tpu.memory_space<vmem>> -> memref<128x32xbf16, #tpu.memory_space<vmem>>
      %dma_start3A_457 = arith.constant 0 : i32
      %dma_start3A_458 = tpu.memref_slice %arg4[%mul3A_42, %dma_start3A_457] : memref<819200x32xbf16, #tpu.memory_space<hbm>> -> memref<128x32xbf16, #tpu.memory_space<hbm>>
      %dma_start3A_459 = arith.constant 0 : i32
      %dma_start3A_460 = tpu.memref_slice %arg4[%mul3A_42, %dma_start3A_459] : memref<819200x32xbf16, #tpu.memory_space<hbm>> -> memref<128x32xbf16, #tpu.memory_space<hbm>>
      %dma_start3A_461 = arith.constant 0 : i32
      %dma_start3A_462 = arith.constant 0 : i32
      %dma_start3A_463 = tpu.memref_slice %arg6[%dma_start3A_452, %dma_start3A_461, %dma_start3A_462] : memref<8x128x32xbf16, #tpu.memory_space<vmem>> -> memref<1x128x32xbf16, #tpu.memory_space<vmem>>
      %dma_start3A_464 = tpu.memref_squeeze %dma_start3A_463 : memref<1x128x32xbf16, #tpu.memory_space<vmem>> -> memref<128x32xbf16, #tpu.memory_space<vmem>>
      tpu.enqueue_dma source(%dma_start3A_464 : memref<128x32xbf16, #tpu.memory_space<vmem>>) target(%dma_start3A_460 : memref<128x32xbf16, #tpu.memory_space<hbm>>) target_semaphore(%arg9 : memref<!tpu.dma_semaphore, #tpu.memory_space<semaphore_mem>>)
      %dma_start3A_465 = arith.constant 4 : i32
      %dma_start3A_466 = arith.constant 0 : i32
      %dma_start3A_467 = arith.constant 0 : i32
      %dma_start3A_468 = tpu.memref_slice %arg6[%dma_start3A_465, %dma_start3A_466, %dma_start3A_467] : memref<8x128x32xbf16, #tpu.memory_space<vmem>> -> memref<1x128x32xbf16, #tpu.memory_space<vmem>>
      %dma_start3A_469 = tpu.memref_squeeze %dma_start3A_468 : memref<1x128x32xbf16, #tpu.memory_space<vmem>> -> memref<128x32xbf16, #tpu.memory_space<vmem>>
      %dma_start3A_470 = arith.constant 0 : i32
      %dma_start3A_471 = tpu.memref_slice %arg4[%mul3A_51, %dma_start3A_470] : memref<819200x32xbf16, #tpu.memory_space<hbm>> -> memref<128x32xbf16, #tpu.memory_space<hbm>>
      %dma_start3A_472 = arith.constant 0 : i32
      %dma_start3A_473 = tpu.memref_slice %arg4[%mul3A_51, %dma_start3A_472] : memref<819200x32xbf16, #tpu.memory_space<hbm>> -> memref<128x32xbf16, #tpu.memory_space<hbm>>
      %dma_start3A_474 = arith.constant 0 : i32
      %dma_start3A_475 = arith.constant 0 : i32
      %dma_start3A_476 = tpu.memref_slice %arg6[%dma_start3A_465, %dma_start3A_474, %dma_start3A_475] : memref<8x128x32xbf16, #tpu.memory_space<vmem>> -> memref<1x128x32xbf16, #tpu.memory_space<vmem>>
      %dma_start3A_477 = tpu.memref_squeeze %dma_start3A_476 : memref<1x128x32xbf16, #tpu.memory_space<vmem>> -> memref<128x32xbf16, #tpu.memory_space<vmem>>
      tpu.enqueue_dma source(%dma_start3A_477 : memref<128x32xbf16, #tpu.memory_space<vmem>>) target(%dma_start3A_473 : memref<128x32xbf16, #tpu.memory_space<hbm>>) target_semaphore(%arg9 : memref<!tpu.dma_semaphore, #tpu.memory_space<semaphore_mem>>)
      %dma_start3A_478 = arith.constant 5 : i32
      %dma_start3A_479 = arith.constant 0 : i32
      %dma_start3A_480 = arith.constant 0 : i32
      %dma_start3A_481 = tpu.memref_slice %arg6[%dma_start3A_478, %dma_start3A_479, %dma_start3A_480] : memref<8x128x32xbf16, #tpu.memory_space<vmem>> -> memref<1x128x32xbf16, #tpu.memory_space<vmem>>
      %dma_start3A_482 = tpu.memref_squeeze %dma_start3A_481 : memref<1x128x32xbf16, #tpu.memory_space<vmem>> -> memref<128x32xbf16, #tpu.memory_space<vmem>>
      %dma_start3A_483 = arith.constant 0 : i32
      %dma_start3A_484 = tpu.memref_slice %arg4[%mul3A_60, %dma_start3A_483] : memref<819200x32xbf16, #tpu.memory_space<hbm>> -> memref<128x32xbf16, #tpu.memory_space<hbm>>
      %dma_start3A_485 = arith.constant 0 : i32
      %dma_start3A_486 = tpu.memref_slice %arg4[%mul3A_60, %dma_start3A_485] : memref<819200x32xbf16, #tpu.memory_space<hbm>> -> memref<128x32xbf16, #tpu.memory_space<hbm>>
      %dma_start3A_487 = arith.constant 0 : i32
      %dma_start3A_488 = arith.constant 0 : i32
      %dma_start3A_489 = tpu.memref_slice %arg6[%dma_start3A_478, %dma_start3A_487, %dma_start3A_488] : memref<8x128x32xbf16, #tpu.memory_space<vmem>> -> memref<1x128x32xbf16, #tpu.memory_space<vmem>>
      %dma_start3A_490 = tpu.memref_squeeze %dma_start3A_489 : memref<1x128x32xbf16, #tpu.memory_space<vmem>> -> memref<128x32xbf16, #tpu.memory_space<vmem>>
      tpu.enqueue_dma source(%dma_start3A_490 : memref<128x32xbf16, #tpu.memory_space<vmem>>) target(%dma_start3A_486 : memref<128x32xbf16, #tpu.memory_space<hbm>>) target_semaphore(%arg9 : memref<!tpu.dma_semaphore, #tpu.memory_space<semaphore_mem>>)
      %dma_start3A_491 = arith.constant 6 : i32
      %dma_start3A_492 = arith.constant 0 : i32
      %dma_start3A_493 = arith.constant 0 : i32
      %dma_start3A_494 = tpu.memref_slice %arg6[%dma_start3A_491, %dma_start3A_492, %dma_start3A_493] : memref<8x128x32xbf16, #tpu.memory_space<vmem>> -> memref<1x128x32xbf16, #tpu.memory_space<vmem>>
      %dma_start3A_495 = tpu.memref_squeeze %dma_start3A_494 : memref<1x128x32xbf16, #tpu.memory_space<vmem>> -> memref<128x32xbf16, #tpu.memory_space<vmem>>
      %dma_start3A_496 = arith.constant 0 : i32
      %dma_start3A_497 = tpu.memref_slice %arg4[%mul3A_69, %dma_start3A_496] : memref<819200x32xbf16, #tpu.memory_space<hbm>> -> memref<128x32xbf16, #tpu.memory_space<hbm>>
      %dma_start3A_498 = arith.constant 0 : i32
      %dma_start3A_499 = tpu.memref_slice %arg4[%mul3A_69, %dma_start3A_498] : memref<819200x32xbf16, #tpu.memory_space<hbm>> -> memref<128x32xbf16, #tpu.memory_space<hbm>>
      %dma_start3A_500 = arith.constant 0 : i32
      %dma_start3A_501 = arith.constant 0 : i32
      %dma_start3A_502 = tpu.memref_slice %arg6[%dma_start3A_491, %dma_start3A_500, %dma_start3A_501] : memref<8x128x32xbf16, #tpu.memory_space<vmem>> -> memref<1x128x32xbf16, #tpu.memory_space<vmem>>
      %dma_start3A_503 = tpu.memref_squeeze %dma_start3A_502 : memref<1x128x32xbf16, #tpu.memory_space<vmem>> -> memref<128x32xbf16, #tpu.memory_space<vmem>>
      tpu.enqueue_dma source(%dma_start3A_503 : memref<128x32xbf16, #tpu.memory_space<vmem>>) target(%dma_start3A_499 : memref<128x32xbf16, #tpu.memory_space<hbm>>) target_semaphore(%arg9 : memref<!tpu.dma_semaphore, #tpu.memory_space<semaphore_mem>>)
      %dma_start3A_504 = arith.constant 7 : i32
      %dma_start3A_505 = arith.constant 0 : i32
      %dma_start3A_506 = arith.constant 0 : i32
      %dma_start3A_507 = tpu.memref_slice %arg6[%dma_start3A_504, %dma_start3A_505, %dma_start3A_506] : memref<8x128x32xbf16, #tpu.memory_space<vmem>> -> memref<1x128x32xbf16, #tpu.memory_space<vmem>>
      %dma_start3A_508 = tpu.memref_squeeze %dma_start3A_507 : memref<1x128x32xbf16, #tpu.memory_space<vmem>> -> memref<128x32xbf16, #tpu.memory_space<vmem>>
      %dma_start3A_509 = arith.constant 0 : i32
      %dma_start3A_510 = tpu.memref_slice %arg4[%mul3A_78, %dma_start3A_509] : memref<819200x32xbf16, #tpu.memory_space<hbm>> -> memref<128x32xbf16, #tpu.memory_space<hbm>>
      %dma_start3A_511 = arith.constant 0 : i32
      %dma_start3A_512 = tpu.memref_slice %arg4[%mul3A_78, %dma_start3A_511] : memref<819200x32xbf16, #tpu.memory_space<hbm>> -> memref<128x32xbf16, #tpu.memory_space<hbm>>
      %dma_start3A_513 = arith.constant 0 : i32
      %dma_start3A_514 = arith.constant 0 : i32
      %dma_start3A_515 = tpu.memref_slice %arg6[%dma_start3A_504, %dma_start3A_513, %dma_start3A_514] : memref<8x128x32xbf16, #tpu.memory_space<vmem>> -> memref<1x128x32xbf16, #tpu.memory_space<vmem>>
      %dma_start3A_516 = tpu.memref_squeeze %dma_start3A_515 : memref<1x128x32xbf16, #tpu.memory_space<vmem>> -> memref<128x32xbf16, #tpu.memory_space<vmem>>
      tpu.enqueue_dma source(%dma_start3A_516 : memref<128x32xbf16, #tpu.memory_space<vmem>>) target(%dma_start3A_512 : memref<128x32xbf16, #tpu.memory_space<hbm>>) target_semaphore(%arg9 : memref<!tpu.dma_semaphore, #tpu.memory_space<semaphore_mem>>)
      %dma_wait3A_517 = arith.constant 0 : i32
      %dma_wait3A_518 = arith.constant 0 : i32
      %dma_wait3A_519 = arith.constant 0 : i32
      %dma_wait3A_520 = tpu.memref_slice %arg6[%dma_wait3A_517, %dma_wait3A_518, %dma_wait3A_519] : memref<8x128x32xbf16, #tpu.memory_space<vmem>> -> memref<1x128x32xbf16, #tpu.memory_space<vmem>>
      %dma_wait3A_521 = tpu.memref_squeeze %dma_wait3A_520 : memref<1x128x32xbf16, #tpu.memory_space<vmem>> -> memref<128x32xbf16, #tpu.memory_space<vmem>>
      %dma_wait3A_522 = arith.constant 0 : i32
      %dma_wait3A_523 = tpu.memref_slice %arg4[%mul3A_15, %dma_wait3A_522] : memref<819200x32xbf16, #tpu.memory_space<hbm>> -> memref<128x32xbf16, #tpu.memory_space<hbm>>
      %dma_wait3A_524 = arith.constant 0 : i32
      %dma_wait3A_525 = tpu.memref_slice %arg4[%mul3A_15, %dma_wait3A_524] : memref<819200x32xbf16, #tpu.memory_space<hbm>> -> memref<128x32xbf16, #tpu.memory_space<hbm>>
      %dma_wait3A_526 = arith.constant 0 : i32
      %dma_wait3A_527 = arith.constant 0 : i32
      %dma_wait3A_528 = tpu.memref_slice %arg6[%dma_wait3A_517, %dma_wait3A_526, %dma_wait3A_527] : memref<8x128x32xbf16, #tpu.memory_space<vmem>> -> memref<1x128x32xbf16, #tpu.memory_space<vmem>>
      %dma_wait3A_529 = tpu.memref_squeeze %dma_wait3A_528 : memref<1x128x32xbf16, #tpu.memory_space<vmem>> -> memref<128x32xbf16, #tpu.memory_space<vmem>>
      tpu.wait_dma2 semaphore(%arg9 : memref<!tpu.dma_semaphore, #tpu.memory_space<semaphore_mem>>) src(%dma_wait3A_529 : memref<128x32xbf16, #tpu.memory_space<vmem>>) dst(%dma_wait3A_525 : memref<128x32xbf16, #tpu.memory_space<hbm>>)
      %dma_wait3A_530 = arith.constant 1 : i32
      %dma_wait3A_531 = arith.constant 0 : i32
      %dma_wait3A_532 = arith.constant 0 : i32
      %dma_wait3A_533 = tpu.memref_slice %arg6[%dma_wait3A_530, %dma_wait3A_531, %dma_wait3A_532] : memref<8x128x32xbf16, #tpu.memory_space<vmem>> -> memref<1x128x32xbf16, #tpu.memory_space<vmem>>
      %dma_wait3A_534 = tpu.memref_squeeze %dma_wait3A_533 : memref<1x128x32xbf16, #tpu.memory_space<vmem>> -> memref<128x32xbf16, #tpu.memory_space<vmem>>
      %dma_wait3A_535 = arith.constant 0 : i32
      %dma_wait3A_536 = tpu.memref_slice %arg4[%mul3A_24, %dma_wait3A_535] : memref<819200x32xbf16, #tpu.memory_space<hbm>> -> memref<128x32xbf16, #tpu.memory_space<hbm>>
      %dma_wait3A_537 = arith.constant 0 : i32
      %dma_wait3A_538 = tpu.memref_slice %arg4[%mul3A_24, %dma_wait3A_537] : memref<819200x32xbf16, #tpu.memory_space<hbm>> -> memref<128x32xbf16, #tpu.memory_space<hbm>>
      %dma_wait3A_539 = arith.constant 0 : i32
      %dma_wait3A_540 = arith.constant 0 : i32
      %dma_wait3A_541 = tpu.memref_slice %arg6[%dma_wait3A_530, %dma_wait3A_539, %dma_wait3A_540] : memref<8x128x32xbf16, #tpu.memory_space<vmem>> -> memref<1x128x32xbf16, #tpu.memory_space<vmem>>
      %dma_wait3A_542 = tpu.memref_squeeze %dma_wait3A_541 : memref<1x128x32xbf16, #tpu.memory_space<vmem>> -> memref<128x32xbf16, #tpu.memory_space<vmem>>
      tpu.wait_dma2 semaphore(%arg9 : memref<!tpu.dma_semaphore, #tpu.memory_space<semaphore_mem>>) src(%dma_wait3A_542 : memref<128x32xbf16, #tpu.memory_space<vmem>>) dst(%dma_wait3A_538 : memref<128x32xbf16, #tpu.memory_space<hbm>>)
      %dma_wait3A_543 = arith.constant 2 : i32
      %dma_wait3A_544 = arith.constant 0 : i32
      %dma_wait3A_545 = arith.constant 0 : i32
      %dma_wait3A_546 = tpu.memref_slice %arg6[%dma_wait3A_543, %dma_wait3A_544, %dma_wait3A_545] : memref<8x128x32xbf16, #tpu.memory_space<vmem>> -> memref<1x128x32xbf16, #tpu.memory_space<vmem>>
      %dma_wait3A_547 = tpu.memref_squeeze %dma_wait3A_546 : memref<1x128x32xbf16, #tpu.memory_space<vmem>> -> memref<128x32xbf16, #tpu.memory_space<vmem>>
      %dma_wait3A_548 = arith.constant 0 : i32
      %dma_wait3A_549 = tpu.memref_slice %arg4[%mul3A_33, %dma_wait3A_548] : memref<819200x32xbf16, #tpu.memory_space<hbm>> -> memref<128x32xbf16, #tpu.memory_space<hbm>>
      %dma_wait3A_550 = arith.constant 0 : i32
      %dma_wait3A_551 = tpu.memref_slice %arg4[%mul3A_33, %dma_wait3A_550] : memref<819200x32xbf16, #tpu.memory_space<hbm>> -> memref<128x32xbf16, #tpu.memory_space<hbm>>
      %dma_wait3A_552 = arith.constant 0 : i32
      %dma_wait3A_553 = arith.constant 0 : i32
      %dma_wait3A_554 = tpu.memref_slice %arg6[%dma_wait3A_543, %dma_wait3A_552, %dma_wait3A_553] : memref<8x128x32xbf16, #tpu.memory_space<vmem>> -> memref<1x128x32xbf16, #tpu.memory_space<vmem>>
      %dma_wait3A_555 = tpu.memref_squeeze %dma_wait3A_554 : memref<1x128x32xbf16, #tpu.memory_space<vmem>> -> memref<128x32xbf16, #tpu.memory_space<vmem>>
      tpu.wait_dma2 semaphore(%arg9 : memref<!tpu.dma_semaphore, #tpu.memory_space<semaphore_mem>>) src(%dma_wait3A_555 : memref<128x32xbf16, #tpu.memory_space<vmem>>) dst(%dma_wait3A_551 : memref<128x32xbf16, #tpu.memory_space<hbm>>)
      %dma_wait3A_556 = arith.constant 3 : i32
      %dma_wait3A_557 = arith.constant 0 : i32
      %dma_wait3A_558 = arith.constant 0 : i32
      %dma_wait3A_559 = tpu.memref_slice %arg6[%dma_wait3A_556, %dma_wait3A_557, %dma_wait3A_558] : memref<8x128x32xbf16, #tpu.memory_space<vmem>> -> memref<1x128x32xbf16, #tpu.memory_space<vmem>>
      %dma_wait3A_560 = tpu.memref_squeeze %dma_wait3A_559 : memref<1x128x32xbf16, #tpu.memory_space<vmem>> -> memref<128x32xbf16, #tpu.memory_space<vmem>>
      %dma_wait3A_561 = arith.constant 0 : i32
      %dma_wait3A_562 = tpu.memref_slice %arg4[%mul3A_42, %dma_wait3A_561] : memref<819200x32xbf16, #tpu.memory_space<hbm>> -> memref<128x32xbf16, #tpu.memory_space<hbm>>
      %dma_wait3A_563 = arith.constant 0 : i32
      %dma_wait3A_564 = tpu.memref_slice %arg4[%mul3A_42, %dma_wait3A_563] : memref<819200x32xbf16, #tpu.memory_space<hbm>> -> memref<128x32xbf16, #tpu.memory_space<hbm>>
      %dma_wait3A_565 = arith.constant 0 : i32
      %dma_wait3A_566 = arith.constant 0 : i32
      %dma_wait3A_567 = tpu.memref_slice %arg6[%dma_wait3A_556, %dma_wait3A_565, %dma_wait3A_566] : memref<8x128x32xbf16, #tpu.memory_space<vmem>> -> memref<1x128x32xbf16, #tpu.memory_space<vmem>>
      %dma_wait3A_568 = tpu.memref_squeeze %dma_wait3A_567 : memref<1x128x32xbf16, #tpu.memory_space<vmem>> -> memref<128x32xbf16, #tpu.memory_space<vmem>>
      tpu.wait_dma2 semaphore(%arg9 : memref<!tpu.dma_semaphore, #tpu.memory_space<semaphore_mem>>) src(%dma_wait3A_568 : memref<128x32xbf16, #tpu.memory_space<vmem>>) dst(%dma_wait3A_564 : memref<128x32xbf16, #tpu.memory_space<hbm>>)
      %dma_wait3A_569 = arith.constant 4 : i32
      %dma_wait3A_570 = arith.constant 0 : i32
      %dma_wait3A_571 = arith.constant 0 : i32
      %dma_wait3A_572 = tpu.memref_slice %arg6[%dma_wait3A_569, %dma_wait3A_570, %dma_wait3A_571] : memref<8x128x32xbf16, #tpu.memory_space<vmem>> -> memref<1x128x32xbf16, #tpu.memory_space<vmem>>
      %dma_wait3A_573 = tpu.memref_squeeze %dma_wait3A_572 : memref<1x128x32xbf16, #tpu.memory_space<vmem>> -> memref<128x32xbf16, #tpu.memory_space<vmem>>
      %dma_wait3A_574 = arith.constant 0 : i32
      %dma_wait3A_575 = tpu.memref_slice %arg4[%mul3A_51, %dma_wait3A_574] : memref<819200x32xbf16, #tpu.memory_space<hbm>> -> memref<128x32xbf16, #tpu.memory_space<hbm>>
      %dma_wait3A_576 = arith.constant 0 : i32
      %dma_wait3A_577 = tpu.memref_slice %arg4[%mul3A_51, %dma_wait3A_576] : memref<819200x32xbf16, #tpu.memory_space<hbm>> -> memref<128x32xbf16, #tpu.memory_space<hbm>>
      %dma_wait3A_578 = arith.constant 0 : i32
      %dma_wait3A_579 = arith.constant 0 : i32
      %dma_wait3A_580 = tpu.memref_slice %arg6[%dma_wait3A_569, %dma_wait3A_578, %dma_wait3A_579] : memref<8x128x32xbf16, #tpu.memory_space<vmem>> -> memref<1x128x32xbf16, #tpu.memory_space<vmem>>
      %dma_wait3A_581 = tpu.memref_squeeze %dma_wait3A_580 : memref<1x128x32xbf16, #tpu.memory_space<vmem>> -> memref<128x32xbf16, #tpu.memory_space<vmem>>
      tpu.wait_dma2 semaphore(%arg9 : memref<!tpu.dma_semaphore, #tpu.memory_space<semaphore_mem>>) src(%dma_wait3A_581 : memref<128x32xbf16, #tpu.memory_space<vmem>>) dst(%dma_wait3A_577 : memref<128x32xbf16, #tpu.memory_space<hbm>>)
      %dma_wait3A_582 = arith.constant 5 : i32
      %dma_wait3A_583 = arith.constant 0 : i32
      %dma_wait3A_584 = arith.constant 0 : i32
      %dma_wait3A_585 = tpu.memref_slice %arg6[%dma_wait3A_582, %dma_wait3A_583, %dma_wait3A_584] : memref<8x128x32xbf16, #tpu.memory_space<vmem>> -> memref<1x128x32xbf16, #tpu.memory_space<vmem>>
      %dma_wait3A_586 = tpu.memref_squeeze %dma_wait3A_585 : memref<1x128x32xbf16, #tpu.memory_space<vmem>> -> memref<128x32xbf16, #tpu.memory_space<vmem>>
      %dma_wait3A_587 = arith.constant 0 : i32
      %dma_wait3A_588 = tpu.memref_slice %arg4[%mul3A_60, %dma_wait3A_587] : memref<819200x32xbf16, #tpu.memory_space<hbm>> -> memref<128x32xbf16, #tpu.memory_space<hbm>>
      %dma_wait3A_589 = arith.constant 0 : i32
      %dma_wait3A_590 = tpu.memref_slice %arg4[%mul3A_60, %dma_wait3A_589] : memref<819200x32xbf16, #tpu.memory_space<hbm>> -> memref<128x32xbf16, #tpu.memory_space<hbm>>
      %dma_wait3A_591 = arith.constant 0 : i32
      %dma_wait3A_592 = arith.constant 0 : i32
      %dma_wait3A_593 = tpu.memref_slice %arg6[%dma_wait3A_582, %dma_wait3A_591, %dma_wait3A_592] : memref<8x128x32xbf16, #tpu.memory_space<vmem>> -> memref<1x128x32xbf16, #tpu.memory_space<vmem>>
      %dma_wait3A_594 = tpu.memref_squeeze %dma_wait3A_593 : memref<1x128x32xbf16, #tpu.memory_space<vmem>> -> memref<128x32xbf16, #tpu.memory_space<vmem>>
      tpu.wait_dma2 semaphore(%arg9 : memref<!tpu.dma_semaphore, #tpu.memory_space<semaphore_mem>>) src(%dma_wait3A_594 : memref<128x32xbf16, #tpu.memory_space<vmem>>) dst(%dma_wait3A_590 : memref<128x32xbf16, #tpu.memory_space<hbm>>)
      %dma_wait3A_595 = arith.constant 6 : i32
      %dma_wait3A_596 = arith.constant 0 : i32
      %dma_wait3A_597 = arith.constant 0 : i32
      %dma_wait3A_598 = tpu.memref_slice %arg6[%dma_wait3A_595, %dma_wait3A_596, %dma_wait3A_597] : memref<8x128x32xbf16, #tpu.memory_space<vmem>> -> memref<1x128x32xbf16, #tpu.memory_space<vmem>>
      %dma_wait3A_599 = tpu.memref_squeeze %dma_wait3A_598 : memref<1x128x32xbf16, #tpu.memory_space<vmem>> -> memref<128x32xbf16, #tpu.memory_space<vmem>>
      %dma_wait3A_600 = arith.constant 0 : i32
      %dma_wait3A_601 = tpu.memref_slice %arg4[%mul3A_69, %dma_wait3A_600] : memref<819200x32xbf16, #tpu.memory_space<hbm>> -> memref<128x32xbf16, #tpu.memory_space<hbm>>
      %dma_wait3A_602 = arith.constant 0 : i32
      %dma_wait3A_603 = tpu.memref_slice %arg4[%mul3A_69, %dma_wait3A_602] : memref<819200x32xbf16, #tpu.memory_space<hbm>> -> memref<128x32xbf16, #tpu.memory_space<hbm>>
      %dma_wait3A_604 = arith.constant 0 : i32
      %dma_wait3A_605 = arith.constant 0 : i32
      %dma_wait3A_606 = tpu.memref_slice %arg6[%dma_wait3A_595, %dma_wait3A_604, %dma_wait3A_605] : memref<8x128x32xbf16, #tpu.memory_space<vmem>> -> memref<1x128x32xbf16, #tpu.memory_space<vmem>>
      %dma_wait3A_607 = tpu.memref_squeeze %dma_wait3A_606 : memref<1x128x32xbf16, #tpu.memory_space<vmem>> -> memref<128x32xbf16, #tpu.memory_space<vmem>>
      tpu.wait_dma2 semaphore(%arg9 : memref<!tpu.dma_semaphore, #tpu.memory_space<semaphore_mem>>) src(%dma_wait3A_607 : memref<128x32xbf16, #tpu.memory_space<vmem>>) dst(%dma_wait3A_603 : memref<128x32xbf16, #tpu.memory_space<hbm>>)
      %dma_wait3A_608 = arith.constant 7 : i32
      %dma_wait3A_609 = arith.constant 0 : i32
      %dma_wait3A_610 = arith.constant 0 : i32
      %dma_wait3A_611 = tpu.memref_slice %arg6[%dma_wait3A_608, %dma_wait3A_609, %dma_wait3A_610] : memref<8x128x32xbf16, #tpu.memory_space<vmem>> -> memref<1x128x32xbf16, #tpu.memory_space<vmem>>
      %dma_wait3A_612 = tpu.memref_squeeze %dma_wait3A_611 : memref<1x128x32xbf16, #tpu.memory_space<vmem>> -> memref<128x32xbf16, #tpu.memory_space<vmem>>
      %dma_wait3A_613 = arith.constant 0 : i32
      %dma_wait3A_614 = tpu.memref_slice %arg4[%mul3A_78, %dma_wait3A_613] : memref<819200x32xbf16, #tpu.memory_space<hbm>> -> memref<128x32xbf16, #tpu.memory_space<hbm>>
      %dma_wait3A_615 = arith.constant 0 : i32
      %dma_wait3A_616 = tpu.memref_slice %arg4[%mul3A_78, %dma_wait3A_615] : memref<819200x32xbf16, #tpu.memory_space<hbm>> -> memref<128x32xbf16, #tpu.memory_space<hbm>>
      %dma_wait3A_617 = arith.constant 0 : i32
      %dma_wait3A_618 = arith.constant 0 : i32
      %dma_wait3A_619 = tpu.memref_slice %arg6[%dma_wait3A_608, %dma_wait3A_617, %dma_wait3A_618] : memref<8x128x32xbf16, #tpu.memory_space<vmem>> -> memref<1x128x32xbf16, #tpu.memory_space<vmem>>
      %dma_wait3A_620 = tpu.memref_squeeze %dma_wait3A_619 : memref<1x128x32xbf16, #tpu.memory_space<vmem>> -> memref<128x32xbf16, #tpu.memory_space<vmem>>
      tpu.wait_dma2 semaphore(%arg9 : memref<!tpu.dma_semaphore, #tpu.memory_space<semaphore_mem>>) src(%dma_wait3A_620 : memref<128x32xbf16, #tpu.memory_space<vmem>>) dst(%dma_wait3A_616 : memref<128x32xbf16, #tpu.memory_space<hbm>>)
    }
    %scan3A_5 = arith.constant 25 : i32
    return
  }
}

#map = affine_map<(d0, d1) -> (0, 0)>
#map1 = affine_map<(d0, d1) -> (0)>
#map2 = affine_map<(d0, d1) -> (0, 0, 0)>
module attributes {stable_mosaic.version = 14 : i64} {
  func.func @sk(%arg0: i32, %arg1: i32, %arg2: memref<819200x32xf32, #tpu.memory_space<hbm>>, %arg3: memref<819200xi32, #tpu.memory_space<hbm>>, %arg4: memref<3125x32xf32, #tpu.memory_space<hbm>>, %arg5: memref<2x50000x32xf32, #tpu.memory_space<hbm>>, %arg6: memref<4x128xi32, #tpu.memory_space<vmem>>, %arg7: memref<4x128x32xf32, #tpu.memory_space<vmem>>, %arg8: memref<50000x32xf32, #tpu.memory_space<vmem_shared>>, %arg9: memref<!tpu.dma_semaphore, #tpu.memory_space<semaphore_mem>>, %arg10: memref<!tpu.dma_semaphore, #tpu.memory_space<semaphore_mem>>) attributes {dimension_semantics = [#tpu.dimension_semantics<core_parallel>, #tpu.dimension_semantics<subcore_parallel>], iteration_bounds = array<i64: 2, 16>, scalar_prefetch = 0 : i64, scratch_operands = 5 : i64, tpu.core_type = #tpu.core_type<sc_vector_subcore>, window_params = [{transform_indices = #map}, {transform_indices = #map1}, {transform_indices = #map}, {transform_indices = #map2}]} {
    %mul3A = arith.constant 2 : i32
    %mul3A_0 = arith.muli %arg1, %mul3A : i32
    %add3A = arith.addi %mul3A_0, %arg0 : i32
    %mul3A_1 = arith.constant 3125 : i32
    %mul3A_2 = arith.muli %arg1, %mul3A_1 : i32
    "tpu.region"() ({
      %run_scoped3A = tpu.sem_alloc : memref<!tpu.dma_semaphore, #tpu.memory_space<semaphore_mem>>
      %dma_start3A = arith.constant 0 : i32
      %dma_start3A_9 = tpu.memref_slice %arg8[%mul3A_2, %dma_start3A] : memref<50000x32xf32, #tpu.memory_space<vmem_shared>> -> memref<3125x32xf32, #tpu.memory_space<vmem_shared>>
      tpu.enqueue_dma source(%arg4 : memref<3125x32xf32, #tpu.memory_space<hbm>>) target(%dma_start3A_9 : memref<3125x32xf32, #tpu.memory_space<vmem_shared>>) target_semaphore(%run_scoped3A : memref<!tpu.dma_semaphore, #tpu.memory_space<semaphore_mem>>)
      %dma_wait3A = arith.constant 0 : i32
      %dma_wait3A_10 = tpu.memref_slice %arg8[%mul3A_2, %dma_wait3A] : memref<50000x32xf32, #tpu.memory_space<vmem_shared>> -> memref<3125x32xf32, #tpu.memory_space<vmem_shared>>
      tpu.wait_dma2 semaphore(%run_scoped3A : memref<!tpu.dma_semaphore, #tpu.memory_space<semaphore_mem>>) src(%arg4 : memref<3125x32xf32, #tpu.memory_space<hbm>>) dst(%dma_wait3A_10 : memref<3125x32xf32, #tpu.memory_space<vmem_shared>>)
      tpu.yield
    }) : () -> ()
    %barrier3A = arith.constant 0 : index
    tpu.barrier barrier_id(%barrier3A)
    %scan3A = arith.constant 0 : i32
    %scan3A_3 = arith.constant 0 : i32
    %scan3A_4 = arith.constant 50 : i32
    %scan3A_5 = arith.addi %scan3A_3, %scan3A_4 : i32
    %scan3A_6 = arith.constant 1 : i32
    scf.for %scan3A_9 = %scan3A_3 to %scan3A_5 step %scan3A_6  : i32 {
      %mul3A_10 = arith.constant 4 : i32
      %mul3A_11 = arith.muli %scan3A_9, %mul3A_10 : i32
      %add3A_12 = arith.constant 0 : i32
      %add3A_13 = arith.addi %mul3A_11, %add3A_12 : i32
      %mul3A_14 = arith.constant 32 : i32
      %mul3A_15 = arith.muli %add3A_13, %mul3A_14 : i32
      %add3A_16 = arith.addi %add3A, %mul3A_15 : i32
      %mul3A_17 = arith.constant 128 : i32
      %mul3A_18 = arith.muli %add3A_16, %mul3A_17 : i32
      %mul3A_19 = arith.constant 4 : i32
      %mul3A_20 = arith.muli %scan3A_9, %mul3A_19 : i32
      %add3A_21 = arith.constant 1 : i32
      %add3A_22 = arith.addi %mul3A_20, %add3A_21 : i32
      %mul3A_23 = arith.constant 32 : i32
      %mul3A_24 = arith.muli %add3A_22, %mul3A_23 : i32
      %add3A_25 = arith.addi %add3A, %mul3A_24 : i32
      %mul3A_26 = arith.constant 128 : i32
      %mul3A_27 = arith.muli %add3A_25, %mul3A_26 : i32
      %mul3A_28 = arith.constant 4 : i32
      %mul3A_29 = arith.muli %scan3A_9, %mul3A_28 : i32
      %add3A_30 = arith.constant 2 : i32
      %add3A_31 = arith.addi %mul3A_29, %add3A_30 : i32
      %mul3A_32 = arith.constant 32 : i32
      %mul3A_33 = arith.muli %add3A_31, %mul3A_32 : i32
      %add3A_34 = arith.addi %add3A, %mul3A_33 : i32
      %mul3A_35 = arith.constant 128 : i32
      %mul3A_36 = arith.muli %add3A_34, %mul3A_35 : i32
      %mul3A_37 = arith.constant 4 : i32
      %mul3A_38 = arith.muli %scan3A_9, %mul3A_37 : i32
      %add3A_39 = arith.constant 3 : i32
      %add3A_40 = arith.addi %mul3A_38, %add3A_39 : i32
      %mul3A_41 = arith.constant 32 : i32
      %mul3A_42 = arith.muli %add3A_40, %mul3A_41 : i32
      %add3A_43 = arith.addi %add3A, %mul3A_42 : i32
      %mul3A_44 = arith.constant 128 : i32
      %mul3A_45 = arith.muli %add3A_43, %mul3A_44 : i32
      %dma_start3A = arith.constant 0 : i32
      %dma_start3A_46 = arith.constant 0 : i32
      %dma_start3A_47 = tpu.memref_slice %arg6[%dma_start3A, %dma_start3A_46] : memref<4x128xi32, #tpu.memory_space<vmem>> -> memref<1x128xi32, #tpu.memory_space<vmem>>
      %dma_start3A_48 = tpu.memref_squeeze %dma_start3A_47 : memref<1x128xi32, #tpu.memory_space<vmem>> -> memref<128xi32, #tpu.memory_space<vmem>>
      %dma_start3A_49 = tpu.memref_slice %arg3[%mul3A_18] : memref<819200xi32, #tpu.memory_space<hbm>> -> memref<128xi32, #tpu.memory_space<hbm>>
      %dma_start3A_50 = arith.constant 0 : i32
      %dma_start3A_51 = tpu.memref_slice %arg6[%dma_start3A, %dma_start3A_50] : memref<4x128xi32, #tpu.memory_space<vmem>> -> memref<1x128xi32, #tpu.memory_space<vmem>>
      %dma_start3A_52 = tpu.memref_squeeze %dma_start3A_51 : memref<1x128xi32, #tpu.memory_space<vmem>> -> memref<128xi32, #tpu.memory_space<vmem>>
      %dma_start3A_53 = tpu.memref_slice %arg3[%mul3A_18] : memref<819200xi32, #tpu.memory_space<hbm>> -> memref<128xi32, #tpu.memory_space<hbm>>
      tpu.enqueue_dma source(%dma_start3A_53 : memref<128xi32, #tpu.memory_space<hbm>>) target(%dma_start3A_52 : memref<128xi32, #tpu.memory_space<vmem>>) target_semaphore(%arg9 : memref<!tpu.dma_semaphore, #tpu.memory_space<semaphore_mem>>)
      %dma_start3A_54 = arith.constant 0 : i32
      %dma_start3A_55 = arith.constant 0 : i32
      %dma_start3A_56 = arith.constant 0 : i32
      %dma_start3A_57 = tpu.memref_slice %arg7[%dma_start3A_54, %dma_start3A_55, %dma_start3A_56] : memref<4x128x32xf32, #tpu.memory_space<vmem>> -> memref<1x128x32xf32, #tpu.memory_space<vmem>>
      %dma_start3A_58 = tpu.memref_squeeze %dma_start3A_57 : memref<1x128x32xf32, #tpu.memory_space<vmem>> -> memref<128x32xf32, #tpu.memory_space<vmem>>
      %dma_start3A_59 = arith.constant 0 : i32
      %dma_start3A_60 = tpu.memref_slice %arg2[%mul3A_18, %dma_start3A_59] : memref<819200x32xf32, #tpu.memory_space<hbm>> -> memref<128x32xf32, #tpu.memory_space<hbm>>
      %dma_start3A_61 = arith.constant 0 : i32
      %dma_start3A_62 = arith.constant 0 : i32
      %dma_start3A_63 = tpu.memref_slice %arg7[%dma_start3A_54, %dma_start3A_61, %dma_start3A_62] : memref<4x128x32xf32, #tpu.memory_space<vmem>> -> memref<1x128x32xf32, #tpu.memory_space<vmem>>
      %dma_start3A_64 = tpu.memref_squeeze %dma_start3A_63 : memref<1x128x32xf32, #tpu.memory_space<vmem>> -> memref<128x32xf32, #tpu.memory_space<vmem>>
      %dma_start3A_65 = arith.constant 0 : i32
      %dma_start3A_66 = tpu.memref_slice %arg2[%mul3A_18, %dma_start3A_65] : memref<819200x32xf32, #tpu.memory_space<hbm>> -> memref<128x32xf32, #tpu.memory_space<hbm>>
      tpu.enqueue_dma source(%dma_start3A_66 : memref<128x32xf32, #tpu.memory_space<hbm>>) target(%dma_start3A_64 : memref<128x32xf32, #tpu.memory_space<vmem>>) target_semaphore(%arg9 : memref<!tpu.dma_semaphore, #tpu.memory_space<semaphore_mem>>)
      %dma_start3A_67 = arith.constant 1 : i32
      %dma_start3A_68 = arith.constant 0 : i32
      %dma_start3A_69 = tpu.memref_slice %arg6[%dma_start3A_67, %dma_start3A_68] : memref<4x128xi32, #tpu.memory_space<vmem>> -> memref<1x128xi32, #tpu.memory_space<vmem>>
      %dma_start3A_70 = tpu.memref_squeeze %dma_start3A_69 : memref<1x128xi32, #tpu.memory_space<vmem>> -> memref<128xi32, #tpu.memory_space<vmem>>
      %dma_start3A_71 = tpu.memref_slice %arg3[%mul3A_27] : memref<819200xi32, #tpu.memory_space<hbm>> -> memref<128xi32, #tpu.memory_space<hbm>>
      %dma_start3A_72 = arith.constant 0 : i32
      %dma_start3A_73 = tpu.memref_slice %arg6[%dma_start3A_67, %dma_start3A_72] : memref<4x128xi32, #tpu.memory_space<vmem>> -> memref<1x128xi32, #tpu.memory_space<vmem>>
      %dma_start3A_74 = tpu.memref_squeeze %dma_start3A_73 : memref<1x128xi32, #tpu.memory_space<vmem>> -> memref<128xi32, #tpu.memory_space<vmem>>
      %dma_start3A_75 = tpu.memref_slice %arg3[%mul3A_27] : memref<819200xi32, #tpu.memory_space<hbm>> -> memref<128xi32, #tpu.memory_space<hbm>>
      tpu.enqueue_dma source(%dma_start3A_75 : memref<128xi32, #tpu.memory_space<hbm>>) target(%dma_start3A_74 : memref<128xi32, #tpu.memory_space<vmem>>) target_semaphore(%arg9 : memref<!tpu.dma_semaphore, #tpu.memory_space<semaphore_mem>>)
      %dma_start3A_76 = arith.constant 1 : i32
      %dma_start3A_77 = arith.constant 0 : i32
      %dma_start3A_78 = arith.constant 0 : i32
      %dma_start3A_79 = tpu.memref_slice %arg7[%dma_start3A_76, %dma_start3A_77, %dma_start3A_78] : memref<4x128x32xf32, #tpu.memory_space<vmem>> -> memref<1x128x32xf32, #tpu.memory_space<vmem>>
      %dma_start3A_80 = tpu.memref_squeeze %dma_start3A_79 : memref<1x128x32xf32, #tpu.memory_space<vmem>> -> memref<128x32xf32, #tpu.memory_space<vmem>>
      %dma_start3A_81 = arith.constant 0 : i32
      %dma_start3A_82 = tpu.memref_slice %arg2[%mul3A_27, %dma_start3A_81] : memref<819200x32xf32, #tpu.memory_space<hbm>> -> memref<128x32xf32, #tpu.memory_space<hbm>>
      %dma_start3A_83 = arith.constant 0 : i32
      %dma_start3A_84 = arith.constant 0 : i32
      %dma_start3A_85 = tpu.memref_slice %arg7[%dma_start3A_76, %dma_start3A_83, %dma_start3A_84] : memref<4x128x32xf32, #tpu.memory_space<vmem>> -> memref<1x128x32xf32, #tpu.memory_space<vmem>>
      %dma_start3A_86 = tpu.memref_squeeze %dma_start3A_85 : memref<1x128x32xf32, #tpu.memory_space<vmem>> -> memref<128x32xf32, #tpu.memory_space<vmem>>
      %dma_start3A_87 = arith.constant 0 : i32
      %dma_start3A_88 = tpu.memref_slice %arg2[%mul3A_27, %dma_start3A_87] : memref<819200x32xf32, #tpu.memory_space<hbm>> -> memref<128x32xf32, #tpu.memory_space<hbm>>
      tpu.enqueue_dma source(%dma_start3A_88 : memref<128x32xf32, #tpu.memory_space<hbm>>) target(%dma_start3A_86 : memref<128x32xf32, #tpu.memory_space<vmem>>) target_semaphore(%arg9 : memref<!tpu.dma_semaphore, #tpu.memory_space<semaphore_mem>>)
      %dma_start3A_89 = arith.constant 2 : i32
      %dma_start3A_90 = arith.constant 0 : i32
      %dma_start3A_91 = tpu.memref_slice %arg6[%dma_start3A_89, %dma_start3A_90] : memref<4x128xi32, #tpu.memory_space<vmem>> -> memref<1x128xi32, #tpu.memory_space<vmem>>
      %dma_start3A_92 = tpu.memref_squeeze %dma_start3A_91 : memref<1x128xi32, #tpu.memory_space<vmem>> -> memref<128xi32, #tpu.memory_space<vmem>>
      %dma_start3A_93 = tpu.memref_slice %arg3[%mul3A_36] : memref<819200xi32, #tpu.memory_space<hbm>> -> memref<128xi32, #tpu.memory_space<hbm>>
      %dma_start3A_94 = arith.constant 0 : i32
      %dma_start3A_95 = tpu.memref_slice %arg6[%dma_start3A_89, %dma_start3A_94] : memref<4x128xi32, #tpu.memory_space<vmem>> -> memref<1x128xi32, #tpu.memory_space<vmem>>
      %dma_start3A_96 = tpu.memref_squeeze %dma_start3A_95 : memref<1x128xi32, #tpu.memory_space<vmem>> -> memref<128xi32, #tpu.memory_space<vmem>>
      %dma_start3A_97 = tpu.memref_slice %arg3[%mul3A_36] : memref<819200xi32, #tpu.memory_space<hbm>> -> memref<128xi32, #tpu.memory_space<hbm>>
      tpu.enqueue_dma source(%dma_start3A_97 : memref<128xi32, #tpu.memory_space<hbm>>) target(%dma_start3A_96 : memref<128xi32, #tpu.memory_space<vmem>>) target_semaphore(%arg9 : memref<!tpu.dma_semaphore, #tpu.memory_space<semaphore_mem>>)
      %dma_start3A_98 = arith.constant 2 : i32
      %dma_start3A_99 = arith.constant 0 : i32
      %dma_start3A_100 = arith.constant 0 : i32
      %dma_start3A_101 = tpu.memref_slice %arg7[%dma_start3A_98, %dma_start3A_99, %dma_start3A_100] : memref<4x128x32xf32, #tpu.memory_space<vmem>> -> memref<1x128x32xf32, #tpu.memory_space<vmem>>
      %dma_start3A_102 = tpu.memref_squeeze %dma_start3A_101 : memref<1x128x32xf32, #tpu.memory_space<vmem>> -> memref<128x32xf32, #tpu.memory_space<vmem>>
      %dma_start3A_103 = arith.constant 0 : i32
      %dma_start3A_104 = tpu.memref_slice %arg2[%mul3A_36, %dma_start3A_103] : memref<819200x32xf32, #tpu.memory_space<hbm>> -> memref<128x32xf32, #tpu.memory_space<hbm>>
      %dma_start3A_105 = arith.constant 0 : i32
      %dma_start3A_106 = arith.constant 0 : i32
      %dma_start3A_107 = tpu.memref_slice %arg7[%dma_start3A_98, %dma_start3A_105, %dma_start3A_106] : memref<4x128x32xf32, #tpu.memory_space<vmem>> -> memref<1x128x32xf32, #tpu.memory_space<vmem>>
      %dma_start3A_108 = tpu.memref_squeeze %dma_start3A_107 : memref<1x128x32xf32, #tpu.memory_space<vmem>> -> memref<128x32xf32, #tpu.memory_space<vmem>>
      %dma_start3A_109 = arith.constant 0 : i32
      %dma_start3A_110 = tpu.memref_slice %arg2[%mul3A_36, %dma_start3A_109] : memref<819200x32xf32, #tpu.memory_space<hbm>> -> memref<128x32xf32, #tpu.memory_space<hbm>>
      tpu.enqueue_dma source(%dma_start3A_110 : memref<128x32xf32, #tpu.memory_space<hbm>>) target(%dma_start3A_108 : memref<128x32xf32, #tpu.memory_space<vmem>>) target_semaphore(%arg9 : memref<!tpu.dma_semaphore, #tpu.memory_space<semaphore_mem>>)
      %dma_start3A_111 = arith.constant 3 : i32
      %dma_start3A_112 = arith.constant 0 : i32
      %dma_start3A_113 = tpu.memref_slice %arg6[%dma_start3A_111, %dma_start3A_112] : memref<4x128xi32, #tpu.memory_space<vmem>> -> memref<1x128xi32, #tpu.memory_space<vmem>>
      %dma_start3A_114 = tpu.memref_squeeze %dma_start3A_113 : memref<1x128xi32, #tpu.memory_space<vmem>> -> memref<128xi32, #tpu.memory_space<vmem>>
      %dma_start3A_115 = tpu.memref_slice %arg3[%mul3A_45] : memref<819200xi32, #tpu.memory_space<hbm>> -> memref<128xi32, #tpu.memory_space<hbm>>
      %dma_start3A_116 = arith.constant 0 : i32
      %dma_start3A_117 = tpu.memref_slice %arg6[%dma_start3A_111, %dma_start3A_116] : memref<4x128xi32, #tpu.memory_space<vmem>> -> memref<1x128xi32, #tpu.memory_space<vmem>>
      %dma_start3A_118 = tpu.memref_squeeze %dma_start3A_117 : memref<1x128xi32, #tpu.memory_space<vmem>> -> memref<128xi32, #tpu.memory_space<vmem>>
      %dma_start3A_119 = tpu.memref_slice %arg3[%mul3A_45] : memref<819200xi32, #tpu.memory_space<hbm>> -> memref<128xi32, #tpu.memory_space<hbm>>
      tpu.enqueue_dma source(%dma_start3A_119 : memref<128xi32, #tpu.memory_space<hbm>>) target(%dma_start3A_118 : memref<128xi32, #tpu.memory_space<vmem>>) target_semaphore(%arg9 : memref<!tpu.dma_semaphore, #tpu.memory_space<semaphore_mem>>)
      %dma_start3A_120 = arith.constant 3 : i32
      %dma_start3A_121 = arith.constant 0 : i32
      %dma_start3A_122 = arith.constant 0 : i32
      %dma_start3A_123 = tpu.memref_slice %arg7[%dma_start3A_120, %dma_start3A_121, %dma_start3A_122] : memref<4x128x32xf32, #tpu.memory_space<vmem>> -> memref<1x128x32xf32, #tpu.memory_space<vmem>>
      %dma_start3A_124 = tpu.memref_squeeze %dma_start3A_123 : memref<1x128x32xf32, #tpu.memory_space<vmem>> -> memref<128x32xf32, #tpu.memory_space<vmem>>
      %dma_start3A_125 = arith.constant 0 : i32
      %dma_start3A_126 = tpu.memref_slice %arg2[%mul3A_45, %dma_start3A_125] : memref<819200x32xf32, #tpu.memory_space<hbm>> -> memref<128x32xf32, #tpu.memory_space<hbm>>
      %dma_start3A_127 = arith.constant 0 : i32
      %dma_start3A_128 = arith.constant 0 : i32
      %dma_start3A_129 = tpu.memref_slice %arg7[%dma_start3A_120, %dma_start3A_127, %dma_start3A_128] : memref<4x128x32xf32, #tpu.memory_space<vmem>> -> memref<1x128x32xf32, #tpu.memory_space<vmem>>
      %dma_start3A_130 = tpu.memref_squeeze %dma_start3A_129 : memref<1x128x32xf32, #tpu.memory_space<vmem>> -> memref<128x32xf32, #tpu.memory_space<vmem>>
      %dma_start3A_131 = arith.constant 0 : i32
      %dma_start3A_132 = tpu.memref_slice %arg2[%mul3A_45, %dma_start3A_131] : memref<819200x32xf32, #tpu.memory_space<hbm>> -> memref<128x32xf32, #tpu.memory_space<hbm>>
      tpu.enqueue_dma source(%dma_start3A_132 : memref<128x32xf32, #tpu.memory_space<hbm>>) target(%dma_start3A_130 : memref<128x32xf32, #tpu.memory_space<vmem>>) target_semaphore(%arg9 : memref<!tpu.dma_semaphore, #tpu.memory_space<semaphore_mem>>)
      %dma_wait3A = arith.constant 0 : i32
      %dma_wait3A_133 = arith.constant 0 : i32
      %dma_wait3A_134 = tpu.memref_slice %arg6[%dma_wait3A, %dma_wait3A_133] : memref<4x128xi32, #tpu.memory_space<vmem>> -> memref<1x128xi32, #tpu.memory_space<vmem>>
      %dma_wait3A_135 = tpu.memref_squeeze %dma_wait3A_134 : memref<1x128xi32, #tpu.memory_space<vmem>> -> memref<128xi32, #tpu.memory_space<vmem>>
      %dma_wait3A_136 = tpu.memref_slice %arg3[%mul3A_18] : memref<819200xi32, #tpu.memory_space<hbm>> -> memref<128xi32, #tpu.memory_space<hbm>>
      %dma_wait3A_137 = arith.constant 0 : i32
      %dma_wait3A_138 = tpu.memref_slice %arg6[%dma_wait3A, %dma_wait3A_137] : memref<4x128xi32, #tpu.memory_space<vmem>> -> memref<1x128xi32, #tpu.memory_space<vmem>>
      %dma_wait3A_139 = tpu.memref_squeeze %dma_wait3A_138 : memref<1x128xi32, #tpu.memory_space<vmem>> -> memref<128xi32, #tpu.memory_space<vmem>>
      %dma_wait3A_140 = tpu.memref_slice %arg3[%mul3A_18] : memref<819200xi32, #tpu.memory_space<hbm>> -> memref<128xi32, #tpu.memory_space<hbm>>
      tpu.wait_dma2 semaphore(%arg9 : memref<!tpu.dma_semaphore, #tpu.memory_space<semaphore_mem>>) src(%dma_wait3A_140 : memref<128xi32, #tpu.memory_space<hbm>>) dst(%dma_wait3A_139 : memref<128xi32, #tpu.memory_space<vmem>>)
      %dma_wait3A_141 = arith.constant 0 : i32
      %dma_wait3A_142 = arith.constant 0 : i32
      %dma_wait3A_143 = arith.constant 0 : i32
      %dma_wait3A_144 = tpu.memref_slice %arg7[%dma_wait3A_141, %dma_wait3A_142, %dma_wait3A_143] : memref<4x128x32xf32, #tpu.memory_space<vmem>> -> memref<1x128x32xf32, #tpu.memory_space<vmem>>
      %dma_wait3A_145 = tpu.memref_squeeze %dma_wait3A_144 : memref<1x128x32xf32, #tpu.memory_space<vmem>> -> memref<128x32xf32, #tpu.memory_space<vmem>>
      %dma_wait3A_146 = arith.constant 0 : i32
      %dma_wait3A_147 = tpu.memref_slice %arg2[%mul3A_18, %dma_wait3A_146] : memref<819200x32xf32, #tpu.memory_space<hbm>> -> memref<128x32xf32, #tpu.memory_space<hbm>>
      %dma_wait3A_148 = arith.constant 0 : i32
      %dma_wait3A_149 = arith.constant 0 : i32
      %dma_wait3A_150 = tpu.memref_slice %arg7[%dma_wait3A_141, %dma_wait3A_148, %dma_wait3A_149] : memref<4x128x32xf32, #tpu.memory_space<vmem>> -> memref<1x128x32xf32, #tpu.memory_space<vmem>>
      %dma_wait3A_151 = tpu.memref_squeeze %dma_wait3A_150 : memref<1x128x32xf32, #tpu.memory_space<vmem>> -> memref<128x32xf32, #tpu.memory_space<vmem>>
      %dma_wait3A_152 = arith.constant 0 : i32
      %dma_wait3A_153 = tpu.memref_slice %arg2[%mul3A_18, %dma_wait3A_152] : memref<819200x32xf32, #tpu.memory_space<hbm>> -> memref<128x32xf32, #tpu.memory_space<hbm>>
      tpu.wait_dma2 semaphore(%arg9 : memref<!tpu.dma_semaphore, #tpu.memory_space<semaphore_mem>>) src(%dma_wait3A_153 : memref<128x32xf32, #tpu.memory_space<hbm>>) dst(%dma_wait3A_151 : memref<128x32xf32, #tpu.memory_space<vmem>>)
      %dma_wait3A_154 = arith.constant 1 : i32
      %dma_wait3A_155 = arith.constant 0 : i32
      %dma_wait3A_156 = tpu.memref_slice %arg6[%dma_wait3A_154, %dma_wait3A_155] : memref<4x128xi32, #tpu.memory_space<vmem>> -> memref<1x128xi32, #tpu.memory_space<vmem>>
      %dma_wait3A_157 = tpu.memref_squeeze %dma_wait3A_156 : memref<1x128xi32, #tpu.memory_space<vmem>> -> memref<128xi32, #tpu.memory_space<vmem>>
      %dma_wait3A_158 = tpu.memref_slice %arg3[%mul3A_27] : memref<819200xi32, #tpu.memory_space<hbm>> -> memref<128xi32, #tpu.memory_space<hbm>>
      %dma_wait3A_159 = arith.constant 0 : i32
      %dma_wait3A_160 = tpu.memref_slice %arg6[%dma_wait3A_154, %dma_wait3A_159] : memref<4x128xi32, #tpu.memory_space<vmem>> -> memref<1x128xi32, #tpu.memory_space<vmem>>
      %dma_wait3A_161 = tpu.memref_squeeze %dma_wait3A_160 : memref<1x128xi32, #tpu.memory_space<vmem>> -> memref<128xi32, #tpu.memory_space<vmem>>
      %dma_wait3A_162 = tpu.memref_slice %arg3[%mul3A_27] : memref<819200xi32, #tpu.memory_space<hbm>> -> memref<128xi32, #tpu.memory_space<hbm>>
      tpu.wait_dma2 semaphore(%arg9 : memref<!tpu.dma_semaphore, #tpu.memory_space<semaphore_mem>>) src(%dma_wait3A_162 : memref<128xi32, #tpu.memory_space<hbm>>) dst(%dma_wait3A_161 : memref<128xi32, #tpu.memory_space<vmem>>)
      %dma_wait3A_163 = arith.constant 1 : i32
      %dma_wait3A_164 = arith.constant 0 : i32
      %dma_wait3A_165 = arith.constant 0 : i32
      %dma_wait3A_166 = tpu.memref_slice %arg7[%dma_wait3A_163, %dma_wait3A_164, %dma_wait3A_165] : memref<4x128x32xf32, #tpu.memory_space<vmem>> -> memref<1x128x32xf32, #tpu.memory_space<vmem>>
      %dma_wait3A_167 = tpu.memref_squeeze %dma_wait3A_166 : memref<1x128x32xf32, #tpu.memory_space<vmem>> -> memref<128x32xf32, #tpu.memory_space<vmem>>
      %dma_wait3A_168 = arith.constant 0 : i32
      %dma_wait3A_169 = tpu.memref_slice %arg2[%mul3A_27, %dma_wait3A_168] : memref<819200x32xf32, #tpu.memory_space<hbm>> -> memref<128x32xf32, #tpu.memory_space<hbm>>
      %dma_wait3A_170 = arith.constant 0 : i32
      %dma_wait3A_171 = arith.constant 0 : i32
      %dma_wait3A_172 = tpu.memref_slice %arg7[%dma_wait3A_163, %dma_wait3A_170, %dma_wait3A_171] : memref<4x128x32xf32, #tpu.memory_space<vmem>> -> memref<1x128x32xf32, #tpu.memory_space<vmem>>
      %dma_wait3A_173 = tpu.memref_squeeze %dma_wait3A_172 : memref<1x128x32xf32, #tpu.memory_space<vmem>> -> memref<128x32xf32, #tpu.memory_space<vmem>>
      %dma_wait3A_174 = arith.constant 0 : i32
      %dma_wait3A_175 = tpu.memref_slice %arg2[%mul3A_27, %dma_wait3A_174] : memref<819200x32xf32, #tpu.memory_space<hbm>> -> memref<128x32xf32, #tpu.memory_space<hbm>>
      tpu.wait_dma2 semaphore(%arg9 : memref<!tpu.dma_semaphore, #tpu.memory_space<semaphore_mem>>) src(%dma_wait3A_175 : memref<128x32xf32, #tpu.memory_space<hbm>>) dst(%dma_wait3A_173 : memref<128x32xf32, #tpu.memory_space<vmem>>)
      %dma_wait3A_176 = arith.constant 2 : i32
      %dma_wait3A_177 = arith.constant 0 : i32
      %dma_wait3A_178 = tpu.memref_slice %arg6[%dma_wait3A_176, %dma_wait3A_177] : memref<4x128xi32, #tpu.memory_space<vmem>> -> memref<1x128xi32, #tpu.memory_space<vmem>>
      %dma_wait3A_179 = tpu.memref_squeeze %dma_wait3A_178 : memref<1x128xi32, #tpu.memory_space<vmem>> -> memref<128xi32, #tpu.memory_space<vmem>>
      %dma_wait3A_180 = tpu.memref_slice %arg3[%mul3A_36] : memref<819200xi32, #tpu.memory_space<hbm>> -> memref<128xi32, #tpu.memory_space<hbm>>
      %dma_wait3A_181 = arith.constant 0 : i32
      %dma_wait3A_182 = tpu.memref_slice %arg6[%dma_wait3A_176, %dma_wait3A_181] : memref<4x128xi32, #tpu.memory_space<vmem>> -> memref<1x128xi32, #tpu.memory_space<vmem>>
      %dma_wait3A_183 = tpu.memref_squeeze %dma_wait3A_182 : memref<1x128xi32, #tpu.memory_space<vmem>> -> memref<128xi32, #tpu.memory_space<vmem>>
      %dma_wait3A_184 = tpu.memref_slice %arg3[%mul3A_36] : memref<819200xi32, #tpu.memory_space<hbm>> -> memref<128xi32, #tpu.memory_space<hbm>>
      tpu.wait_dma2 semaphore(%arg9 : memref<!tpu.dma_semaphore, #tpu.memory_space<semaphore_mem>>) src(%dma_wait3A_184 : memref<128xi32, #tpu.memory_space<hbm>>) dst(%dma_wait3A_183 : memref<128xi32, #tpu.memory_space<vmem>>)
      %dma_wait3A_185 = arith.constant 2 : i32
      %dma_wait3A_186 = arith.constant 0 : i32
      %dma_wait3A_187 = arith.constant 0 : i32
      %dma_wait3A_188 = tpu.memref_slice %arg7[%dma_wait3A_185, %dma_wait3A_186, %dma_wait3A_187] : memref<4x128x32xf32, #tpu.memory_space<vmem>> -> memref<1x128x32xf32, #tpu.memory_space<vmem>>
      %dma_wait3A_189 = tpu.memref_squeeze %dma_wait3A_188 : memref<1x128x32xf32, #tpu.memory_space<vmem>> -> memref<128x32xf32, #tpu.memory_space<vmem>>
      %dma_wait3A_190 = arith.constant 0 : i32
      %dma_wait3A_191 = tpu.memref_slice %arg2[%mul3A_36, %dma_wait3A_190] : memref<819200x32xf32, #tpu.memory_space<hbm>> -> memref<128x32xf32, #tpu.memory_space<hbm>>
      %dma_wait3A_192 = arith.constant 0 : i32
      %dma_wait3A_193 = arith.constant 0 : i32
      %dma_wait3A_194 = tpu.memref_slice %arg7[%dma_wait3A_185, %dma_wait3A_192, %dma_wait3A_193] : memref<4x128x32xf32, #tpu.memory_space<vmem>> -> memref<1x128x32xf32, #tpu.memory_space<vmem>>
      %dma_wait3A_195 = tpu.memref_squeeze %dma_wait3A_194 : memref<1x128x32xf32, #tpu.memory_space<vmem>> -> memref<128x32xf32, #tpu.memory_space<vmem>>
      %dma_wait3A_196 = arith.constant 0 : i32
      %dma_wait3A_197 = tpu.memref_slice %arg2[%mul3A_36, %dma_wait3A_196] : memref<819200x32xf32, #tpu.memory_space<hbm>> -> memref<128x32xf32, #tpu.memory_space<hbm>>
      tpu.wait_dma2 semaphore(%arg9 : memref<!tpu.dma_semaphore, #tpu.memory_space<semaphore_mem>>) src(%dma_wait3A_197 : memref<128x32xf32, #tpu.memory_space<hbm>>) dst(%dma_wait3A_195 : memref<128x32xf32, #tpu.memory_space<vmem>>)
      %dma_wait3A_198 = arith.constant 3 : i32
      %dma_wait3A_199 = arith.constant 0 : i32
      %dma_wait3A_200 = tpu.memref_slice %arg6[%dma_wait3A_198, %dma_wait3A_199] : memref<4x128xi32, #tpu.memory_space<vmem>> -> memref<1x128xi32, #tpu.memory_space<vmem>>
      %dma_wait3A_201 = tpu.memref_squeeze %dma_wait3A_200 : memref<1x128xi32, #tpu.memory_space<vmem>> -> memref<128xi32, #tpu.memory_space<vmem>>
      %dma_wait3A_202 = tpu.memref_slice %arg3[%mul3A_45] : memref<819200xi32, #tpu.memory_space<hbm>> -> memref<128xi32, #tpu.memory_space<hbm>>
      %dma_wait3A_203 = arith.constant 0 : i32
      %dma_wait3A_204 = tpu.memref_slice %arg6[%dma_wait3A_198, %dma_wait3A_203] : memref<4x128xi32, #tpu.memory_space<vmem>> -> memref<1x128xi32, #tpu.memory_space<vmem>>
      %dma_wait3A_205 = tpu.memref_squeeze %dma_wait3A_204 : memref<1x128xi32, #tpu.memory_space<vmem>> -> memref<128xi32, #tpu.memory_space<vmem>>
      %dma_wait3A_206 = tpu.memref_slice %arg3[%mul3A_45] : memref<819200xi32, #tpu.memory_space<hbm>> -> memref<128xi32, #tpu.memory_space<hbm>>
      tpu.wait_dma2 semaphore(%arg9 : memref<!tpu.dma_semaphore, #tpu.memory_space<semaphore_mem>>) src(%dma_wait3A_206 : memref<128xi32, #tpu.memory_space<hbm>>) dst(%dma_wait3A_205 : memref<128xi32, #tpu.memory_space<vmem>>)
      %dma_wait3A_207 = arith.constant 3 : i32
      %dma_wait3A_208 = arith.constant 0 : i32
      %dma_wait3A_209 = arith.constant 0 : i32
      %dma_wait3A_210 = tpu.memref_slice %arg7[%dma_wait3A_207, %dma_wait3A_208, %dma_wait3A_209] : memref<4x128x32xf32, #tpu.memory_space<vmem>> -> memref<1x128x32xf32, #tpu.memory_space<vmem>>
      %dma_wait3A_211 = tpu.memref_squeeze %dma_wait3A_210 : memref<1x128x32xf32, #tpu.memory_space<vmem>> -> memref<128x32xf32, #tpu.memory_space<vmem>>
      %dma_wait3A_212 = arith.constant 0 : i32
      %dma_wait3A_213 = tpu.memref_slice %arg2[%mul3A_45, %dma_wait3A_212] : memref<819200x32xf32, #tpu.memory_space<hbm>> -> memref<128x32xf32, #tpu.memory_space<hbm>>
      %dma_wait3A_214 = arith.constant 0 : i32
      %dma_wait3A_215 = arith.constant 0 : i32
      %dma_wait3A_216 = tpu.memref_slice %arg7[%dma_wait3A_207, %dma_wait3A_214, %dma_wait3A_215] : memref<4x128x32xf32, #tpu.memory_space<vmem>> -> memref<1x128x32xf32, #tpu.memory_space<vmem>>
      %dma_wait3A_217 = tpu.memref_squeeze %dma_wait3A_216 : memref<1x128x32xf32, #tpu.memory_space<vmem>> -> memref<128x32xf32, #tpu.memory_space<vmem>>
      %dma_wait3A_218 = arith.constant 0 : i32
      %dma_wait3A_219 = tpu.memref_slice %arg2[%mul3A_45, %dma_wait3A_218] : memref<819200x32xf32, #tpu.memory_space<hbm>> -> memref<128x32xf32, #tpu.memory_space<hbm>>
      tpu.wait_dma2 semaphore(%arg9 : memref<!tpu.dma_semaphore, #tpu.memory_space<semaphore_mem>>) src(%dma_wait3A_219 : memref<128x32xf32, #tpu.memory_space<hbm>>) dst(%dma_wait3A_217 : memref<128x32xf32, #tpu.memory_space<vmem>>)
      %dma_start3A_220 = arith.constant 0 : i32
      %dma_start3A_221 = arith.constant 0 : i32
      %dma_start3A_222 = arith.constant 0 : i32
      %dma_start3A_223 = arith.constant 0 : i32
      %dma_start3A_224 = tpu.memref_slice %arg7[%dma_start3A_220, %dma_start3A_222, %dma_start3A_223] : memref<4x128x32xf32, #tpu.memory_space<vmem>> -> memref<1x128x32xf32, #tpu.memory_space<vmem>>
      %dma_start3A_225 = tpu.memref_squeeze %dma_start3A_224 : memref<1x128x32xf32, #tpu.memory_space<vmem>> -> memref<128x32xf32, #tpu.memory_space<vmem>>
      %dma_start3A_226 = arith.constant 0 : i32
      %dma_start3A_227 = tpu.memref_slice %arg6[%dma_start3A_221, %dma_start3A_226] : memref<4x128xi32, #tpu.memory_space<vmem>> -> memref<1x128xi32, #tpu.memory_space<vmem>>
      %dma_start3A_228 = tpu.memref_squeeze %dma_start3A_227 : memref<1x128xi32, #tpu.memory_space<vmem>> -> memref<128xi32, #tpu.memory_space<vmem>>
      %dma_start3A_229 = arith.constant 0 : i32
      %dma_start3A_230 = arith.constant 0 : i32
      %dma_start3A_231 = tpu.memref_slice %arg8[%dma_start3A_229, %dma_start3A_230] : memref<50000x32xf32, #tpu.memory_space<vmem_shared>> -> memref<50000x32xf32, #tpu.memory_space<vmem_shared>>
      tpu.enqueue_indirect_dma source(%dma_start3A_225 : memref<128x32xf32, #tpu.memory_space<vmem>>) target(%dma_start3A_231 : memref<50000x32xf32, #tpu.memory_space<vmem_shared>>) offsets(%dma_start3A_228 : memref<128xi32, #tpu.memory_space<vmem>>) semaphore(%arg10 : memref<!tpu.dma_semaphore, #tpu.memory_space<semaphore_mem>>) {add = true}
      %dma_start3A_232 = arith.constant 1 : i32
      %dma_start3A_233 = arith.constant 1 : i32
      %dma_start3A_234 = arith.constant 0 : i32
      %dma_start3A_235 = arith.constant 0 : i32
      %dma_start3A_236 = tpu.memref_slice %arg7[%dma_start3A_232, %dma_start3A_234, %dma_start3A_235] : memref<4x128x32xf32, #tpu.memory_space<vmem>> -> memref<1x128x32xf32, #tpu.memory_space<vmem>>
      %dma_start3A_237 = tpu.memref_squeeze %dma_start3A_236 : memref<1x128x32xf32, #tpu.memory_space<vmem>> -> memref<128x32xf32, #tpu.memory_space<vmem>>
      %dma_start3A_238 = arith.constant 0 : i32
      %dma_start3A_239 = tpu.memref_slice %arg6[%dma_start3A_233, %dma_start3A_238] : memref<4x128xi32, #tpu.memory_space<vmem>> -> memref<1x128xi32, #tpu.memory_space<vmem>>
      %dma_start3A_240 = tpu.memref_squeeze %dma_start3A_239 : memref<1x128xi32, #tpu.memory_space<vmem>> -> memref<128xi32, #tpu.memory_space<vmem>>
      %dma_start3A_241 = arith.constant 0 : i32
      %dma_start3A_242 = arith.constant 0 : i32
      %dma_start3A_243 = tpu.memref_slice %arg8[%dma_start3A_241, %dma_start3A_242] : memref<50000x32xf32, #tpu.memory_space<vmem_shared>> -> memref<50000x32xf32, #tpu.memory_space<vmem_shared>>
      tpu.enqueue_indirect_dma source(%dma_start3A_237 : memref<128x32xf32, #tpu.memory_space<vmem>>) target(%dma_start3A_243 : memref<50000x32xf32, #tpu.memory_space<vmem_shared>>) offsets(%dma_start3A_240 : memref<128xi32, #tpu.memory_space<vmem>>) semaphore(%arg10 : memref<!tpu.dma_semaphore, #tpu.memory_space<semaphore_mem>>) {add = true}
      %dma_start3A_244 = arith.constant 2 : i32
      %dma_start3A_245 = arith.constant 2 : i32
      %dma_start3A_246 = arith.constant 0 : i32
      %dma_start3A_247 = arith.constant 0 : i32
      %dma_start3A_248 = tpu.memref_slice %arg7[%dma_start3A_244, %dma_start3A_246, %dma_start3A_247] : memref<4x128x32xf32, #tpu.memory_space<vmem>> -> memref<1x128x32xf32, #tpu.memory_space<vmem>>
      %dma_start3A_249 = tpu.memref_squeeze %dma_start3A_248 : memref<1x128x32xf32, #tpu.memory_space<vmem>> -> memref<128x32xf32, #tpu.memory_space<vmem>>
      %dma_start3A_250 = arith.constant 0 : i32
      %dma_start3A_251 = tpu.memref_slice %arg6[%dma_start3A_245, %dma_start3A_250] : memref<4x128xi32, #tpu.memory_space<vmem>> -> memref<1x128xi32, #tpu.memory_space<vmem>>
      %dma_start3A_252 = tpu.memref_squeeze %dma_start3A_251 : memref<1x128xi32, #tpu.memory_space<vmem>> -> memref<128xi32, #tpu.memory_space<vmem>>
      %dma_start3A_253 = arith.constant 0 : i32
      %dma_start3A_254 = arith.constant 0 : i32
      %dma_start3A_255 = tpu.memref_slice %arg8[%dma_start3A_253, %dma_start3A_254] : memref<50000x32xf32, #tpu.memory_space<vmem_shared>> -> memref<50000x32xf32, #tpu.memory_space<vmem_shared>>
      tpu.enqueue_indirect_dma source(%dma_start3A_249 : memref<128x32xf32, #tpu.memory_space<vmem>>) target(%dma_start3A_255 : memref<50000x32xf32, #tpu.memory_space<vmem_shared>>) offsets(%dma_start3A_252 : memref<128xi32, #tpu.memory_space<vmem>>) semaphore(%arg10 : memref<!tpu.dma_semaphore, #tpu.memory_space<semaphore_mem>>) {add = true}
      %dma_start3A_256 = arith.constant 3 : i32
      %dma_start3A_257 = arith.constant 3 : i32
      %dma_start3A_258 = arith.constant 0 : i32
      %dma_start3A_259 = arith.constant 0 : i32
      %dma_start3A_260 = tpu.memref_slice %arg7[%dma_start3A_256, %dma_start3A_258, %dma_start3A_259] : memref<4x128x32xf32, #tpu.memory_space<vmem>> -> memref<1x128x32xf32, #tpu.memory_space<vmem>>
      %dma_start3A_261 = tpu.memref_squeeze %dma_start3A_260 : memref<1x128x32xf32, #tpu.memory_space<vmem>> -> memref<128x32xf32, #tpu.memory_space<vmem>>
      %dma_start3A_262 = arith.constant 0 : i32
      %dma_start3A_263 = tpu.memref_slice %arg6[%dma_start3A_257, %dma_start3A_262] : memref<4x128xi32, #tpu.memory_space<vmem>> -> memref<1x128xi32, #tpu.memory_space<vmem>>
      %dma_start3A_264 = tpu.memref_squeeze %dma_start3A_263 : memref<1x128xi32, #tpu.memory_space<vmem>> -> memref<128xi32, #tpu.memory_space<vmem>>
      %dma_start3A_265 = arith.constant 0 : i32
      %dma_start3A_266 = arith.constant 0 : i32
      %dma_start3A_267 = tpu.memref_slice %arg8[%dma_start3A_265, %dma_start3A_266] : memref<50000x32xf32, #tpu.memory_space<vmem_shared>> -> memref<50000x32xf32, #tpu.memory_space<vmem_shared>>
      tpu.enqueue_indirect_dma source(%dma_start3A_261 : memref<128x32xf32, #tpu.memory_space<vmem>>) target(%dma_start3A_267 : memref<50000x32xf32, #tpu.memory_space<vmem_shared>>) offsets(%dma_start3A_264 : memref<128xi32, #tpu.memory_space<vmem>>) semaphore(%arg10 : memref<!tpu.dma_semaphore, #tpu.memory_space<semaphore_mem>>) {add = true}
      %dma_wait3A_268 = arith.constant 0 : i32
      %dma_wait3A_269 = arith.constant 0 : i32
      %dma_wait3A_270 = arith.constant 0 : i32
      %dma_wait3A_271 = arith.constant 0 : i32
      %dma_wait3A_272 = tpu.memref_slice %arg7[%dma_wait3A_268, %dma_wait3A_270, %dma_wait3A_271] : memref<4x128x32xf32, #tpu.memory_space<vmem>> -> memref<1x128x32xf32, #tpu.memory_space<vmem>>
      %dma_wait3A_273 = tpu.memref_squeeze %dma_wait3A_272 : memref<1x128x32xf32, #tpu.memory_space<vmem>> -> memref<128x32xf32, #tpu.memory_space<vmem>>
      %dma_wait3A_274 = arith.constant 0 : i32
      %dma_wait3A_275 = tpu.memref_slice %arg6[%dma_wait3A_269, %dma_wait3A_274] : memref<4x128xi32, #tpu.memory_space<vmem>> -> memref<1x128xi32, #tpu.memory_space<vmem>>
      %dma_wait3A_276 = tpu.memref_squeeze %dma_wait3A_275 : memref<1x128xi32, #tpu.memory_space<vmem>> -> memref<128xi32, #tpu.memory_space<vmem>>
      %dma_wait3A_277 = arith.constant 0 : i32
      %dma_wait3A_278 = arith.constant 0 : i32
      %dma_wait3A_279 = tpu.memref_slice %arg8[%dma_wait3A_277, %dma_wait3A_278] : memref<50000x32xf32, #tpu.memory_space<vmem_shared>> -> memref<50000x32xf32, #tpu.memory_space<vmem_shared>>
      tpu.wait_indirect_dma semaphore(%arg10 : memref<!tpu.dma_semaphore, #tpu.memory_space<semaphore_mem>>) src(%dma_wait3A_273 : memref<128x32xf32, #tpu.memory_space<vmem>>) dst(%dma_wait3A_279 : memref<50000x32xf32, #tpu.memory_space<vmem_shared>>)
      %dma_wait3A_280 = arith.constant 1 : i32
      %dma_wait3A_281 = arith.constant 1 : i32
      %dma_wait3A_282 = arith.constant 0 : i32
      %dma_wait3A_283 = arith.constant 0 : i32
      %dma_wait3A_284 = tpu.memref_slice %arg7[%dma_wait3A_280, %dma_wait3A_282, %dma_wait3A_283] : memref<4x128x32xf32, #tpu.memory_space<vmem>> -> memref<1x128x32xf32, #tpu.memory_space<vmem>>
      %dma_wait3A_285 = tpu.memref_squeeze %dma_wait3A_284 : memref<1x128x32xf32, #tpu.memory_space<vmem>> -> memref<128x32xf32, #tpu.memory_space<vmem>>
      %dma_wait3A_286 = arith.constant 0 : i32
      %dma_wait3A_287 = tpu.memref_slice %arg6[%dma_wait3A_281, %dma_wait3A_286] : memref<4x128xi32, #tpu.memory_space<vmem>> -> memref<1x128xi32, #tpu.memory_space<vmem>>
      %dma_wait3A_288 = tpu.memref_squeeze %dma_wait3A_287 : memref<1x128xi32, #tpu.memory_space<vmem>> -> memref<128xi32, #tpu.memory_space<vmem>>
      %dma_wait3A_289 = arith.constant 0 : i32
      %dma_wait3A_290 = arith.constant 0 : i32
      %dma_wait3A_291 = tpu.memref_slice %arg8[%dma_wait3A_289, %dma_wait3A_290] : memref<50000x32xf32, #tpu.memory_space<vmem_shared>> -> memref<50000x32xf32, #tpu.memory_space<vmem_shared>>
      tpu.wait_indirect_dma semaphore(%arg10 : memref<!tpu.dma_semaphore, #tpu.memory_space<semaphore_mem>>) src(%dma_wait3A_285 : memref<128x32xf32, #tpu.memory_space<vmem>>) dst(%dma_wait3A_291 : memref<50000x32xf32, #tpu.memory_space<vmem_shared>>)
      %dma_wait3A_292 = arith.constant 2 : i32
      %dma_wait3A_293 = arith.constant 2 : i32
      %dma_wait3A_294 = arith.constant 0 : i32
      %dma_wait3A_295 = arith.constant 0 : i32
      %dma_wait3A_296 = tpu.memref_slice %arg7[%dma_wait3A_292, %dma_wait3A_294, %dma_wait3A_295] : memref<4x128x32xf32, #tpu.memory_space<vmem>> -> memref<1x128x32xf32, #tpu.memory_space<vmem>>
      %dma_wait3A_297 = tpu.memref_squeeze %dma_wait3A_296 : memref<1x128x32xf32, #tpu.memory_space<vmem>> -> memref<128x32xf32, #tpu.memory_space<vmem>>
      %dma_wait3A_298 = arith.constant 0 : i32
      %dma_wait3A_299 = tpu.memref_slice %arg6[%dma_wait3A_293, %dma_wait3A_298] : memref<4x128xi32, #tpu.memory_space<vmem>> -> memref<1x128xi32, #tpu.memory_space<vmem>>
      %dma_wait3A_300 = tpu.memref_squeeze %dma_wait3A_299 : memref<1x128xi32, #tpu.memory_space<vmem>> -> memref<128xi32, #tpu.memory_space<vmem>>
      %dma_wait3A_301 = arith.constant 0 : i32
      %dma_wait3A_302 = arith.constant 0 : i32
      %dma_wait3A_303 = tpu.memref_slice %arg8[%dma_wait3A_301, %dma_wait3A_302] : memref<50000x32xf32, #tpu.memory_space<vmem_shared>> -> memref<50000x32xf32, #tpu.memory_space<vmem_shared>>
      tpu.wait_indirect_dma semaphore(%arg10 : memref<!tpu.dma_semaphore, #tpu.memory_space<semaphore_mem>>) src(%dma_wait3A_297 : memref<128x32xf32, #tpu.memory_space<vmem>>) dst(%dma_wait3A_303 : memref<50000x32xf32, #tpu.memory_space<vmem_shared>>)
      %dma_wait3A_304 = arith.constant 3 : i32
      %dma_wait3A_305 = arith.constant 3 : i32
      %dma_wait3A_306 = arith.constant 0 : i32
      %dma_wait3A_307 = arith.constant 0 : i32
      %dma_wait3A_308 = tpu.memref_slice %arg7[%dma_wait3A_304, %dma_wait3A_306, %dma_wait3A_307] : memref<4x128x32xf32, #tpu.memory_space<vmem>> -> memref<1x128x32xf32, #tpu.memory_space<vmem>>
      %dma_wait3A_309 = tpu.memref_squeeze %dma_wait3A_308 : memref<1x128x32xf32, #tpu.memory_space<vmem>> -> memref<128x32xf32, #tpu.memory_space<vmem>>
      %dma_wait3A_310 = arith.constant 0 : i32
      %dma_wait3A_311 = tpu.memref_slice %arg6[%dma_wait3A_305, %dma_wait3A_310] : memref<4x128xi32, #tpu.memory_space<vmem>> -> memref<1x128xi32, #tpu.memory_space<vmem>>
      %dma_wait3A_312 = tpu.memref_squeeze %dma_wait3A_311 : memref<1x128xi32, #tpu.memory_space<vmem>> -> memref<128xi32, #tpu.memory_space<vmem>>
      %dma_wait3A_313 = arith.constant 0 : i32
      %dma_wait3A_314 = arith.constant 0 : i32
      %dma_wait3A_315 = tpu.memref_slice %arg8[%dma_wait3A_313, %dma_wait3A_314] : memref<50000x32xf32, #tpu.memory_space<vmem_shared>> -> memref<50000x32xf32, #tpu.memory_space<vmem_shared>>
      tpu.wait_indirect_dma semaphore(%arg10 : memref<!tpu.dma_semaphore, #tpu.memory_space<semaphore_mem>>) src(%dma_wait3A_309 : memref<128x32xf32, #tpu.memory_space<vmem>>) dst(%dma_wait3A_315 : memref<50000x32xf32, #tpu.memory_space<vmem_shared>>)
    }
    %scan3A_7 = arith.constant 50 : i32
    %barrier3A_8 = arith.constant 0 : index
    tpu.barrier barrier_id(%barrier3A_8)
    "tpu.region"() ({
      %run_scoped3A = tpu.sem_alloc : memref<!tpu.dma_semaphore, #tpu.memory_space<semaphore_mem>>
      %dma_start3A = arith.constant 0 : i32
      %dma_start3A_9 = tpu.memref_slice %arg5[%arg0, %mul3A_2, %dma_start3A] : memref<2x50000x32xf32, #tpu.memory_space<hbm>> -> memref<1x3125x32xf32, #tpu.memory_space<hbm>>
      %dma_start3A_10 = tpu.memref_squeeze %dma_start3A_9 : memref<1x3125x32xf32, #tpu.memory_space<hbm>> -> memref<3125x32xf32, #tpu.memory_space<hbm>>
      %dma_start3A_11 = arith.constant 0 : i32
      %dma_start3A_12 = tpu.memref_slice %arg8[%mul3A_2, %dma_start3A_11] : memref<50000x32xf32, #tpu.memory_space<vmem_shared>> -> memref<3125x32xf32, #tpu.memory_space<vmem_shared>>
      tpu.enqueue_dma source(%dma_start3A_12 : memref<3125x32xf32, #tpu.memory_space<vmem_shared>>) target(%dma_start3A_10 : memref<3125x32xf32, #tpu.memory_space<hbm>>) target_semaphore(%run_scoped3A : memref<!tpu.dma_semaphore, #tpu.memory_space<semaphore_mem>>)
      %dma_wait3A = arith.constant 0 : i32
      %dma_wait3A_13 = tpu.memref_slice %arg5[%arg0, %mul3A_2, %dma_wait3A] : memref<2x50000x32xf32, #tpu.memory_space<hbm>> -> memref<1x3125x32xf32, #tpu.memory_space<hbm>>
      %dma_wait3A_14 = tpu.memref_squeeze %dma_wait3A_13 : memref<1x3125x32xf32, #tpu.memory_space<hbm>> -> memref<3125x32xf32, #tpu.memory_space<hbm>>
      %dma_wait3A_15 = arith.constant 0 : i32
      %dma_wait3A_16 = tpu.memref_slice %arg8[%mul3A_2, %dma_wait3A_15] : memref<50000x32xf32, #tpu.memory_space<vmem_shared>> -> memref<3125x32xf32, #tpu.memory_space<vmem_shared>>
      tpu.wait_dma2 semaphore(%run_scoped3A : memref<!tpu.dma_semaphore, #tpu.memory_space<semaphore_mem>>) src(%dma_wait3A_16 : memref<3125x32xf32, #tpu.memory_space<vmem_shared>>) dst(%dma_wait3A_14 : memref<3125x32xf32, #tpu.memory_space<hbm>>)
      tpu.yield
    }) : () -> ()
    return
  }
}

#map = affine_map<(d0, d1) -> (0, 0)>
#map1 = affine_map<(d0, d1) -> (0)>
#map2 = affine_map<(d0, d1) -> (0, 0, 0)>
module attributes {stable_mosaic.version = 14 : i64} {
  func.func @sk(%arg0: i32, %arg1: i32, %arg2: memref<819200x32xf32, #tpu.memory_space<hbm>>, %arg3: memref<819200xi32, #tpu.memory_space<hbm>>, %arg4: memref<3125x32xf32, #tpu.memory_space<hbm>>, %arg5: memref<2x50000x32xf32, #tpu.memory_space<hbm>>, %arg6: memref<4x128xi32, #tpu.memory_space<vmem>>, %arg7: memref<4x128x32xf32, #tpu.memory_space<vmem>>, %arg8: memref<50000x32xf32, #tpu.memory_space<vmem_shared>>, %arg9: memref<!tpu.dma_semaphore, #tpu.memory_space<semaphore_mem>>, %arg10: memref<!tpu.dma_semaphore, #tpu.memory_space<semaphore_mem>>) attributes {dimension_semantics = [#tpu.dimension_semantics<core_parallel>, #tpu.dimension_semantics<subcore_parallel>], iteration_bounds = array<i64: 2, 16>, scalar_prefetch = 0 : i64, scratch_operands = 5 : i64, tpu.core_type = #tpu.core_type<sc_vector_subcore>, window_params = [{transform_indices = #map}, {transform_indices = #map1}, {transform_indices = #map}, {transform_indices = #map2}]} {
    %mul3A = arith.constant 2 : i32
    %mul3A_0 = arith.muli %arg1, %mul3A : i32
    %add3A = arith.addi %mul3A_0, %arg0 : i32
    %mul3A_1 = arith.constant 3125 : i32
    %mul3A_2 = arith.muli %arg1, %mul3A_1 : i32
    "tpu.region"() ({
      %run_scoped3A = tpu.sem_alloc : memref<!tpu.dma_semaphore, #tpu.memory_space<semaphore_mem>>
      %dma_start3A = arith.constant 0 : i32
      %dma_start3A_9 = tpu.memref_slice %arg8[%mul3A_2, %dma_start3A] : memref<50000x32xf32, #tpu.memory_space<vmem_shared>> -> memref<3125x32xf32, #tpu.memory_space<vmem_shared>>
      tpu.enqueue_dma source(%arg4 : memref<3125x32xf32, #tpu.memory_space<hbm>>) target(%dma_start3A_9 : memref<3125x32xf32, #tpu.memory_space<vmem_shared>>) target_semaphore(%run_scoped3A : memref<!tpu.dma_semaphore, #tpu.memory_space<semaphore_mem>>)
      %dma_wait3A = arith.constant 0 : i32
      %dma_wait3A_10 = tpu.memref_slice %arg8[%mul3A_2, %dma_wait3A] : memref<50000x32xf32, #tpu.memory_space<vmem_shared>> -> memref<3125x32xf32, #tpu.memory_space<vmem_shared>>
      tpu.wait_dma2 semaphore(%run_scoped3A : memref<!tpu.dma_semaphore, #tpu.memory_space<semaphore_mem>>) src(%arg4 : memref<3125x32xf32, #tpu.memory_space<hbm>>) dst(%dma_wait3A_10 : memref<3125x32xf32, #tpu.memory_space<vmem_shared>>)
      tpu.yield
    }) : () -> ()
    %barrier3A = arith.constant 0 : index
    tpu.barrier barrier_id(%barrier3A)
    %scan3A = arith.constant 0 : i32
    %scan3A_3 = arith.constant 0 : i32
    %scan3A_4 = arith.constant 50 : i32
    %scan3A_5 = arith.addi %scan3A_3, %scan3A_4 : i32
    %scan3A_6 = arith.constant 1 : i32
    scf.for %scan3A_9 = %scan3A_3 to %scan3A_5 step %scan3A_6  : i32 {
      %mul3A_10 = arith.constant 4 : i32
      %mul3A_11 = arith.muli %scan3A_9, %mul3A_10 : i32
      %add3A_12 = arith.constant 0 : i32
      %add3A_13 = arith.addi %mul3A_11, %add3A_12 : i32
      %mul3A_14 = arith.constant 32 : i32
      %mul3A_15 = arith.muli %add3A_13, %mul3A_14 : i32
      %add3A_16 = arith.addi %add3A, %mul3A_15 : i32
      %mul3A_17 = arith.constant 128 : i32
      %mul3A_18 = arith.muli %add3A_16, %mul3A_17 : i32
      %mul3A_19 = arith.constant 4 : i32
      %mul3A_20 = arith.muli %scan3A_9, %mul3A_19 : i32
      %add3A_21 = arith.constant 1 : i32
      %add3A_22 = arith.addi %mul3A_20, %add3A_21 : i32
      %mul3A_23 = arith.constant 32 : i32
      %mul3A_24 = arith.muli %add3A_22, %mul3A_23 : i32
      %add3A_25 = arith.addi %add3A, %mul3A_24 : i32
      %mul3A_26 = arith.constant 128 : i32
      %mul3A_27 = arith.muli %add3A_25, %mul3A_26 : i32
      %mul3A_28 = arith.constant 4 : i32
      %mul3A_29 = arith.muli %scan3A_9, %mul3A_28 : i32
      %add3A_30 = arith.constant 2 : i32
      %add3A_31 = arith.addi %mul3A_29, %add3A_30 : i32
      %mul3A_32 = arith.constant 32 : i32
      %mul3A_33 = arith.muli %add3A_31, %mul3A_32 : i32
      %add3A_34 = arith.addi %add3A, %mul3A_33 : i32
      %mul3A_35 = arith.constant 128 : i32
      %mul3A_36 = arith.muli %add3A_34, %mul3A_35 : i32
      %mul3A_37 = arith.constant 4 : i32
      %mul3A_38 = arith.muli %scan3A_9, %mul3A_37 : i32
      %add3A_39 = arith.constant 3 : i32
      %add3A_40 = arith.addi %mul3A_38, %add3A_39 : i32
      %mul3A_41 = arith.constant 32 : i32
      %mul3A_42 = arith.muli %add3A_40, %mul3A_41 : i32
      %add3A_43 = arith.addi %add3A, %mul3A_42 : i32
      %mul3A_44 = arith.constant 128 : i32
      %mul3A_45 = arith.muli %add3A_43, %mul3A_44 : i32
      %dma_start3A = arith.constant 0 : i32
      %dma_start3A_46 = arith.constant 0 : i32
      %dma_start3A_47 = tpu.memref_slice %arg6[%dma_start3A, %dma_start3A_46] : memref<4x128xi32, #tpu.memory_space<vmem>> -> memref<1x128xi32, #tpu.memory_space<vmem>>
      %dma_start3A_48 = tpu.memref_squeeze %dma_start3A_47 : memref<1x128xi32, #tpu.memory_space<vmem>> -> memref<128xi32, #tpu.memory_space<vmem>>
      %dma_start3A_49 = tpu.memref_slice %arg3[%mul3A_18] : memref<819200xi32, #tpu.memory_space<hbm>> -> memref<128xi32, #tpu.memory_space<hbm>>
      %dma_start3A_50 = arith.constant 0 : i32
      %dma_start3A_51 = tpu.memref_slice %arg6[%dma_start3A, %dma_start3A_50] : memref<4x128xi32, #tpu.memory_space<vmem>> -> memref<1x128xi32, #tpu.memory_space<vmem>>
      %dma_start3A_52 = tpu.memref_squeeze %dma_start3A_51 : memref<1x128xi32, #tpu.memory_space<vmem>> -> memref<128xi32, #tpu.memory_space<vmem>>
      %dma_start3A_53 = tpu.memref_slice %arg3[%mul3A_18] : memref<819200xi32, #tpu.memory_space<hbm>> -> memref<128xi32, #tpu.memory_space<hbm>>
      tpu.enqueue_dma source(%dma_start3A_53 : memref<128xi32, #tpu.memory_space<hbm>>) target(%dma_start3A_52 : memref<128xi32, #tpu.memory_space<vmem>>) target_semaphore(%arg9 : memref<!tpu.dma_semaphore, #tpu.memory_space<semaphore_mem>>)
      %dma_start3A_54 = arith.constant 0 : i32
      %dma_start3A_55 = arith.constant 0 : i32
      %dma_start3A_56 = arith.constant 0 : i32
      %dma_start3A_57 = tpu.memref_slice %arg7[%dma_start3A_54, %dma_start3A_55, %dma_start3A_56] : memref<4x128x32xf32, #tpu.memory_space<vmem>> -> memref<1x128x32xf32, #tpu.memory_space<vmem>>
      %dma_start3A_58 = tpu.memref_squeeze %dma_start3A_57 : memref<1x128x32xf32, #tpu.memory_space<vmem>> -> memref<128x32xf32, #tpu.memory_space<vmem>>
      %dma_start3A_59 = arith.constant 0 : i32
      %dma_start3A_60 = tpu.memref_slice %arg2[%mul3A_18, %dma_start3A_59] : memref<819200x32xf32, #tpu.memory_space<hbm>> -> memref<128x32xf32, #tpu.memory_space<hbm>>
      %dma_start3A_61 = arith.constant 0 : i32
      %dma_start3A_62 = arith.constant 0 : i32
      %dma_start3A_63 = tpu.memref_slice %arg7[%dma_start3A_54, %dma_start3A_61, %dma_start3A_62] : memref<4x128x32xf32, #tpu.memory_space<vmem>> -> memref<1x128x32xf32, #tpu.memory_space<vmem>>
      %dma_start3A_64 = tpu.memref_squeeze %dma_start3A_63 : memref<1x128x32xf32, #tpu.memory_space<vmem>> -> memref<128x32xf32, #tpu.memory_space<vmem>>
      %dma_start3A_65 = arith.constant 0 : i32
      %dma_start3A_66 = tpu.memref_slice %arg2[%mul3A_18, %dma_start3A_65] : memref<819200x32xf32, #tpu.memory_space<hbm>> -> memref<128x32xf32, #tpu.memory_space<hbm>>
      tpu.enqueue_dma source(%dma_start3A_66 : memref<128x32xf32, #tpu.memory_space<hbm>>) target(%dma_start3A_64 : memref<128x32xf32, #tpu.memory_space<vmem>>) target_semaphore(%arg9 : memref<!tpu.dma_semaphore, #tpu.memory_space<semaphore_mem>>)
      %dma_start3A_67 = arith.constant 1 : i32
      %dma_start3A_68 = arith.constant 0 : i32
      %dma_start3A_69 = tpu.memref_slice %arg6[%dma_start3A_67, %dma_start3A_68] : memref<4x128xi32, #tpu.memory_space<vmem>> -> memref<1x128xi32, #tpu.memory_space<vmem>>
      %dma_start3A_70 = tpu.memref_squeeze %dma_start3A_69 : memref<1x128xi32, #tpu.memory_space<vmem>> -> memref<128xi32, #tpu.memory_space<vmem>>
      %dma_start3A_71 = tpu.memref_slice %arg3[%mul3A_27] : memref<819200xi32, #tpu.memory_space<hbm>> -> memref<128xi32, #tpu.memory_space<hbm>>
      %dma_start3A_72 = arith.constant 0 : i32
      %dma_start3A_73 = tpu.memref_slice %arg6[%dma_start3A_67, %dma_start3A_72] : memref<4x128xi32, #tpu.memory_space<vmem>> -> memref<1x128xi32, #tpu.memory_space<vmem>>
      %dma_start3A_74 = tpu.memref_squeeze %dma_start3A_73 : memref<1x128xi32, #tpu.memory_space<vmem>> -> memref<128xi32, #tpu.memory_space<vmem>>
      %dma_start3A_75 = tpu.memref_slice %arg3[%mul3A_27] : memref<819200xi32, #tpu.memory_space<hbm>> -> memref<128xi32, #tpu.memory_space<hbm>>
      tpu.enqueue_dma source(%dma_start3A_75 : memref<128xi32, #tpu.memory_space<hbm>>) target(%dma_start3A_74 : memref<128xi32, #tpu.memory_space<vmem>>) target_semaphore(%arg9 : memref<!tpu.dma_semaphore, #tpu.memory_space<semaphore_mem>>)
      %dma_start3A_76 = arith.constant 1 : i32
      %dma_start3A_77 = arith.constant 0 : i32
      %dma_start3A_78 = arith.constant 0 : i32
      %dma_start3A_79 = tpu.memref_slice %arg7[%dma_start3A_76, %dma_start3A_77, %dma_start3A_78] : memref<4x128x32xf32, #tpu.memory_space<vmem>> -> memref<1x128x32xf32, #tpu.memory_space<vmem>>
      %dma_start3A_80 = tpu.memref_squeeze %dma_start3A_79 : memref<1x128x32xf32, #tpu.memory_space<vmem>> -> memref<128x32xf32, #tpu.memory_space<vmem>>
      %dma_start3A_81 = arith.constant 0 : i32
      %dma_start3A_82 = tpu.memref_slice %arg2[%mul3A_27, %dma_start3A_81] : memref<819200x32xf32, #tpu.memory_space<hbm>> -> memref<128x32xf32, #tpu.memory_space<hbm>>
      %dma_start3A_83 = arith.constant 0 : i32
      %dma_start3A_84 = arith.constant 0 : i32
      %dma_start3A_85 = tpu.memref_slice %arg7[%dma_start3A_76, %dma_start3A_83, %dma_start3A_84] : memref<4x128x32xf32, #tpu.memory_space<vmem>> -> memref<1x128x32xf32, #tpu.memory_space<vmem>>
      %dma_start3A_86 = tpu.memref_squeeze %dma_start3A_85 : memref<1x128x32xf32, #tpu.memory_space<vmem>> -> memref<128x32xf32, #tpu.memory_space<vmem>>
      %dma_start3A_87 = arith.constant 0 : i32
      %dma_start3A_88 = tpu.memref_slice %arg2[%mul3A_27, %dma_start3A_87] : memref<819200x32xf32, #tpu.memory_space<hbm>> -> memref<128x32xf32, #tpu.memory_space<hbm>>
      tpu.enqueue_dma source(%dma_start3A_88 : memref<128x32xf32, #tpu.memory_space<hbm>>) target(%dma_start3A_86 : memref<128x32xf32, #tpu.memory_space<vmem>>) target_semaphore(%arg9 : memref<!tpu.dma_semaphore, #tpu.memory_space<semaphore_mem>>)
      %dma_start3A_89 = arith.constant 2 : i32
      %dma_start3A_90 = arith.constant 0 : i32
      %dma_start3A_91 = tpu.memref_slice %arg6[%dma_start3A_89, %dma_start3A_90] : memref<4x128xi32, #tpu.memory_space<vmem>> -> memref<1x128xi32, #tpu.memory_space<vmem>>
      %dma_start3A_92 = tpu.memref_squeeze %dma_start3A_91 : memref<1x128xi32, #tpu.memory_space<vmem>> -> memref<128xi32, #tpu.memory_space<vmem>>
      %dma_start3A_93 = tpu.memref_slice %arg3[%mul3A_36] : memref<819200xi32, #tpu.memory_space<hbm>> -> memref<128xi32, #tpu.memory_space<hbm>>
      %dma_start3A_94 = arith.constant 0 : i32
      %dma_start3A_95 = tpu.memref_slice %arg6[%dma_start3A_89, %dma_start3A_94] : memref<4x128xi32, #tpu.memory_space<vmem>> -> memref<1x128xi32, #tpu.memory_space<vmem>>
      %dma_start3A_96 = tpu.memref_squeeze %dma_start3A_95 : memref<1x128xi32, #tpu.memory_space<vmem>> -> memref<128xi32, #tpu.memory_space<vmem>>
      %dma_start3A_97 = tpu.memref_slice %arg3[%mul3A_36] : memref<819200xi32, #tpu.memory_space<hbm>> -> memref<128xi32, #tpu.memory_space<hbm>>
      tpu.enqueue_dma source(%dma_start3A_97 : memref<128xi32, #tpu.memory_space<hbm>>) target(%dma_start3A_96 : memref<128xi32, #tpu.memory_space<vmem>>) target_semaphore(%arg9 : memref<!tpu.dma_semaphore, #tpu.memory_space<semaphore_mem>>)
      %dma_start3A_98 = arith.constant 2 : i32
      %dma_start3A_99 = arith.constant 0 : i32
      %dma_start3A_100 = arith.constant 0 : i32
      %dma_start3A_101 = tpu.memref_slice %arg7[%dma_start3A_98, %dma_start3A_99, %dma_start3A_100] : memref<4x128x32xf32, #tpu.memory_space<vmem>> -> memref<1x128x32xf32, #tpu.memory_space<vmem>>
      %dma_start3A_102 = tpu.memref_squeeze %dma_start3A_101 : memref<1x128x32xf32, #tpu.memory_space<vmem>> -> memref<128x32xf32, #tpu.memory_space<vmem>>
      %dma_start3A_103 = arith.constant 0 : i32
      %dma_start3A_104 = tpu.memref_slice %arg2[%mul3A_36, %dma_start3A_103] : memref<819200x32xf32, #tpu.memory_space<hbm>> -> memref<128x32xf32, #tpu.memory_space<hbm>>
      %dma_start3A_105 = arith.constant 0 : i32
      %dma_start3A_106 = arith.constant 0 : i32
      %dma_start3A_107 = tpu.memref_slice %arg7[%dma_start3A_98, %dma_start3A_105, %dma_start3A_106] : memref<4x128x32xf32, #tpu.memory_space<vmem>> -> memref<1x128x32xf32, #tpu.memory_space<vmem>>
      %dma_start3A_108 = tpu.memref_squeeze %dma_start3A_107 : memref<1x128x32xf32, #tpu.memory_space<vmem>> -> memref<128x32xf32, #tpu.memory_space<vmem>>
      %dma_start3A_109 = arith.constant 0 : i32
      %dma_start3A_110 = tpu.memref_slice %arg2[%mul3A_36, %dma_start3A_109] : memref<819200x32xf32, #tpu.memory_space<hbm>> -> memref<128x32xf32, #tpu.memory_space<hbm>>
      tpu.enqueue_dma source(%dma_start3A_110 : memref<128x32xf32, #tpu.memory_space<hbm>>) target(%dma_start3A_108 : memref<128x32xf32, #tpu.memory_space<vmem>>) target_semaphore(%arg9 : memref<!tpu.dma_semaphore, #tpu.memory_space<semaphore_mem>>)
      %dma_start3A_111 = arith.constant 3 : i32
      %dma_start3A_112 = arith.constant 0 : i32
      %dma_start3A_113 = tpu.memref_slice %arg6[%dma_start3A_111, %dma_start3A_112] : memref<4x128xi32, #tpu.memory_space<vmem>> -> memref<1x128xi32, #tpu.memory_space<vmem>>
      %dma_start3A_114 = tpu.memref_squeeze %dma_start3A_113 : memref<1x128xi32, #tpu.memory_space<vmem>> -> memref<128xi32, #tpu.memory_space<vmem>>
      %dma_start3A_115 = tpu.memref_slice %arg3[%mul3A_45] : memref<819200xi32, #tpu.memory_space<hbm>> -> memref<128xi32, #tpu.memory_space<hbm>>
      %dma_start3A_116 = arith.constant 0 : i32
      %dma_start3A_117 = tpu.memref_slice %arg6[%dma_start3A_111, %dma_start3A_116] : memref<4x128xi32, #tpu.memory_space<vmem>> -> memref<1x128xi32, #tpu.memory_space<vmem>>
      %dma_start3A_118 = tpu.memref_squeeze %dma_start3A_117 : memref<1x128xi32, #tpu.memory_space<vmem>> -> memref<128xi32, #tpu.memory_space<vmem>>
      %dma_start3A_119 = tpu.memref_slice %arg3[%mul3A_45] : memref<819200xi32, #tpu.memory_space<hbm>> -> memref<128xi32, #tpu.memory_space<hbm>>
      tpu.enqueue_dma source(%dma_start3A_119 : memref<128xi32, #tpu.memory_space<hbm>>) target(%dma_start3A_118 : memref<128xi32, #tpu.memory_space<vmem>>) target_semaphore(%arg9 : memref<!tpu.dma_semaphore, #tpu.memory_space<semaphore_mem>>)
      %dma_start3A_120 = arith.constant 3 : i32
      %dma_start3A_121 = arith.constant 0 : i32
      %dma_start3A_122 = arith.constant 0 : i32
      %dma_start3A_123 = tpu.memref_slice %arg7[%dma_start3A_120, %dma_start3A_121, %dma_start3A_122] : memref<4x128x32xf32, #tpu.memory_space<vmem>> -> memref<1x128x32xf32, #tpu.memory_space<vmem>>
      %dma_start3A_124 = tpu.memref_squeeze %dma_start3A_123 : memref<1x128x32xf32, #tpu.memory_space<vmem>> -> memref<128x32xf32, #tpu.memory_space<vmem>>
      %dma_start3A_125 = arith.constant 0 : i32
      %dma_start3A_126 = tpu.memref_slice %arg2[%mul3A_45, %dma_start3A_125] : memref<819200x32xf32, #tpu.memory_space<hbm>> -> memref<128x32xf32, #tpu.memory_space<hbm>>
      %dma_start3A_127 = arith.constant 0 : i32
      %dma_start3A_128 = arith.constant 0 : i32
      %dma_start3A_129 = tpu.memref_slice %arg7[%dma_start3A_120, %dma_start3A_127, %dma_start3A_128] : memref<4x128x32xf32, #tpu.memory_space<vmem>> -> memref<1x128x32xf32, #tpu.memory_space<vmem>>
      %dma_start3A_130 = tpu.memref_squeeze %dma_start3A_129 : memref<1x128x32xf32, #tpu.memory_space<vmem>> -> memref<128x32xf32, #tpu.memory_space<vmem>>
      %dma_start3A_131 = arith.constant 0 : i32
      %dma_start3A_132 = tpu.memref_slice %arg2[%mul3A_45, %dma_start3A_131] : memref<819200x32xf32, #tpu.memory_space<hbm>> -> memref<128x32xf32, #tpu.memory_space<hbm>>
      tpu.enqueue_dma source(%dma_start3A_132 : memref<128x32xf32, #tpu.memory_space<hbm>>) target(%dma_start3A_130 : memref<128x32xf32, #tpu.memory_space<vmem>>) target_semaphore(%arg9 : memref<!tpu.dma_semaphore, #tpu.memory_space<semaphore_mem>>)
      %dma_wait3A = arith.constant 0 : i32
      %dma_wait3A_133 = arith.constant 0 : i32
      %dma_wait3A_134 = tpu.memref_slice %arg6[%dma_wait3A, %dma_wait3A_133] : memref<4x128xi32, #tpu.memory_space<vmem>> -> memref<1x128xi32, #tpu.memory_space<vmem>>
      %dma_wait3A_135 = tpu.memref_squeeze %dma_wait3A_134 : memref<1x128xi32, #tpu.memory_space<vmem>> -> memref<128xi32, #tpu.memory_space<vmem>>
      %dma_wait3A_136 = tpu.memref_slice %arg3[%mul3A_18] : memref<819200xi32, #tpu.memory_space<hbm>> -> memref<128xi32, #tpu.memory_space<hbm>>
      %dma_wait3A_137 = arith.constant 0 : i32
      %dma_wait3A_138 = tpu.memref_slice %arg6[%dma_wait3A, %dma_wait3A_137] : memref<4x128xi32, #tpu.memory_space<vmem>> -> memref<1x128xi32, #tpu.memory_space<vmem>>
      %dma_wait3A_139 = tpu.memref_squeeze %dma_wait3A_138 : memref<1x128xi32, #tpu.memory_space<vmem>> -> memref<128xi32, #tpu.memory_space<vmem>>
      %dma_wait3A_140 = tpu.memref_slice %arg3[%mul3A_18] : memref<819200xi32, #tpu.memory_space<hbm>> -> memref<128xi32, #tpu.memory_space<hbm>>
      tpu.wait_dma2 semaphore(%arg9 : memref<!tpu.dma_semaphore, #tpu.memory_space<semaphore_mem>>) src(%dma_wait3A_140 : memref<128xi32, #tpu.memory_space<hbm>>) dst(%dma_wait3A_139 : memref<128xi32, #tpu.memory_space<vmem>>)
      %dma_wait3A_141 = arith.constant 0 : i32
      %dma_wait3A_142 = arith.constant 0 : i32
      %dma_wait3A_143 = arith.constant 0 : i32
      %dma_wait3A_144 = tpu.memref_slice %arg7[%dma_wait3A_141, %dma_wait3A_142, %dma_wait3A_143] : memref<4x128x32xf32, #tpu.memory_space<vmem>> -> memref<1x128x32xf32, #tpu.memory_space<vmem>>
      %dma_wait3A_145 = tpu.memref_squeeze %dma_wait3A_144 : memref<1x128x32xf32, #tpu.memory_space<vmem>> -> memref<128x32xf32, #tpu.memory_space<vmem>>
      %dma_wait3A_146 = arith.constant 0 : i32
      %dma_wait3A_147 = tpu.memref_slice %arg2[%mul3A_18, %dma_wait3A_146] : memref<819200x32xf32, #tpu.memory_space<hbm>> -> memref<128x32xf32, #tpu.memory_space<hbm>>
      %dma_wait3A_148 = arith.constant 0 : i32
      %dma_wait3A_149 = arith.constant 0 : i32
      %dma_wait3A_150 = tpu.memref_slice %arg7[%dma_wait3A_141, %dma_wait3A_148, %dma_wait3A_149] : memref<4x128x32xf32, #tpu.memory_space<vmem>> -> memref<1x128x32xf32, #tpu.memory_space<vmem>>
      %dma_wait3A_151 = tpu.memref_squeeze %dma_wait3A_150 : memref<1x128x32xf32, #tpu.memory_space<vmem>> -> memref<128x32xf32, #tpu.memory_space<vmem>>
      %dma_wait3A_152 = arith.constant 0 : i32
      %dma_wait3A_153 = tpu.memref_slice %arg2[%mul3A_18, %dma_wait3A_152] : memref<819200x32xf32, #tpu.memory_space<hbm>> -> memref<128x32xf32, #tpu.memory_space<hbm>>
      tpu.wait_dma2 semaphore(%arg9 : memref<!tpu.dma_semaphore, #tpu.memory_space<semaphore_mem>>) src(%dma_wait3A_153 : memref<128x32xf32, #tpu.memory_space<hbm>>) dst(%dma_wait3A_151 : memref<128x32xf32, #tpu.memory_space<vmem>>)
      %dma_wait3A_154 = arith.constant 1 : i32
      %dma_wait3A_155 = arith.constant 0 : i32
      %dma_wait3A_156 = tpu.memref_slice %arg6[%dma_wait3A_154, %dma_wait3A_155] : memref<4x128xi32, #tpu.memory_space<vmem>> -> memref<1x128xi32, #tpu.memory_space<vmem>>
      %dma_wait3A_157 = tpu.memref_squeeze %dma_wait3A_156 : memref<1x128xi32, #tpu.memory_space<vmem>> -> memref<128xi32, #tpu.memory_space<vmem>>
      %dma_wait3A_158 = tpu.memref_slice %arg3[%mul3A_27] : memref<819200xi32, #tpu.memory_space<hbm>> -> memref<128xi32, #tpu.memory_space<hbm>>
      %dma_wait3A_159 = arith.constant 0 : i32
      %dma_wait3A_160 = tpu.memref_slice %arg6[%dma_wait3A_154, %dma_wait3A_159] : memref<4x128xi32, #tpu.memory_space<vmem>> -> memref<1x128xi32, #tpu.memory_space<vmem>>
      %dma_wait3A_161 = tpu.memref_squeeze %dma_wait3A_160 : memref<1x128xi32, #tpu.memory_space<vmem>> -> memref<128xi32, #tpu.memory_space<vmem>>
      %dma_wait3A_162 = tpu.memref_slice %arg3[%mul3A_27] : memref<819200xi32, #tpu.memory_space<hbm>> -> memref<128xi32, #tpu.memory_space<hbm>>
      tpu.wait_dma2 semaphore(%arg9 : memref<!tpu.dma_semaphore, #tpu.memory_space<semaphore_mem>>) src(%dma_wait3A_162 : memref<128xi32, #tpu.memory_space<hbm>>) dst(%dma_wait3A_161 : memref<128xi32, #tpu.memory_space<vmem>>)
      %dma_wait3A_163 = arith.constant 1 : i32
      %dma_wait3A_164 = arith.constant 0 : i32
      %dma_wait3A_165 = arith.constant 0 : i32
      %dma_wait3A_166 = tpu.memref_slice %arg7[%dma_wait3A_163, %dma_wait3A_164, %dma_wait3A_165] : memref<4x128x32xf32, #tpu.memory_space<vmem>> -> memref<1x128x32xf32, #tpu.memory_space<vmem>>
      %dma_wait3A_167 = tpu.memref_squeeze %dma_wait3A_166 : memref<1x128x32xf32, #tpu.memory_space<vmem>> -> memref<128x32xf32, #tpu.memory_space<vmem>>
      %dma_wait3A_168 = arith.constant 0 : i32
      %dma_wait3A_169 = tpu.memref_slice %arg2[%mul3A_27, %dma_wait3A_168] : memref<819200x32xf32, #tpu.memory_space<hbm>> -> memref<128x32xf32, #tpu.memory_space<hbm>>
      %dma_wait3A_170 = arith.constant 0 : i32
      %dma_wait3A_171 = arith.constant 0 : i32
      %dma_wait3A_172 = tpu.memref_slice %arg7[%dma_wait3A_163, %dma_wait3A_170, %dma_wait3A_171] : memref<4x128x32xf32, #tpu.memory_space<vmem>> -> memref<1x128x32xf32, #tpu.memory_space<vmem>>
      %dma_wait3A_173 = tpu.memref_squeeze %dma_wait3A_172 : memref<1x128x32xf32, #tpu.memory_space<vmem>> -> memref<128x32xf32, #tpu.memory_space<vmem>>
      %dma_wait3A_174 = arith.constant 0 : i32
      %dma_wait3A_175 = tpu.memref_slice %arg2[%mul3A_27, %dma_wait3A_174] : memref<819200x32xf32, #tpu.memory_space<hbm>> -> memref<128x32xf32, #tpu.memory_space<hbm>>
      tpu.wait_dma2 semaphore(%arg9 : memref<!tpu.dma_semaphore, #tpu.memory_space<semaphore_mem>>) src(%dma_wait3A_175 : memref<128x32xf32, #tpu.memory_space<hbm>>) dst(%dma_wait3A_173 : memref<128x32xf32, #tpu.memory_space<vmem>>)
      %dma_wait3A_176 = arith.constant 2 : i32
      %dma_wait3A_177 = arith.constant 0 : i32
      %dma_wait3A_178 = tpu.memref_slice %arg6[%dma_wait3A_176, %dma_wait3A_177] : memref<4x128xi32, #tpu.memory_space<vmem>> -> memref<1x128xi32, #tpu.memory_space<vmem>>
      %dma_wait3A_179 = tpu.memref_squeeze %dma_wait3A_178 : memref<1x128xi32, #tpu.memory_space<vmem>> -> memref<128xi32, #tpu.memory_space<vmem>>
      %dma_wait3A_180 = tpu.memref_slice %arg3[%mul3A_36] : memref<819200xi32, #tpu.memory_space<hbm>> -> memref<128xi32, #tpu.memory_space<hbm>>
      %dma_wait3A_181 = arith.constant 0 : i32
      %dma_wait3A_182 = tpu.memref_slice %arg6[%dma_wait3A_176, %dma_wait3A_181] : memref<4x128xi32, #tpu.memory_space<vmem>> -> memref<1x128xi32, #tpu.memory_space<vmem>>
      %dma_wait3A_183 = tpu.memref_squeeze %dma_wait3A_182 : memref<1x128xi32, #tpu.memory_space<vmem>> -> memref<128xi32, #tpu.memory_space<vmem>>
      %dma_wait3A_184 = tpu.memref_slice %arg3[%mul3A_36] : memref<819200xi32, #tpu.memory_space<hbm>> -> memref<128xi32, #tpu.memory_space<hbm>>
      tpu.wait_dma2 semaphore(%arg9 : memref<!tpu.dma_semaphore, #tpu.memory_space<semaphore_mem>>) src(%dma_wait3A_184 : memref<128xi32, #tpu.memory_space<hbm>>) dst(%dma_wait3A_183 : memref<128xi32, #tpu.memory_space<vmem>>)
      %dma_wait3A_185 = arith.constant 2 : i32
      %dma_wait3A_186 = arith.constant 0 : i32
      %dma_wait3A_187 = arith.constant 0 : i32
      %dma_wait3A_188 = tpu.memref_slice %arg7[%dma_wait3A_185, %dma_wait3A_186, %dma_wait3A_187] : memref<4x128x32xf32, #tpu.memory_space<vmem>> -> memref<1x128x32xf32, #tpu.memory_space<vmem>>
      %dma_wait3A_189 = tpu.memref_squeeze %dma_wait3A_188 : memref<1x128x32xf32, #tpu.memory_space<vmem>> -> memref<128x32xf32, #tpu.memory_space<vmem>>
      %dma_wait3A_190 = arith.constant 0 : i32
      %dma_wait3A_191 = tpu.memref_slice %arg2[%mul3A_36, %dma_wait3A_190] : memref<819200x32xf32, #tpu.memory_space<hbm>> -> memref<128x32xf32, #tpu.memory_space<hbm>>
      %dma_wait3A_192 = arith.constant 0 : i32
      %dma_wait3A_193 = arith.constant 0 : i32
      %dma_wait3A_194 = tpu.memref_slice %arg7[%dma_wait3A_185, %dma_wait3A_192, %dma_wait3A_193] : memref<4x128x32xf32, #tpu.memory_space<vmem>> -> memref<1x128x32xf32, #tpu.memory_space<vmem>>
      %dma_wait3A_195 = tpu.memref_squeeze %dma_wait3A_194 : memref<1x128x32xf32, #tpu.memory_space<vmem>> -> memref<128x32xf32, #tpu.memory_space<vmem>>
      %dma_wait3A_196 = arith.constant 0 : i32
      %dma_wait3A_197 = tpu.memref_slice %arg2[%mul3A_36, %dma_wait3A_196] : memref<819200x32xf32, #tpu.memory_space<hbm>> -> memref<128x32xf32, #tpu.memory_space<hbm>>
      tpu.wait_dma2 semaphore(%arg9 : memref<!tpu.dma_semaphore, #tpu.memory_space<semaphore_mem>>) src(%dma_wait3A_197 : memref<128x32xf32, #tpu.memory_space<hbm>>) dst(%dma_wait3A_195 : memref<128x32xf32, #tpu.memory_space<vmem>>)
      %dma_wait3A_198 = arith.constant 3 : i32
      %dma_wait3A_199 = arith.constant 0 : i32
      %dma_wait3A_200 = tpu.memref_slice %arg6[%dma_wait3A_198, %dma_wait3A_199] : memref<4x128xi32, #tpu.memory_space<vmem>> -> memref<1x128xi32, #tpu.memory_space<vmem>>
      %dma_wait3A_201 = tpu.memref_squeeze %dma_wait3A_200 : memref<1x128xi32, #tpu.memory_space<vmem>> -> memref<128xi32, #tpu.memory_space<vmem>>
      %dma_wait3A_202 = tpu.memref_slice %arg3[%mul3A_45] : memref<819200xi32, #tpu.memory_space<hbm>> -> memref<128xi32, #tpu.memory_space<hbm>>
      %dma_wait3A_203 = arith.constant 0 : i32
      %dma_wait3A_204 = tpu.memref_slice %arg6[%dma_wait3A_198, %dma_wait3A_203] : memref<4x128xi32, #tpu.memory_space<vmem>> -> memref<1x128xi32, #tpu.memory_space<vmem>>
      %dma_wait3A_205 = tpu.memref_squeeze %dma_wait3A_204 : memref<1x128xi32, #tpu.memory_space<vmem>> -> memref<128xi32, #tpu.memory_space<vmem>>
      %dma_wait3A_206 = tpu.memref_slice %arg3[%mul3A_45] : memref<819200xi32, #tpu.memory_space<hbm>> -> memref<128xi32, #tpu.memory_space<hbm>>
      tpu.wait_dma2 semaphore(%arg9 : memref<!tpu.dma_semaphore, #tpu.memory_space<semaphore_mem>>) src(%dma_wait3A_206 : memref<128xi32, #tpu.memory_space<hbm>>) dst(%dma_wait3A_205 : memref<128xi32, #tpu.memory_space<vmem>>)
      %dma_wait3A_207 = arith.constant 3 : i32
      %dma_wait3A_208 = arith.constant 0 : i32
      %dma_wait3A_209 = arith.constant 0 : i32
      %dma_wait3A_210 = tpu.memref_slice %arg7[%dma_wait3A_207, %dma_wait3A_208, %dma_wait3A_209] : memref<4x128x32xf32, #tpu.memory_space<vmem>> -> memref<1x128x32xf32, #tpu.memory_space<vmem>>
      %dma_wait3A_211 = tpu.memref_squeeze %dma_wait3A_210 : memref<1x128x32xf32, #tpu.memory_space<vmem>> -> memref<128x32xf32, #tpu.memory_space<vmem>>
      %dma_wait3A_212 = arith.constant 0 : i32
      %dma_wait3A_213 = tpu.memref_slice %arg2[%mul3A_45, %dma_wait3A_212] : memref<819200x32xf32, #tpu.memory_space<hbm>> -> memref<128x32xf32, #tpu.memory_space<hbm>>
      %dma_wait3A_214 = arith.constant 0 : i32
      %dma_wait3A_215 = arith.constant 0 : i32
      %dma_wait3A_216 = tpu.memref_slice %arg7[%dma_wait3A_207, %dma_wait3A_214, %dma_wait3A_215] : memref<4x128x32xf32, #tpu.memory_space<vmem>> -> memref<1x128x32xf32, #tpu.memory_space<vmem>>
      %dma_wait3A_217 = tpu.memref_squeeze %dma_wait3A_216 : memref<1x128x32xf32, #tpu.memory_space<vmem>> -> memref<128x32xf32, #tpu.memory_space<vmem>>
      %dma_wait3A_218 = arith.constant 0 : i32
      %dma_wait3A_219 = tpu.memref_slice %arg2[%mul3A_45, %dma_wait3A_218] : memref<819200x32xf32, #tpu.memory_space<hbm>> -> memref<128x32xf32, #tpu.memory_space<hbm>>
      tpu.wait_dma2 semaphore(%arg9 : memref<!tpu.dma_semaphore, #tpu.memory_space<semaphore_mem>>) src(%dma_wait3A_219 : memref<128x32xf32, #tpu.memory_space<hbm>>) dst(%dma_wait3A_217 : memref<128x32xf32, #tpu.memory_space<vmem>>)
      %dma_start3A_220 = arith.constant 0 : i32
      %dma_start3A_221 = arith.constant 0 : i32
      %dma_start3A_222 = arith.constant 0 : i32
      %dma_start3A_223 = arith.constant 0 : i32
      %dma_start3A_224 = tpu.memref_slice %arg7[%dma_start3A_220, %dma_start3A_222, %dma_start3A_223] : memref<4x128x32xf32, #tpu.memory_space<vmem>> -> memref<1x128x32xf32, #tpu.memory_space<vmem>>
      %dma_start3A_225 = tpu.memref_squeeze %dma_start3A_224 : memref<1x128x32xf32, #tpu.memory_space<vmem>> -> memref<128x32xf32, #tpu.memory_space<vmem>>
      %dma_start3A_226 = arith.constant 0 : i32
      %dma_start3A_227 = tpu.memref_slice %arg6[%dma_start3A_221, %dma_start3A_226] : memref<4x128xi32, #tpu.memory_space<vmem>> -> memref<1x128xi32, #tpu.memory_space<vmem>>
      %dma_start3A_228 = tpu.memref_squeeze %dma_start3A_227 : memref<1x128xi32, #tpu.memory_space<vmem>> -> memref<128xi32, #tpu.memory_space<vmem>>
      %dma_start3A_229 = arith.constant 0 : i32
      %dma_start3A_230 = arith.constant 0 : i32
      %dma_start3A_231 = tpu.memref_slice %arg8[%dma_start3A_229, %dma_start3A_230] : memref<50000x32xf32, #tpu.memory_space<vmem_shared>> -> memref<50000x32xf32, #tpu.memory_space<vmem_shared>>
      tpu.enqueue_indirect_dma source(%dma_start3A_225 : memref<128x32xf32, #tpu.memory_space<vmem>>) target(%dma_start3A_231 : memref<50000x32xf32, #tpu.memory_space<vmem_shared>>) offsets(%dma_start3A_228 : memref<128xi32, #tpu.memory_space<vmem>>) semaphore(%arg10 : memref<!tpu.dma_semaphore, #tpu.memory_space<semaphore_mem>>) {add = true}
      %dma_start3A_232 = arith.constant 1 : i32
      %dma_start3A_233 = arith.constant 1 : i32
      %dma_start3A_234 = arith.constant 0 : i32
      %dma_start3A_235 = arith.constant 0 : i32
      %dma_start3A_236 = tpu.memref_slice %arg7[%dma_start3A_232, %dma_start3A_234, %dma_start3A_235] : memref<4x128x32xf32, #tpu.memory_space<vmem>> -> memref<1x128x32xf32, #tpu.memory_space<vmem>>
      %dma_start3A_237 = tpu.memref_squeeze %dma_start3A_236 : memref<1x128x32xf32, #tpu.memory_space<vmem>> -> memref<128x32xf32, #tpu.memory_space<vmem>>
      %dma_start3A_238 = arith.constant 0 : i32
      %dma_start3A_239 = tpu.memref_slice %arg6[%dma_start3A_233, %dma_start3A_238] : memref<4x128xi32, #tpu.memory_space<vmem>> -> memref<1x128xi32, #tpu.memory_space<vmem>>
      %dma_start3A_240 = tpu.memref_squeeze %dma_start3A_239 : memref<1x128xi32, #tpu.memory_space<vmem>> -> memref<128xi32, #tpu.memory_space<vmem>>
      %dma_start3A_241 = arith.constant 0 : i32
      %dma_start3A_242 = arith.constant 0 : i32
      %dma_start3A_243 = tpu.memref_slice %arg8[%dma_start3A_241, %dma_start3A_242] : memref<50000x32xf32, #tpu.memory_space<vmem_shared>> -> memref<50000x32xf32, #tpu.memory_space<vmem_shared>>
      tpu.enqueue_indirect_dma source(%dma_start3A_237 : memref<128x32xf32, #tpu.memory_space<vmem>>) target(%dma_start3A_243 : memref<50000x32xf32, #tpu.memory_space<vmem_shared>>) offsets(%dma_start3A_240 : memref<128xi32, #tpu.memory_space<vmem>>) semaphore(%arg10 : memref<!tpu.dma_semaphore, #tpu.memory_space<semaphore_mem>>) {add = true}
      %dma_start3A_244 = arith.constant 2 : i32
      %dma_start3A_245 = arith.constant 2 : i32
      %dma_start3A_246 = arith.constant 0 : i32
      %dma_start3A_247 = arith.constant 0 : i32
      %dma_start3A_248 = tpu.memref_slice %arg7[%dma_start3A_244, %dma_start3A_246, %dma_start3A_247] : memref<4x128x32xf32, #tpu.memory_space<vmem>> -> memref<1x128x32xf32, #tpu.memory_space<vmem>>
      %dma_start3A_249 = tpu.memref_squeeze %dma_start3A_248 : memref<1x128x32xf32, #tpu.memory_space<vmem>> -> memref<128x32xf32, #tpu.memory_space<vmem>>
      %dma_start3A_250 = arith.constant 0 : i32
      %dma_start3A_251 = tpu.memref_slice %arg6[%dma_start3A_245, %dma_start3A_250] : memref<4x128xi32, #tpu.memory_space<vmem>> -> memref<1x128xi32, #tpu.memory_space<vmem>>
      %dma_start3A_252 = tpu.memref_squeeze %dma_start3A_251 : memref<1x128xi32, #tpu.memory_space<vmem>> -> memref<128xi32, #tpu.memory_space<vmem>>
      %dma_start3A_253 = arith.constant 0 : i32
      %dma_start3A_254 = arith.constant 0 : i32
      %dma_start3A_255 = tpu.memref_slice %arg8[%dma_start3A_253, %dma_start3A_254] : memref<50000x32xf32, #tpu.memory_space<vmem_shared>> -> memref<50000x32xf32, #tpu.memory_space<vmem_shared>>
      tpu.enqueue_indirect_dma source(%dma_start3A_249 : memref<128x32xf32, #tpu.memory_space<vmem>>) target(%dma_start3A_255 : memref<50000x32xf32, #tpu.memory_space<vmem_shared>>) offsets(%dma_start3A_252 : memref<128xi32, #tpu.memory_space<vmem>>) semaphore(%arg10 : memref<!tpu.dma_semaphore, #tpu.memory_space<semaphore_mem>>) {add = true}
      %dma_start3A_256 = arith.constant 3 : i32
      %dma_start3A_257 = arith.constant 3 : i32
      %dma_start3A_258 = arith.constant 0 : i32
      %dma_start3A_259 = arith.constant 0 : i32
      %dma_start3A_260 = tpu.memref_slice %arg7[%dma_start3A_256, %dma_start3A_258, %dma_start3A_259] : memref<4x128x32xf32, #tpu.memory_space<vmem>> -> memref<1x128x32xf32, #tpu.memory_space<vmem>>
      %dma_start3A_261 = tpu.memref_squeeze %dma_start3A_260 : memref<1x128x32xf32, #tpu.memory_space<vmem>> -> memref<128x32xf32, #tpu.memory_space<vmem>>
      %dma_start3A_262 = arith.constant 0 : i32
      %dma_start3A_263 = tpu.memref_slice %arg6[%dma_start3A_257, %dma_start3A_262] : memref<4x128xi32, #tpu.memory_space<vmem>> -> memref<1x128xi32, #tpu.memory_space<vmem>>
      %dma_start3A_264 = tpu.memref_squeeze %dma_start3A_263 : memref<1x128xi32, #tpu.memory_space<vmem>> -> memref<128xi32, #tpu.memory_space<vmem>>
      %dma_start3A_265 = arith.constant 0 : i32
      %dma_start3A_266 = arith.constant 0 : i32
      %dma_start3A_267 = tpu.memref_slice %arg8[%dma_start3A_265, %dma_start3A_266] : memref<50000x32xf32, #tpu.memory_space<vmem_shared>> -> memref<50000x32xf32, #tpu.memory_space<vmem_shared>>
      tpu.enqueue_indirect_dma source(%dma_start3A_261 : memref<128x32xf32, #tpu.memory_space<vmem>>) target(%dma_start3A_267 : memref<50000x32xf32, #tpu.memory_space<vmem_shared>>) offsets(%dma_start3A_264 : memref<128xi32, #tpu.memory_space<vmem>>) semaphore(%arg10 : memref<!tpu.dma_semaphore, #tpu.memory_space<semaphore_mem>>) {add = true}
      %dma_wait3A_268 = arith.constant 0 : i32
      %dma_wait3A_269 = arith.constant 0 : i32
      %dma_wait3A_270 = arith.constant 0 : i32
      %dma_wait3A_271 = arith.constant 0 : i32
      %dma_wait3A_272 = tpu.memref_slice %arg7[%dma_wait3A_268, %dma_wait3A_270, %dma_wait3A_271] : memref<4x128x32xf32, #tpu.memory_space<vmem>> -> memref<1x128x32xf32, #tpu.memory_space<vmem>>
      %dma_wait3A_273 = tpu.memref_squeeze %dma_wait3A_272 : memref<1x128x32xf32, #tpu.memory_space<vmem>> -> memref<128x32xf32, #tpu.memory_space<vmem>>
      %dma_wait3A_274 = arith.constant 0 : i32
      %dma_wait3A_275 = tpu.memref_slice %arg6[%dma_wait3A_269, %dma_wait3A_274] : memref<4x128xi32, #tpu.memory_space<vmem>> -> memref<1x128xi32, #tpu.memory_space<vmem>>
      %dma_wait3A_276 = tpu.memref_squeeze %dma_wait3A_275 : memref<1x128xi32, #tpu.memory_space<vmem>> -> memref<128xi32, #tpu.memory_space<vmem>>
      %dma_wait3A_277 = arith.constant 0 : i32
      %dma_wait3A_278 = arith.constant 0 : i32
      %dma_wait3A_279 = tpu.memref_slice %arg8[%dma_wait3A_277, %dma_wait3A_278] : memref<50000x32xf32, #tpu.memory_space<vmem_shared>> -> memref<50000x32xf32, #tpu.memory_space<vmem_shared>>
      tpu.wait_indirect_dma semaphore(%arg10 : memref<!tpu.dma_semaphore, #tpu.memory_space<semaphore_mem>>) src(%dma_wait3A_273 : memref<128x32xf32, #tpu.memory_space<vmem>>) dst(%dma_wait3A_279 : memref<50000x32xf32, #tpu.memory_space<vmem_shared>>)
      %dma_wait3A_280 = arith.constant 1 : i32
      %dma_wait3A_281 = arith.constant 1 : i32
      %dma_wait3A_282 = arith.constant 0 : i32
      %dma_wait3A_283 = arith.constant 0 : i32
      %dma_wait3A_284 = tpu.memref_slice %arg7[%dma_wait3A_280, %dma_wait3A_282, %dma_wait3A_283] : memref<4x128x32xf32, #tpu.memory_space<vmem>> -> memref<1x128x32xf32, #tpu.memory_space<vmem>>
      %dma_wait3A_285 = tpu.memref_squeeze %dma_wait3A_284 : memref<1x128x32xf32, #tpu.memory_space<vmem>> -> memref<128x32xf32, #tpu.memory_space<vmem>>
      %dma_wait3A_286 = arith.constant 0 : i32
      %dma_wait3A_287 = tpu.memref_slice %arg6[%dma_wait3A_281, %dma_wait3A_286] : memref<4x128xi32, #tpu.memory_space<vmem>> -> memref<1x128xi32, #tpu.memory_space<vmem>>
      %dma_wait3A_288 = tpu.memref_squeeze %dma_wait3A_287 : memref<1x128xi32, #tpu.memory_space<vmem>> -> memref<128xi32, #tpu.memory_space<vmem>>
      %dma_wait3A_289 = arith.constant 0 : i32
      %dma_wait3A_290 = arith.constant 0 : i32
      %dma_wait3A_291 = tpu.memref_slice %arg8[%dma_wait3A_289, %dma_wait3A_290] : memref<50000x32xf32, #tpu.memory_space<vmem_shared>> -> memref<50000x32xf32, #tpu.memory_space<vmem_shared>>
      tpu.wait_indirect_dma semaphore(%arg10 : memref<!tpu.dma_semaphore, #tpu.memory_space<semaphore_mem>>) src(%dma_wait3A_285 : memref<128x32xf32, #tpu.memory_space<vmem>>) dst(%dma_wait3A_291 : memref<50000x32xf32, #tpu.memory_space<vmem_shared>>)
      %dma_wait3A_292 = arith.constant 2 : i32
      %dma_wait3A_293 = arith.constant 2 : i32
      %dma_wait3A_294 = arith.constant 0 : i32
      %dma_wait3A_295 = arith.constant 0 : i32
      %dma_wait3A_296 = tpu.memref_slice %arg7[%dma_wait3A_292, %dma_wait3A_294, %dma_wait3A_295] : memref<4x128x32xf32, #tpu.memory_space<vmem>> -> memref<1x128x32xf32, #tpu.memory_space<vmem>>
      %dma_wait3A_297 = tpu.memref_squeeze %dma_wait3A_296 : memref<1x128x32xf32, #tpu.memory_space<vmem>> -> memref<128x32xf32, #tpu.memory_space<vmem>>
      %dma_wait3A_298 = arith.constant 0 : i32
      %dma_wait3A_299 = tpu.memref_slice %arg6[%dma_wait3A_293, %dma_wait3A_298] : memref<4x128xi32, #tpu.memory_space<vmem>> -> memref<1x128xi32, #tpu.memory_space<vmem>>
      %dma_wait3A_300 = tpu.memref_squeeze %dma_wait3A_299 : memref<1x128xi32, #tpu.memory_space<vmem>> -> memref<128xi32, #tpu.memory_space<vmem>>
      %dma_wait3A_301 = arith.constant 0 : i32
      %dma_wait3A_302 = arith.constant 0 : i32
      %dma_wait3A_303 = tpu.memref_slice %arg8[%dma_wait3A_301, %dma_wait3A_302] : memref<50000x32xf32, #tpu.memory_space<vmem_shared>> -> memref<50000x32xf32, #tpu.memory_space<vmem_shared>>
      tpu.wait_indirect_dma semaphore(%arg10 : memref<!tpu.dma_semaphore, #tpu.memory_space<semaphore_mem>>) src(%dma_wait3A_297 : memref<128x32xf32, #tpu.memory_space<vmem>>) dst(%dma_wait3A_303 : memref<50000x32xf32, #tpu.memory_space<vmem_shared>>)
      %dma_wait3A_304 = arith.constant 3 : i32
      %dma_wait3A_305 = arith.constant 3 : i32
      %dma_wait3A_306 = arith.constant 0 : i32
      %dma_wait3A_307 = arith.constant 0 : i32
      %dma_wait3A_308 = tpu.memref_slice %arg7[%dma_wait3A_304, %dma_wait3A_306, %dma_wait3A_307] : memref<4x128x32xf32, #tpu.memory_space<vmem>> -> memref<1x128x32xf32, #tpu.memory_space<vmem>>
      %dma_wait3A_309 = tpu.memref_squeeze %dma_wait3A_308 : memref<1x128x32xf32, #tpu.memory_space<vmem>> -> memref<128x32xf32, #tpu.memory_space<vmem>>
      %dma_wait3A_310 = arith.constant 0 : i32
      %dma_wait3A_311 = tpu.memref_slice %arg6[%dma_wait3A_305, %dma_wait3A_310] : memref<4x128xi32, #tpu.memory_space<vmem>> -> memref<1x128xi32, #tpu.memory_space<vmem>>
      %dma_wait3A_312 = tpu.memref_squeeze %dma_wait3A_311 : memref<1x128xi32, #tpu.memory_space<vmem>> -> memref<128xi32, #tpu.memory_space<vmem>>
      %dma_wait3A_313 = arith.constant 0 : i32
      %dma_wait3A_314 = arith.constant 0 : i32
      %dma_wait3A_315 = tpu.memref_slice %arg8[%dma_wait3A_313, %dma_wait3A_314] : memref<50000x32xf32, #tpu.memory_space<vmem_shared>> -> memref<50000x32xf32, #tpu.memory_space<vmem_shared>>
      tpu.wait_indirect_dma semaphore(%arg10 : memref<!tpu.dma_semaphore, #tpu.memory_space<semaphore_mem>>) src(%dma_wait3A_309 : memref<128x32xf32, #tpu.memory_space<vmem>>) dst(%dma_wait3A_315 : memref<50000x32xf32, #tpu.memory_space<vmem_shared>>)
    }
    %scan3A_7 = arith.constant 50 : i32
    %barrier3A_8 = arith.constant 0 : index
    tpu.barrier barrier_id(%barrier3A_8)
    "tpu.region"() ({
      %run_scoped3A = tpu.sem_alloc : memref<!tpu.dma_semaphore, #tpu.memory_space<semaphore_mem>>
      %dma_start3A = arith.constant 0 : i32
      %dma_start3A_9 = tpu.memref_slice %arg5[%arg0, %mul3A_2, %dma_start3A] : memref<2x50000x32xf32, #tpu.memory_space<hbm>> -> memref<1x3125x32xf32, #tpu.memory_space<hbm>>
      %dma_start3A_10 = tpu.memref_squeeze %dma_start3A_9 : memref<1x3125x32xf32, #tpu.memory_space<hbm>> -> memref<3125x32xf32, #tpu.memory_space<hbm>>
      %dma_start3A_11 = arith.constant 0 : i32
      %dma_start3A_12 = tpu.memref_slice %arg8[%mul3A_2, %dma_start3A_11] : memref<50000x32xf32, #tpu.memory_space<vmem_shared>> -> memref<3125x32xf32, #tpu.memory_space<vmem_shared>>
      tpu.enqueue_dma source(%dma_start3A_12 : memref<3125x32xf32, #tpu.memory_space<vmem_shared>>) target(%dma_start3A_10 : memref<3125x32xf32, #tpu.memory_space<hbm>>) target_semaphore(%run_scoped3A : memref<!tpu.dma_semaphore, #tpu.memory_space<semaphore_mem>>)
      %dma_wait3A = arith.constant 0 : i32
      %dma_wait3A_13 = tpu.memref_slice %arg5[%arg0, %mul3A_2, %dma_wait3A] : memref<2x50000x32xf32, #tpu.memory_space<hbm>> -> memref<1x3125x32xf32, #tpu.memory_space<hbm>>
      %dma_wait3A_14 = tpu.memref_squeeze %dma_wait3A_13 : memref<1x3125x32xf32, #tpu.memory_space<hbm>> -> memref<3125x32xf32, #tpu.memory_space<hbm>>
      %dma_wait3A_15 = arith.constant 0 : i32
      %dma_wait3A_16 = tpu.memref_slice %arg8[%mul3A_2, %dma_wait3A_15] : memref<50000x32xf32, #tpu.memory_space<vmem_shared>> -> memref<3125x32xf32, #tpu.memory_space<vmem_shared>>
      tpu.wait_dma2 semaphore(%run_scoped3A : memref<!tpu.dma_semaphore, #tpu.memory_space<semaphore_mem>>) src(%dma_wait3A_16 : memref<3125x32xf32, #tpu.memory_space<vmem_shared>>) dst(%dma_wait3A_14 : memref<3125x32xf32, #tpu.memory_space<hbm>>)
      tpu.yield
    }) : () -> ()
    return
  }
}

module attributes {stable_mosaic.version = 14 : i64} {
  func.func @_trig_kernel(%arg0: i32, %arg1: memref<6400x128xf32, #tpu.memory_space<vmem>>, %arg2: memref<6400x128xf32, #tpu.memory_space<vmem>>, %arg3: memref<6400x128xf32, #tpu.memory_space<vmem>>) attributes {dimension_semantics = [#tpu.dimension_semantics<arbitrary>], iteration_bounds = array<i64: 1>, scalar_prefetch = 0 : i64, scratch_operands = 0 : i64, tpu.core_type = #tpu.core_type<tc>, window_params = [{pipeline_mode = #tpu.pipeline_mode<synchronous>, transform_indices = @transform_0, window_bounds = array<i64: 6400, 128>}, {pipeline_mode = #tpu.pipeline_mode<synchronous>, transform_indices = @transform_1, window_bounds = array<i64: 6400, 128>}, {pipeline_mode = #tpu.pipeline_mode<synchronous>, transform_indices = @transform_2, window_bounds = array<i64: 6400, 128>}]} {
    %get3A = arith.constant 0 : index
    %get3A_0 = arith.constant 0 : index
    %get3A_1 = vector.load %arg1[%get3A, %get3A_0] : memref<6400x128xf32, #tpu.memory_space<vmem>>, vector<6400x128xf32>
    %cos3A = math.cos %get3A_1 : vector<6400x128xf32>
    %swap3A = arith.constant 0 : index
    %swap3A_2 = arith.constant 0 : index
    %swap3A_3 = vector.load %arg2[%swap3A, %swap3A_2] : memref<6400x128xf32, #tpu.memory_space<vmem>>, vector<6400x128xf32>
    tpu.vector_store %arg2[%swap3A, %swap3A_2], %cos3A {strides = array<i32>} : memref<6400x128xf32, #tpu.memory_space<vmem>>, vector<6400x128xf32>,
    %sin3A = math.sin %get3A_1 : vector<6400x128xf32>
    %swap3A_4 = arith.constant 0 : index
    %swap3A_5 = arith.constant 0 : index
    %swap3A_6 = vector.load %arg3[%swap3A_4, %swap3A_5] : memref<6400x128xf32, #tpu.memory_space<vmem>>, vector<6400x128xf32>
    tpu.vector_store %arg3[%swap3A_4, %swap3A_5], %sin3A {strides = array<i32>} : memref<6400x128xf32, #tpu.memory_space<vmem>>, vector<6400x128xf32>,
    return
  }
  func.func @transform_0(%arg0: i32) -> (i32, i32) {
    %c0_i32 = arith.constant 0 : i32
    %c0_i32_0 = arith.constant 0 : i32
    %c0_i32_1 = arith.constant 0 : i32
    return %c0_i32, %c0_i32_0 : i32, i32
  }
  func.func @transform_1(%arg0: i32) -> (i32, i32) {
    %c0_i32 = arith.constant 0 : i32
    %c0_i32_0 = arith.constant 0 : i32
    %c0_i32_1 = arith.constant 0 : i32
    return %c0_i32, %c0_i32_0 : i32, i32
  }
  func.func @transform_2(%arg0: i32) -> (i32, i32) {
    %c0_i32 = arith.constant 0 : i32
    %c0_i32_0 = arith.constant 0 : i32
    %c0_i32_1 = arith.constant 0 : i32
    return %c0_i32, %c0_i32_0 : i32, i32
  }
}

module attributes {stable_mosaic.version = 14 : i64} {
  func.func @_edge_kernel(%arg0: i32, %arg1: memref<2048x32xbf16, #tpu.memory_space<vmem>>, %arg2: memref<16x128xf32, #tpu.memory_space<vmem>>, %arg3: memref<16x128xf32, #tpu.memory_space<vmem>>, %arg4: memref<8x2048xbf16, #tpu.memory_space<vmem>>, %arg5: memref<64x96xbf16, #tpu.memory_space<vmem>>, %arg6: memref<8x8xbf16, #tpu.memory_space<vmem>>, %arg7: memref<2048x32xf32, #tpu.memory_space<vmem>>) attributes {dimension_semantics = [#tpu.dimension_semantics<arbitrary>], iteration_bounds = array<i64: 400>, scalar_prefetch = 0 : i64, scratch_operands = 0 : i64, tpu.core_type = #tpu.core_type<tc>, window_params = [{transform_indices = @transform_0, window_bounds = array<i64: 2048, 32>}, {transform_indices = @transform_1, window_bounds = array<i64: 16, 128>}, {transform_indices = @transform_2, window_bounds = array<i64: 16, 128>}, {transform_indices = @transform_3, window_bounds = array<i64: 8, 2048>}, {pipeline_mode = #tpu.pipeline_mode<synchronous>, transform_indices = @transform_4, window_bounds = array<i64: 64, 96>}, {pipeline_mode = #tpu.pipeline_mode<synchronous>, transform_indices = @transform_5, window_bounds = array<i64: 8, 8>}, {transform_indices = @transform_6, window_bounds = array<i64: 2048, 32>}]} {
    %get3A = arith.constant 0 : index
    %get3A_0 = arith.constant 0 : index
    %get3A_1 = vector.load %arg1[%get3A, %get3A_0] : memref<2048x32xbf16, #tpu.memory_space<vmem>>, vector<2048x32xbf16>
    %get3A_2 = arith.constant 0 : index
    %get3A_3 = arith.constant 0 : index
    %get3A_4 = vector.load %arg2[%get3A_2, %get3A_3] : memref<16x128xf32, #tpu.memory_space<vmem>>, vector<16x128xf32>
    %get3A_5 = arith.constant 0 : index
    %get3A_6 = arith.constant 0 : index
    %get3A_7 = vector.load %arg3[%get3A_5, %get3A_6] : memref<16x128xf32, #tpu.memory_space<vmem>>, vector<16x128xf32>
    %get3A_8 = arith.constant 0 : index
    %get3A_9 = arith.constant 0 : index
    %get3A_10 = vector.load %arg4[%get3A_8, %get3A_9] : memref<8x2048xbf16, #tpu.memory_space<vmem>>, vector<8x2048xbf16>
    %get3A_11 = arith.constant 0 : index
    %get3A_12 = arith.constant 0 : index
    %get3A_13 = vector.load %arg5[%get3A_11, %get3A_12] : memref<64x96xbf16, #tpu.memory_space<vmem>>, vector<64x96xbf16>
    %get3A_14 = arith.constant 0 : index
    %get3A_15 = arith.constant 0 : index
    %get3A_16 = vector.load %arg6[%get3A_14, %get3A_15] : memref<8x8xbf16, #tpu.memory_space<vmem>>, vector<8x8xbf16>
    %mul3A = arith.constant 2048 : i32
    %mul3A_17 = arith.muli %arg0, %mul3A : i32
    %convert_element_type3A = arith.extf %get3A_1 : vector<2048x32xbf16> to vector<2048x32xf32>
    %iota3A = tpu.iota {dimensions = array<i32: 0>} : vector<2048x16xi32>
    %iota3A_18 = tpu.iota {dimensions = array<i32: 1>} : vector<2048x16xi32>
    %jit3A = arith.constant 128 : i32
    %div3A = vector.broadcast %jit3A : i32 to vector<2048x16xi32>
    %div3A_19 = arith.divsi %iota3A, %div3A : vector<2048x16xi32>
    %sign3A = arith.constant 0 : i32
    %sign3A_20 = vector.broadcast %sign3A : i32 to vector<2048x16xi32>
    %sign3A_21 = arith.cmpi sgt, %iota3A, %sign3A_20 : vector<2048x16xi32>
    %sign3A_22 = arith.extui %sign3A_21 : vector<2048x16xi1> to vector<2048x16xi32>
    %sign3A_23 = arith.constant 0 : i32
    %sign3A_24 = vector.broadcast %sign3A_23 : i32 to vector<2048x16xi32>
    %sign3A_25 = arith.cmpi slt, %iota3A, %sign3A_24 : vector<2048x16xi32>
    %sign3A_26 = arith.extui %sign3A_25 : vector<2048x16xi1> to vector<2048x16xi32>
    %sign3A_27 = arith.subi %sign3A_22, %sign3A_26 : vector<2048x16xi32>
    %sign3A_28 = arith.constant 0 : i32
    %sign3A_29 = arith.cmpi sgt, %jit3A, %sign3A_28 : i32
    %sign3A_30 = arith.extui %sign3A_29 : i1 to i32
    %sign3A_31 = arith.constant 0 : i32
    %sign3A_32 = arith.cmpi slt, %jit3A, %sign3A_31 : i32
    %sign3A_33 = arith.extui %sign3A_32 : i1 to i32
    %sign3A_34 = arith.subi %sign3A_30, %sign3A_33 : i32
    %ne3A = vector.broadcast %sign3A_34 : i32 to vector<2048x16xi32>
    %ne3A_35 = arith.cmpi ne, %sign3A_27, %ne3A : vector<2048x16xi32>
    %rem3A = vector.broadcast %jit3A : i32 to vector<2048x16xi32>
    %rem3A_36 = arith.remsi %iota3A, %rem3A : vector<2048x16xi32>
    %ne3A_37 = arith.constant 0 : i32
    %ne3A_38 = vector.broadcast %ne3A_37 : i32 to vector<2048x16xi32>
    %ne3A_39 = arith.cmpi ne, %rem3A_36, %ne3A_38 : vector<2048x16xi32>
    %and3A = arith.andi %ne3A_35, %ne3A_39 : vector<2048x16xi1>
    %sub3A = arith.constant 1 : i32
    %sub3A_40 = vector.broadcast %sub3A : i32 to vector<2048x16xi32>
    %sub3A_41 = arith.subi %div3A_19, %sub3A_40 : vector<2048x16xi32>
    %select_n3A = arith.select %and3A, %sub3A_41, %div3A_19 : vector<2048x16xi1>, vector<2048x16xi32>
    %eq3A = arith.cmpi eq, %select_n3A, %iota3A_18 : vector<2048x16xi32>
    %convert_element_type3A_42 = arith.extui %eq3A : vector<2048x16xi1> to vector<2048x16xi32>
    %convert_element_type3A_43 = arith.sitofp %convert_element_type3A_42 : vector<2048x16xi32> to vector<2048x16xf32>
    %iota3A_44 = tpu.iota {dimensions = array<i32: 0>} : vector<2048x128xi32>
    %iota3A_45 = tpu.iota {dimensions = array<i32: 1>} : vector<2048x128xi32>
    %jit3A_46 = arith.constant 128 : i32
    %eq3A_47 = arith.constant 0 : i32
    %eq3A_48 = arith.cmpi eq, %jit3A_46, %eq3A_47 : i32
    %jit3A_49 = arith.constant 1 : i32
    %select_n3A_50 = arith.select %eq3A_48, %jit3A_49, %jit3A_46 : i32
    %rem3A_51 = vector.broadcast %select_n3A_50 : i32 to vector<2048x128xi32>
    %rem3A_52 = arith.remsi %iota3A_44, %rem3A_51 : vector<2048x128xi32>
    %ne3A_53 = arith.constant 0 : i32
    %ne3A_54 = vector.broadcast %ne3A_53 : i32 to vector<2048x128xi32>
    %ne3A_55 = arith.cmpi ne, %rem3A_52, %ne3A_54 : vector<2048x128xi32>
    %lt3A = arith.constant 0 : i32
    %lt3A_56 = vector.broadcast %lt3A : i32 to vector<2048x128xi32>
    %lt3A_57 = arith.cmpi slt, %rem3A_52, %lt3A_56 : vector<2048x128xi32>
    %lt3A_58 = arith.constant 0 : i32
    %lt3A_59 = arith.cmpi slt, %select_n3A_50, %lt3A_58 : i32
    %ne3A_60 = vector.broadcast %lt3A_59 : i1 to vector<2048x128xi1>
    %ne3A_61 = vector.broadcast %ne3A_60 : vector<2048x128xi1> to vector<2048x128xi1>
    %ne3A_62 = arith.xori %lt3A_57, %ne3A_61 : vector<2048x128xi1>
    %and3A_63 = arith.andi %ne3A_62, %ne3A_55 : vector<2048x128xi1>
    %add3A = vector.broadcast %select_n3A_50 : i32 to vector<2048x128xi32>
    %add3A_64 = arith.addi %rem3A_52, %add3A : vector<2048x128xi32>
    %select_n3A_65 = arith.select %and3A_63, %add3A_64, %rem3A_52 : vector<2048x128xi1>, vector<2048x128xi32>
    %eq3A_66 = arith.cmpi eq, %iota3A_45, %select_n3A_65 : vector<2048x128xi32>
    %convert_element_type3A_67 = arith.extui %eq3A_66 : vector<2048x128xi1> to vector<2048x128xi32>
    %convert_element_type3A_68 = arith.sitofp %convert_element_type3A_67 : vector<2048x128xi32> to vector<2048x128xf32>
    %dot_general3A = arith.constant dense<0.000000e+00> : vector<2048x128xf32>
    %dot_general3A_69 = tpu.matmul %convert_element_type3A_43, %get3A_4, %dot_general3A {dimension_numbers = #tpu.dot_dimension_numbers<[1], [0], [0], [1], [0, 0, 1, 1], [], []>, transpose_lhs_hint = false} : vector<2048x16xf32>, vector<16x128xf32>, vector<2048x128xf32> -> vector<2048x128xf32>
    %mul3A_70 = arith.mulf %dot_general3A_69, %convert_element_type3A_68 : vector<2048x128xf32>
    %reduce_sum3A = arith.constant dense<0.000000e+00> : vector<2048xf32>
    %reduce_sum3A_71 = vector.multi_reduction <add>, %mul3A_70, %reduce_sum3A [1] : vector<2048x128xf32> to vector<2048xf32>
    %broadcast_in_dim3A = vector.shape_cast %reduce_sum3A_71 : vector<2048xf32> to vector<2048x1xf32>
    %dot_general3A_72 = arith.constant dense<0.000000e+00> : vector<2048x128xf32>
    %dot_general3A_73 = tpu.matmul %convert_element_type3A_43, %get3A_7, %dot_general3A_72 {dimension_numbers = #tpu.dot_dimension_numbers<[1], [0], [0], [1], [0, 0, 1, 1], [], []>, transpose_lhs_hint = false} : vector<2048x16xf32>, vector<16x128xf32>, vector<2048x128xf32> -> vector<2048x128xf32>
    %mul3A_74 = arith.mulf %dot_general3A_73, %convert_element_type3A_68 : vector<2048x128xf32>
    %reduce_sum3A_75 = arith.constant dense<0.000000e+00> : vector<2048xf32>
    %reduce_sum3A_76 = vector.multi_reduction <add>, %mul3A_74, %reduce_sum3A_75 [1] : vector<2048x128xf32> to vector<2048xf32>
    %broadcast_in_dim3A_77 = vector.shape_cast %reduce_sum3A_76 : vector<2048xf32> to vector<2048x1xf32>
    %iota3A_78 = tpu.iota {dimensions = array<i32: 1>} : vector<2048x32xi32>
    %jit3A_79 = arith.constant 3 : i32
    %eq3A_80 = arith.constant 0 : i32
    %eq3A_81 = arith.cmpi eq, %jit3A_79, %eq3A_80 : i32
    %jit3A_82 = arith.constant 1 : i32
    %select_n3A_83 = arith.select %eq3A_81, %jit3A_82, %jit3A_79 : i32
    %rem3A_84 = vector.broadcast %select_n3A_83 : i32 to vector<2048x32xi32>
    %rem3A_85 = arith.remsi %iota3A_78, %rem3A_84 : vector<2048x32xi32>
    %ne3A_86 = arith.constant 0 : i32
    %ne3A_87 = vector.broadcast %ne3A_86 : i32 to vector<2048x32xi32>
    %ne3A_88 = arith.cmpi ne, %rem3A_85, %ne3A_87 : vector<2048x32xi32>
    %lt3A_89 = arith.constant 0 : i32
    %lt3A_90 = vector.broadcast %lt3A_89 : i32 to vector<2048x32xi32>
    %lt3A_91 = arith.cmpi slt, %rem3A_85, %lt3A_90 : vector<2048x32xi32>
    %lt3A_92 = arith.constant 0 : i32
    %lt3A_93 = arith.cmpi slt, %select_n3A_83, %lt3A_92 : i32
    %ne3A_94 = vector.broadcast %lt3A_93 : i1 to vector<2048x32xi1>
    %ne3A_95 = vector.broadcast %ne3A_94 : vector<2048x32xi1> to vector<2048x32xi1>
    %ne3A_96 = arith.xori %lt3A_91, %ne3A_95 : vector<2048x32xi1>
    %and3A_97 = arith.andi %ne3A_96, %ne3A_88 : vector<2048x32xi1>
    %add3A_98 = vector.broadcast %select_n3A_83 : i32 to vector<2048x32xi32>
    %add3A_99 = arith.addi %rem3A_85, %add3A_98 : vector<2048x32xi32>
    %select_n3A_100 = arith.select %and3A_97, %add3A_99, %rem3A_85 : vector<2048x32xi1>, vector<2048x32xi32>
    %ne3A_101 = arith.constant 0 : i32
    %ne3A_102 = vector.broadcast %ne3A_101 : i32 to vector<2048x32xi32>
    %ne3A_103 = arith.cmpi ne, %select_n3A_100, %ne3A_102 : vector<2048x32xi32>
    %jit3A_104 = arith.constant 1.000000e+00 : f32
    %jit3A_105 = arith.constant 0.000000e+00 : f32
    %broadcast_in_dim3A_106 = vector.broadcast %jit3A_104 : f32 to vector<2048x32xf32>
    %broadcast_in_dim3A_107 = vector.broadcast %jit3A_105 : f32 to vector<2048x32xf32>
    %select_n3A_108 = arith.select %ne3A_103, %broadcast_in_dim3A_106, %broadcast_in_dim3A_107 : vector<2048x32xi1>, vector<2048x32xf32>
    %eq3A_109 = arith.constant 1 : i32
    %eq3A_110 = vector.broadcast %eq3A_109 : i32 to vector<2048x32xi32>
    %eq3A_111 = arith.cmpi eq, %select_n3A_100, %eq3A_110 : vector<2048x32xi32>
    %eq3A_112 = arith.constant 2 : i32
    %eq3A_113 = vector.broadcast %eq3A_112 : i32 to vector<2048x32xi32>
    %eq3A_114 = arith.cmpi eq, %select_n3A_100, %eq3A_113 : vector<2048x32xi32>
    %jit3A_115 = arith.constant -1.000000e+00 : f32
    %jit3A_116 = arith.constant 0.000000e+00 : f32
    %broadcast_in_dim3A_117 = vector.broadcast %jit3A_115 : f32 to vector<2048x32xf32>
    %broadcast_in_dim3A_118 = vector.broadcast %jit3A_116 : f32 to vector<2048x32xf32>
    %select_n3A_119 = arith.select %eq3A_114, %broadcast_in_dim3A_117, %broadcast_in_dim3A_118 : vector<2048x32xi1>, vector<2048x32xf32>
    %jit3A_120 = arith.constant 1.000000e+00 : f32
    %broadcast_in_dim3A_121 = vector.broadcast %jit3A_120 : f32 to vector<2048x32xf32>
    %select_n3A_122 = arith.select %eq3A_111, %broadcast_in_dim3A_121, %select_n3A_119 : vector<2048x32xi1>, vector<2048x32xf32>
    %sub3A_123 = arith.constant 1.000000e+00 : f32
    %sub3A_124 = vector.broadcast %sub3A_123 : f32 to vector<2048x32xf32>
    %sub3A_125 = arith.subf %sub3A_124, %select_n3A_108 : vector<2048x32xf32>
    %mul3A_126 = vector.broadcast %broadcast_in_dim3A : vector<2048x1xf32> to vector<2048x32xf32>
    %mul3A_127 = arith.mulf %mul3A_126, %select_n3A_108 : vector<2048x32xf32>
    %add3A_128 = arith.addf %sub3A_125, %mul3A_127 : vector<2048x32xf32>
    %mul3A_129 = vector.broadcast %broadcast_in_dim3A_77 : vector<2048x1xf32> to vector<2048x32xf32>
    %mul3A_130 = arith.mulf %mul3A_129, %select_n3A_122 : vector<2048x32xf32>
    %mul3A_131 = arith.mulf %convert_element_type3A, %add3A_128 : vector<2048x32xf32>
    %mul3A_132 = arith.mulf %convert_element_type3A, %mul3A_130 : vector<2048x32xf32>
    %concatenate3A = tpu.concatenate %mul3A_131, %mul3A_132 in 1 : vector<2048x32xf32>, vector<2048x32xf32> -> vector<2048x64xf32>
    %convert_element_type3A_133 = arith.truncf %concatenate3A : vector<2048x64xf32> to vector<2048x64xbf16>
    %dot_general3A_134 = arith.constant dense<0.000000e+00> : vector<2048x96xf32>
    %dot_general3A_135 = tpu.matmul %convert_element_type3A_133, %get3A_13, %dot_general3A_134 {dimension_numbers = #tpu.dot_dimension_numbers<[1], [0], [0], [1], [0, 0, 1, 1], [], []>, transpose_lhs_hint = false} : vector<2048x64xbf16>, vector<64x96xbf16>, vector<2048x96xf32> -> vector<2048x96xf32>
    %dot_general3A_136 = arith.constant dense<0.000000e+00> : vector<2048x8xf32>
    %dot_general3A_137 = tpu.matmul %get3A_10, %get3A_16, %dot_general3A_136 {dimension_numbers = #tpu.dot_dimension_numbers<[0], [0], [1], [1], [0, 1, 1, 1], [], []>, transpose_lhs_hint = false} : vector<8x2048xbf16>, vector<8x8xbf16>, vector<2048x8xf32> -> vector<2048x8xf32>
    %slice3A = vector.extract_strided_slice %dot_general3A_137 {offsets = [0, 0], sizes = [2048, 1], strides = [1, 1]} : vector<2048x8xf32> to vector<2048x1xf32>
    %slice3A_138 = vector.extract_strided_slice %dot_general3A_135 {offsets = [0, 0], sizes = [2048, 32], strides = [1, 1]} : vector<2048x96xf32> to vector<2048x32xf32>
    %mul3A_139 = vector.broadcast %slice3A : vector<2048x1xf32> to vector<2048x32xf32>
    %mul3A_140 = arith.mulf %mul3A_139, %slice3A_138 : vector<2048x32xf32>
    %slice3A_141 = vector.extract_strided_slice %dot_general3A_137 {offsets = [0, 1], sizes = [2048, 1], strides = [1, 1]} : vector<2048x8xf32> to vector<2048x1xf32>
    %slice3A_142 = vector.extract_strided_slice %dot_general3A_135 {offsets = [0, 32], sizes = [2048, 32], strides = [1, 1]} : vector<2048x96xf32> to vector<2048x32xf32>
    %mul3A_143 = vector.broadcast %slice3A_141 : vector<2048x1xf32> to vector<2048x32xf32>
    %mul3A_144 = arith.mulf %mul3A_143, %slice3A_142 : vector<2048x32xf32>
    %add3A_145 = arith.addf %mul3A_140, %mul3A_144 : vector<2048x32xf32>
    %slice3A_146 = vector.extract_strided_slice %dot_general3A_137 {offsets = [0, 2], sizes = [2048, 1], strides = [1, 1]} : vector<2048x8xf32> to vector<2048x1xf32>
    %slice3A_147 = vector.extract_strided_slice %dot_general3A_135 {offsets = [0, 64], sizes = [2048, 32], strides = [1, 1]} : vector<2048x96xf32> to vector<2048x32xf32>
    %mul3A_148 = vector.broadcast %slice3A_146 : vector<2048x1xf32> to vector<2048x32xf32>
    %mul3A_149 = arith.mulf %mul3A_148, %slice3A_147 : vector<2048x32xf32>
    %add3A_150 = arith.addf %add3A_145, %mul3A_149 : vector<2048x32xf32>
    %iota3A_151 = tpu.iota {dimensions = array<i32: 0>} : vector<2048x32xi32>
    %add3A_152 = vector.broadcast %mul3A_17 : i32 to vector<2048x32xi32>
    %add3A_153 = arith.addi %add3A_152, %iota3A_151 : vector<2048x32xi32>
    %lt3A_154 = arith.constant 800000 : i32
    %lt3A_155 = vector.broadcast %lt3A_154 : i32 to vector<2048x32xi32>
    %lt3A_156 = arith.cmpi slt, %add3A_153, %lt3A_155 : vector<2048x32xi32>
    %jit3A_157 = arith.constant 0.000000e+00 : f32
    %broadcast_in_dim3A_158 = vector.broadcast %jit3A_157 : f32 to vector<2048x32xf32>
    %select_n3A_159 = arith.select %lt3A_156, %add3A_150, %broadcast_in_dim3A_158 : vector<2048x32xi1>, vector<2048x32xf32>
    %swap3A = arith.constant 0 : index
    %swap3A_160 = arith.constant 0 : index
    %swap3A_161 = vector.load %arg7[%swap3A, %swap3A_160] : memref<2048x32xf32, #tpu.memory_space<vmem>>, vector<2048x32xf32>
    tpu.vector_store %arg7[%swap3A, %swap3A_160], %select_n3A_159 {strides = array<i32>} : memref<2048x32xf32, #tpu.memory_space<vmem>>, vector<2048x32xf32>,
    return
  }
  func.func @transform_0(%arg0: i32) -> (i32, i32) {
    %c0_i32 = arith.constant 0 : i32
    %c0_i32_0 = arith.constant 0 : i32
    return %arg0, %c0_i32 : i32, i32
  }
  func.func @transform_1(%arg0: i32) -> (i32, i32) {
    %c0_i32 = arith.constant 0 : i32
    %c0_i32_0 = arith.constant 0 : i32
    return %arg0, %c0_i32 : i32, i32
  }
  func.func @transform_2(%arg0: i32) -> (i32, i32) {
    %c0_i32 = arith.constant 0 : i32
    %c0_i32_0 = arith.constant 0 : i32
    return %arg0, %c0_i32 : i32, i32
  }
  func.func @transform_3(%arg0: i32) -> (i32, i32) {
    %c0_i32 = arith.constant 0 : i32
    %c0_i32_0 = arith.constant 0 : i32
    return %c0_i32, %arg0 : i32, i32
  }
  func.func @transform_4(%arg0: i32) -> (i32, i32) {
    %c0_i32 = arith.constant 0 : i32
    %c0_i32_0 = arith.constant 0 : i32
    %c0_i32_1 = arith.constant 0 : i32
    return %c0_i32, %c0_i32_0 : i32, i32
  }
  func.func @transform_5(%arg0: i32) -> (i32, i32) {
    %c0_i32 = arith.constant 0 : i32
    %c0_i32_0 = arith.constant 0 : i32
    %c0_i32_1 = arith.constant 0 : i32
    return %c0_i32, %c0_i32_0 : i32, i32
  }
  func.func @transform_6(%arg0: i32) -> (i32, i32) {
    %c0_i32 = arith.constant 0 : i32
    %c0_i32_0 = arith.constant 0 : i32
    return %arg0, %c0_i32 : i32, i32
  }
}

module attributes {stable_mosaic.version = 14 : i64} {
  func.func @_combine_kernel_nores(%arg0: i32, %arg1: memref<2000x32xf32, #tpu.memory_space<vmem>>, %arg2: memref<2000x32xf32, #tpu.memory_space<vmem>>, %arg3: memref<2000x32xf32, #tpu.memory_space<vmem>>, %arg4: memref<64x40xf32, #tpu.memory_space<vmem>>, %arg5: memref<8x40xf32, #tpu.memory_space<vmem>>, %arg6: memref<40x32xf32, #tpu.memory_space<vmem>>, %arg7: memref<2000x32xbf16, #tpu.memory_space<vmem>>) attributes {dimension_semantics = [#tpu.dimension_semantics<arbitrary>], iteration_bounds = array<i64: 25>, scalar_prefetch = 0 : i64, scratch_operands = 0 : i64, tpu.core_type = #tpu.core_type<tc>, window_params = [{transform_indices = @transform_0, window_bounds = array<i64: 2000, 32>}, {transform_indices = @transform_1, window_bounds = array<i64: 2000, 32>}, {transform_indices = @transform_2, window_bounds = array<i64: 2000, 32>}, {pipeline_mode = #tpu.pipeline_mode<synchronous>, transform_indices = @transform_3, window_bounds = array<i64: 64, 40>}, {pipeline_mode = #tpu.pipeline_mode<synchronous>, transform_indices = @transform_4, window_bounds = array<i64: 8, 40>}, {pipeline_mode = #tpu.pipeline_mode<synchronous>, transform_indices = @transform_5, window_bounds = array<i64: 40, 32>}, {transform_indices = @transform_6, window_bounds = array<i64: 2000, 32>}]} {
    %get3A = arith.constant 0 : index
    %get3A_0 = arith.constant 0 : index
    %get3A_1 = vector.load %arg1[%get3A, %get3A_0] : memref<2000x32xf32, #tpu.memory_space<vmem>>, vector<2000x32xf32>
    %get3A_2 = arith.constant 0 : index
    %get3A_3 = arith.constant 0 : index
    %get3A_4 = vector.load %arg2[%get3A_2, %get3A_3] : memref<2000x32xf32, #tpu.memory_space<vmem>>, vector<2000x32xf32>
    %get3A_5 = arith.constant 0 : index
    %get3A_6 = arith.constant 0 : index
    %get3A_7 = vector.load %arg3[%get3A_5, %get3A_6] : memref<2000x32xf32, #tpu.memory_space<vmem>>, vector<2000x32xf32>
    %get3A_8 = arith.constant 0 : index
    %get3A_9 = arith.constant 0 : index
    %get3A_10 = vector.load %arg4[%get3A_8, %get3A_9] : memref<64x40xf32, #tpu.memory_space<vmem>>, vector<64x40xf32>
    %get3A_11 = arith.constant 0 : index
    %get3A_12 = arith.constant 0 : index
    %get3A_13 = vector.load %arg5[%get3A_11, %get3A_12] : memref<8x40xf32, #tpu.memory_space<vmem>>, vector<8x40xf32>
    %get3A_14 = arith.constant 0 : index
    %get3A_15 = arith.constant 0 : index
    %get3A_16 = vector.load %arg6[%get3A_14, %get3A_15] : memref<40x32xf32, #tpu.memory_space<vmem>>, vector<40x32xf32>
    %add3A = arith.addf %get3A_1, %get3A_4 : vector<2000x32xf32>
    %concatenate3A = tpu.concatenate %add3A, %get3A_7 in 1 : vector<2000x32xf32>, vector<2000x32xf32> -> vector<2000x64xf32>
    %dot_general3A = arith.constant dense<0.000000e+00> : vector<2000x40xf32>
    %dot_general3A_17 = tpu.matmul %concatenate3A, %get3A_10, %dot_general3A {dimension_numbers = #tpu.dot_dimension_numbers<[1], [0], [0], [1], [0, 0, 1, 1], [], []>, transpose_lhs_hint = false} : vector<2000x64xf32>, vector<64x40xf32>, vector<2000x40xf32> -> vector<2000x40xf32>
    %slice3A = vector.extract_strided_slice %get3A_13 {offsets = [0, 0], sizes = [1, 40], strides = [1, 1]} : vector<8x40xf32> to vector<1x40xf32>
    %add3A_18 = vector.broadcast %slice3A : vector<1x40xf32> to vector<2000x40xf32>
    %add3A_19 = arith.addf %dot_general3A_17, %add3A_18 : vector<2000x40xf32>
    %max3A = arith.constant 0.000000e+00 : f32
    %max3A_20 = vector.broadcast %max3A : f32 to vector<2000x40xf32>
    %max3A_21 = arith.maximumf %add3A_19, %max3A_20 : vector<2000x40xf32>
    %dot_general3A_22 = arith.constant dense<0.000000e+00> : vector<2000x32xf32>
    %dot_general3A_23 = tpu.matmul %max3A_21, %get3A_16, %dot_general3A_22 {dimension_numbers = #tpu.dot_dimension_numbers<[1], [0], [0], [1], [0, 0, 1, 1], [], []>, transpose_lhs_hint = false} : vector<2000x40xf32>, vector<40x32xf32>, vector<2000x32xf32> -> vector<2000x32xf32>
    %convert_element_type3A = arith.truncf %dot_general3A_23 : vector<2000x32xf32> to vector<2000x32xbf16>
    %swap3A = arith.constant 0 : index
    %swap3A_24 = arith.constant 0 : index
    %swap3A_25 = vector.load %arg7[%swap3A, %swap3A_24] : memref<2000x32xbf16, #tpu.memory_space<vmem>>, vector<2000x32xbf16>
    tpu.vector_store %arg7[%swap3A, %swap3A_24], %convert_element_type3A {strides = array<i32>} : memref<2000x32xbf16, #tpu.memory_space<vmem>>, vector<2000x32xbf16>,
    return
  }
  func.func @transform_0(%arg0: i32) -> (i32, i32) {
    %c0_i32 = arith.constant 0 : i32
    %c0_i32_0 = arith.constant 0 : i32
    return %arg0, %c0_i32 : i32, i32
  }
  func.func @transform_1(%arg0: i32) -> (i32, i32) {
    %c0_i32 = arith.constant 0 : i32
    %c0_i32_0 = arith.constant 0 : i32
    return %arg0, %c0_i32 : i32, i32
  }
  func.func @transform_2(%arg0: i32) -> (i32, i32) {
    %c0_i32 = arith.constant 0 : i32
    %c0_i32_0 = arith.constant 0 : i32
    return %arg0, %c0_i32 : i32, i32
  }
  func.func @transform_3(%arg0: i32) -> (i32, i32) {
    %c0_i32 = arith.constant 0 : i32
    %c0_i32_0 = arith.constant 0 : i32
    %c0_i32_1 = arith.constant 0 : i32
    return %c0_i32, %c0_i32_0 : i32, i32
  }
  func.func @transform_4(%arg0: i32) -> (i32, i32) {
    %c0_i32 = arith.constant 0 : i32
    %c0_i32_0 = arith.constant 0 : i32
    %c0_i32_1 = arith.constant 0 : i32
    return %c0_i32, %c0_i32_0 : i32, i32
  }
  func.func @transform_5(%arg0: i32) -> (i32, i32) {
    %c0_i32 = arith.constant 0 : i32
    %c0_i32_0 = arith.constant 0 : i32
    %c0_i32_1 = arith.constant 0 : i32
    return %c0_i32, %c0_i32_0 : i32, i32
  }
  func.func @transform_6(%arg0: i32) -> (i32, i32) {
    %c0_i32 = arith.constant 0 : i32
    %c0_i32_0 = arith.constant 0 : i32
    return %arg0, %c0_i32 : i32, i32
  }
}

module attributes {stable_mosaic.version = 14 : i64} {
  func.func @_combine_kernel_res(%arg0: i32, %arg1: memref<2000x32xf32, #tpu.memory_space<vmem>>, %arg2: memref<2000x32xf32, #tpu.memory_space<vmem>>, %arg3: memref<2000x32xbf16, #tpu.memory_space<vmem>>, %arg4: memref<2000x32xf32, #tpu.memory_space<vmem>>, %arg5: memref<64x40xf32, #tpu.memory_space<vmem>>, %arg6: memref<8x40xf32, #tpu.memory_space<vmem>>, %arg7: memref<40x32xf32, #tpu.memory_space<vmem>>, %arg8: memref<2000x32xf32, #tpu.memory_space<vmem>>) attributes {dimension_semantics = [#tpu.dimension_semantics<arbitrary>], iteration_bounds = array<i64: 25>, scalar_prefetch = 0 : i64, scratch_operands = 0 : i64, tpu.core_type = #tpu.core_type<tc>, window_params = [{transform_indices = @transform_0, window_bounds = array<i64: 2000, 32>}, {transform_indices = @transform_1, window_bounds = array<i64: 2000, 32>}, {transform_indices = @transform_2, window_bounds = array<i64: 2000, 32>}, {transform_indices = @transform_3, window_bounds = array<i64: 2000, 32>}, {pipeline_mode = #tpu.pipeline_mode<synchronous>, transform_indices = @transform_4, window_bounds = array<i64: 64, 40>}, {pipeline_mode = #tpu.pipeline_mode<synchronous>, transform_indices = @transform_5, window_bounds = array<i64: 8, 40>}, {pipeline_mode = #tpu.pipeline_mode<synchronous>, transform_indices = @transform_6, window_bounds = array<i64: 40, 32>}, {transform_indices = @transform_7, window_bounds = array<i64: 2000, 32>}]} {
    %get3A = arith.constant 0 : index
    %get3A_0 = arith.constant 0 : index
    %get3A_1 = vector.load %arg1[%get3A, %get3A_0] : memref<2000x32xf32, #tpu.memory_space<vmem>>, vector<2000x32xf32>
    %get3A_2 = arith.constant 0 : index
    %get3A_3 = arith.constant 0 : index
    %get3A_4 = vector.load %arg2[%get3A_2, %get3A_3] : memref<2000x32xf32, #tpu.memory_space<vmem>>, vector<2000x32xf32>
    %get3A_5 = arith.constant 0 : index
    %get3A_6 = arith.constant 0 : index
    %get3A_7 = vector.load %arg3[%get3A_5, %get3A_6] : memref<2000x32xbf16, #tpu.memory_space<vmem>>, vector<2000x32xbf16>
    %get3A_8 = arith.constant 0 : index
    %get3A_9 = arith.constant 0 : index
    %get3A_10 = vector.load %arg4[%get3A_8, %get3A_9] : memref<2000x32xf32, #tpu.memory_space<vmem>>, vector<2000x32xf32>
    %get3A_11 = arith.constant 0 : index
    %get3A_12 = arith.constant 0 : index
    %get3A_13 = vector.load %arg5[%get3A_11, %get3A_12] : memref<64x40xf32, #tpu.memory_space<vmem>>, vector<64x40xf32>
    %get3A_14 = arith.constant 0 : index
    %get3A_15 = arith.constant 0 : index
    %get3A_16 = vector.load %arg6[%get3A_14, %get3A_15] : memref<8x40xf32, #tpu.memory_space<vmem>>, vector<8x40xf32>
    %get3A_17 = arith.constant 0 : index
    %get3A_18 = arith.constant 0 : index
    %get3A_19 = vector.load %arg7[%get3A_17, %get3A_18] : memref<40x32xf32, #tpu.memory_space<vmem>>, vector<40x32xf32>
    %add3A = arith.addf %get3A_1, %get3A_4 : vector<2000x32xf32>
    %add3A_20 = arith.addf %add3A, %get3A_10 : vector<2000x32xf32>
    %convert_element_type3A = arith.extf %get3A_7 : vector<2000x32xbf16> to vector<2000x32xf32>
    %concatenate3A = tpu.concatenate %add3A_20, %convert_element_type3A in 1 : vector<2000x32xf32>, vector<2000x32xf32> -> vector<2000x64xf32>
    %dot_general3A = arith.constant dense<0.000000e+00> : vector<2000x40xf32>
    %dot_general3A_21 = tpu.matmul %concatenate3A, %get3A_13, %dot_general3A {dimension_numbers = #tpu.dot_dimension_numbers<[1], [0], [0], [1], [0, 0, 1, 1], [], []>, transpose_lhs_hint = false} : vector<2000x64xf32>, vector<64x40xf32>, vector<2000x40xf32> -> vector<2000x40xf32>
    %slice3A = vector.extract_strided_slice %get3A_16 {offsets = [0, 0], sizes = [1, 40], strides = [1, 1]} : vector<8x40xf32> to vector<1x40xf32>
    %add3A_22 = vector.broadcast %slice3A : vector<1x40xf32> to vector<2000x40xf32>
    %add3A_23 = arith.addf %dot_general3A_21, %add3A_22 : vector<2000x40xf32>
    %max3A = arith.constant 0.000000e+00 : f32
    %max3A_24 = vector.broadcast %max3A : f32 to vector<2000x40xf32>
    %max3A_25 = arith.maximumf %add3A_23, %max3A_24 : vector<2000x40xf32>
    %dot_general3A_26 = arith.constant dense<0.000000e+00> : vector<2000x32xf32>
    %dot_general3A_27 = tpu.matmul %max3A_25, %get3A_19, %dot_general3A_26 {dimension_numbers = #tpu.dot_dimension_numbers<[1], [0], [0], [1], [0, 0, 1, 1], [], []>, transpose_lhs_hint = false} : vector<2000x40xf32>, vector<40x32xf32>, vector<2000x32xf32> -> vector<2000x32xf32>
    %swap3A = arith.constant 0 : index
    %swap3A_28 = arith.constant 0 : index
    %swap3A_29 = vector.load %arg8[%swap3A, %swap3A_28] : memref<2000x32xf32, #tpu.memory_space<vmem>>, vector<2000x32xf32>
    tpu.vector_store %arg8[%swap3A, %swap3A_28], %dot_general3A_27 {strides = array<i32>} : memref<2000x32xf32, #tpu.memory_space<vmem>>, vector<2000x32xf32>,
    return
  }
  func.func @transform_0(%arg0: i32) -> (i32, i32) {
    %c0_i32 = arith.constant 0 : i32
    %c0_i32_0 = arith.constant 0 : i32
    return %arg0, %c0_i32 : i32, i32
  }
  func.func @transform_1(%arg0: i32) -> (i32, i32) {
    %c0_i32 = arith.constant 0 : i32
    %c0_i32_0 = arith.constant 0 : i32
    return %arg0, %c0_i32 : i32, i32
  }
  func.func @transform_2(%arg0: i32) -> (i32, i32) {
    %c0_i32 = arith.constant 0 : i32
    %c0_i32_0 = arith.constant 0 : i32
    return %arg0, %c0_i32 : i32, i32
  }
  func.func @transform_3(%arg0: i32) -> (i32, i32) {
    %c0_i32 = arith.constant 0 : i32
    %c0_i32_0 = arith.constant 0 : i32
    return %arg0, %c0_i32 : i32, i32
  }
  func.func @transform_4(%arg0: i32) -> (i32, i32) {
    %c0_i32 = arith.constant 0 : i32
    %c0_i32_0 = arith.constant 0 : i32
    %c0_i32_1 = arith.constant 0 : i32
    return %c0_i32, %c0_i32_0 : i32, i32
  }
  func.func @transform_5(%arg0: i32) -> (i32, i32) {
    %c0_i32 = arith.constant 0 : i32
    %c0_i32_0 = arith.constant 0 : i32
    %c0_i32_1 = arith.constant 0 : i32
    return %c0_i32, %c0_i32_0 : i32, i32
  }
  func.func @transform_6(%arg0: i32) -> (i32, i32) {
    %c0_i32 = arith.constant 0 : i32
    %c0_i32_0 = arith.constant 0 : i32
    %c0_i32_1 = arith.constant 0 : i32
    return %c0_i32, %c0_i32_0 : i32, i32
  }
  func.func @transform_7(%arg0: i32) -> (i32, i32) {
    %c0_i32 = arith.constant 0 : i32
    %c0_i32_0 = arith.constant 0 : i32
    return %arg0, %c0_i32 : i32, i32
  }
}

</mosaic_0001>

<sc_bundles>
// kernel: kernel.11.cloned.1.call-start
scs
__scs_entry_jumppad:
0x0: {  	(pc) =	sbr.rel $0x88, $3  }
0x1: {  	(tag) =	ssettag $0x0;
	lr =	simm.s32 $0x1  }
0x2: {  	[smem:$0x3F95] =	sst lr;
	_ =	strace $0xD0000000  }
0x3: {  	_ = 	snop  }
0x4: {  	_ = 	snop  }
0x5: {  	_ = 	snop  }
0x6: {  	_ = 	snop  }
0x7: {  	_ = 	snop  }
__scs_overlays_trampoline_lowered:
0x8: {  	[smem:$0x3FA4] =	sst s0  }
0x9: {  	[smem:$0x3FA5] =	sst s1  }
0xa: {  	[smem:$0x3FA6] =	sst s2  }
0xb: {  	[smem:$0x3FA7] =	sst s3  }
0xc: {  	[smem:$0x3FA8] =	sst s4  }
0xd: {  	[smem:$0x3FA9] =	sst s5  }
0xe: {  	[smem:$0x3FAA] =	sst s6  }
0xf: {  	[smem:$0x3FAB] =	sst s7  }
0x10: {  	[smem:$0x3FAC] =	sst s8  }
0x11: {  	[smem:$0x3FAD] =	sst s9;
	s0 =	simm.s32 @!p0 $0x0  }
0x12: {  	s1 =	sld [smem:$0x3F93];
	s0 =	simm.s32 @p0 $0x1  }
0x13: {  	[smem:$0x3FAE] =	sst s0;
	s0 =	simm.s32 @!p1 $0x0  }
0x14: {  	s2 =	sld [smem:$0x3F92];
	s0 =	simm.s32 @p1 $0x1  }
0x15: {  	[smem:$0x3FAF] =	sst s0;
	s0 =	simm.s32 @!p2 $0x0  }
0x16: {  	s3 =	sld [smem:$0x3FDB];
	s0 =	simm.s32 @p2 $0x1  }
0x17: {  	s4 =	simm.s32 $0x1BF5;
	[smem:$0x3FB1] =	sst s0  }
0x18: {  	s0 =	sld [smem:$0x3F94];
	_ =	swait.ge [sflag:s4], $0x0  }
0x19: {  	s7 =	sld [smem:$0x3F95]  }
0x1a: {  	s8 =	sadd.s32 $0xFFFFE003, lr  }
0x1b: {  	s9 =	sadd.s32 $0xFFFFFEF7, lr;
	s5 =	simm.s32 $0xFFFFFFFF;
	p2 =	slt.u32 s8, $0xFFFFF086  }
0x1c: {  	p1 =	slt.u32 s9, $0xF7A;
	s5 =	simm.s32 @!p2 $0x0  }
0x1d: {  	s5 =	simm.s32 @p1 $0x1;
	p0 =	seq.s32 s7, s2  }
0x1e: {  	s7 =	smul.u32 @!p0 $0xF7A, s2;
	p2 =	seq.s32 @!p0 s5, $0x0  }
0x1f: {  	s9 =	smul.u32 $0xF7A, s1;
	s8 =	simm.s32 @!p0 $0x1BF5;
	p2 =	por !p2, p0  }
0x20: {  	[sflag:s8] =	ssyncset.s32 @!p0 $0xFFFFF086;
	s6 =	sadd.s32 @!p0 s3, s7;
	s7 =	simm.s32 @!p0 $0x108  }
0x21: {  	s3 =	sadd.s32 s3, s9;
	s6 =	sadd.s32 @!p0 $0x88, s6;
	s7 =	simm.s32 @p2 $0x1082  }
0x22: {  	[simem:s7], [sflag:s8] =	dma.local @!p0 [hbm:s6], $0xF7A  }
0x23: {  	s9 =	sor.u32 $0xD0000000, s2;
	s6 =	simm.s32 $0x108;
	_ =	swait.ge @!p0 [sflag:s8], $0x0  }
0x24: {  	s3 =	sadd.s32 $0x88, s3;
	s6 =	simm.s32 @!p1 $0x1082;
	[sflag:s4] =	ssyncset.s32 $0xFFFFF086  }
0x25: {  	[simem:s6], [sflag:s4] =	dma.local [hbm:s3], $0xF7A  }
0x26: {  	[smem:$0x3F95] =	sst s1;
	(tag) =	ssettag s2;
	_ =	strace s9  }
0x27: {  	s1 =	sld [smem:$0x3FA5]  }
0x28: {  	s2 =	sld [smem:$0x3FA6]  }
0x29: {  	s4 =	sld [smem:$0x3FA8]  }
0x2a: {  	p0 =	seq.s32 s5, $0x0;
	s5 =	sld [smem:$0x3FA9]  }
0x2b: {  	s6 =	sld [smem:$0x3FAA]  }
0x2c: {  	s7 =	sld [smem:$0x3FAB]  }
0x2d: {  	s3 =	simm.s32 $0x108;
	s8 =	sld [smem:$0x3FAC]  }
0x2e: {  	s3 =	simm.s32 @!p0 $0x1082;
	s9 =	sld [smem:$0x3FAD]  }
0x2f: {  	lr =	sadd.s32 s0, s3;
	s0 =	sld [smem:$0x3FA4]  }
0x30: {  	s3 =	sld [smem:$0x3FA7]  }
0x31: {  	[smem:$0x3FB0] =	sst s10  }
0x32: {  	s10 =	sld [smem:$0x3FAE];
	_ =	sdelay $0x3  }
0x33: {  	p0 =	seq.s32 s10, $0x1;
	s10 =	sld [smem:$0x3FB0];
	_ =	sdelay $0x3  }
0x34: {  	[smem:$0x3FB0] =	sst s10  }
0x35: {  	s10 =	sld [smem:$0x3FAF];
	_ =	sdelay $0x3  }
0x36: {  	p1 =	seq.s32 s10, $0x1;
	s10 =	sld [smem:$0x3FB0];
	_ =	sdelay $0x3  }
0x37: {  	[smem:$0x3FB0] =	sst s10  }
0x38: {  	s10 =	sld [smem:$0x3FB1]  }
0x39: {  	_ = 	snop;
	(pc) =	sbr.ind lr, $3  }
0x3a: {  	_ = 	snop  }
0x3b: {  	_ = 	snop  }
0x3c: {  	p2 =	seq.s32 s10, $0x1;
	s10 =	sld [smem:$0x3FB0]  }
0x3d: {  	_ =	shalt  }
0x3e: {  	_ =	shalt  }
0x3f: {  	_ =	shalt  }
0x40: {  	_ =	shalt  }
0x41: {  	_ =	shalt  }
0x42: {  	_ =	shalt  }
0x43: {  	_ =	shalt  }
0x44: {  	_ =	shalt  }
0x45: {  	_ =	shalt  }
0x46: {  	_ =	shalt  }
0x47: {  	_ =	shalt  }
0x48: {  	_ =	shalt  }
0x49: {  	_ =	shalt  }
0x4a: {  	_ =	shalt  }
0x4b: {  	_ =	shalt  }
0x4c: {  	_ =	shalt  }
0x4d: {  	_ =	shalt  }
0x4e: {  	_ =	shalt  }
0x4f: {  	_ =	shalt  }
0x50: {  	_ =	shalt  }
0x51: {  	_ =	shalt  }
0x52: {  	_ =	shalt  }
0x53: {  	_ =	shalt  }
0x54: {  	_ =	shalt  }
0x55: {  	_ =	shalt  }
0x56: {  	_ =	shalt  }
0x57: {  	_ =	shalt  }
0x58: {  	_ =	shalt  }
0x59: {  	_ =	shalt  }
0x5a: {  	_ =	shalt  }
0x5b: {  	_ =	shalt  }
0x5c: {  	_ =	shalt  }
0x5d: {  	_ =	shalt  }
0x5e: {  	_ =	shalt  }
0x5f: {  	_ =	shalt  }
0x60: {  	_ =	shalt  }
0x61: {  	_ =	shalt  }
0x62: {  	_ =	shalt  }
0x63: {  	_ =	shalt  }
0x64: {  	_ =	shalt  }
0x65: {  	_ =	shalt  }
0x66: {  	_ =	shalt  }
0x67: {  	_ =	shalt  }
0x68: {  	_ =	shalt  }
0x69: {  	_ =	shalt  }
0x6a: {  	_ =	shalt  }
0x6b: {  	_ =	shalt  }
0x6c: {  	_ =	shalt  }
0x6d: {  	_ =	shalt  }
0x6e: {  	_ =	shalt  }
0x6f: {  	_ =	shalt  }
0x70: {  	_ =	shalt  }
0x71: {  	_ =	shalt  }
0x72: {  	_ =	shalt  }
0x73: {  	_ =	shalt  }
0x74: {  	_ =	shalt  }
0x75: {  	_ =	shalt  }
0x76: {  	_ =	shalt  }
0x77: {  	_ =	shalt  }
0x78: {  	_ =	shalt  }
0x79: {  	_ =	shalt  }
0x7a: {  	_ =	shalt  }
0x7b: {  	_ =	shalt  }
0x7c: {  	_ =	shalt  }
0x7d: {  	_ =	shalt  }
0x7e: {  	_ =	shalt  }
0x7f: {  	_ =	shalt  }
0x80: {  	_ =	shalt  }
0x81: {  	_ =	shalt  }
0x82: {  	_ =	shalt  }
0x83: {  	_ =	shalt  }
0x84: {  	_ =	shalt  }
0x85: {  	_ =	shalt  }
0x86: {  	_ =	shalt  }
0x87: {  	_ =	shalt  }
.Lfunc_end0:
.L_simem_size_0:
called_computation_lowered:
.L_overlay_start_0:
0x88: {  	s2 =	sld [smem:$0x3FD9]  }
0x89: {  	s3 =	sld [smem:$0x3FFE];
	_ =	sdelay $0x1  }
0x8a: {  	s1 =	srdreg.scid  }
0x8b: {  	s0 =	sand.u32 $0x1, s1  }
0x8c: {  	s17 =	sshll.u32 s0, $0xA;
	s2 =	sadd.s32 s3, s2  }
0x8d: {  	s2 =	sadd.s32 s2, s17  }
0x8e: {  	[smem:$0x3FBC] =	sst s2  }
0x8f: {  	_ = 	snop  }
0x90: {  	s2 =	sld [smem:$0x3FD0];
	(tm) =	ssettm $0x1  }
0x91: {  	s18 =	sld [smem:$0x3FFB];
	_ =	sdelay $0x3  }
0x92: {  	_ =	strace s18  }
0x93: {  	s3 =	sld [smem:$0x3FFC];
	_ =	sdelay $0x3  }
0x94: {  	_ =	strace s3  }
0x95: {  	s3 =	sld [smem:$0x3FFD];
	_ =	sdelay $0x3  }
0x96: {  	_ =	strace s3  }
0x97: {  	_ =	strace $0x8FFFFFFF  }
0x98: {  	s19 =	sld [smem:$0x3FDB];
	_ =	sdelay $0x1  }
0x99: {  	s4 =	simm.s32 $_scs_section_size  }
0x9a: {  	s5 =	simm.s32 $_size__tile_overlayer_lowered;
	s6 =	simm.s32 $_tile_overlayer_lowered  }
0x9b: {  	s22 =	simm.s32 $0x1BFF;
	s21 =	sshll.u32 s6, $0x1;
	s3 =	sadd.s32 s4, s19  }
0x9c: {  	s7 =	simm.s32 $0x0;
	s20 =	sshll.u32 s5, $0x1;
	s5 =	sadd.s32 s21, s3  }
0x9d: {  	[timem:s7], [sflag:s22] =	dma.local [hbm:s5], s20  }
0x9e: {  	_ =	swait.ge [sflag:s22], s20  }
0x9f: {  	s4 =	ssub.s32 $0x0, s20;
	[sflag:s22] =	ssyncset.done $0x0  }
0xa0: {  	[sflag:s22] =	ssyncadd.s32 s4;
	_ =	sdelay $0x1  }
0xa1: {  	s23 =	simm.s32 $0x1B8B  }
0xa2: {  	_ =	swait.ge [sflag:s23], $0x1  }
0xa3: {  	[sflag:s23] =	ssyncset.done $0x0  }
0xa4: {  	s25 =	simm.s32 $0x1B8E;
	s24 =	sld [smem:$0x3FFE];
	[sflag:s23] =	ssyncadd.s32 $0xFFFFFFFF  }
0xa5: {  	s26 =	simm.s32 $execute0_lowered;
	[smem:$0x3FD2] =	sst s25  }
0xa6: {  	s5 =	sshll.u32 s26, $0x1;
	_ =	strace $0x80000046;
	[dreg:$0x1] =	wrdreg $0xFFFFFFFF  }
0xa7: {  	s28 =	simm.s32 $_size_execute0_lowered;
	s3 =	sadd.s32 s3, s5;
	[dreg:$0x0] =	wrdreg $0x0  }
0xa8: {  	s5 =	sshll.u32 s28, $0x1;
	[dreg:$0x2] =	wrdreg s3  }
0xa9: {  	[dreg:$0x3] =	wrdreg s5  }
0xaa: {  	[dreg:$0x4] =	wrdreg $0xC0  }
0xab: {  	_ =	task [dreg:s7], $0x5FFFF  }
0xac: {  	[dreg:$0x1] =	wrdreg $0xFFFFFFFF  }
0xad: {  	[dreg:$0x0] =	wrdreg $0x60  }
0xae: {  	[dreg:$0x2] =	wrdreg s24  }
0xaf: {  	[dreg:$0x3] =	wrdreg s2  }
0xb0: {  	[dreg:$0x4] =	wrdreg $0x9  }
0xb1: {  	_ =	task.clear_ibuf [dreg:s7], $0x5FFFF;
	_ =	strace $0x90000046  }
0xb2: {  	s29 =	simm.s32 $0x9;
	_ =	strace $0x80000048  }
0xb3: {  	_ =	swait.ge [sflag:s29], $0x1  }
0xb4: {  	[sflag:s29] =	ssyncadd.s32 $0xFFFFFFFF  }
0xb5: {  	_ =	strace $0x90000048  }
0xb6: {  	_ =	sfence  }
0xb7: {  	s30 =	sld [smem:$0x0];
	_ =	sdelay $0x2  }
0xb8: {  	s31 =	sshll.u32 s1, $0xD;
	s1 =	sshrl.u32 s1, $0x2  }
0xb9: {  	s3 =	sand.u32 $0x4000, s31;
	s1 =	sadd.s32 s1, s30  }
0xba: {  	s0 =	sor.u32 s3, s0;
	s1 =	sshll.u32 s1, $0x11  }
0xbb: {  	s0 =	sor.u32 s1, s0  }
0xbc: {  	s0 =	sadd.s32 $0x8F2B, s0  }
0xbd: {  	[sflag:s0] =	ssyncadd.remote.s32 $0x1  }
0xbe: {  	_ =	sfence.sel $0xFFFF  }
0xbf: {  	[dreg:$0x0] =	wrdreg $0xFFFFFFFF;
	(pc) =	sbr.abs _section_cstart, $3  }
0xc0: {  	[dreg:$0x1] =	wrdreg $0xFFFFFFFF  }
0xc1: {  	_ =	task.clear_ibuf [dreg:s7], $0x2FFFF;
	_ =	strace $0x9FFFFFFF  }
0xc2: {  	(tm) =	ssettm $0x7FFFFFFF  }
0xc3: {  	_ =	shalt  }
tec
execute0_lowered:
.L_overlay_start_1:
0x0: {  	(tag) =	ssettag $0x1  }
0x1: {  	s4 =	rddreg [dreg:$0x0]  }
0x2: {  	s2 =	rddreg [dreg:$0x1]  }
0x3: {  	s3 =	simm.s32 $0x0;
	s1 =	stileid.u32;
	s5 =	srdreg.scid  }
0x4: {  	s12 =	simm.s32 $0x380;
	s13 =	simm.s32 $0x1;
	s14 =	simm.s32 $0x400  }
0x5: {  	s15 =	simm.s32 $0xC00;
	s16 =	simm.s32 $0x1400;
	s17 =	simm.s32 $0x1C00  }
0x6: {  	s18 =	simm.s32 $0x2400;
	s19 =	simm.s32 $0x2C00;
	s20 =	simm.s32 $0x3400  }
0x7: {  	s21 =	simm.s32 $0x3C00;
	s22 =	simm.s32 $0x2;
	s23 =	simm.s32 $0x3  }
0x8: {  	s24 =	simm.s32 $0x0;
	[smem:$0x7FF] =	sst s3;
	s6 =	sshll.u32 s1, $0x9  }
0x9: {  	s5 =	sand.u32 $0x1, s5;
	s9 =	sshll.u32 s1, $0x5;
	s11 =	sshll.u32 s1, $0x8  }
0xa: {  	_ =	strace $0x80000047;
	s6 =	sadd.s32 s6, s4;
	s7 =	sshll.u32 s5, $0x8  }
0xb: {  	s4 =	sadd.s32 $0xE3C00, s4;
	s8 =	ssub.s32 $0x2, s5;
	s10 =	sshll.u32 s5, $0x4  }
0xc: {  	s5 =	sshll.u32 s5, $0x7;
	s6 =	sadd.s32 s7, s6;
	s29 =	sshrl.u32 s8, $0x1  }
0xd: {  	s30 =	sor.u32 s10, s9;
	s5 =	sor.u32 s5, s11;
	s9 =	simm.s32 $0x200  }
0xe: {  	s10 =	simm.s32 $0x280;
	s11 =	simm.s32 $0x300;
	s6 =	sadd.s32 $0xFC400, s6  }
0xf: {  	s7 =	ssub.s32 s8, s29;
	[dreg:$0x4] =	wrdreg s30;
	s31 =	sshrl.u32 s5, $0x3  }
0x10: {  	s8 =	simm.s32 $0x180;
	[dreg:$0x3] =	wrdreg s6;
	s5 =	smax.u32 s7, $0x1  }
0x11: {  	[dreg:$0x5] =	wrdreg s31;
	s6 =	simm.s32 $0x80;
	s7 =	simm.s32 $0x100  }
.LBB2_1:
0x12: {  	s25 =	rddreg [dreg:$0x5]  }
0x13: {  	s26 =	rddreg [dreg:$0x4];
	s25 =	sadd.s32 s2, s25  }
0x14: {  	[tilespmem:s3], [sflag:$0x1] =	stream.linear.gather [hbm4b:s25+s3], $0x80, $0x38;
	[tilespmem:$0x4400] =	vst v63  }
0x15: {  	s25 =	sadd.s32 s2, s26  }
0x16: {  	s26 =	sadd.s32 $0x200, s25  }
0x17: {  	[tilespmem:s6], [sflag:$0x1] =	stream.linear.gather [hbm4b:s26+s3], $0x80, $0x38;
	[tilespmem:$0x4400] =	vst v63  }
0x18: {  	s0 =	sadd.s32 $0x400, s25  }
0x19: {  	[tilespmem:s7], [sflag:$0x1] =	stream.linear.gather [hbm4b:s0+s3], $0x80, $0x38;
	[tilespmem:$0x4400] =	vst v63  }
0x1a: {  	s29 =	sadd.s32 $0x600, s25  }
0x1b: {  	[tilespmem:s8], [sflag:$0x1] =	stream.linear.gather [hbm4b:s29+s3], $0x80, $0x38;
	[tilespmem:$0x4400] =	vst v63  }
0x1c: {  	s30 =	sadd.s32 $0x800, s25  }
0x1d: {  	[tilespmem:s9], [sflag:$0x1] =	stream.linear.gather [hbm4b:s30+s3], $0x80, $0x38;
	[tilespmem:$0x4400] =	vst v63  }
0x1e: {  	s31 =	sadd.s32 $0xA00, s25  }
0x1f: {  	[tilespmem:s10], [sflag:$0x1] =	stream.linear.gather [hbm4b:s31+s3], $0x80, $0x38;
	[tilespmem:$0x4400] =	vst v63  }
0x20: {  	s0 =	sadd.s32 $0xC00, s25  }
0x21: {  	[tilespmem:s11], [sflag:$0x1] =	stream.linear.gather [hbm4b:s0+s3], $0x80, $0x38;
	[tilespmem:$0x4400] =	vst v63  }
0x22: {  	s25 =	sadd.s32 $0xE00, s25  }
0x23: {  	[tilespmem:s12], [sflag:$0x1] =	stream.linear.gather [hbm4b:s25+s3], $0x80, $0x38;
	[tilespmem:$0x4400] =	vst v63  }
0x24: {  	_ =	swait.ge [sflag:s13], $0x80  }
0x25: {  	[sflag:s13] =	ssyncset.done $0x0  }
0x26: {  	[sflag:s13] =	ssyncadd.s32 $0xFFFFFF80  }
0x27: {  	_ =	swait.ge [sflag:s13], $0x80  }
0x28: {  	[sflag:s13] =	ssyncset.done $0x0  }
0x29: {  	[sflag:s13] =	ssyncadd.s32 $0xFFFFFF80  }
0x2a: {  	_ =	swait.ge [sflag:s13], $0x80  }
0x2b: {  	[sflag:s13] =	ssyncset.done $0x0  }
0x2c: {  	[sflag:s13] =	ssyncadd.s32 $0xFFFFFF80  }
0x2d: {  	_ =	swait.ge [sflag:s13], $0x80  }
0x2e: {  	[sflag:s13] =	ssyncset.done $0x0  }
0x2f: {  	[sflag:s13] =	ssyncadd.s32 $0xFFFFFF80  }
0x30: {  	_ =	swait.ge [sflag:s13], $0x80  }
0x31: {  	[sflag:s13] =	ssyncset.done $0x0  }
0x32: {  	[sflag:s13] =	ssyncadd.s32 $0xFFFFFF80  }
0x33: {  	_ =	swait.ge [sflag:s13], $0x80  }
0x34: {  	[sflag:s13] =	ssyncset.done $0x0  }
0x35: {  	[sflag:s13] =	ssyncadd.s32 $0xFFFFFF80  }
0x36: {  	_ =	swait.ge [sflag:s13], $0x80  }
0x37: {  	[sflag:s13] =	ssyncset.done $0x0  }
0x38: {  	[sflag:s13] =	ssyncadd.s32 $0xFFFFFF80  }
0x39: {  	_ =	swait.ge [sflag:s13], $0x80  }
0x3a: {  	[sflag:s13] =	ssyncset.done $0x0  }
0x3b: {  	[sflag:s13] =	ssyncadd.s32 $0xFFFFFF80  }
0x3c: {  	[tilespmem:s14], [sflag:$0x2] =	stream.indirect.gather [hbm4b:s4+s6], $0x10, s3, s6, $0xb8;
	[tilespmem:$0x4400] =	vst v63  }
0x3d: {  	_ = 	snop  }
0x3e: {  	[tilespmem:s15], [sflag:$0x2] =	stream.indirect.gather [hbm4b:s4+s6], $0x10, s6, s6, $0xb8;
	[tilespmem:$0x4400] =	vst v63  }
0x3f: {  	_ = 	snop  }
0x40: {  	[tilespmem:s16], [sflag:$0x2] =	stream.indirect.gather [hbm4b:s4+s6], $0x10, s7, s6, $0xb8;
	[tilespmem:$0x4400] =	vst v63  }
0x41: {  	_ = 	snop  }
0x42: {  	[tilespmem:s17], [sflag:$0x2] =	stream.indirect.gather [hbm4b:s4+s6], $0x10, s8, s6, $0xb8;
	[tilespmem:$0x4400] =	vst v63  }
0x43: {  	_ = 	snop  }
0x44: {  	[tilespmem:s18], [sflag:$0x2] =	stream.indirect.gather [hbm4b:s4+s6], $0x10, s9, s6, $0xb8;
	[tilespmem:$0x4400] =	vst v63  }
0x45: {  	_ = 	snop  }
0x46: {  	[tilespmem:s19], [sflag:$0x2] =	stream.indirect.gather [hbm4b:s4+s6], $0x10, s10, s6, $0xb8;
	[tilespmem:$0x4400] =	vst v63  }
0x47: {  	_ = 	snop  }
0x48: {  	[tilespmem:s20], [sflag:$0x2] =	stream.indirect.gather [hbm4b:s4+s6], $0x10, s11, s6, $0xb8;
	[tilespmem:$0x4400] =	vst v63  }
0x49: {  	_ = 	snop  }
0x4a: {  	[tilespmem:s21], [sflag:$0x2] =	stream.indirect.gather [hbm4b:s4+s6], $0x10, s12, s6, $0xb8;
	[tilespmem:$0x4400] =	vst v63  }
0x4b: {  	_ =	swait.ge [sflag:s22], $0x800  }
0x4c: {  	[sflag:s22] =	ssyncset.done $0x0  }
0x4d: {  	[sflag:s22] =	ssyncadd.s32 $0xFFFFF800  }
0x4e: {  	_ =	swait.ge [sflag:s22], $0x800  }
0x4f: {  	[sflag:s22] =	ssyncset.done $0x0  }
0x50: {  	[sflag:s22] =	ssyncadd.s32 $0xFFFFF800  }
0x51: {  	_ =	swait.ge [sflag:s22], $0x800  }
0x52: {  	[sflag:s22] =	ssyncset.done $0x0  }
0x53: {  	[sflag:s22] =	ssyncadd.s32 $0xFFFFF800  }
0x54: {  	_ =	swait.ge [sflag:s22], $0x800  }
0x55: {  	[sflag:s22] =	ssyncset.done $0x0  }
0x56: {  	[sflag:s22] =	ssyncadd.s32 $0xFFFFF800  }
0x57: {  	_ =	swait.ge [sflag:s22], $0x800  }
0x58: {  	[sflag:s22] =	ssyncset.done $0x0  }
0x59: {  	[sflag:s22] =	ssyncadd.s32 $0xFFFFF800  }
0x5a: {  	_ =	swait.ge [sflag:s22], $0x800  }
0x5b: {  	[sflag:s22] =	ssyncset.done $0x0  }
0x5c: {  	[sflag:s22] =	ssyncadd.s32 $0xFFFFF800  }
0x5d: {  	_ =	swait.ge [sflag:s22], $0x800  }
0x5e: {  	[sflag:s22] =	ssyncset.done $0x0  }
0x5f: {  	[sflag:s22] =	ssyncadd.s32 $0xFFFFF800  }
0x60: {  	_ =	swait.ge [sflag:s22], $0x800  }
0x61: {  	s29 =	rddreg [dreg:$0x3];
	[sflag:s22] =	ssyncset.done $0x0  }
0x62: {  	[sflag:s22] =	ssyncadd.s32 $0xFFFFF800;
	s25 =	sadd.s32 $0x0, s29  }
0x63: {  	[hbm4b:s25+s3] =	stream.linear.scatter [tilespmem:s14], [sflag:$0x3], $0x800, $0x38;
	[tilespmem:$0x4400] =	vst v63  }
0x64: {  	s30 =	sadd.s32 $0x2000, s25  }
0x65: {  	[hbm4b:s30+s3] =	stream.linear.scatter [tilespmem:s15], [sflag:$0x3], $0x800, $0x38;
	[tilespmem:$0x4400] =	vst v63  }
0x66: {  	s31 =	sadd.s32 $0x4000, s25  }
0x67: {  	[hbm4b:s31+s3] =	stream.linear.scatter [tilespmem:s16], [sflag:$0x3], $0x800, $0x38;
	[tilespmem:$0x4400] =	vst v63  }
0x68: {  	s0 =	sadd.s32 $0x6000, s25  }
0x69: {  	[hbm4b:s0+s3] =	stream.linear.scatter [tilespmem:s17], [sflag:$0x3], $0x800, $0x38;
	[tilespmem:$0x4400] =	vst v63  }
0x6a: {  	s29 =	sadd.s32 $0x8000, s25  }
0x6b: {  	[hbm4b:s29+s3] =	stream.linear.scatter [tilespmem:s18], [sflag:$0x3], $0x800, $0x38;
	[tilespmem:$0x4400] =	vst v63  }
0x6c: {  	s30 =	sadd.s32 $0xA000, s25  }
0x6d: {  	[hbm4b:s30+s3] =	stream.linear.scatter [tilespmem:s19], [sflag:$0x3], $0x800, $0x38;
	[tilespmem:$0x4400] =	vst v63  }
0x6e: {  	s31 =	sadd.s32 $0xC000, s25  }
0x6f: {  	[hbm4b:s31+s3] =	stream.linear.scatter [tilespmem:s20], [sflag:$0x3], $0x800, $0x38;
	[tilespmem:$0x4400] =	vst v63  }
0x70: {  	s25 =	sadd.s32 $0xE000, s25  }
0x71: {  	[hbm4b:s25+s3] =	stream.linear.scatter [tilespmem:s21], [sflag:$0x3], $0x800, $0x38;
	[tilespmem:$0x4400] =	vst v63  }
0x72: {  	_ =	swait.ge [sflag:s23], $0x800  }
0x73: {  	[sflag:s23] =	ssyncset.done $0x0  }
0x74: {  	[sflag:s23] =	ssyncadd.s32 $0xFFFFF800  }
0x75: {  	_ =	swait.ge [sflag:s23], $0x800  }
0x76: {  	[sflag:s23] =	ssyncset.done $0x0  }
0x77: {  	[sflag:s23] =	ssyncadd.s32 $0xFFFFF800  }
0x78: {  	_ =	swait.ge [sflag:s23], $0x800  }
0x79: {  	[sflag:s23] =	ssyncset.done $0x0  }
0x7a: {  	[sflag:s23] =	ssyncadd.s32 $0xFFFFF800  }
0x7b: {  	_ =	swait.ge [sflag:s23], $0x800  }
0x7c: {  	[sflag:s23] =	ssyncset.done $0x0  }
0x7d: {  	[sflag:s23] =	ssyncadd.s32 $0xFFFFF800  }
0x7e: {  	_ =	swait.ge [sflag:s23], $0x800  }
0x7f: {  	[sflag:s23] =	ssyncset.done $0x0  }
0x80: {  	[sflag:s23] =	ssyncadd.s32 $0xFFFFF800  }
0x81: {  	_ =	swait.ge [sflag:s23], $0x800  }
0x82: {  	[sflag:s23] =	ssyncset.done $0x0  }
0x83: {  	[sflag:s23] =	ssyncadd.s32 $0xFFFFF800  }
0x84: {  	_ =	swait.ge [sflag:s23], $0x800  }
0x85: {  	[sflag:s23] =	ssyncset.done $0x0  }
0x86: {  	s28 =	simm.s32 $0x20000;
	[sflag:s23] =	ssyncadd.s32 $0xFFFFF800  }
0x87: {  	s26 =	smov.u32 s2;
	s25 =	simm.s32 $0x10000;
	_ =	swait.ge [sflag:s23], $0x800  }
.LBB2_2:
0x88: {  	s30 =	rddreg [dreg:$0x5];
	[sflag:s23] =	ssyncset.done $0x0;
	s26 =	sadd.s32 $0x1000, s26  }
0x89: {  	s31 =	rddreg [dreg:$0x4];
	[sflag:s23] =	ssyncadd.s32 $0xFFFFF800;
	s30 =	sadd.s32 s26, s30  }
0x8a: {  	[tilespmem:s3], [sflag:$0x1] =	stream.linear.gather [hbm4b:s30+s3], $0x80, $0x38;
	[tilespmem:$0x4400] =	vst v63  }
0x8b: {  	s30 =	sadd.s32 s26, s31  }
0x8c: {  	s31 =	sadd.s32 $0x200, s30  }
0x8d: {  	[tilespmem:s6], [sflag:$0x1] =	stream.linear.gather [hbm4b:s31+s3], $0x80, $0x38;
	[tilespmem:$0x4400] =	vst v63  }
0x8e: {  	s0 =	sadd.s32 $0x400, s30  }
0x8f: {  	[tilespmem:s7], [sflag:$0x1] =	stream.linear.gather [hbm4b:s0+s3], $0x80, $0x38;
	[tilespmem:$0x4400] =	vst v63  }
0x90: {  	s31 =	sadd.s32 $0x600, s30  }
0x91: {  	[tilespmem:s8], [sflag:$0x1] =	stream.linear.gather [hbm4b:s31+s3], $0x80, $0x38;
	[tilespmem:$0x4400] =	vst v63  }
0x92: {  	s0 =	sadd.s32 $0x800, s30  }
0x93: {  	[tilespmem:s9], [sflag:$0x1] =	stream.linear.gather [hbm4b:s0+s3], $0x80, $0x38;
	[tilespmem:$0x4400] =	vst v63  }
0x94: {  	s31 =	sadd.s32 $0xA00, s30  }
0x95: {  	[tilespmem:s10], [sflag:$0x1] =	stream.linear.gather [hbm4b:s31+s3], $0x80, $0x38;
	[tilespmem:$0x4400] =	vst v63  }
0x96: {  	s0 =	sadd.s32 $0xC00, s30  }
0x97: {  	[tilespmem:s11], [sflag:$0x1] =	stream.linear.gather [hbm4b:s0+s3], $0x80, $0x38;
	[tilespmem:$0x4400] =	vst v63  }
0x98: {  	s30 =	sadd.s32 $0xE00, s30  }
0x99: {  	[tilespmem:s12], [sflag:$0x1] =	stream.linear.gather [hbm4b:s30+s3], $0x80, $0x38;
	[tilespmem:$0x4400] =	vst v63  }
0x9a: {  	_ =	swait.ge [sflag:s13], $0x80  }
0x9b: {  	[sflag:s13] =	ssyncset.done $0x0  }
0x9c: {  	[sflag:s13] =	ssyncadd.s32 $0xFFFFFF80  }
0x9d: {  	_ =	swait.ge [sflag:s13], $0x80  }
0x9e: {  	[sflag:s13] =	ssyncset.done $0x0  }
0x9f: {  	[sflag:s13] =	ssyncadd.s32 $0xFFFFFF80  }
0xa0: {  	_ =	swait.ge [sflag:s13], $0x80  }
0xa1: {  	[sflag:s13] =	ssyncset.done $0x0  }
0xa2: {  	[sflag:s13] =	ssyncadd.s32 $0xFFFFFF80  }
0xa3: {  	_ =	swait.ge [sflag:s13], $0x80  }
0xa4: {  	[sflag:s13] =	ssyncset.done $0x0  }
0xa5: {  	[sflag:s13] =	ssyncadd.s32 $0xFFFFFF80  }
0xa6: {  	_ =	swait.ge [sflag:s13], $0x80  }
0xa7: {  	[sflag:s13] =	ssyncset.done $0x0  }
0xa8: {  	[sflag:s13] =	ssyncadd.s32 $0xFFFFFF80  }
0xa9: {  	_ =	swait.ge [sflag:s13], $0x80  }
0xaa: {  	[sflag:s13] =	ssyncset.done $0x0  }
0xab: {  	[sflag:s13] =	ssyncadd.s32 $0xFFFFFF80  }
0xac: {  	_ =	swait.ge [sflag:s13], $0x80  }
0xad: {  	[sflag:s13] =	ssyncset.done $0x0  }
0xae: {  	[sflag:s13] =	ssyncadd.s32 $0xFFFFFF80  }
0xaf: {  	_ =	swait.ge [sflag:s13], $0x80  }
0xb0: {  	[sflag:s13] =	ssyncset.done $0x0  }
0xb1: {  	[sflag:s13] =	ssyncadd.s32 $0xFFFFFF80  }
0xb2: {  	[tilespmem:s14], [sflag:$0x2] =	stream.indirect.gather [hbm4b:s4+s6], $0x10, s3, s6, $0xb8;
	[tilespmem:$0x4400] =	vst v63  }
0xb3: {  	_ = 	snop  }
0xb4: {  	[tilespmem:s15], [sflag:$0x2] =	stream.indirect.gather [hbm4b:s4+s6], $0x10, s6, s6, $0xb8;
	[tilespmem:$0x4400] =	vst v63  }
0xb5: {  	_ = 	snop  }
0xb6: {  	[tilespmem:s16], [sflag:$0x2] =	stream.indirect.gather [hbm4b:s4+s6], $0x10, s7, s6, $0xb8;
	[tilespmem:$0x4400] =	vst v63  }
0xb7: {  	_ = 	snop  }
0xb8: {  	[tilespmem:s17], [sflag:$0x2] =	stream.indirect.gather [hbm4b:s4+s6], $0x10, s8, s6, $0xb8;
	[tilespmem:$0x4400] =	vst v63  }
0xb9: {  	_ = 	snop  }
0xba: {  	[tilespmem:s18], [sflag:$0x2] =	stream.indirect.gather [hbm4b:s4+s6], $0x10, s9, s6, $0xb8;
	[tilespmem:$0x4400] =	vst v63  }
0xbb: {  	_ = 	snop  }
0xbc: {  	[tilespmem:s19], [sflag:$0x2] =	stream.indirect.gather [hbm4b:s4+s6], $0x10, s10, s6, $0xb8;
	[tilespmem:$0x4400] =	vst v63  }
0xbd: {  	_ = 	snop  }
0xbe: {  	[tilespmem:s20], [sflag:$0x2] =	stream.indirect.gather [hbm4b:s4+s6], $0x10, s11, s6, $0xb8;
	[tilespmem:$0x4400] =	vst v63  }
0xbf: {  	_ = 	snop  }
0xc0: {  	[tilespmem:s21], [sflag:$0x2] =	stream.indirect.gather [hbm4b:s4+s6], $0x10, s12, s6, $0xb8;
	[tilespmem:$0x4400] =	vst v63  }
0xc1: {  	_ =	swait.ge [sflag:s22], $0x800  }
0xc2: {  	[sflag:s22] =	ssyncset.done $0x0  }
0xc3: {  	[sflag:s22] =	ssyncadd.s32 $0xFFFFF800  }
0xc4: {  	_ =	swait.ge [sflag:s22], $0x800  }
0xc5: {  	[sflag:s22] =	ssyncset.done $0x0  }
0xc6: {  	[sflag:s22] =	ssyncadd.s32 $0xFFFFF800  }
0xc7: {  	_ =	swait.ge [sflag:s22], $0x800  }
0xc8: {  	[sflag:s22] =	ssyncset.done $0x0  }
0xc9: {  	[sflag:s22] =	ssyncadd.s32 $0xFFFFF800  }
0xca: {  	_ =	swait.ge [sflag:s22], $0x800  }
0xcb: {  	[sflag:s22] =	ssyncset.done $0x0  }
0xcc: {  	[sflag:s22] =	ssyncadd.s32 $0xFFFFF800  }
0xcd: {  	_ =	swait.ge [sflag:s22], $0x800  }
0xce: {  	[sflag:s22] =	ssyncset.done $0x0  }
0xcf: {  	[sflag:s22] =	ssyncadd.s32 $0xFFFFF800  }
0xd0: {  	_ =	swait.ge [sflag:s22], $0x800  }
0xd1: {  	[sflag:s22] =	ssyncset.done $0x0  }
0xd2: {  	[sflag:s22] =	ssyncadd.s32 $0xFFFFF800  }
0xd3: {  	_ =	swait.ge [sflag:s22], $0x800  }
0xd4: {  	[sflag:s22] =	ssyncset.done $0x0  }
0xd5: {  	[sflag:s22] =	ssyncadd.s32 $0xFFFFF800  }
0xd6: {  	_ =	swait.ge [sflag:s22], $0x800  }
0xd7: {  	s30 =	rddreg [dreg:$0x3];
	[sflag:s22] =	ssyncset.done $0x0  }
0xd8: {  	s29 =	smov.u32 s28;
	[sflag:s22] =	ssyncadd.s32 $0xFFFFF800;
	s0 =	sadd.s32 s25, s30  }
0xd9: {  	[hbm4b:s0+s3] =	stream.linear.scatter [tilespmem:s14], [sflag:$0x3], $0x800, $0x38;
	[tilespmem:$0x4400] =	vst v63  }
0xda: {  	s25 =	smov.u32 s29;
	s29 =	sadd.s32 $0x2000, s0  }
0xdb: {  	[hbm4b:s29+s3] =	stream.linear.scatter [tilespmem:s15], [sflag:$0x3], $0x800, $0x38;
	[tilespmem:$0x4400] =	vst v63  }
0xdc: {  	s31 =	sadd.s32 $0x4000, s0  }
0xdd: {  	[hbm4b:s31+s3] =	stream.linear.scatter [tilespmem:s16], [sflag:$0x3], $0x800, $0x38;
	[tilespmem:$0x4400] =	vst v63  }
0xde: {  	s29 =	sadd.s32 $0x6000, s0  }
0xdf: {  	[hbm4b:s29+s3] =	stream.linear.scatter [tilespmem:s17], [sflag:$0x3], $0x800, $0x38;
	[tilespmem:$0x4400] =	vst v63  }
0xe0: {  	s31 =	sadd.s32 $0x8000, s0  }
0xe1: {  	[hbm4b:s31+s3] =	stream.linear.scatter [tilespmem:s18], [sflag:$0x3], $0x800, $0x38;
	[tilespmem:$0x4400] =	vst v63  }
0xe2: {  	s29 =	sadd.s32 $0xA000, s0  }
0xe3: {  	[hbm4b:s29+s3] =	stream.linear.scatter [tilespmem:s19], [sflag:$0x3], $0x800, $0x38;
	[tilespmem:$0x4400] =	vst v63  }
0xe4: {  	s31 =	sadd.s32 $0xC000, s0  }
0xe5: {  	[hbm4b:s31+s3] =	stream.linear.scatter [tilespmem:s20], [sflag:$0x3], $0x800, $0x38;
	[tilespmem:$0x4400] =	vst v63  }
0xe6: {  	s0 =	sadd.s32 $0xE000, s0  }
0xe7: {  	[hbm4b:s0+s3] =	stream.linear.scatter [tilespmem:s21], [sflag:$0x3], $0x800, $0x38;
	[tilespmem:$0x4400] =	vst v63  }
0xe8: {  	_ =	swait.ge [sflag:s23], $0x800  }
0xe9: {  	[sflag:s23] =	ssyncset.done $0x0  }
0xea: {  	[sflag:s23] =	ssyncadd.s32 $0xFFFFF800  }
0xeb: {  	_ =	swait.ge [sflag:s23], $0x800  }
0xec: {  	[sflag:s23] =	ssyncset.done $0x0  }
0xed: {  	[sflag:s23] =	ssyncadd.s32 $0xFFFFF800  }
0xee: {  	_ =	swait.ge [sflag:s23], $0x800  }
0xef: {  	[sflag:s23] =	ssyncset.done $0x0  }
0xf0: {  	[sflag:s23] =	ssyncadd.s32 $0xFFFFF800  }
0xf1: {  	_ =	swait.ge [sflag:s23], $0x800  }
0xf2: {  	[sflag:s23] =	ssyncset.done $0x0  }
0xf3: {  	[sflag:s23] =	ssyncadd.s32 $0xFFFFF800  }
0xf4: {  	_ =	swait.ge [sflag:s23], $0x800  }
0xf5: {  	[sflag:s23] =	ssyncset.done $0x0  }
0xf6: {  	[sflag:s23] =	ssyncadd.s32 $0xFFFFF800  }
0xf7: {  	_ =	swait.ge [sflag:s23], $0x800  }
0xf8: {  	p0 =	sne.s32 s28, $0x180000;
	[sflag:s23] =	ssyncset.done $0x0  }
.Ltmp0:
0xf9: {  	[sflag:s23] =	ssyncadd.s32 $0xFFFFF800;
	(pc) =	sbr.rel @p0 .LBB2_2-.Ltmp0, $4  }
0xfa: {  	_ =	swait.ge [sflag:s23], $0x800  }
0xfb: {  	[sflag:s23] =	ssyncset.done $0x0  }
0xfc: {  	[sflag:s23] =	ssyncadd.s32 $0xFFFFF800  }
0xfd: {  	s28 =	sadd.s32 $0x10000, s28;
	_ =	swait.ge [sflag:s23], $0x800  }
0xfe: {  	s0 =	rddreg [dreg:$0x5];
	[sflag:s23] =	ssyncset.done $0x0;
	s26 =	sadd.s32 $0x1000, s26  }
0xff: {  	s28 =	rddreg [dreg:$0x4];
	[sflag:s23] =	ssyncadd.s32 $0xFFFFF800;
	s0 =	sadd.s32 s26, s0  }
0x100: {  	[tilespmem:s3], [sflag:$0x1] =	stream.linear.gather [hbm4b:s0+s3], $0x80, $0x38;
	[tilespmem:$0x4400] =	vst v63  }
0x101: {  	s0 =	sadd.s32 s26, s28  }
0x102: {  	s26 =	sadd.s32 $0x200, s0  }
0x103: {  	[tilespmem:s6], [sflag:$0x1] =	stream.linear.gather [hbm4b:s26+s3], $0x80, $0x38;
	[tilespmem:$0x4400] =	vst v63  }
0x104: {  	s30 =	sadd.s32 $0x400, s0  }
0x105: {  	[tilespmem:s7], [sflag:$0x1] =	stream.linear.gather [hbm4b:s30+s3], $0x80, $0x38;
	[tilespmem:$0x4400] =	vst v63  }
0x106: {  	s31 =	sadd.s32 $0x600, s0  }
0x107: {  	[tilespmem:s8], [sflag:$0x1] =	stream.linear.gather [hbm4b:s31+s3], $0x80, $0x38;
	[tilespmem:$0x4400] =	vst v63  }
0x108: {  	s28 =	sadd.s32 $0x800, s0  }
0x109: {  	[tilespmem:s9], [sflag:$0x1] =	stream.linear.gather [hbm4b:s28+s3], $0x80, $0x38;
	[tilespmem:$0x4400] =	vst v63  }
0x10a: {  	s29 =	sadd.s32 $0xA00, s0  }
0x10b: {  	[tilespmem:s10], [sflag:$0x1] =	stream.linear.gather [hbm4b:s29+s3], $0x80, $0x38;
	[tilespmem:$0x4400] =	vst v63  }
0x10c: {  	s30 =	sadd.s32 $0xC00, s0  }
0x10d: {  	[tilespmem:s11], [sflag:$0x1] =	stream.linear.gather [hbm4b:s30+s3], $0x80, $0x38;
	[tilespmem:$0x4400] =	vst v63  }
0x10e: {  	s0 =	sadd.s32 $0xE00, s0  }
0x10f: {  	[tilespmem:s12], [sflag:$0x1] =	stream.linear.gather [hbm4b:s0+s3], $0x80, $0x38;
	[tilespmem:$0x4400] =	vst v63  }
0x110: {  	_ =	swait.ge [sflag:s13], $0x80  }
0x111: {  	[sflag:s13] =	ssyncset.done $0x0  }
0x112: {  	[sflag:s13] =	ssyncadd.s32 $0xFFFFFF80  }
0x113: {  	_ =	swait.ge [sflag:s13], $0x80  }
0x114: {  	[sflag:s13] =	ssyncset.done $0x0  }
0x115: {  	[sflag:s13] =	ssyncadd.s32 $0xFFFFFF80  }
0x116: {  	_ =	swait.ge [sflag:s13], $0x80  }
0x117: {  	[sflag:s13] =	ssyncset.done $0x0  }
0x118: {  	[sflag:s13] =	ssyncadd.s32 $0xFFFFFF80  }
0x119: {  	_ =	swait.ge [sflag:s13], $0x80  }
0x11a: {  	[sflag:s13] =	ssyncset.done $0x0  }
0x11b: {  	[sflag:s13] =	ssyncadd.s32 $0xFFFFFF80  }
0x11c: {  	_ =	swait.ge [sflag:s13], $0x80  }
0x11d: {  	[sflag:s13] =	ssyncset.done $0x0  }
0x11e: {  	[sflag:s13] =	ssyncadd.s32 $0xFFFFFF80  }
0x11f: {  	_ =	swait.ge [sflag:s13], $0x80  }
0x120: {  	[sflag:s13] =	ssyncset.done $0x0  }
0x121: {  	[sflag:s13] =	ssyncadd.s32 $0xFFFFFF80  }
0x122: {  	_ =	swait.ge [sflag:s13], $0x80  }
0x123: {  	[sflag:s13] =	ssyncset.done $0x0  }
0x124: {  	[sflag:s13] =	ssyncadd.s32 $0xFFFFFF80  }
0x125: {  	_ =	swait.ge [sflag:s13], $0x80  }
0x126: {  	[sflag:s13] =	ssyncset.done $0x0  }
0x127: {  	[sflag:s13] =	ssyncadd.s32 $0xFFFFFF80  }
0x128: {  	[tilespmem:s14], [sflag:$0x2] =	stream.indirect.gather [hbm4b:s4+s6], $0x10, s3, s6, $0xb8;
	[tilespmem:$0x4400] =	vst v63  }
0x129: {  	_ = 	snop  }
0x12a: {  	[tilespmem:s15], [sflag:$0x2] =	stream.indirect.gather [hbm4b:s4+s6], $0x10, s6, s6, $0xb8;
	[tilespmem:$0x4400] =	vst v63  }
0x12b: {  	_ = 	snop  }
0x12c: {  	[tilespmem:s16], [sflag:$0x2] =	stream.indirect.gather [hbm4b:s4+s6], $0x10, s7, s6, $0xb8;
	[tilespmem:$0x4400] =	vst v63  }
0x12d: {  	_ = 	snop  }
0x12e: {  	[tilespmem:s17], [sflag:$0x2] =	stream.indirect.gather [hbm4b:s4+s6], $0x10, s8, s6, $0xb8;
	[tilespmem:$0x4400] =	vst v63  }
0x12f: {  	_ = 	snop  }
0x130: {  	[tilespmem:s18], [sflag:$0x2] =	stream.indirect.gather [hbm4b:s4+s6], $0x10, s9, s6, $0xb8;
	[tilespmem:$0x4400] =	vst v63  }
0x131: {  	_ = 	snop  }
0x132: {  	[tilespmem:s19], [sflag:$0x2] =	stream.indirect.gather [hbm4b:s4+s6], $0x10, s10, s6, $0xb8;
	[tilespmem:$0x4400] =	vst v63  }
0x133: {  	_ = 	snop  }
0x134: {  	[tilespmem:s20], [sflag:$0x2] =	stream.indirect.gather [hbm4b:s4+s6], $0x10, s11, s6, $0xb8;
	[tilespmem:$0x4400] =	vst v63  }
0x135: {  	_ = 	snop  }
0x136: {  	[tilespmem:s21], [sflag:$0x2] =	stream.indirect.gather [hbm4b:s4+s6], $0x10, s12, s6, $0xb8;
	[tilespmem:$0x4400] =	vst v63  }
0x137: {  	_ =	swait.ge [sflag:s22], $0x800  }
0x138: {  	[sflag:s22] =	ssyncset.done $0x0  }
0x139: {  	[sflag:s22] =	ssyncadd.s32 $0xFFFFF800  }
0x13a: {  	_ =	swait.ge [sflag:s22], $0x800  }
0x13b: {  	[sflag:s22] =	ssyncset.done $0x0  }
0x13c: {  	[sflag:s22] =	ssyncadd.s32 $0xFFFFF800  }
0x13d: {  	_ =	swait.ge [sflag:s22], $0x800  }
0x13e: {  	[sflag:s22] =	ssyncset.done $0x0  }
0x13f: {  	[sflag:s22] =	ssyncadd.s32 $0xFFFFF800  }
0x140: {  	_ =	swait.ge [sflag:s22], $0x800  }
0x141: {  	[sflag:s22] =	ssyncset.done $0x0  }
0x142: {  	[sflag:s22] =	ssyncadd.s32 $0xFFFFF800  }
0x143: {  	_ =	swait.ge [sflag:s22], $0x800  }
0x144: {  	[sflag:s22] =	ssyncset.done $0x0  }
0x145: {  	[sflag:s22] =	ssyncadd.s32 $0xFFFFF800  }
0x146: {  	_ =	swait.ge [sflag:s22], $0x800  }
0x147: {  	[sflag:s22] =	ssyncset.done $0x0  }
0x148: {  	[sflag:s22] =	ssyncadd.s32 $0xFFFFF800  }
0x149: {  	_ =	swait.ge [sflag:s22], $0x800  }
0x14a: {  	[sflag:s22] =	ssyncset.done $0x0  }
0x14b: {  	[sflag:s22] =	ssyncadd.s32 $0xFFFFF800  }
0x14c: {  	_ =	swait.ge [sflag:s22], $0x800  }
0x14d: {  	s31 =	rddreg [dreg:$0x3];
	[sflag:s22] =	ssyncset.done $0x0  }
0x14e: {  	[sflag:s22] =	ssyncadd.s32 $0xFFFFF800;
	s0 =	sadd.s32 s25, s31  }
0x14f: {  	[hbm4b:s0+s3] =	stream.linear.scatter [tilespmem:s14], [sflag:$0x3], $0x800, $0x38;
	[tilespmem:$0x4400] =	vst v63  }
0x150: {  	s25 =	sadd.s32 $0x2000, s0  }
0x151: {  	[hbm4b:s25+s3] =	stream.linear.scatter [tilespmem:s15], [sflag:$0x3], $0x800, $0x38;
	[tilespmem:$0x4400] =	vst v63  }
0x152: {  	s26 =	sadd.s32 $0x4000, s0  }
0x153: {  	[hbm4b:s26+s3] =	stream.linear.scatter [tilespmem:s16], [sflag:$0x3], $0x800, $0x38;
	[tilespmem:$0x4400] =	vst v63  }
0x154: {  	s28 =	sadd.s32 $0x6000, s0  }
0x155: {  	[hbm4b:s28+s3] =	stream.linear.scatter [tilespmem:s17], [sflag:$0x3], $0x800, $0x38;
	[tilespmem:$0x4400] =	vst v63  }
0x156: {  	s29 =	sadd.s32 $0x8000, s0  }
0x157: {  	[hbm4b:s29+s3] =	stream.linear.scatter [tilespmem:s18], [sflag:$0x3], $0x800, $0x38;
	[tilespmem:$0x4400] =	vst v63  }
0x158: {  	s30 =	sadd.s32 $0xA000, s0  }
0x159: {  	[hbm4b:s30+s3] =	stream.linear.scatter [tilespmem:s19], [sflag:$0x3], $0x800, $0x38;
	[tilespmem:$0x4400] =	vst v63  }
0x15a: {  	s31 =	sadd.s32 $0xC000, s0  }
0x15b: {  	[hbm4b:s31+s3] =	stream.linear.scatter [tilespmem:s20], [sflag:$0x3], $0x800, $0x38;
	[tilespmem:$0x4400] =	vst v63  }
0x15c: {  	s0 =	sadd.s32 $0xE000, s0  }
0x15d: {  	[hbm4b:s0+s3] =	stream.linear.scatter [tilespmem:s21], [sflag:$0x3], $0x800, $0x38;
	[tilespmem:$0x4400] =	vst v63  }
0x15e: {  	_ =	swait.ge [sflag:s23], $0x800  }
0x15f: {  	[sflag:s23] =	ssyncset.done $0x0  }
0x160: {  	[sflag:s23] =	ssyncadd.s32 $0xFFFFF800  }
0x161: {  	_ =	swait.ge [sflag:s23], $0x800  }
0x162: {  	[sflag:s23] =	ssyncset.done $0x0  }
0x163: {  	[sflag:s23] =	ssyncadd.s32 $0xFFFFF800  }
0x164: {  	_ =	swait.ge [sflag:s23], $0x800  }
0x165: {  	[sflag:s23] =	ssyncset.done $0x0  }
0x166: {  	[sflag:s23] =	ssyncadd.s32 $0xFFFFF800  }
0x167: {  	_ =	swait.ge [sflag:s23], $0x800  }
0x168: {  	[sflag:s23] =	ssyncset.done $0x0  }
0x169: {  	[sflag:s23] =	ssyncadd.s32 $0xFFFFF800  }
0x16a: {  	_ =	swait.ge [sflag:s23], $0x800  }
0x16b: {  	[sflag:s23] =	ssyncset.done $0x0  }
0x16c: {  	[sflag:s23] =	ssyncadd.s32 $0xFFFFF800  }
0x16d: {  	_ =	swait.ge [sflag:s23], $0x800  }
0x16e: {  	[sflag:s23] =	ssyncset.done $0x0  }
0x16f: {  	s24 =	sadd.s32 $0x1, s24;
	[sflag:s23] =	ssyncadd.s32 $0xFFFFF800  }
0x170: {  	p0 =	sne.s32 s24, s5;
	_ =	swait.ge [sflag:s23], $0x800  }
.Ltmp1:
0x171: {  	[sflag:s23] =	ssyncset.done $0x0;
	(pc) =	sbr.rel @p0 .LBB2_1-.Ltmp1, $4  }
0x172: {  	[sflag:s23] =	ssyncadd.s32 $0xFFFFF800  }
0x173: {  	_ =	swait.ge [sflag:s23], $0x800  }
0x174: {  	[sflag:s23] =	ssyncset.done $0x0  }
0x175: {  	[sflag:s23] =	ssyncadd.s32 $0xFFFFF800  }
0x176: {  	_ =	sfence.sel $0x180000  }
0x177: {  	[bflag:$0x0] =	sbarrier.arrive $0xFFFF  }
0x178: {  	_ =	strace $0x90000047  }
0x179: {  	[bflag:$0x2] =	sbarrier.arrive $0xFFFF  }
0x17a: {  	p0 =	sne.s32 s1, $0x0;
	s0 =	rddreg [dreg:$0x2]  }
0x17b: {  	s0 =	sadd.s32 @!p0 $0x100000, s0  }
0x17c: {  	[sflag:s0] =	ssyncadd.tile.s32 @!p0 $0x1;
	_ =	shalt  }
.Lfunc_end2:
_tile_overlayer_lowered:
.L_overlay_start_2:
0x17d: {  	(tag) =	ssettag $0x2  }
0x17e: {  	s0 =	rddreg [dreg:$0x0];
	s2 =	stileid.u32  }
0x17f: {  	s1 =	rddreg [dreg:$0x1];
	p0 =	sne.s32 s2, $0x0  }
0x180: {  	s3 =	rddreg [dreg:$0x2];
	[bflag:$0x3] =	sbarrier.arrive $0xFFFF;
	s2 =	simm.s32 @!p0 $0x1C04  }
0x181: {  	[timem:s3], [sflag:s2] =	dma.local @!p0 [hbm:s0], s1  }
0x182: {  	s0 =	simm.s32 @!p0 $0x4  }
0x183: {  	_ =	swait.ge @!p0 [sflag:s0], s1  }
0x184: {  	s1 =	ssub.s32 @!p0 $0x0, s1;
	[sflag:s0] =	ssyncset.done @!p0 $0x0  }
0x185: {  	[sflag:s0] =	ssyncadd.s32 @!p0 s1  }
0x186: {  	[bflag:$0x3] =	sbarrier.arrive $0xFFFF  }
0x187: {  	_ =	shalt  }

// kernel: kernel.14.cloned.1.call-start
scs
__scs_entry_jumppad:
0x0: {  	(pc) =	sbr.rel $0x88, $3  }
0x1: {  	(tag) =	ssettag $0x0;
	lr =	simm.s32 $0x1  }
0x2: {  	[smem:$0x3F95] =	sst lr;
	_ =	strace $0xD0000000  }
0x3: {  	_ = 	snop  }
0x4: {  	_ = 	snop  }
0x5: {  	_ = 	snop  }
0x6: {  	_ = 	snop  }
0x7: {  	_ = 	snop  }
__scs_overlays_trampoline_lowered:
0x8: {  	[smem:$0x3FA4] =	sst s0  }
0x9: {  	[smem:$0x3FA5] =	sst s1  }
0xa: {  	[smem:$0x3FA6] =	sst s2  }
0xb: {  	[smem:$0x3FA7] =	sst s3  }
0xc: {  	[smem:$0x3FA8] =	sst s4  }
0xd: {  	[smem:$0x3FA9] =	sst s5  }
0xe: {  	[smem:$0x3FAA] =	sst s6  }
0xf: {  	[smem:$0x3FAB] =	sst s7  }
0x10: {  	[smem:$0x3FAC] =	sst s8  }
0x11: {  	[smem:$0x3FAD] =	sst s9;
	s0 =	simm.s32 @!p0 $0x0  }
0x12: {  	s1 =	sld [smem:$0x3F93];
	s0 =	simm.s32 @p0 $0x1  }
0x13: {  	[smem:$0x3FAE] =	sst s0;
	s0 =	simm.s32 @!p1 $0x0  }
0x14: {  	s2 =	sld [smem:$0x3F92];
	s0 =	simm.s32 @p1 $0x1  }
0x15: {  	[smem:$0x3FAF] =	sst s0;
	s0 =	simm.s32 @!p2 $0x0  }
0x16: {  	s3 =	sld [smem:$0x3FDB];
	s0 =	simm.s32 @p2 $0x1  }
0x17: {  	s4 =	simm.s32 $0x1BF5;
	[smem:$0x3FB1] =	sst s0  }
0x18: {  	s0 =	sld [smem:$0x3F94];
	_ =	swait.ge [sflag:s4], $0x0  }
0x19: {  	s7 =	sld [smem:$0x3F95]  }
0x1a: {  	s8 =	sadd.s32 $0xFFFFE003, lr  }
0x1b: {  	s9 =	sadd.s32 $0xFFFFFEF7, lr;
	s5 =	simm.s32 $0xFFFFFFFF;
	p2 =	slt.u32 s8, $0xFFFFF086  }
0x1c: {  	p1 =	slt.u32 s9, $0xF7A;
	s5 =	simm.s32 @!p2 $0x0  }
0x1d: {  	s5 =	simm.s32 @p1 $0x1;
	p0 =	seq.s32 s7, s2  }
0x1e: {  	s7 =	smul.u32 @!p0 $0xF7A, s2;
	p2 =	seq.s32 @!p0 s5, $0x0  }
0x1f: {  	s9 =	smul.u32 $0xF7A, s1;
	s8 =	simm.s32 @!p0 $0x1BF5;
	p2 =	por !p2, p0  }
0x20: {  	[sflag:s8] =	ssyncset.s32 @!p0 $0xFFFFF086;
	s6 =	sadd.s32 @!p0 s3, s7;
	s7 =	simm.s32 @!p0 $0x108  }
0x21: {  	s3 =	sadd.s32 s3, s9;
	s6 =	sadd.s32 @!p0 $0x88, s6;
	s7 =	simm.s32 @p2 $0x1082  }
0x22: {  	[simem:s7], [sflag:s8] =	dma.local @!p0 [hbm:s6], $0xF7A  }
0x23: {  	s9 =	sor.u32 $0xD0000000, s2;
	s6 =	simm.s32 $0x108;
	_ =	swait.ge @!p0 [sflag:s8], $0x0  }
0x24: {  	s3 =	sadd.s32 $0x88, s3;
	s6 =	simm.s32 @!p1 $0x1082;
	[sflag:s4] =	ssyncset.s32 $0xFFFFF086  }
0x25: {  	[simem:s6], [sflag:s4] =	dma.local [hbm:s3], $0xF7A  }
0x26: {  	[smem:$0x3F95] =	sst s1;
	(tag) =	ssettag s2;
	_ =	strace s9  }
0x27: {  	s1 =	sld [smem:$0x3FA5]  }
0x28: {  	s2 =	sld [smem:$0x3FA6]  }
0x29: {  	s4 =	sld [smem:$0x3FA8]  }
0x2a: {  	p0 =	seq.s32 s5, $0x0;
	s5 =	sld [smem:$0x3FA9]  }
0x2b: {  	s6 =	sld [smem:$0x3FAA]  }
0x2c: {  	s7 =	sld [smem:$0x3FAB]  }
0x2d: {  	s3 =	simm.s32 $0x108;
	s8 =	sld [smem:$0x3FAC]  }
0x2e: {  	s3 =	simm.s32 @!p0 $0x1082;
	s9 =	sld [smem:$0x3FAD]  }
0x2f: {  	lr =	sadd.s32 s0, s3;
	s0 =	sld [smem:$0x3FA4]  }
0x30: {  	s3 =	sld [smem:$0x3FA7]  }
0x31: {  	[smem:$0x3FB0] =	sst s10  }
0x32: {  	s10 =	sld [smem:$0x3FAE];
	_ =	sdelay $0x3  }
0x33: {  	p0 =	seq.s32 s10, $0x1;
	s10 =	sld [smem:$0x3FB0];
	_ =	sdelay $0x3  }
0x34: {  	[smem:$0x3FB0] =	sst s10  }
0x35: {  	s10 =	sld [smem:$0x3FAF];
	_ =	sdelay $0x3  }
0x36: {  	p1 =	seq.s32 s10, $0x1;
	s10 =	sld [smem:$0x3FB0];
	_ =	sdelay $0x3  }
0x37: {  	[smem:$0x3FB0] =	sst s10  }
0x38: {  	s10 =	sld [smem:$0x3FB1]  }
0x39: {  	_ = 	snop;
	(pc) =	sbr.ind lr, $3  }
0x3a: {  	_ = 	snop  }
0x3b: {  	_ = 	snop  }
0x3c: {  	p2 =	seq.s32 s10, $0x1;
	s10 =	sld [smem:$0x3FB0]  }
0x3d: {  	_ =	shalt  }
0x3e: {  	_ =	shalt  }
0x3f: {  	_ =	shalt  }
0x40: {  	_ =	shalt  }
0x41: {  	_ =	shalt  }
0x42: {  	_ =	shalt  }
0x43: {  	_ =	shalt  }
0x44: {  	_ =	shalt  }
0x45: {  	_ =	shalt  }
0x46: {  	_ =	shalt  }
0x47: {  	_ =	shalt  }
0x48: {  	_ =	shalt  }
0x49: {  	_ =	shalt  }
0x4a: {  	_ =	shalt  }
0x4b: {  	_ =	shalt  }
0x4c: {  	_ =	shalt  }
0x4d: {  	_ =	shalt  }
0x4e: {  	_ =	shalt  }
0x4f: {  	_ =	shalt  }
0x50: {  	_ =	shalt  }
0x51: {  	_ =	shalt  }
0x52: {  	_ =	shalt  }
0x53: {  	_ =	shalt  }
0x54: {  	_ =	shalt  }
0x55: {  	_ =	shalt  }
0x56: {  	_ =	shalt  }
0x57: {  	_ =	shalt  }
0x58: {  	_ =	shalt  }
0x59: {  	_ =	shalt  }
0x5a: {  	_ =	shalt  }
0x5b: {  	_ =	shalt  }
0x5c: {  	_ =	shalt  }
0x5d: {  	_ =	shalt  }
0x5e: {  	_ =	shalt  }
0x5f: {  	_ =	shalt  }
0x60: {  	_ =	shalt  }
0x61: {  	_ =	shalt  }
0x62: {  	_ =	shalt  }
0x63: {  	_ =	shalt  }
0x64: {  	_ =	shalt  }
0x65: {  	_ =	shalt  }
0x66: {  	_ =	shalt  }
0x67: {  	_ =	shalt  }
0x68: {  	_ =	shalt  }
0x69: {  	_ =	shalt  }
0x6a: {  	_ =	shalt  }
0x6b: {  	_ =	shalt  }
0x6c: {  	_ =	shalt  }
0x6d: {  	_ =	shalt  }
0x6e: {  	_ =	shalt  }
0x6f: {  	_ =	shalt  }
0x70: {  	_ =	shalt  }
0x71: {  	_ =	shalt  }
0x72: {  	_ =	shalt  }
0x73: {  	_ =	shalt  }
0x74: {  	_ =	shalt  }
0x75: {  	_ =	shalt  }
0x76: {  	_ =	shalt  }
0x77: {  	_ =	shalt  }
0x78: {  	_ =	shalt  }
0x79: {  	_ =	shalt  }
0x7a: {  	_ =	shalt  }
0x7b: {  	_ =	shalt  }
0x7c: {  	_ =	shalt  }
0x7d: {  	_ =	shalt  }
0x7e: {  	_ =	shalt  }
0x7f: {  	_ =	shalt  }
0x80: {  	_ =	shalt  }
0x81: {  	_ =	shalt  }
0x82: {  	_ =	shalt  }
0x83: {  	_ =	shalt  }
0x84: {  	_ =	shalt  }
0x85: {  	_ =	shalt  }
0x86: {  	_ =	shalt  }
0x87: {  	_ =	shalt  }
.Lfunc_end0:
.L_simem_size_0:
called_computation.1_lowered:
.L_overlay_start_0:
0x88: {  	s2 =	sld [smem:$0x3FD9]  }
0x89: {  	s3 =	sld [smem:$0x3FFE];
	_ =	sdelay $0x1  }
0x8a: {  	s1 =	srdreg.scid  }
0x8b: {  	s0 =	sand.u32 $0x1, s1  }
0x8c: {  	s16 =	sshll.u32 s0, $0xA;
	s2 =	sadd.s32 s3, s2  }
0x8d: {  	s2 =	sadd.s32 s2, s16  }
0x8e: {  	[smem:$0x3FBC] =	sst s2  }
0x8f: {  	_ = 	snop  }
0x90: {  	(tm) =	ssettm $0x1  }
0x91: {  	s17 =	sld [smem:$0x3FFB];
	_ =	sdelay $0x3  }
0x92: {  	_ =	strace s17  }
0x93: {  	s2 =	sld [smem:$0x3FFC];
	_ =	sdelay $0x3  }
0x94: {  	_ =	strace s2  }
0x95: {  	s2 =	sld [smem:$0x3FFD];
	_ =	sdelay $0x3  }
0x96: {  	_ =	strace s2  }
0x97: {  	_ =	strace $0x8FFFFFFF  }
0x98: {  	s18 =	sld [smem:$0x3FDB];
	_ =	sdelay $0x1  }
0x99: {  	s19 =	simm.s32 $_scs_section_size  }
0x9a: {  	s4 =	simm.s32 $_size__tile_overlayer_lowered;
	s5 =	simm.s32 $_tile_overlayer_lowered  }
0x9b: {  	s22 =	simm.s32 $0x1BFF;
	s21 =	sshll.u32 s5, $0x1;
	s2 =	sadd.s32 s19, s18  }
0x9c: {  	s6 =	simm.s32 $0x0;
	s20 =	sshll.u32 s4, $0x1;
	s4 =	sadd.s32 s21, s2  }
0x9d: {  	[timem:s6], [sflag:s22] =	dma.local [hbm:s4], s20  }
0x9e: {  	_ =	swait.ge [sflag:s22], s20  }
0x9f: {  	s3 =	ssub.s32 $0x0, s20;
	[sflag:s22] =	ssyncset.done $0x0  }
0xa0: {  	[sflag:s22] =	ssyncadd.s32 s3;
	_ =	sdelay $0x1  }
0xa1: {  	s23 =	simm.s32 $0x1B8B  }
0xa2: {  	_ =	swait.ge [sflag:s23], $0x1  }
0xa3: {  	[sflag:s23] =	ssyncset.done $0x0  }
0xa4: {  	s25 =	simm.s32 $0x1B8E;
	s24 =	sld [smem:$0x3FFE];
	[sflag:s23] =	ssyncadd.s32 $0xFFFFFFFF  }
0xa5: {  	s26 =	simm.s32 $execute0_lowered;
	[smem:$0x3FD2] =	sst s25  }
0xa6: {  	s4 =	sshll.u32 s26, $0x1;
	_ =	strace $0x80000049;
	[dreg:$0x1] =	wrdreg $0xFFFFFFFF  }
0xa7: {  	s28 =	simm.s32 $_size_execute0_lowered;
	s2 =	sadd.s32 s2, s4;
	[dreg:$0x0] =	wrdreg $0x0  }
0xa8: {  	s4 =	sshll.u32 s28, $0x1;
	[dreg:$0x2] =	wrdreg s2  }
0xa9: {  	[dreg:$0x3] =	wrdreg s4  }
0xaa: {  	[dreg:$0x4] =	wrdreg $0xC0  }
0xab: {  	_ =	task [dreg:s6], $0x5FFFF  }
0xac: {  	[dreg:$0x1] =	wrdreg $0xFFFFFFFF  }
0xad: {  	[dreg:$0x0] =	wrdreg $0x60  }
0xae: {  	[dreg:$0x2] =	wrdreg s24  }
0xaf: {  	[dreg:$0x3] =	wrdreg $0x42000  }
0xb0: {  	[dreg:$0x4] =	wrdreg $0x9  }
0xb1: {  	_ =	task.clear_ibuf [dreg:s6], $0x5FFFF;
	_ =	strace $0x90000049  }
0xb2: {  	s29 =	simm.s32 $0x9;
	_ =	strace $0x8000004B  }
0xb3: {  	_ =	swait.ge [sflag:s29], $0x1  }
0xb4: {  	[sflag:s29] =	ssyncadd.s32 $0xFFFFFFFF  }
0xb5: {  	_ =	strace $0x9000004B  }
0xb6: {  	_ =	sfence  }
0xb7: {  	s30 =	sld [smem:$0x0];
	_ =	sdelay $0x2  }
0xb8: {  	s31 =	sshll.u32 s1, $0xD;
	s1 =	sshrl.u32 s1, $0x2  }
0xb9: {  	s3 =	sand.u32 $0x4000, s31;
	s1 =	sadd.s32 s1, s30  }
0xba: {  	s0 =	sor.u32 s3, s0;
	s1 =	sshll.u32 s1, $0x11  }
0xbb: {  	s0 =	sor.u32 s1, s0  }
0xbc: {  	s0 =	sadd.s32 $0x8F2B, s0  }
0xbd: {  	[sflag:s0] =	ssyncadd.remote.s32 $0x1  }
0xbe: {  	_ =	sfence.sel $0xFFFF  }
0xbf: {  	[dreg:$0x0] =	wrdreg $0xFFFFFFFF;
	(pc) =	sbr.abs _section_cstart, $3  }
0xc0: {  	[dreg:$0x1] =	wrdreg $0xFFFFFFFF  }
0xc1: {  	_ =	task.clear_ibuf [dreg:s6], $0x2FFFF;
	_ =	strace $0x9FFFFFFF  }
0xc2: {  	(tm) =	ssettm $0x7FFFFFFF  }
0xc3: {  	_ =	shalt  }
tec
execute0_lowered:
.L_overlay_start_1:
0x0: {  	(tag) =	ssettag $0x1  }
0x1: {  	s5 =	rddreg [dreg:$0x0]  }
0x2: {  	s2 =	rddreg [dreg:$0x1]  }
0x3: {  	s0 =	rddreg [dreg:$0x2]  }
0x4: {  	s1 =	stileid.u32;
	s4 =	srdreg.scid;
	s3 =	simm.s32 $0x0  }
0x5: {  	s16 =	simm.s32 $0x100;
	s17 =	simm.s32 $0x2200;
	s18 =	simm.s32 $0x180  }
0x6: {  	s19 =	simm.s32 $0x3200;
	s20 =	simm.s32 $0x1;
	s21 =	simm.s32 $0x2  }
0x7: {  	s22 =	simm.s32 $0x0;
	s8 =	sand.u32 $0x1, s4;
	s6 =	smul.u32 $0x186A0, s1  }
0x8: {  	[smem:$0x7FF] =	sst s3;
	s7 =	sshll.u32 s1, $0xA;
	s10 =	sadd.s32 $0x2BF000, s5  }
0x9: {  	s12 =	sshll.u32 s1, $0x6;
	s29 =	sshll.u32 s1, $0x5;
	s14 =	sshll.u32 s1, $0x8  }
0xa: {  	s4 =	smul.u32 $0x186A00, s8;
	_ =	strace $0x8000004A;
	s9 =	sadd.s32 s7, s5  }
0xb: {  	s11 =	ssub.s32 $0x2, s8;
	s28 =	sshll.u32 s8, $0x9;
	s15 =	sshll.u32 s8, $0x7  }
0xc: {  	s8 =	sshll.u32 s8, $0x4;
	s26 =	sshrl.u32 s11, $0x1;
	s13 =	sadd.s32 s6, s2  }
0xd: {  	s14 =	sor.u32 s15, s14;
	s9 =	sadd.s32 s28, s9;
	s15 =	simm.s32 $0x1200  }
0xe: {  	s25 =	sadd.s32 s6, s4;
	s4 =	sadd.s32 $0x7E00, s5;
	s11 =	ssub.s32 s11, s26  }
0xf: {  	s31 =	sshrl.u32 s14, $0x3;
	s14 =	simm.s32 $0x80;
	s7 =	sshrl.u32 s25, $0x3  }
0x10: {  	s7 =	sadd.s32 s7, s5;
	s5 =	sor.u32 $0x1C03, s12;
	s12 =	sadd.s32 s29, s10  }
0x11: {  	s10 =	sadd.s32 s31, s10;
	s6 =	sadd.s32 $0xE3C00, s7;
	s7 =	smax.u32 s11, $0x1  }
0x12: {  	s30 =	sadd.s32 s8, s12;
	s8 =	sadd.s32 $0x33C000, s9;
	s11 =	sshrl.u32 s13, $0x3  }
0x13: {  	s12 =	simm.s32 $0x3;
	s13 =	simm.s32 $0x200;
	s9 =	sadd.s32 $0x600, s30  }
.LBB2_1:
0x14: {  	[spmem:s11], [sflag:s5] =	dma.local [hbm:s4], $0x30D4  }
0x15: {  	_ =	swait.ge [sflag:s12], $0x30D4  }
0x16: {  	[sflag:s12] =	ssyncset.done $0x0  }
0x17: {  	[sflag:s12] =	ssyncadd.s32 $0xFFFFCF2C  }
0x18: {  	[bflag:$0x0] =	sbarrier.arrive $0xFFFF  }
0x19: {  	[tilespmem:s3], [sflag:$0x1] =	stream.linear.gather [hbm4b:s10+s3], $0x80, $0x38;
	[tilespmem:$0x1C8A0] =	vst v63  }
0x1a: {  	s23 =	sadd.s32 $0x0, s8  }
0x1b: {  	[tilespmem:s13], [sflag:$0x1] =	stream.linear.gather [hbm4b:s23+s3], $0x1000, $0x38;
	[tilespmem:$0x1C8A0] =	vst v63  }
0x1c: {  	s24 =	sadd.s32 $0xFFFFFC00, s9  }
0x1d: {  	[tilespmem:s14], [sflag:$0x1] =	stream.linear.gather [hbm4b:s24+s3], $0x80, $0x38;
	[tilespmem:$0x1C8A0] =	vst v63  }
0x1e: {  	s29 =	sadd.s32 $0x4000, s23  }
0x1f: {  	[tilespmem:s15], [sflag:$0x1] =	stream.linear.gather [hbm4b:s29+s3], $0x1000, $0x38;
	[tilespmem:$0x1C8A0] =	vst v63  }
0x20: {  	s30 =	sadd.s32 $0xFFFFFE00, s9  }
0x21: {  	[tilespmem:s16], [sflag:$0x1] =	stream.linear.gather [hbm4b:s30+s3], $0x80, $0x38;
	[tilespmem:$0x1C8A0] =	vst v63  }
0x22: {  	s31 =	sadd.s32 $0x8000, s23  }
0x23: {  	[tilespmem:s17], [sflag:$0x1] =	stream.linear.gather [hbm4b:s31+s3], $0x1000, $0x38;
	[tilespmem:$0x1C8A0] =	vst v63  }
0x24: {  	_ = 	snop  }
0x25: {  	[tilespmem:s18], [sflag:$0x1] =	stream.linear.gather [hbm4b:s9+s3], $0x80, $0x38;
	[tilespmem:$0x1C8A0] =	vst v63  }
0x26: {  	s23 =	sadd.s32 $0xC000, s23  }
0x27: {  	[tilespmem:s19], [sflag:$0x1] =	stream.linear.gather [hbm4b:s23+s3], $0x1000, $0x38;
	[tilespmem:$0x1C8A0] =	vst v63  }
0x28: {  	_ =	swait.ge [sflag:s20], $0x80  }
0x29: {  	[sflag:s20] =	ssyncset.done $0x0  }
0x2a: {  	[sflag:s20] =	ssyncadd.s32 $0xFFFFFF80  }
0x2b: {  	_ =	swait.ge [sflag:s20], $0x1000  }
0x2c: {  	[sflag:s20] =	ssyncset.done $0x0  }
0x2d: {  	[sflag:s20] =	ssyncadd.s32 $0xFFFFF000  }
0x2e: {  	_ =	swait.ge [sflag:s20], $0x80  }
0x2f: {  	[sflag:s20] =	ssyncset.done $0x0  }
0x30: {  	[sflag:s20] =	ssyncadd.s32 $0xFFFFFF80  }
0x31: {  	_ =	swait.ge [sflag:s20], $0x1000  }
0x32: {  	[sflag:s20] =	ssyncset.done $0x0  }
0x33: {  	[sflag:s20] =	ssyncadd.s32 $0xFFFFF000  }
0x34: {  	_ =	swait.ge [sflag:s20], $0x80  }
0x35: {  	[sflag:s20] =	ssyncset.done $0x0  }
0x36: {  	[sflag:s20] =	ssyncadd.s32 $0xFFFFFF80  }
0x37: {  	_ =	swait.ge [sflag:s20], $0x1000  }
0x38: {  	[sflag:s20] =	ssyncset.done $0x0  }
0x39: {  	[sflag:s20] =	ssyncadd.s32 $0xFFFFF000  }
0x3a: {  	_ =	swait.ge [sflag:s20], $0x80  }
0x3b: {  	[sflag:s20] =	ssyncset.done $0x0  }
0x3c: {  	[sflag:s20] =	ssyncadd.s32 $0xFFFFFF80  }
0x3d: {  	_ =	swait.ge [sflag:s20], $0x1000  }
0x3e: {  	[sflag:s20] =	ssyncset.done $0x0  }
0x3f: {  	[sflag:s20] =	ssyncadd.s32 $0xFFFFF000  }
0x40: {  	[spmem:s2] =	stream.indirect.scatter.add.f32 [tilespmem:s13], [sflag:$0x2], $0x20, s3, s14, $0xb8;
	[tilespmem:$0x1C8A0] =	vst v63  }
0x41: {  	_ = 	snop  }
0x42: {  	[spmem:s2] =	stream.indirect.scatter.add.f32 [tilespmem:s15], [sflag:$0x2], $0x20, s14, s14, $0xb8;
	[tilespmem:$0x1C8A0] =	vst v63  }
0x43: {  	_ = 	snop  }
0x44: {  	[spmem:s2] =	stream.indirect.scatter.add.f32 [tilespmem:s17], [sflag:$0x2], $0x20, s16, s14, $0xb8;
	[tilespmem:$0x1C8A0] =	vst v63  }
0x45: {  	_ = 	snop  }
0x46: {  	[spmem:s2] =	stream.indirect.scatter.add.f32 [tilespmem:s19], [sflag:$0x2], $0x20, s18, s14, $0xb8;
	[tilespmem:$0x1C8A0] =	vst v63  }
0x47: {  	_ =	swait.ge [sflag:s21], $0x1000  }
0x48: {  	[sflag:s21] =	ssyncset.done $0x0  }
0x49: {  	[sflag:s21] =	ssyncadd.s32 $0xFFFFF000  }
0x4a: {  	_ =	swait.ge [sflag:s21], $0x1000  }
0x4b: {  	[sflag:s21] =	ssyncset.done $0x0  }
0x4c: {  	[sflag:s21] =	ssyncadd.s32 $0xFFFFF000  }
0x4d: {  	_ =	swait.ge [sflag:s21], $0x1000  }
0x4e: {  	[sflag:s21] =	ssyncset.done $0x0  }
0x4f: {  	[sflag:s21] =	ssyncadd.s32 $0xFFFFF000  }
0x50: {  	s25 =	smov.u32 s10;
	_ =	swait.ge [sflag:s21], $0x1000  }
0x51: {  	s24 =	smov.u32 s9;
	s23 =	simm.s32 $0x10000;
	[sflag:s21] =	ssyncset.done $0x0  }
.LBB2_2:
0x52: {  	[sflag:s21] =	ssyncadd.s32 $0xFFFFF000;
	s24 =	sadd.s32 $0x800, s24;
	s25 =	sadd.s32 $0x800, s25  }
0x53: {  	[tilespmem:s3], [sflag:$0x1] =	stream.linear.gather [hbm4b:s25+s3], $0x80, $0x38;
	[tilespmem:$0x1C8A0] =	vst v63  }
0x54: {  	s26 =	sadd.s32 s23, s8;
	p0 =	sne.s32 s23, $0x310000;
	s23 =	sadd.s32 $0x10000, s23  }
0x55: {  	[tilespmem:s13], [sflag:$0x1] =	stream.linear.gather [hbm4b:s26+s3], $0x1000, $0x38;
	[tilespmem:$0x1C8A0] =	vst v63  }
0x56: {  	s28 =	sadd.s32 $0xFFFFFC00, s24  }
0x57: {  	[tilespmem:s14], [sflag:$0x1] =	stream.linear.gather [hbm4b:s28+s3], $0x80, $0x38;
	[tilespmem:$0x1C8A0] =	vst v63  }
0x58: {  	s28 =	sadd.s32 $0x4000, s26  }
0x59: {  	[tilespmem:s15], [sflag:$0x1] =	stream.linear.gather [hbm4b:s28+s3], $0x1000, $0x38;
	[tilespmem:$0x1C8A0] =	vst v63  }
0x5a: {  	s28 =	sadd.s32 $0xFFFFFE00, s24  }
0x5b: {  	[tilespmem:s16], [sflag:$0x1] =	stream.linear.gather [hbm4b:s28+s3], $0x80, $0x38;
	[tilespmem:$0x1C8A0] =	vst v63  }
0x5c: {  	s28 =	sadd.s32 $0x8000, s26  }
0x5d: {  	[tilespmem:s17], [sflag:$0x1] =	stream.linear.gather [hbm4b:s28+s3], $0x1000, $0x38;
	[tilespmem:$0x1C8A0] =	vst v63  }
0x5e: {  	_ = 	snop  }
0x5f: {  	[tilespmem:s18], [sflag:$0x1] =	stream.linear.gather [hbm4b:s24+s3], $0x80, $0x38;
	[tilespmem:$0x1C8A0] =	vst v63  }
0x60: {  	s26 =	sadd.s32 $0xC000, s26  }
0x61: {  	[tilespmem:s19], [sflag:$0x1] =	stream.linear.gather [hbm4b:s26+s3], $0x1000, $0x38;
	[tilespmem:$0x1C8A0] =	vst v63  }
0x62: {  	_ =	swait.ge [sflag:s20], $0x80  }
0x63: {  	[sflag:s20] =	ssyncset.done $0x0  }
0x64: {  	[sflag:s20] =	ssyncadd.s32 $0xFFFFFF80  }
0x65: {  	_ =	swait.ge [sflag:s20], $0x1000  }
0x66: {  	[sflag:s20] =	ssyncset.done $0x0  }
0x67: {  	[sflag:s20] =	ssyncadd.s32 $0xFFFFF000  }
0x68: {  	_ =	swait.ge [sflag:s20], $0x80  }
0x69: {  	[sflag:s20] =	ssyncset.done $0x0  }
0x6a: {  	[sflag:s20] =	ssyncadd.s32 $0xFFFFFF80  }
0x6b: {  	_ =	swait.ge [sflag:s20], $0x1000  }
0x6c: {  	[sflag:s20] =	ssyncset.done $0x0  }
0x6d: {  	[sflag:s20] =	ssyncadd.s32 $0xFFFFF000  }
0x6e: {  	_ =	swait.ge [sflag:s20], $0x80  }
0x6f: {  	[sflag:s20] =	ssyncset.done $0x0  }
0x70: {  	[sflag:s20] =	ssyncadd.s32 $0xFFFFFF80  }
0x71: {  	_ =	swait.ge [sflag:s20], $0x1000  }
0x72: {  	[sflag:s20] =	ssyncset.done $0x0  }
0x73: {  	[sflag:s20] =	ssyncadd.s32 $0xFFFFF000  }
0x74: {  	_ =	swait.ge [sflag:s20], $0x80  }
0x75: {  	[sflag:s20] =	ssyncset.done $0x0  }
0x76: {  	[sflag:s20] =	ssyncadd.s32 $0xFFFFFF80  }
0x77: {  	_ =	swait.ge [sflag:s20], $0x1000  }
0x78: {  	[sflag:s20] =	ssyncset.done $0x0  }
0x79: {  	[sflag:s20] =	ssyncadd.s32 $0xFFFFF000  }
0x7a: {  	[spmem:s2] =	stream.indirect.scatter.add.f32 [tilespmem:s13], [sflag:$0x2], $0x20, s3, s14, $0xb8;
	[tilespmem:$0x1C8A0] =	vst v63  }
0x7b: {  	_ = 	snop  }
0x7c: {  	[spmem:s2] =	stream.indirect.scatter.add.f32 [tilespmem:s15], [sflag:$0x2], $0x20, s14, s14, $0xb8;
	[tilespmem:$0x1C8A0] =	vst v63  }
0x7d: {  	_ = 	snop  }
0x7e: {  	[spmem:s2] =	stream.indirect.scatter.add.f32 [tilespmem:s17], [sflag:$0x2], $0x20, s16, s14, $0xb8;
	[tilespmem:$0x1C8A0] =	vst v63  }
0x7f: {  	_ = 	snop  }
0x80: {  	[spmem:s2] =	stream.indirect.scatter.add.f32 [tilespmem:s19], [sflag:$0x2], $0x20, s18, s14, $0xb8;
	[tilespmem:$0x1C8A0] =	vst v63  }
0x81: {  	_ =	swait.ge [sflag:s21], $0x1000  }
0x82: {  	[sflag:s21] =	ssyncset.done $0x0  }
0x83: {  	[sflag:s21] =	ssyncadd.s32 $0xFFFFF000  }
0x84: {  	_ =	swait.ge [sflag:s21], $0x1000  }
0x85: {  	[sflag:s21] =	ssyncset.done $0x0  }
0x86: {  	[sflag:s21] =	ssyncadd.s32 $0xFFFFF000  }
.Ltmp0:
0x87: {  	_ =	swait.ge [sflag:s21], $0x1000;
	(pc) =	sbr.rel @p0 .LBB2_2-.Ltmp0, $4  }
0x88: {  	[sflag:s21] =	ssyncset.done $0x0  }
0x89: {  	[sflag:s21] =	ssyncadd.s32 $0xFFFFF000  }
0x8a: {  	_ =	swait.ge [sflag:s21], $0x1000  }
0x8b: {  	[sflag:s21] =	ssyncset.done $0x0  }
0x8c: {  	s22 =	sadd.s32 $0x1, s22  }
0x8d: {  	[sflag:s21] =	ssyncadd.s32 $0xFFFFF000;
	p0 =	sne.s32 s22, s7  }
.Ltmp1:
0x8e: {  	[bflag:$0x0] =	sbarrier.arrive $0xFFFF;
	(pc) =	sbr.rel @p0 .LBB2_1-.Ltmp1, $4  }
0x8f: {  	[hbm:s6], [sflag:s5] =	dma.local [spmem:s11], $0x30D4  }
0x90: {  	_ =	swait.ge [sflag:s12], $0x30D4  }
0x91: {  	[sflag:s12] =	ssyncset.done $0x0  }
0x92: {  	[sflag:s12] =	ssyncadd.s32 $0xFFFFCF2C  }
0x93: {  	_ =	sfence.sel $0x180000  }
0x94: {  	[bflag:$0x0] =	sbarrier.arrive $0xFFFF  }
0x95: {  	p0 =	sne.s32 s1, $0x0;
	_ =	strace $0x9000004A  }
0x96: {  	s0 =	sadd.s32 @!p0 $0x100000, s0;
	[bflag:$0x2] =	sbarrier.arrive $0xFFFF  }
0x97: {  	[sflag:s0] =	ssyncadd.tile.s32 @!p0 $0x1;
	_ =	shalt  }
.Lfunc_end2:
_tile_overlayer_lowered:
.L_overlay_start_2:
0x98: {  	(tag) =	ssettag $0x2  }
0x99: {  	s0 =	rddreg [dreg:$0x0];
	s2 =	stileid.u32  }
0x9a: {  	s1 =	rddreg [dreg:$0x1];
	p0 =	sne.s32 s2, $0x0  }
0x9b: {  	s3 =	rddreg [dreg:$0x2];
	[bflag:$0x3] =	sbarrier.arrive $0xFFFF;
	s2 =	simm.s32 @!p0 $0x1C03  }
0x9c: {  	[timem:s3], [sflag:s2] =	dma.local @!p0 [hbm:s0], s1  }
0x9d: {  	s0 =	simm.s32 @!p0 $0x3  }
0x9e: {  	_ =	swait.ge @!p0 [sflag:s0], s1  }
0x9f: {  	s1 =	ssub.s32 @!p0 $0x0, s1;
	[sflag:s0] =	ssyncset.done @!p0 $0x0  }
0xa0: {  	[sflag:s0] =	ssyncadd.s32 @!p0 s1  }
0xa1: {  	[bflag:$0x3] =	sbarrier.arrive $0xFFFF  }
0xa2: {  	_ =	shalt  }

// kernel: kernel.17.cloned.1.call-start
scs
__scs_entry_jumppad:
0x0: {  	(pc) =	sbr.rel $0x88, $3  }
0x1: {  	(tag) =	ssettag $0x0;
	lr =	simm.s32 $0x1  }
0x2: {  	[smem:$0x3F95] =	sst lr;
	_ =	strace $0xD0000000  }
0x3: {  	_ = 	snop  }
0x4: {  	_ = 	snop  }
0x5: {  	_ = 	snop  }
0x6: {  	_ = 	snop  }
0x7: {  	_ = 	snop  }
__scs_overlays_trampoline_lowered:
0x8: {  	[smem:$0x3FA4] =	sst s0  }
0x9: {  	[smem:$0x3FA5] =	sst s1  }
0xa: {  	[smem:$0x3FA6] =	sst s2  }
0xb: {  	[smem:$0x3FA7] =	sst s3  }
0xc: {  	[smem:$0x3FA8] =	sst s4  }
0xd: {  	[smem:$0x3FA9] =	sst s5  }
0xe: {  	[smem:$0x3FAA] =	sst s6  }
0xf: {  	[smem:$0x3FAB] =	sst s7  }
0x10: {  	[smem:$0x3FAC] =	sst s8  }
0x11: {  	[smem:$0x3FAD] =	sst s9;
	s0 =	simm.s32 @!p0 $0x0  }
0x12: {  	s1 =	sld [smem:$0x3F93];
	s0 =	simm.s32 @p0 $0x1  }
0x13: {  	[smem:$0x3FAE] =	sst s0;
	s0 =	simm.s32 @!p1 $0x0  }
0x14: {  	s2 =	sld [smem:$0x3F92];
	s0 =	simm.s32 @p1 $0x1  }
0x15: {  	[smem:$0x3FAF] =	sst s0;
	s0 =	simm.s32 @!p2 $0x0  }
0x16: {  	s3 =	sld [smem:$0x3FDB];
	s0 =	simm.s32 @p2 $0x1  }
0x17: {  	s4 =	simm.s32 $0x1BF5;
	[smem:$0x3FB1] =	sst s0  }
0x18: {  	s0 =	sld [smem:$0x3F94];
	_ =	swait.ge [sflag:s4], $0x0  }
0x19: {  	s7 =	sld [smem:$0x3F95]  }
0x1a: {  	s8 =	sadd.s32 $0xFFFFE003, lr  }
0x1b: {  	s9 =	sadd.s32 $0xFFFFFEF7, lr;
	s5 =	simm.s32 $0xFFFFFFFF;
	p2 =	slt.u32 s8, $0xFFFFF086  }
0x1c: {  	p1 =	slt.u32 s9, $0xF7A;
	s5 =	simm.s32 @!p2 $0x0  }
0x1d: {  	s5 =	simm.s32 @p1 $0x1;
	p0 =	seq.s32 s7, s2  }
0x1e: {  	s7 =	smul.u32 @!p0 $0xF7A, s2;
	p2 =	seq.s32 @!p0 s5, $0x0  }
0x1f: {  	s9 =	smul.u32 $0xF7A, s1;
	s8 =	simm.s32 @!p0 $0x1BF5;
	p2 =	por !p2, p0  }
0x20: {  	[sflag:s8] =	ssyncset.s32 @!p0 $0xFFFFF086;
	s6 =	sadd.s32 @!p0 s3, s7;
	s7 =	simm.s32 @!p0 $0x108  }
0x21: {  	s3 =	sadd.s32 s3, s9;
	s6 =	sadd.s32 @!p0 $0x88, s6;
	s7 =	simm.s32 @p2 $0x1082  }
0x22: {  	[simem:s7], [sflag:s8] =	dma.local @!p0 [hbm:s6], $0xF7A  }
0x23: {  	s9 =	sor.u32 $0xD0000000, s2;
	s6 =	simm.s32 $0x108;
	_ =	swait.ge @!p0 [sflag:s8], $0x0  }
0x24: {  	s3 =	sadd.s32 $0x88, s3;
	s6 =	simm.s32 @!p1 $0x1082;
	[sflag:s4] =	ssyncset.s32 $0xFFFFF086  }
0x25: {  	[simem:s6], [sflag:s4] =	dma.local [hbm:s3], $0xF7A  }
0x26: {  	[smem:$0x3F95] =	sst s1;
	(tag) =	ssettag s2;
	_ =	strace s9  }
0x27: {  	s1 =	sld [smem:$0x3FA5]  }
0x28: {  	s2 =	sld [smem:$0x3FA6]  }
0x29: {  	s4 =	sld [smem:$0x3FA8]  }
0x2a: {  	p0 =	seq.s32 s5, $0x0;
	s5 =	sld [smem:$0x3FA9]  }
0x2b: {  	s6 =	sld [smem:$0x3FAA]  }
0x2c: {  	s7 =	sld [smem:$0x3FAB]  }
0x2d: {  	s3 =	simm.s32 $0x108;
	s8 =	sld [smem:$0x3FAC]  }
0x2e: {  	s3 =	simm.s32 @!p0 $0x1082;
	s9 =	sld [smem:$0x3FAD]  }
0x2f: {  	lr =	sadd.s32 s0, s3;
	s0 =	sld [smem:$0x3FA4]  }
0x30: {  	s3 =	sld [smem:$0x3FA7]  }
0x31: {  	[smem:$0x3FB0] =	sst s10  }
0x32: {  	s10 =	sld [smem:$0x3FAE];
	_ =	sdelay $0x3  }
0x33: {  	p0 =	seq.s32 s10, $0x1;
	s10 =	sld [smem:$0x3FB0];
	_ =	sdelay $0x3  }
0x34: {  	[smem:$0x3FB0] =	sst s10  }
0x35: {  	s10 =	sld [smem:$0x3FAF];
	_ =	sdelay $0x3  }
0x36: {  	p1 =	seq.s32 s10, $0x1;
	s10 =	sld [smem:$0x3FB0];
	_ =	sdelay $0x3  }
0x37: {  	[smem:$0x3FB0] =	sst s10  }
0x38: {  	s10 =	sld [smem:$0x3FB1]  }
0x39: {  	_ = 	snop;
	(pc) =	sbr.ind lr, $3  }
0x3a: {  	_ = 	snop  }
0x3b: {  	_ = 	snop  }
0x3c: {  	p2 =	seq.s32 s10, $0x1;
	s10 =	sld [smem:$0x3FB0]  }
0x3d: {  	_ =	shalt  }
0x3e: {  	_ =	shalt  }
0x3f: {  	_ =	shalt  }
0x40: {  	_ =	shalt  }
0x41: {  	_ =	shalt  }
0x42: {  	_ =	shalt  }
0x43: {  	_ =	shalt  }
0x44: {  	_ =	shalt  }
0x45: {  	_ =	shalt  }
0x46: {  	_ =	shalt  }
0x47: {  	_ =	shalt  }
0x48: {  	_ =	shalt  }
0x49: {  	_ =	shalt  }
0x4a: {  	_ =	shalt  }
0x4b: {  	_ =	shalt  }
0x4c: {  	_ =	shalt  }
0x4d: {  	_ =	shalt  }
0x4e: {  	_ =	shalt  }
0x4f: {  	_ =	shalt  }
0x50: {  	_ =	shalt  }
0x51: {  	_ =	shalt  }
0x52: {  	_ =	shalt  }
0x53: {  	_ =	shalt  }
0x54: {  	_ =	shalt  }
0x55: {  	_ =	shalt  }
0x56: {  	_ =	shalt  }
0x57: {  	_ =	shalt  }
0x58: {  	_ =	shalt  }
0x59: {  	_ =	shalt  }
0x5a: {  	_ =	shalt  }
0x5b: {  	_ =	shalt  }
0x5c: {  	_ =	shalt  }
0x5d: {  	_ =	shalt  }
0x5e: {  	_ =	shalt  }
0x5f: {  	_ =	shalt  }
0x60: {  	_ =	shalt  }
0x61: {  	_ =	shalt  }
0x62: {  	_ =	shalt  }
0x63: {  	_ =	shalt  }
0x64: {  	_ =	shalt  }
0x65: {  	_ =	shalt  }
0x66: {  	_ =	shalt  }
0x67: {  	_ =	shalt  }
0x68: {  	_ =	shalt  }
0x69: {  	_ =	shalt  }
0x6a: {  	_ =	shalt  }
0x6b: {  	_ =	shalt  }
0x6c: {  	_ =	shalt  }
0x6d: {  	_ =	shalt  }
0x6e: {  	_ =	shalt  }
0x6f: {  	_ =	shalt  }
0x70: {  	_ =	shalt  }
0x71: {  	_ =	shalt  }
0x72: {  	_ =	shalt  }
0x73: {  	_ =	shalt  }
0x74: {  	_ =	shalt  }
0x75: {  	_ =	shalt  }
0x76: {  	_ =	shalt  }
0x77: {  	_ =	shalt  }
0x78: {  	_ =	shalt  }
0x79: {  	_ =	shalt  }
0x7a: {  	_ =	shalt  }
0x7b: {  	_ =	shalt  }
0x7c: {  	_ =	shalt  }
0x7d: {  	_ =	shalt  }
0x7e: {  	_ =	shalt  }
0x7f: {  	_ =	shalt  }
0x80: {  	_ =	shalt  }
0x81: {  	_ =	shalt  }
0x82: {  	_ =	shalt  }
0x83: {  	_ =	shalt  }
0x84: {  	_ =	shalt  }
0x85: {  	_ =	shalt  }
0x86: {  	_ =	shalt  }
0x87: {  	_ =	shalt  }
.Lfunc_end0:
.L_simem_size_0:
called_computation.2_lowered:
.L_overlay_start_0:
0x88: {  	s2 =	sld [smem:$0x3FD9]  }
0x89: {  	s3 =	sld [smem:$0x3FFE];
	_ =	sdelay $0x1  }
0x8a: {  	s1 =	srdreg.scid  }
0x8b: {  	s0 =	sand.u32 $0x1, s1  }
0x8c: {  	s17 =	sshll.u32 s0, $0xA;
	s2 =	sadd.s32 s3, s2  }
0x8d: {  	s2 =	sadd.s32 s2, s17  }
0x8e: {  	[smem:$0x3FBC] =	sst s2  }
0x8f: {  	_ = 	snop  }
0x90: {  	s2 =	sld [smem:$0x3FD0];
	(tm) =	ssettm $0x1  }
0x91: {  	s18 =	sld [smem:$0x3FFB];
	_ =	sdelay $0x3  }
0x92: {  	_ =	strace s18  }
0x93: {  	s3 =	sld [smem:$0x3FFC];
	_ =	sdelay $0x3  }
0x94: {  	_ =	strace s3  }
0x95: {  	s3 =	sld [smem:$0x3FFD];
	_ =	sdelay $0x3  }
0x96: {  	_ =	strace s3  }
0x97: {  	_ =	strace $0x8FFFFFFF  }
0x98: {  	s19 =	sld [smem:$0x3FDB];
	_ =	sdelay $0x1  }
0x99: {  	s4 =	simm.s32 $_scs_section_size  }
0x9a: {  	s5 =	simm.s32 $_size__tile_overlayer_lowered;
	s6 =	simm.s32 $_tile_overlayer_lowered  }
0x9b: {  	s22 =	simm.s32 $0x1BFF;
	s21 =	sshll.u32 s6, $0x1;
	s3 =	sadd.s32 s4, s19  }
0x9c: {  	s7 =	simm.s32 $0x0;
	s20 =	sshll.u32 s5, $0x1;
	s5 =	sadd.s32 s21, s3  }
0x9d: {  	[timem:s7], [sflag:s22] =	dma.local [hbm:s5], s20  }
0x9e: {  	_ =	swait.ge [sflag:s22], s20  }
0x9f: {  	s4 =	ssub.s32 $0x0, s20;
	[sflag:s22] =	ssyncset.done $0x0  }
0xa0: {  	[sflag:s22] =	ssyncadd.s32 s4;
	_ =	sdelay $0x1  }
0xa1: {  	s23 =	simm.s32 $0x1B8B  }
0xa2: {  	_ =	swait.ge [sflag:s23], $0x1  }
0xa3: {  	[sflag:s23] =	ssyncset.done $0x0  }
0xa4: {  	s25 =	simm.s32 $0x1B8E;
	s24 =	sld [smem:$0x3FFE];
	[sflag:s23] =	ssyncadd.s32 $0xFFFFFFFF  }
0xa5: {  	s26 =	simm.s32 $execute0_lowered;
	[smem:$0x3FD2] =	sst s25  }
0xa6: {  	s5 =	sshll.u32 s26, $0x1;
	_ =	strace $0x8000004C;
	[dreg:$0x1] =	wrdreg $0xFFFFFFFF  }
0xa7: {  	s28 =	simm.s32 $_size_execute0_lowered;
	s3 =	sadd.s32 s3, s5;
	[dreg:$0x0] =	wrdreg $0x0  }
0xa8: {  	s5 =	sshll.u32 s28, $0x1;
	[dreg:$0x2] =	wrdreg s3  }
0xa9: {  	[dreg:$0x3] =	wrdreg s5  }
0xaa: {  	[dreg:$0x4] =	wrdreg $0xC0  }
0xab: {  	_ =	task [dreg:s7], $0x5FFFF  }
0xac: {  	[dreg:$0x1] =	wrdreg $0xFFFFFFFF  }
0xad: {  	[dreg:$0x0] =	wrdreg $0x60  }
0xae: {  	[dreg:$0x2] =	wrdreg s24  }
0xaf: {  	[dreg:$0x3] =	wrdreg s2  }
0xb0: {  	[dreg:$0x4] =	wrdreg $0x9  }
0xb1: {  	_ =	task.clear_ibuf [dreg:s7], $0x5FFFF;
	_ =	strace $0x9000004C  }
0xb2: {  	s29 =	simm.s32 $0x9;
	_ =	strace $0x8000004E  }
0xb3: {  	_ =	swait.ge [sflag:s29], $0x1  }
0xb4: {  	[sflag:s29] =	ssyncadd.s32 $0xFFFFFFFF  }
0xb5: {  	_ =	strace $0x9000004E  }
0xb6: {  	_ =	sfence  }
0xb7: {  	s30 =	sld [smem:$0x0];
	_ =	sdelay $0x2  }
0xb8: {  	s31 =	sshll.u32 s1, $0xD;
	s1 =	sshrl.u32 s1, $0x2  }
0xb9: {  	s3 =	sand.u32 $0x4000, s31;
	s1 =	sadd.s32 s1, s30  }
0xba: {  	s0 =	sor.u32 s3, s0;
	s1 =	sshll.u32 s1, $0x11  }
0xbb: {  	s0 =	sor.u32 s1, s0  }
0xbc: {  	s0 =	sadd.s32 $0x8F2B, s0  }
0xbd: {  	[sflag:s0] =	ssyncadd.remote.s32 $0x1  }
0xbe: {  	_ =	sfence.sel $0xFFFF  }
0xbf: {  	[dreg:$0x0] =	wrdreg $0xFFFFFFFF;
	(pc) =	sbr.abs _section_cstart, $3  }
0xc0: {  	[dreg:$0x1] =	wrdreg $0xFFFFFFFF  }
0xc1: {  	_ =	task.clear_ibuf [dreg:s7], $0x2FFFF;
	_ =	strace $0x9FFFFFFF  }
0xc2: {  	(tm) =	ssettm $0x7FFFFFFF  }
0xc3: {  	_ =	shalt  }
tec
execute0_lowered:
.L_overlay_start_1:
0x0: {  	(tag) =	ssettag $0x1  }
0x1: {  	s4 =	rddreg [dreg:$0x0]  }
0x2: {  	s2 =	rddreg [dreg:$0x1]  }
0x3: {  	s3 =	simm.s32 $0x0;
	s1 =	stileid.u32;
	s5 =	srdreg.scid  }
0x4: {  	s12 =	simm.s32 $0x380;
	s13 =	simm.s32 $0x1;
	s14 =	simm.s32 $0x400  }
0x5: {  	s15 =	simm.s32 $0xC00;
	s16 =	simm.s32 $0x1400;
	s17 =	simm.s32 $0x1C00  }
0x6: {  	s18 =	simm.s32 $0x2400;
	s19 =	simm.s32 $0x2C00;
	s20 =	simm.s32 $0x3400  }
0x7: {  	s21 =	simm.s32 $0x3C00;
	s22 =	simm.s32 $0x2;
	s23 =	simm.s32 $0x3  }
0x8: {  	s24 =	simm.s32 $0x0;
	[smem:$0x7FF] =	sst s3;
	s6 =	sshll.u32 s1, $0x9  }
0x9: {  	s5 =	sand.u32 $0x1, s5;
	s9 =	sshll.u32 s1, $0x5;
	s11 =	sshll.u32 s1, $0x8  }
0xa: {  	_ =	strace $0x8000004D;
	s6 =	sadd.s32 s6, s4;
	s7 =	sshll.u32 s5, $0x8  }
0xb: {  	s4 =	sadd.s32 $0x130800, s4;
	s8 =	ssub.s32 $0x2, s5;
	s10 =	sshll.u32 s5, $0x4  }
0xc: {  	s5 =	sshll.u32 s5, $0x7;
	s6 =	sadd.s32 s7, s6;
	s29 =	sshrl.u32 s8, $0x1  }
0xd: {  	s30 =	sor.u32 s10, s9;
	s5 =	sor.u32 s5, s11;
	s9 =	simm.s32 $0x200  }
0xe: {  	s10 =	simm.s32 $0x280;
	s11 =	simm.s32 $0x300;
	s6 =	sadd.s32 $0x33C000, s6  }
0xf: {  	s7 =	ssub.s32 s8, s29;
	[dreg:$0x4] =	wrdreg s30;
	s31 =	sshrl.u32 s5, $0x3  }
0x10: {  	s8 =	simm.s32 $0x180;
	[dreg:$0x3] =	wrdreg s6;
	s5 =	smax.u32 s7, $0x1  }
0x11: {  	[dreg:$0x5] =	wrdreg s31;
	s6 =	simm.s32 $0x80;
	s7 =	simm.s32 $0x100  }
.LBB2_1:
0x12: {  	s25 =	rddreg [dreg:$0x5]  }
0x13: {  	s26 =	rddreg [dreg:$0x4];
	s25 =	sadd.s32 s2, s25  }
0x14: {  	[tilespmem:s3], [sflag:$0x1] =	stream.linear.gather [hbm4b:s25+s3], $0x80, $0x38;
	[tilespmem:$0x4400] =	vst v63  }
0x15: {  	s25 =	sadd.s32 s2, s26  }
0x16: {  	s26 =	sadd.s32 $0x200, s25  }
0x17: {  	[tilespmem:s6], [sflag:$0x1] =	stream.linear.gather [hbm4b:s26+s3], $0x80, $0x38;
	[tilespmem:$0x4400] =	vst v63  }
0x18: {  	s0 =	sadd.s32 $0x400, s25  }
0x19: {  	[tilespmem:s7], [sflag:$0x1] =	stream.linear.gather [hbm4b:s0+s3], $0x80, $0x38;
	[tilespmem:$0x4400] =	vst v63  }
0x1a: {  	s29 =	sadd.s32 $0x600, s25  }
0x1b: {  	[tilespmem:s8], [sflag:$0x1] =	stream.linear.gather [hbm4b:s29+s3], $0x80, $0x38;
	[tilespmem:$0x4400] =	vst v63  }
0x1c: {  	s30 =	sadd.s32 $0x800, s25  }
0x1d: {  	[tilespmem:s9], [sflag:$0x1] =	stream.linear.gather [hbm4b:s30+s3], $0x80, $0x38;
	[tilespmem:$0x4400] =	vst v63  }
0x1e: {  	s31 =	sadd.s32 $0xA00, s25  }
0x1f: {  	[tilespmem:s10], [sflag:$0x1] =	stream.linear.gather [hbm4b:s31+s3], $0x80, $0x38;
	[tilespmem:$0x4400] =	vst v63  }
0x20: {  	s0 =	sadd.s32 $0xC00, s25  }
0x21: {  	[tilespmem:s11], [sflag:$0x1] =	stream.linear.gather [hbm4b:s0+s3], $0x80, $0x38;
	[tilespmem:$0x4400] =	vst v63  }
0x22: {  	s25 =	sadd.s32 $0xE00, s25  }
0x23: {  	[tilespmem:s12], [sflag:$0x1] =	stream.linear.gather [hbm4b:s25+s3], $0x80, $0x38;
	[tilespmem:$0x4400] =	vst v63  }
0x24: {  	_ =	swait.ge [sflag:s13], $0x80  }
0x25: {  	[sflag:s13] =	ssyncset.done $0x0  }
0x26: {  	[sflag:s13] =	ssyncadd.s32 $0xFFFFFF80  }
0x27: {  	_ =	swait.ge [sflag:s13], $0x80  }
0x28: {  	[sflag:s13] =	ssyncset.done $0x0  }
0x29: {  	[sflag:s13] =	ssyncadd.s32 $0xFFFFFF80  }
0x2a: {  	_ =	swait.ge [sflag:s13], $0x80  }
0x2b: {  	[sflag:s13] =	ssyncset.done $0x0  }
0x2c: {  	[sflag:s13] =	ssyncadd.s32 $0xFFFFFF80  }
0x2d: {  	_ =	swait.ge [sflag:s13], $0x80  }
0x2e: {  	[sflag:s13] =	ssyncset.done $0x0  }
0x2f: {  	[sflag:s13] =	ssyncadd.s32 $0xFFFFFF80  }
0x30: {  	_ =	swait.ge [sflag:s13], $0x80  }
0x31: {  	[sflag:s13] =	ssyncset.done $0x0  }
0x32: {  	[sflag:s13] =	ssyncadd.s32 $0xFFFFFF80  }
0x33: {  	_ =	swait.ge [sflag:s13], $0x80  }
0x34: {  	[sflag:s13] =	ssyncset.done $0x0  }
0x35: {  	[sflag:s13] =	ssyncadd.s32 $0xFFFFFF80  }
0x36: {  	_ =	swait.ge [sflag:s13], $0x80  }
0x37: {  	[sflag:s13] =	ssyncset.done $0x0  }
0x38: {  	[sflag:s13] =	ssyncadd.s32 $0xFFFFFF80  }
0x39: {  	_ =	swait.ge [sflag:s13], $0x80  }
0x3a: {  	[sflag:s13] =	ssyncset.done $0x0  }
0x3b: {  	[sflag:s13] =	ssyncadd.s32 $0xFFFFFF80  }
0x3c: {  	[tilespmem:s14], [sflag:$0x2] =	stream.indirect.gather [hbm4b:s4+s6], $0x10, s3, s6, $0xb8;
	[tilespmem:$0x4400] =	vst v63  }
0x3d: {  	_ = 	snop  }
0x3e: {  	[tilespmem:s15], [sflag:$0x2] =	stream.indirect.gather [hbm4b:s4+s6], $0x10, s6, s6, $0xb8;
	[tilespmem:$0x4400] =	vst v63  }
0x3f: {  	_ = 	snop  }
0x40: {  	[tilespmem:s16], [sflag:$0x2] =	stream.indirect.gather [hbm4b:s4+s6], $0x10, s7, s6, $0xb8;
	[tilespmem:$0x4400] =	vst v63  }
0x41: {  	_ = 	snop  }
0x42: {  	[tilespmem:s17], [sflag:$0x2] =	stream.indirect.gather [hbm4b:s4+s6], $0x10, s8, s6, $0xb8;
	[tilespmem:$0x4400] =	vst v63  }
0x43: {  	_ = 	snop  }
0x44: {  	[tilespmem:s18], [sflag:$0x2] =	stream.indirect.gather [hbm4b:s4+s6], $0x10, s9, s6, $0xb8;
	[tilespmem:$0x4400] =	vst v63  }
0x45: {  	_ = 	snop  }
0x46: {  	[tilespmem:s19], [sflag:$0x2] =	stream.indirect.gather [hbm4b:s4+s6], $0x10, s10, s6, $0xb8;
	[tilespmem:$0x4400] =	vst v63  }
0x47: {  	_ = 	snop  }
0x48: {  	[tilespmem:s20], [sflag:$0x2] =	stream.indirect.gather [hbm4b:s4+s6], $0x10, s11, s6, $0xb8;
	[tilespmem:$0x4400] =	vst v63  }
0x49: {  	_ = 	snop  }
0x4a: {  	[tilespmem:s21], [sflag:$0x2] =	stream.indirect.gather [hbm4b:s4+s6], $0x10, s12, s6, $0xb8;
	[tilespmem:$0x4400] =	vst v63  }
0x4b: {  	_ =	swait.ge [sflag:s22], $0x800  }
0x4c: {  	[sflag:s22] =	ssyncset.done $0x0  }
0x4d: {  	[sflag:s22] =	ssyncadd.s32 $0xFFFFF800  }
0x4e: {  	_ =	swait.ge [sflag:s22], $0x800  }
0x4f: {  	[sflag:s22] =	ssyncset.done $0x0  }
0x50: {  	[sflag:s22] =	ssyncadd.s32 $0xFFFFF800  }
0x51: {  	_ =	swait.ge [sflag:s22], $0x800  }
0x52: {  	[sflag:s22] =	ssyncset.done $0x0  }
0x53: {  	[sflag:s22] =	ssyncadd.s32 $0xFFFFF800  }
0x54: {  	_ =	swait.ge [sflag:s22], $0x800  }
0x55: {  	[sflag:s22] =	ssyncset.done $0x0  }
0x56: {  	[sflag:s22] =	ssyncadd.s32 $0xFFFFF800  }
0x57: {  	_ =	swait.ge [sflag:s22], $0x800  }
0x58: {  	[sflag:s22] =	ssyncset.done $0x0  }
0x59: {  	[sflag:s22] =	ssyncadd.s32 $0xFFFFF800  }
0x5a: {  	_ =	swait.ge [sflag:s22], $0x800  }
0x5b: {  	[sflag:s22] =	ssyncset.done $0x0  }
0x5c: {  	[sflag:s22] =	ssyncadd.s32 $0xFFFFF800  }
0x5d: {  	_ =	swait.ge [sflag:s22], $0x800  }
0x5e: {  	[sflag:s22] =	ssyncset.done $0x0  }
0x5f: {  	[sflag:s22] =	ssyncadd.s32 $0xFFFFF800  }
0x60: {  	_ =	swait.ge [sflag:s22], $0x800  }
0x61: {  	s29 =	rddreg [dreg:$0x3];
	[sflag:s22] =	ssyncset.done $0x0  }
0x62: {  	[sflag:s22] =	ssyncadd.s32 $0xFFFFF800;
	s25 =	sadd.s32 $0x0, s29  }
0x63: {  	[hbm4b:s25+s3] =	stream.linear.scatter [tilespmem:s14], [sflag:$0x3], $0x800, $0x38;
	[tilespmem:$0x4400] =	vst v63  }
0x64: {  	s30 =	sadd.s32 $0x2000, s25  }
0x65: {  	[hbm4b:s30+s3] =	stream.linear.scatter [tilespmem:s15], [sflag:$0x3], $0x800, $0x38;
	[tilespmem:$0x4400] =	vst v63  }
0x66: {  	s31 =	sadd.s32 $0x4000, s25  }
0x67: {  	[hbm4b:s31+s3] =	stream.linear.scatter [tilespmem:s16], [sflag:$0x3], $0x800, $0x38;
	[tilespmem:$0x4400] =	vst v63  }
0x68: {  	s0 =	sadd.s32 $0x6000, s25  }
0x69: {  	[hbm4b:s0+s3] =	stream.linear.scatter [tilespmem:s17], [sflag:$0x3], $0x800, $0x38;
	[tilespmem:$0x4400] =	vst v63  }
0x6a: {  	s29 =	sadd.s32 $0x8000, s25  }
0x6b: {  	[hbm4b:s29+s3] =	stream.linear.scatter [tilespmem:s18], [sflag:$0x3], $0x800, $0x38;
	[tilespmem:$0x4400] =	vst v63  }
0x6c: {  	s30 =	sadd.s32 $0xA000, s25  }
0x6d: {  	[hbm4b:s30+s3] =	stream.linear.scatter [tilespmem:s19], [sflag:$0x3], $0x800, $0x38;
	[tilespmem:$0x4400] =	vst v63  }
0x6e: {  	s31 =	sadd.s32 $0xC000, s25  }
0x6f: {  	[hbm4b:s31+s3] =	stream.linear.scatter [tilespmem:s20], [sflag:$0x3], $0x800, $0x38;
	[tilespmem:$0x4400] =	vst v63  }
0x70: {  	s25 =	sadd.s32 $0xE000, s25  }
0x71: {  	[hbm4b:s25+s3] =	stream.linear.scatter [tilespmem:s21], [sflag:$0x3], $0x800, $0x38;
	[tilespmem:$0x4400] =	vst v63  }
0x72: {  	_ =	swait.ge [sflag:s23], $0x800  }
0x73: {  	[sflag:s23] =	ssyncset.done $0x0  }
0x74: {  	[sflag:s23] =	ssyncadd.s32 $0xFFFFF800  }
0x75: {  	_ =	swait.ge [sflag:s23], $0x800  }
0x76: {  	[sflag:s23] =	ssyncset.done $0x0  }
0x77: {  	[sflag:s23] =	ssyncadd.s32 $0xFFFFF800  }
0x78: {  	_ =	swait.ge [sflag:s23], $0x800  }
0x79: {  	[sflag:s23] =	ssyncset.done $0x0  }
0x7a: {  	[sflag:s23] =	ssyncadd.s32 $0xFFFFF800  }
0x7b: {  	_ =	swait.ge [sflag:s23], $0x800  }
0x7c: {  	[sflag:s23] =	ssyncset.done $0x0  }
0x7d: {  	[sflag:s23] =	ssyncadd.s32 $0xFFFFF800  }
0x7e: {  	_ =	swait.ge [sflag:s23], $0x800  }
0x7f: {  	[sflag:s23] =	ssyncset.done $0x0  }
0x80: {  	[sflag:s23] =	ssyncadd.s32 $0xFFFFF800  }
0x81: {  	_ =	swait.ge [sflag:s23], $0x800  }
0x82: {  	[sflag:s23] =	ssyncset.done $0x0  }
0x83: {  	[sflag:s23] =	ssyncadd.s32 $0xFFFFF800  }
0x84: {  	_ =	swait.ge [sflag:s23], $0x800  }
0x85: {  	[sflag:s23] =	ssyncset.done $0x0  }
0x86: {  	s28 =	simm.s32 $0x20000;
	[sflag:s23] =	ssyncadd.s32 $0xFFFFF800  }
0x87: {  	s26 =	smov.u32 s2;
	s25 =	simm.s32 $0x10000;
	_ =	swait.ge [sflag:s23], $0x800  }
.LBB2_2:
0x88: {  	s30 =	rddreg [dreg:$0x5];
	[sflag:s23] =	ssyncset.done $0x0;
	s26 =	sadd.s32 $0x1000, s26  }
0x89: {  	s31 =	rddreg [dreg:$0x4];
	[sflag:s23] =	ssyncadd.s32 $0xFFFFF800;
	s30 =	sadd.s32 s26, s30  }
0x8a: {  	[tilespmem:s3], [sflag:$0x1] =	stream.linear.gather [hbm4b:s30+s3], $0x80, $0x38;
	[tilespmem:$0x4400] =	vst v63  }
0x8b: {  	s30 =	sadd.s32 s26, s31  }
0x8c: {  	s31 =	sadd.s32 $0x200, s30  }
0x8d: {  	[tilespmem:s6], [sflag:$0x1] =	stream.linear.gather [hbm4b:s31+s3], $0x80, $0x38;
	[tilespmem:$0x4400] =	vst v63  }
0x8e: {  	s0 =	sadd.s32 $0x400, s30  }
0x8f: {  	[tilespmem:s7], [sflag:$0x1] =	stream.linear.gather [hbm4b:s0+s3], $0x80, $0x38;
	[tilespmem:$0x4400] =	vst v63  }
0x90: {  	s31 =	sadd.s32 $0x600, s30  }
0x91: {  	[tilespmem:s8], [sflag:$0x1] =	stream.linear.gather [hbm4b:s31+s3], $0x80, $0x38;
	[tilespmem:$0x4400] =	vst v63  }
0x92: {  	s0 =	sadd.s32 $0x800, s30  }
0x93: {  	[tilespmem:s9], [sflag:$0x1] =	stream.linear.gather [hbm4b:s0+s3], $0x80, $0x38;
	[tilespmem:$0x4400] =	vst v63  }
0x94: {  	s31 =	sadd.s32 $0xA00, s30  }
0x95: {  	[tilespmem:s10], [sflag:$0x1] =	stream.linear.gather [hbm4b:s31+s3], $0x80, $0x38;
	[tilespmem:$0x4400] =	vst v63  }
0x96: {  	s0 =	sadd.s32 $0xC00, s30  }
0x97: {  	[tilespmem:s11], [sflag:$0x1] =	stream.linear.gather [hbm4b:s0+s3], $0x80, $0x38;
	[tilespmem:$0x4400] =	vst v63  }
0x98: {  	s30 =	sadd.s32 $0xE00, s30  }
0x99: {  	[tilespmem:s12], [sflag:$0x1] =	stream.linear.gather [hbm4b:s30+s3], $0x80, $0x38;
	[tilespmem:$0x4400] =	vst v63  }
0x9a: {  	_ =	swait.ge [sflag:s13], $0x80  }
0x9b: {  	[sflag:s13] =	ssyncset.done $0x0  }
0x9c: {  	[sflag:s13] =	ssyncadd.s32 $0xFFFFFF80  }
0x9d: {  	_ =	swait.ge [sflag:s13], $0x80  }
0x9e: {  	[sflag:s13] =	ssyncset.done $0x0  }
0x9f: {  	[sflag:s13] =	ssyncadd.s32 $0xFFFFFF80  }
0xa0: {  	_ =	swait.ge [sflag:s13], $0x80  }
0xa1: {  	[sflag:s13] =	ssyncset.done $0x0  }
0xa2: {  	[sflag:s13] =	ssyncadd.s32 $0xFFFFFF80  }
0xa3: {  	_ =	swait.ge [sflag:s13], $0x80  }
0xa4: {  	[sflag:s13] =	ssyncset.done $0x0  }
0xa5: {  	[sflag:s13] =	ssyncadd.s32 $0xFFFFFF80  }
0xa6: {  	_ =	swait.ge [sflag:s13], $0x80  }
0xa7: {  	[sflag:s13] =	ssyncset.done $0x0  }
0xa8: {  	[sflag:s13] =	ssyncadd.s32 $0xFFFFFF80  }
0xa9: {  	_ =	swait.ge [sflag:s13], $0x80  }
0xaa: {  	[sflag:s13] =	ssyncset.done $0x0  }
0xab: {  	[sflag:s13] =	ssyncadd.s32 $0xFFFFFF80  }
0xac: {  	_ =	swait.ge [sflag:s13], $0x80  }
0xad: {  	[sflag:s13] =	ssyncset.done $0x0  }
0xae: {  	[sflag:s13] =	ssyncadd.s32 $0xFFFFFF80  }
0xaf: {  	_ =	swait.ge [sflag:s13], $0x80  }
0xb0: {  	[sflag:s13] =	ssyncset.done $0x0  }
0xb1: {  	[sflag:s13] =	ssyncadd.s32 $0xFFFFFF80  }
0xb2: {  	[tilespmem:s14], [sflag:$0x2] =	stream.indirect.gather [hbm4b:s4+s6], $0x10, s3, s6, $0xb8;
	[tilespmem:$0x4400] =	vst v63  }
0xb3: {  	_ = 	snop  }
0xb4: {  	[tilespmem:s15], [sflag:$0x2] =	stream.indirect.gather [hbm4b:s4+s6], $0x10, s6, s6, $0xb8;
	[tilespmem:$0x4400] =	vst v63  }
0xb5: {  	_ = 	snop  }
0xb6: {  	[tilespmem:s16], [sflag:$0x2] =	stream.indirect.gather [hbm4b:s4+s6], $0x10, s7, s6, $0xb8;
	[tilespmem:$0x4400] =	vst v63  }
0xb7: {  	_ = 	snop  }
0xb8: {  	[tilespmem:s17], [sflag:$0x2] =	stream.indirect.gather [hbm4b:s4+s6], $0x10, s8, s6, $0xb8;
	[tilespmem:$0x4400] =	vst v63  }
0xb9: {  	_ = 	snop  }
0xba: {  	[tilespmem:s18], [sflag:$0x2] =	stream.indirect.gather [hbm4b:s4+s6], $0x10, s9, s6, $0xb8;
	[tilespmem:$0x4400] =	vst v63  }
0xbb: {  	_ = 	snop  }
0xbc: {  	[tilespmem:s19], [sflag:$0x2] =	stream.indirect.gather [hbm4b:s4+s6], $0x10, s10, s6, $0xb8;
	[tilespmem:$0x4400] =	vst v63  }
0xbd: {  	_ = 	snop  }
0xbe: {  	[tilespmem:s20], [sflag:$0x2] =	stream.indirect.gather [hbm4b:s4+s6], $0x10, s11, s6, $0xb8;
	[tilespmem:$0x4400] =	vst v63  }
0xbf: {  	_ = 	snop  }
0xc0: {  	[tilespmem:s21], [sflag:$0x2] =	stream.indirect.gather [hbm4b:s4+s6], $0x10, s12, s6, $0xb8;
	[tilespmem:$0x4400] =	vst v63  }
0xc1: {  	_ =	swait.ge [sflag:s22], $0x800  }
0xc2: {  	[sflag:s22] =	ssyncset.done $0x0  }
0xc3: {  	[sflag:s22] =	ssyncadd.s32 $0xFFFFF800  }
0xc4: {  	_ =	swait.ge [sflag:s22], $0x800  }
0xc5: {  	[sflag:s22] =	ssyncset.done $0x0  }
0xc6: {  	[sflag:s22] =	ssyncadd.s32 $0xFFFFF800  }
0xc7: {  	_ =	swait.ge [sflag:s22], $0x800  }
0xc8: {  	[sflag:s22] =	ssyncset.done $0x0  }
0xc9: {  	[sflag:s22] =	ssyncadd.s32 $0xFFFFF800  }
0xca: {  	_ =	swait.ge [sflag:s22], $0x800  }
0xcb: {  	[sflag:s22] =	ssyncset.done $0x0  }
0xcc: {  	[sflag:s22] =	ssyncadd.s32 $0xFFFFF800  }
0xcd: {  	_ =	swait.ge [sflag:s22], $0x800  }
0xce: {  	[sflag:s22] =	ssyncset.done $0x0  }
0xcf: {  	[sflag:s22] =	ssyncadd.s32 $0xFFFFF800  }
0xd0: {  	_ =	swait.ge [sflag:s22], $0x800  }
0xd1: {  	[sflag:s22] =	ssyncset.done $0x0  }
0xd2: {  	[sflag:s22] =	ssyncadd.s32 $0xFFFFF800  }
0xd3: {  	_ =	swait.ge [sflag:s22], $0x800  }
0xd4: {  	[sflag:s22] =	ssyncset.done $0x0  }
0xd5: {  	[sflag:s22] =	ssyncadd.s32 $0xFFFFF800  }
0xd6: {  	_ =	swait.ge [sflag:s22], $0x800  }
0xd7: {  	s30 =	rddreg [dreg:$0x3];
	[sflag:s22] =	ssyncset.done $0x0  }
0xd8: {  	s29 =	smov.u32 s28;
	[sflag:s22] =	ssyncadd.s32 $0xFFFFF800;
	s0 =	sadd.s32 s25, s30  }
0xd9: {  	[hbm4b:s0+s3] =	stream.linear.scatter [tilespmem:s14], [sflag:$0x3], $0x800, $0x38;
	[tilespmem:$0x4400] =	vst v63  }
0xda: {  	s25 =	smov.u32 s29;
	s29 =	sadd.s32 $0x2000, s0  }
0xdb: {  	[hbm4b:s29+s3] =	stream.linear.scatter [tilespmem:s15], [sflag:$0x3], $0x800, $0x38;
	[tilespmem:$0x4400] =	vst v63  }
0xdc: {  	s31 =	sadd.s32 $0x4000, s0  }
0xdd: {  	[hbm4b:s31+s3] =	stream.linear.scatter [tilespmem:s16], [sflag:$0x3], $0x800, $0x38;
	[tilespmem:$0x4400] =	vst v63  }
0xde: {  	s29 =	sadd.s32 $0x6000, s0  }
0xdf: {  	[hbm4b:s29+s3] =	stream.linear.scatter [tilespmem:s17], [sflag:$0x3], $0x800, $0x38;
	[tilespmem:$0x4400] =	vst v63  }
0xe0: {  	s31 =	sadd.s32 $0x8000, s0  }
0xe1: {  	[hbm4b:s31+s3] =	stream.linear.scatter [tilespmem:s18], [sflag:$0x3], $0x800, $0x38;
	[tilespmem:$0x4400] =	vst v63  }
0xe2: {  	s29 =	sadd.s32 $0xA000, s0  }
0xe3: {  	[hbm4b:s29+s3] =	stream.linear.scatter [tilespmem:s19], [sflag:$0x3], $0x800, $0x38;
	[tilespmem:$0x4400] =	vst v63  }
0xe4: {  	s31 =	sadd.s32 $0xC000, s0  }
0xe5: {  	[hbm4b:s31+s3] =	stream.linear.scatter [tilespmem:s20], [sflag:$0x3], $0x800, $0x38;
	[tilespmem:$0x4400] =	vst v63  }
0xe6: {  	s0 =	sadd.s32 $0xE000, s0  }
0xe7: {  	[hbm4b:s0+s3] =	stream.linear.scatter [tilespmem:s21], [sflag:$0x3], $0x800, $0x38;
	[tilespmem:$0x4400] =	vst v63  }
0xe8: {  	_ =	swait.ge [sflag:s23], $0x800  }
0xe9: {  	[sflag:s23] =	ssyncset.done $0x0  }
0xea: {  	[sflag:s23] =	ssyncadd.s32 $0xFFFFF800  }
0xeb: {  	_ =	swait.ge [sflag:s23], $0x800  }
0xec: {  	[sflag:s23] =	ssyncset.done $0x0  }
0xed: {  	[sflag:s23] =	ssyncadd.s32 $0xFFFFF800  }
0xee: {  	_ =	swait.ge [sflag:s23], $0x800  }
0xef: {  	[sflag:s23] =	ssyncset.done $0x0  }
0xf0: {  	[sflag:s23] =	ssyncadd.s32 $0xFFFFF800  }
0xf1: {  	_ =	swait.ge [sflag:s23], $0x800  }
0xf2: {  	[sflag:s23] =	ssyncset.done $0x0  }
0xf3: {  	[sflag:s23] =	ssyncadd.s32 $0xFFFFF800  }
0xf4: {  	_ =	swait.ge [sflag:s23], $0x800  }
0xf5: {  	[sflag:s23] =	ssyncset.done $0x0  }
0xf6: {  	[sflag:s23] =	ssyncadd.s32 $0xFFFFF800  }
0xf7: {  	_ =	swait.ge [sflag:s23], $0x800  }
0xf8: {  	p0 =	sne.s32 s28, $0x180000;
	[sflag:s23] =	ssyncset.done $0x0  }
.Ltmp0:
0xf9: {  	[sflag:s23] =	ssyncadd.s32 $0xFFFFF800;
	(pc) =	sbr.rel @p0 .LBB2_2-.Ltmp0, $4  }
0xfa: {  	_ =	swait.ge [sflag:s23], $0x800  }
0xfb: {  	[sflag:s23] =	ssyncset.done $0x0  }
0xfc: {  	[sflag:s23] =	ssyncadd.s32 $0xFFFFF800  }
0xfd: {  	s28 =	sadd.s32 $0x10000, s28;
	_ =	swait.ge [sflag:s23], $0x800  }
0xfe: {  	s0 =	rddreg [dreg:$0x5];
	[sflag:s23] =	ssyncset.done $0x0;
	s26 =	sadd.s32 $0x1000, s26  }
0xff: {  	s28 =	rddreg [dreg:$0x4];
	[sflag:s23] =	ssyncadd.s32 $0xFFFFF800;
	s0 =	sadd.s32 s26, s0  }
0x100: {  	[tilespmem:s3], [sflag:$0x1] =	stream.linear.gather [hbm4b:s0+s3], $0x80, $0x38;
	[tilespmem:$0x4400] =	vst v63  }
0x101: {  	s0 =	sadd.s32 s26, s28  }
0x102: {  	s26 =	sadd.s32 $0x200, s0  }
0x103: {  	[tilespmem:s6], [sflag:$0x1] =	stream.linear.gather [hbm4b:s26+s3], $0x80, $0x38;
	[tilespmem:$0x4400] =	vst v63  }
0x104: {  	s30 =	sadd.s32 $0x400, s0  }
0x105: {  	[tilespmem:s7], [sflag:$0x1] =	stream.linear.gather [hbm4b:s30+s3], $0x80, $0x38;
	[tilespmem:$0x4400] =	vst v63  }
0x106: {  	s31 =	sadd.s32 $0x600, s0  }
0x107: {  	[tilespmem:s8], [sflag:$0x1] =	stream.linear.gather [hbm4b:s31+s3], $0x80, $0x38;
	[tilespmem:$0x4400] =	vst v63  }
0x108: {  	s28 =	sadd.s32 $0x800, s0  }
0x109: {  	[tilespmem:s9], [sflag:$0x1] =	stream.linear.gather [hbm4b:s28+s3], $0x80, $0x38;
	[tilespmem:$0x4400] =	vst v63  }
0x10a: {  	s29 =	sadd.s32 $0xA00, s0  }
0x10b: {  	[tilespmem:s10], [sflag:$0x1] =	stream.linear.gather [hbm4b:s29+s3], $0x80, $0x38;
	[tilespmem:$0x4400] =	vst v63  }
0x10c: {  	s30 =	sadd.s32 $0xC00, s0  }
0x10d: {  	[tilespmem:s11], [sflag:$0x1] =	stream.linear.gather [hbm4b:s30+s3], $0x80, $0x38;
	[tilespmem:$0x4400] =	vst v63  }
0x10e: {  	s0 =	sadd.s32 $0xE00, s0  }
0x10f: {  	[tilespmem:s12], [sflag:$0x1] =	stream.linear.gather [hbm4b:s0+s3], $0x80, $0x38;
	[tilespmem:$0x4400] =	vst v63  }
0x110: {  	_ =	swait.ge [sflag:s13], $0x80  }
0x111: {  	[sflag:s13] =	ssyncset.done $0x0  }
0x112: {  	[sflag:s13] =	ssyncadd.s32 $0xFFFFFF80  }
0x113: {  	_ =	swait.ge [sflag:s13], $0x80  }
0x114: {  	[sflag:s13] =	ssyncset.done $0x0  }
0x115: {  	[sflag:s13] =	ssyncadd.s32 $0xFFFFFF80  }
0x116: {  	_ =	swait.ge [sflag:s13], $0x80  }
0x117: {  	[sflag:s13] =	ssyncset.done $0x0  }
0x118: {  	[sflag:s13] =	ssyncadd.s32 $0xFFFFFF80  }
0x119: {  	_ =	swait.ge [sflag:s13], $0x80  }
0x11a: {  	[sflag:s13] =	ssyncset.done $0x0  }
0x11b: {  	[sflag:s13] =	ssyncadd.s32 $0xFFFFFF80  }
0x11c: {  	_ =	swait.ge [sflag:s13], $0x80  }
0x11d: {  	[sflag:s13] =	ssyncset.done $0x0  }
0x11e: {  	[sflag:s13] =	ssyncadd.s32 $0xFFFFFF80  }
0x11f: {  	_ =	swait.ge [sflag:s13], $0x80  }
0x120: {  	[sflag:s13] =	ssyncset.done $0x0  }
0x121: {  	[sflag:s13] =	ssyncadd.s32 $0xFFFFFF80  }
0x122: {  	_ =	swait.ge [sflag:s13], $0x80  }
0x123: {  	[sflag:s13] =	ssyncset.done $0x0  }
0x124: {  	[sflag:s13] =	ssyncadd.s32 $0xFFFFFF80  }
0x125: {  	_ =	swait.ge [sflag:s13], $0x80  }
0x126: {  	[sflag:s13] =	ssyncset.done $0x0  }
0x127: {  	[sflag:s13] =	ssyncadd.s32 $0xFFFFFF80  }
0x128: {  	[tilespmem:s14], [sflag:$0x2] =	stream.indirect.gather [hbm4b:s4+s6], $0x10, s3, s6, $0xb8;
	[tilespmem:$0x4400] =	vst v63  }
0x129: {  	_ = 	snop  }
0x12a: {  	[tilespmem:s15], [sflag:$0x2] =	stream.indirect.gather [hbm4b:s4+s6], $0x10, s6, s6, $0xb8;
	[tilespmem:$0x4400] =	vst v63  }
0x12b: {  	_ = 	snop  }
0x12c: {  	[tilespmem:s16], [sflag:$0x2] =	stream.indirect.gather [hbm4b:s4+s6], $0x10, s7, s6, $0xb8;
	[tilespmem:$0x4400] =	vst v63  }
0x12d: {  	_ = 	snop  }
0x12e: {  	[tilespmem:s17], [sflag:$0x2] =	stream.indirect.gather [hbm4b:s4+s6], $0x10, s8, s6, $0xb8;
	[tilespmem:$0x4400] =	vst v63  }
0x12f: {  	_ = 	snop  }
0x130: {  	[tilespmem:s18], [sflag:$0x2] =	stream.indirect.gather [hbm4b:s4+s6], $0x10, s9, s6, $0xb8;
	[tilespmem:$0x4400] =	vst v63  }
0x131: {  	_ = 	snop  }
0x132: {  	[tilespmem:s19], [sflag:$0x2] =	stream.indirect.gather [hbm4b:s4+s6], $0x10, s10, s6, $0xb8;
	[tilespmem:$0x4400] =	vst v63  }
0x133: {  	_ = 	snop  }
0x134: {  	[tilespmem:s20], [sflag:$0x2] =	stream.indirect.gather [hbm4b:s4+s6], $0x10, s11, s6, $0xb8;
	[tilespmem:$0x4400] =	vst v63  }
0x135: {  	_ = 	snop  }
0x136: {  	[tilespmem:s21], [sflag:$0x2] =	stream.indirect.gather [hbm4b:s4+s6], $0x10, s12, s6, $0xb8;
	[tilespmem:$0x4400] =	vst v63  }
0x137: {  	_ =	swait.ge [sflag:s22], $0x800  }
0x138: {  	[sflag:s22] =	ssyncset.done $0x0  }
0x139: {  	[sflag:s22] =	ssyncadd.s32 $0xFFFFF800  }
0x13a: {  	_ =	swait.ge [sflag:s22], $0x800  }
0x13b: {  	[sflag:s22] =	ssyncset.done $0x0  }
0x13c: {  	[sflag:s22] =	ssyncadd.s32 $0xFFFFF800  }
0x13d: {  	_ =	swait.ge [sflag:s22], $0x800  }
0x13e: {  	[sflag:s22] =	ssyncset.done $0x0  }
0x13f: {  	[sflag:s22] =	ssyncadd.s32 $0xFFFFF800  }
0x140: {  	_ =	swait.ge [sflag:s22], $0x800  }
0x141: {  	[sflag:s22] =	ssyncset.done $0x0  }
0x142: {  	[sflag:s22] =	ssyncadd.s32 $0xFFFFF800  }
0x143: {  	_ =	swait.ge [sflag:s22], $0x800  }
0x144: {  	[sflag:s22] =	ssyncset.done $0x0  }
0x145: {  	[sflag:s22] =	ssyncadd.s32 $0xFFFFF800  }
0x146: {  	_ =	swait.ge [sflag:s22], $0x800  }
0x147: {  	[sflag:s22] =	ssyncset.done $0x0  }
0x148: {  	[sflag:s22] =	ssyncadd.s32 $0xFFFFF800  }
0x149: {  	_ =	swait.ge [sflag:s22], $0x800  }
0x14a: {  	[sflag:s22] =	ssyncset.done $0x0  }
0x14b: {  	[sflag:s22] =	ssyncadd.s32 $0xFFFFF800  }
0x14c: {  	_ =	swait.ge [sflag:s22], $0x800  }
0x14d: {  	s31 =	rddreg [dreg:$0x3];
	[sflag:s22] =	ssyncset.done $0x0  }
0x14e: {  	[sflag:s22] =	ssyncadd.s32 $0xFFFFF800;
	s0 =	sadd.s32 s25, s31  }
0x14f: {  	[hbm4b:s0+s3] =	stream.linear.scatter [tilespmem:s14], [sflag:$0x3], $0x800, $0x38;
	[tilespmem:$0x4400] =	vst v63  }
0x150: {  	s25 =	sadd.s32 $0x2000, s0  }
0x151: {  	[hbm4b:s25+s3] =	stream.linear.scatter [tilespmem:s15], [sflag:$0x3], $0x800, $0x38;
	[tilespmem:$0x4400] =	vst v63  }
0x152: {  	s26 =	sadd.s32 $0x4000, s0  }
0x153: {  	[hbm4b:s26+s3] =	stream.linear.scatter [tilespmem:s16], [sflag:$0x3], $0x800, $0x38;
	[tilespmem:$0x4400] =	vst v63  }
0x154: {  	s28 =	sadd.s32 $0x6000, s0  }
0x155: {  	[hbm4b:s28+s3] =	stream.linear.scatter [tilespmem:s17], [sflag:$0x3], $0x800, $0x38;
	[tilespmem:$0x4400] =	vst v63  }
0x156: {  	s29 =	sadd.s32 $0x8000, s0  }
0x157: {  	[hbm4b:s29+s3] =	stream.linear.scatter [tilespmem:s18], [sflag:$0x3], $0x800, $0x38;
	[tilespmem:$0x4400] =	vst v63  }
0x158: {  	s30 =	sadd.s32 $0xA000, s0  }
0x159: {  	[hbm4b:s30+s3] =	stream.linear.scatter [tilespmem:s19], [sflag:$0x3], $0x800, $0x38;
	[tilespmem:$0x4400] =	vst v63  }
0x15a: {  	s31 =	sadd.s32 $0xC000, s0  }
0x15b: {  	[hbm4b:s31+s3] =	stream.linear.scatter [tilespmem:s20], [sflag:$0x3], $0x800, $0x38;
	[tilespmem:$0x4400] =	vst v63  }
0x15c: {  	s0 =	sadd.s32 $0xE000, s0  }
0x15d: {  	[hbm4b:s0+s3] =	stream.linear.scatter [tilespmem:s21], [sflag:$0x3], $0x800, $0x38;
	[tilespmem:$0x4400] =	vst v63  }
0x15e: {  	_ =	swait.ge [sflag:s23], $0x800  }
0x15f: {  	[sflag:s23] =	ssyncset.done $0x0  }
0x160: {  	[sflag:s23] =	ssyncadd.s32 $0xFFFFF800  }
0x161: {  	_ =	swait.ge [sflag:s23], $0x800  }
0x162: {  	[sflag:s23] =	ssyncset.done $0x0  }
0x163: {  	[sflag:s23] =	ssyncadd.s32 $0xFFFFF800  }
0x164: {  	_ =	swait.ge [sflag:s23], $0x800  }
0x165: {  	[sflag:s23] =	ssyncset.done $0x0  }
0x166: {  	[sflag:s23] =	ssyncadd.s32 $0xFFFFF800  }
0x167: {  	_ =	swait.ge [sflag:s23], $0x800  }
0x168: {  	[sflag:s23] =	ssyncset.done $0x0  }
0x169: {  	[sflag:s23] =	ssyncadd.s32 $0xFFFFF800  }
0x16a: {  	_ =	swait.ge [sflag:s23], $0x800  }
0x16b: {  	[sflag:s23] =	ssyncset.done $0x0  }
0x16c: {  	[sflag:s23] =	ssyncadd.s32 $0xFFFFF800  }
0x16d: {  	_ =	swait.ge [sflag:s23], $0x800  }
0x16e: {  	[sflag:s23] =	ssyncset.done $0x0  }
0x16f: {  	s24 =	sadd.s32 $0x1, s24;
	[sflag:s23] =	ssyncadd.s32 $0xFFFFF800  }
0x170: {  	p0 =	sne.s32 s24, s5;
	_ =	swait.ge [sflag:s23], $0x800  }
.Ltmp1:
0x171: {  	[sflag:s23] =	ssyncset.done $0x0;
	(pc) =	sbr.rel @p0 .LBB2_1-.Ltmp1, $4  }
0x172: {  	[sflag:s23] =	ssyncadd.s32 $0xFFFFF800  }
0x173: {  	_ =	swait.ge [sflag:s23], $0x800  }
0x174: {  	[sflag:s23] =	ssyncset.done $0x0  }
0x175: {  	[sflag:s23] =	ssyncadd.s32 $0xFFFFF800  }
0x176: {  	_ =	sfence.sel $0x180000  }
0x177: {  	[bflag:$0x0] =	sbarrier.arrive $0xFFFF  }
0x178: {  	_ =	strace $0x9000004D  }
0x179: {  	[bflag:$0x2] =	sbarrier.arrive $0xFFFF  }
0x17a: {  	p0 =	sne.s32 s1, $0x0;
	s0 =	rddreg [dreg:$0x2]  }
0x17b: {  	s0 =	sadd.s32 @!p0 $0x100000, s0  }
0x17c: {  	[sflag:s0] =	ssyncadd.tile.s32 @!p0 $0x1;
	_ =	shalt  }
.Lfunc_end2:
_tile_overlayer_lowered:
.L_overlay_start_2:
0x17d: {  	(tag) =	ssettag $0x2  }
0x17e: {  	s0 =	rddreg [dreg:$0x0];
	s2 =	stileid.u32  }
0x17f: {  	s1 =	rddreg [dreg:$0x1];
	p0 =	sne.s32 s2, $0x0  }
0x180: {  	s3 =	rddreg [dreg:$0x2];
	[bflag:$0x3] =	sbarrier.arrive $0xFFFF;
	s2 =	simm.s32 @!p0 $0x1C04  }
0x181: {  	[timem:s3], [sflag:s2] =	dma.local @!p0 [hbm:s0], s1  }
0x182: {  	s0 =	simm.s32 @!p0 $0x4  }
0x183: {  	_ =	swait.ge @!p0 [sflag:s0], s1  }
0x184: {  	s1 =	ssub.s32 @!p0 $0x0, s1;
	[sflag:s0] =	ssyncset.done @!p0 $0x0  }
0x185: {  	[sflag:s0] =	ssyncadd.s32 @!p0 s1  }
0x186: {  	[bflag:$0x3] =	sbarrier.arrive $0xFFFF  }
0x187: {  	_ =	shalt  }

// kernel: kernel.20.cloned.1.call-start
scs
__scs_entry_jumppad:
0x0: {  	(pc) =	sbr.rel $0x88, $3  }
0x1: {  	(tag) =	ssettag $0x0;
	lr =	simm.s32 $0x1  }
0x2: {  	[smem:$0x3F95] =	sst lr;
	_ =	strace $0xD0000000  }
0x3: {  	_ = 	snop  }
0x4: {  	_ = 	snop  }
0x5: {  	_ = 	snop  }
0x6: {  	_ = 	snop  }
0x7: {  	_ = 	snop  }
__scs_overlays_trampoline_lowered:
0x8: {  	[smem:$0x3FA4] =	sst s0  }
0x9: {  	[smem:$0x3FA5] =	sst s1  }
0xa: {  	[smem:$0x3FA6] =	sst s2  }
0xb: {  	[smem:$0x3FA7] =	sst s3  }
0xc: {  	[smem:$0x3FA8] =	sst s4  }
0xd: {  	[smem:$0x3FA9] =	sst s5  }
0xe: {  	[smem:$0x3FAA] =	sst s6  }
0xf: {  	[smem:$0x3FAB] =	sst s7  }
0x10: {  	[smem:$0x3FAC] =	sst s8  }
0x11: {  	[smem:$0x3FAD] =	sst s9;
	s0 =	simm.s32 @!p0 $0x0  }
0x12: {  	s1 =	sld [smem:$0x3F93];
	s0 =	simm.s32 @p0 $0x1  }
0x13: {  	[smem:$0x3FAE] =	sst s0;
	s0 =	simm.s32 @!p1 $0x0  }
0x14: {  	s2 =	sld [smem:$0x3F92];
	s0 =	simm.s32 @p1 $0x1  }
0x15: {  	[smem:$0x3FAF] =	sst s0;
	s0 =	simm.s32 @!p2 $0x0  }
0x16: {  	s3 =	sld [smem:$0x3FDB];
	s0 =	simm.s32 @p2 $0x1  }
0x17: {  	s4 =	simm.s32 $0x1BF5;
	[smem:$0x3FB1] =	sst s0  }
0x18: {  	s0 =	sld [smem:$0x3F94];
	_ =	swait.ge [sflag:s4], $0x0  }
0x19: {  	s7 =	sld [smem:$0x3F95]  }
0x1a: {  	s8 =	sadd.s32 $0xFFFFE003, lr  }
0x1b: {  	s9 =	sadd.s32 $0xFFFFFEF7, lr;
	s5 =	simm.s32 $0xFFFFFFFF;
	p2 =	slt.u32 s8, $0xFFFFF086  }
0x1c: {  	p1 =	slt.u32 s9, $0xF7A;
	s5 =	simm.s32 @!p2 $0x0  }
0x1d: {  	s5 =	simm.s32 @p1 $0x1;
	p0 =	seq.s32 s7, s2  }
0x1e: {  	s7 =	smul.u32 @!p0 $0xF7A, s2;
	p2 =	seq.s32 @!p0 s5, $0x0  }
0x1f: {  	s9 =	smul.u32 $0xF7A, s1;
	s8 =	simm.s32 @!p0 $0x1BF5;
	p2 =	por !p2, p0  }
0x20: {  	[sflag:s8] =	ssyncset.s32 @!p0 $0xFFFFF086;
	s6 =	sadd.s32 @!p0 s3, s7;
	s7 =	simm.s32 @!p0 $0x108  }
0x21: {  	s3 =	sadd.s32 s3, s9;
	s6 =	sadd.s32 @!p0 $0x88, s6;
	s7 =	simm.s32 @p2 $0x1082  }
0x22: {  	[simem:s7], [sflag:s8] =	dma.local @!p0 [hbm:s6], $0xF7A  }
0x23: {  	s9 =	sor.u32 $0xD0000000, s2;
	s6 =	simm.s32 $0x108;
	_ =	swait.ge @!p0 [sflag:s8], $0x0  }
0x24: {  	s3 =	sadd.s32 $0x88, s3;
	s6 =	simm.s32 @!p1 $0x1082;
	[sflag:s4] =	ssyncset.s32 $0xFFFFF086  }
0x25: {  	[simem:s6], [sflag:s4] =	dma.local [hbm:s3], $0xF7A  }
0x26: {  	[smem:$0x3F95] =	sst s1;
	(tag) =	ssettag s2;
	_ =	strace s9  }
0x27: {  	s1 =	sld [smem:$0x3FA5]  }
0x28: {  	s2 =	sld [smem:$0x3FA6]  }
0x29: {  	s4 =	sld [smem:$0x3FA8]  }
0x2a: {  	p0 =	seq.s32 s5, $0x0;
	s5 =	sld [smem:$0x3FA9]  }
0x2b: {  	s6 =	sld [smem:$0x3FAA]  }
0x2c: {  	s7 =	sld [smem:$0x3FAB]  }
0x2d: {  	s3 =	simm.s32 $0x108;
	s8 =	sld [smem:$0x3FAC]  }
0x2e: {  	s3 =	simm.s32 @!p0 $0x1082;
	s9 =	sld [smem:$0x3FAD]  }
0x2f: {  	lr =	sadd.s32 s0, s3;
	s0 =	sld [smem:$0x3FA4]  }
0x30: {  	s3 =	sld [smem:$0x3FA7]  }
0x31: {  	[smem:$0x3FB0] =	sst s10  }
0x32: {  	s10 =	sld [smem:$0x3FAE];
	_ =	sdelay $0x3  }
0x33: {  	p0 =	seq.s32 s10, $0x1;
	s10 =	sld [smem:$0x3FB0];
	_ =	sdelay $0x3  }
0x34: {  	[smem:$0x3FB0] =	sst s10  }
0x35: {  	s10 =	sld [smem:$0x3FAF];
	_ =	sdelay $0x3  }
0x36: {  	p1 =	seq.s32 s10, $0x1;
	s10 =	sld [smem:$0x3FB0];
	_ =	sdelay $0x3  }
0x37: {  	[smem:$0x3FB0] =	sst s10  }
0x38: {  	s10 =	sld [smem:$0x3FB1]  }
0x39: {  	_ = 	snop;
	(pc) =	sbr.ind lr, $3  }
0x3a: {  	_ = 	snop  }
0x3b: {  	_ = 	snop  }
0x3c: {  	p2 =	seq.s32 s10, $0x1;
	s10 =	sld [smem:$0x3FB0]  }
0x3d: {  	_ =	shalt  }
0x3e: {  	_ =	shalt  }
0x3f: {  	_ =	shalt  }
0x40: {  	_ =	shalt  }
0x41: {  	_ =	shalt  }
0x42: {  	_ =	shalt  }
0x43: {  	_ =	shalt  }
0x44: {  	_ =	shalt  }
0x45: {  	_ =	shalt  }
0x46: {  	_ =	shalt  }
0x47: {  	_ =	shalt  }
0x48: {  	_ =	shalt  }
0x49: {  	_ =	shalt  }
0x4a: {  	_ =	shalt  }
0x4b: {  	_ =	shalt  }
0x4c: {  	_ =	shalt  }
0x4d: {  	_ =	shalt  }
0x4e: {  	_ =	shalt  }
0x4f: {  	_ =	shalt  }
0x50: {  	_ =	shalt  }
0x51: {  	_ =	shalt  }
0x52: {  	_ =	shalt  }
0x53: {  	_ =	shalt  }
0x54: {  	_ =	shalt  }
0x55: {  	_ =	shalt  }
0x56: {  	_ =	shalt  }
0x57: {  	_ =	shalt  }
0x58: {  	_ =	shalt  }
0x59: {  	_ =	shalt  }
0x5a: {  	_ =	shalt  }
0x5b: {  	_ =	shalt  }
0x5c: {  	_ =	shalt  }
0x5d: {  	_ =	shalt  }
0x5e: {  	_ =	shalt  }
0x5f: {  	_ =	shalt  }
0x60: {  	_ =	shalt  }
0x61: {  	_ =	shalt  }
0x62: {  	_ =	shalt  }
0x63: {  	_ =	shalt  }
0x64: {  	_ =	shalt  }
0x65: {  	_ =	shalt  }
0x66: {  	_ =	shalt  }
0x67: {  	_ =	shalt  }
0x68: {  	_ =	shalt  }
0x69: {  	_ =	shalt  }
0x6a: {  	_ =	shalt  }
0x6b: {  	_ =	shalt  }
0x6c: {  	_ =	shalt  }
0x6d: {  	_ =	shalt  }
0x6e: {  	_ =	shalt  }
0x6f: {  	_ =	shalt  }
0x70: {  	_ =	shalt  }
0x71: {  	_ =	shalt  }
0x72: {  	_ =	shalt  }
0x73: {  	_ =	shalt  }
0x74: {  	_ =	shalt  }
0x75: {  	_ =	shalt  }
0x76: {  	_ =	shalt  }
0x77: {  	_ =	shalt  }
0x78: {  	_ =	shalt  }
0x79: {  	_ =	shalt  }
0x7a: {  	_ =	shalt  }
0x7b: {  	_ =	shalt  }
0x7c: {  	_ =	shalt  }
0x7d: {  	_ =	shalt  }
0x7e: {  	_ =	shalt  }
0x7f: {  	_ =	shalt  }
0x80: {  	_ =	shalt  }
0x81: {  	_ =	shalt  }
0x82: {  	_ =	shalt  }
0x83: {  	_ =	shalt  }
0x84: {  	_ =	shalt  }
0x85: {  	_ =	shalt  }
0x86: {  	_ =	shalt  }
0x87: {  	_ =	shalt  }
.Lfunc_end0:
.L_simem_size_0:
called_computation.3_lowered:
.L_overlay_start_0:
0x88: {  	s2 =	sld [smem:$0x3FD9]  }
0x89: {  	s3 =	sld [smem:$0x3FFE];
	_ =	sdelay $0x1  }
0x8a: {  	s1 =	srdreg.scid  }
0x8b: {  	s0 =	sand.u32 $0x1, s1  }
0x8c: {  	s16 =	sshll.u32 s0, $0xA;
	s2 =	sadd.s32 s3, s2  }
0x8d: {  	s2 =	sadd.s32 s2, s16  }
0x8e: {  	[smem:$0x3FBC] =	sst s2  }
0x8f: {  	_ = 	snop  }
0x90: {  	(tm) =	ssettm $0x1  }
0x91: {  	s17 =	sld [smem:$0x3FFB];
	_ =	sdelay $0x3  }
0x92: {  	_ =	strace s17  }
0x93: {  	s2 =	sld [smem:$0x3FFC];
	_ =	sdelay $0x3  }
0x94: {  	_ =	strace s2  }
0x95: {  	s2 =	sld [smem:$0x3FFD];
	_ =	sdelay $0x3  }
0x96: {  	_ =	strace s2  }
0x97: {  	_ =	strace $0x8FFFFFFF  }
0x98: {  	s18 =	sld [smem:$0x3FDB];
	_ =	sdelay $0x1  }
0x99: {  	s19 =	simm.s32 $_scs_section_size  }
0x9a: {  	s4 =	simm.s32 $_size__tile_overlayer_lowered;
	s5 =	simm.s32 $_tile_overlayer_lowered  }
0x9b: {  	s22 =	simm.s32 $0x1BFF;
	s21 =	sshll.u32 s5, $0x1;
	s2 =	sadd.s32 s19, s18  }
0x9c: {  	s6 =	simm.s32 $0x0;
	s20 =	sshll.u32 s4, $0x1;
	s4 =	sadd.s32 s21, s2  }
0x9d: {  	[timem:s6], [sflag:s22] =	dma.local [hbm:s4], s20  }
0x9e: {  	_ =	swait.ge [sflag:s22], s20  }
0x9f: {  	s3 =	ssub.s32 $0x0, s20;
	[sflag:s22] =	ssyncset.done $0x0  }
0xa0: {  	[sflag:s22] =	ssyncadd.s32 s3;
	_ =	sdelay $0x1  }
0xa1: {  	s23 =	simm.s32 $0x1B8B  }
0xa2: {  	_ =	swait.ge [sflag:s23], $0x1  }
0xa3: {  	[sflag:s23] =	ssyncset.done $0x0  }
0xa4: {  	s25 =	simm.s32 $0x1B8E;
	s24 =	sld [smem:$0x3FFE];
	[sflag:s23] =	ssyncadd.s32 $0xFFFFFFFF  }
0xa5: {  	s26 =	simm.s32 $execute0_lowered;
	[smem:$0x3FD2] =	sst s25  }
0xa6: {  	s4 =	sshll.u32 s26, $0x1;
	_ =	strace $0x8000004F;
	[dreg:$0x1] =	wrdreg $0xFFFFFFFF  }
0xa7: {  	s28 =	simm.s32 $_size_execute0_lowered;
	s2 =	sadd.s32 s2, s4;
	[dreg:$0x0] =	wrdreg $0x0  }
0xa8: {  	s4 =	sshll.u32 s28, $0x1;
	[dreg:$0x2] =	wrdreg s2  }
0xa9: {  	[dreg:$0x3] =	wrdreg s4  }
0xaa: {  	[dreg:$0x4] =	wrdreg $0xC0  }
0xab: {  	_ =	task [dreg:s6], $0x5FFFF  }
0xac: {  	[dreg:$0x1] =	wrdreg $0xFFFFFFFF  }
0xad: {  	[dreg:$0x0] =	wrdreg $0x60  }
0xae: {  	[dreg:$0x2] =	wrdreg s24  }
0xaf: {  	[dreg:$0x3] =	wrdreg $0x42000  }
0xb0: {  	[dreg:$0x4] =	wrdreg $0x9  }
0xb1: {  	_ =	task.clear_ibuf [dreg:s6], $0x5FFFF;
	_ =	strace $0x9000004F  }
0xb2: {  	s29 =	simm.s32 $0x9;
	_ =	strace $0x80000051  }
0xb3: {  	_ =	swait.ge [sflag:s29], $0x1  }
0xb4: {  	[sflag:s29] =	ssyncadd.s32 $0xFFFFFFFF  }
0xb5: {  	_ =	strace $0x90000051  }
0xb6: {  	_ =	sfence  }
0xb7: {  	s30 =	sld [smem:$0x0];
	_ =	sdelay $0x2  }
0xb8: {  	s31 =	sshll.u32 s1, $0xD;
	s1 =	sshrl.u32 s1, $0x2  }
0xb9: {  	s3 =	sand.u32 $0x4000, s31;
	s1 =	sadd.s32 s1, s30  }
0xba: {  	s0 =	sor.u32 s3, s0;
	s1 =	sshll.u32 s1, $0x11  }
0xbb: {  	s0 =	sor.u32 s1, s0  }
0xbc: {  	s0 =	sadd.s32 $0x8F2B, s0  }
0xbd: {  	[sflag:s0] =	ssyncadd.remote.s32 $0x1  }
0xbe: {  	_ =	sfence.sel $0xFFFF  }
0xbf: {  	[dreg:$0x0] =	wrdreg $0xFFFFFFFF;
	(pc) =	sbr.abs _section_cstart, $3  }
0xc0: {  	[dreg:$0x1] =	wrdreg $0xFFFFFFFF  }
0xc1: {  	_ =	task.clear_ibuf [dreg:s6], $0x2FFFF;
	_ =	strace $0x9FFFFFFF  }
0xc2: {  	(tm) =	ssettm $0x7FFFFFFF  }
0xc3: {  	_ =	shalt  }
tec
execute0_lowered:
.L_overlay_start_1:
0x0: {  	(tag) =	ssettag $0x1  }
0x1: {  	s5 =	rddreg [dreg:$0x0]  }
0x2: {  	s2 =	rddreg [dreg:$0x1]  }
0x3: {  	s0 =	rddreg [dreg:$0x2]  }
0x4: {  	s1 =	stileid.u32;
	s4 =	srdreg.scid;
	s3 =	simm.s32 $0x0  }
0x5: {  	s16 =	simm.s32 $0x100;
	s17 =	simm.s32 $0x2200;
	s18 =	simm.s32 $0x180  }
0x6: {  	s19 =	simm.s32 $0x3200;
	s20 =	simm.s32 $0x1;
	s21 =	simm.s32 $0x2  }
0x7: {  	s22 =	simm.s32 $0x0;
	s8 =	sand.u32 $0x1, s4;
	s6 =	smul.u32 $0x186A0, s1  }
0x8: {  	[smem:$0x7FF] =	sst s3;
	s7 =	sshll.u32 s1, $0xA;
	s10 =	sadd.s32 $0x2BF000, s5  }
0x9: {  	s12 =	sshll.u32 s1, $0x6;
	s29 =	sshll.u32 s1, $0x5;
	s14 =	sshll.u32 s1, $0x8  }
0xa: {  	s4 =	smul.u32 $0x186A00, s8;
	_ =	strace $0x80000050;
	s9 =	sadd.s32 s7, s5  }
0xb: {  	s11 =	ssub.s32 $0x2, s8;
	s28 =	sshll.u32 s8, $0x9;
	s15 =	sshll.u32 s8, $0x7  }
0xc: {  	s8 =	sshll.u32 s8, $0x4;
	s26 =	sshrl.u32 s11, $0x1;
	s13 =	sadd.s32 s6, s2  }
0xd: {  	s14 =	sor.u32 s15, s14;
	s9 =	sadd.s32 s28, s9;
	s15 =	simm.s32 $0x1200  }
0xe: {  	s25 =	sadd.s32 s6, s4;
	s4 =	sadd.s32 $0x7E00, s5;
	s11 =	ssub.s32 s11, s26  }
0xf: {  	s31 =	sshrl.u32 s14, $0x3;
	s14 =	simm.s32 $0x80;
	s7 =	sshrl.u32 s25, $0x3  }
0x10: {  	s7 =	sadd.s32 s7, s5;
	s5 =	sor.u32 $0x1C03, s12;
	s12 =	sadd.s32 s29, s10  }
0x11: {  	s10 =	sadd.s32 s31, s10;
	s6 =	sadd.s32 $0x130800, s7;
	s7 =	smax.u32 s11, $0x1  }
0x12: {  	s30 =	sadd.s32 s8, s12;
	s8 =	sadd.s32 $0x2D8000, s9;
	s11 =	sshrl.u32 s13, $0x3  }
0x13: {  	s12 =	simm.s32 $0x3;
	s13 =	simm.s32 $0x200;
	s9 =	sadd.s32 $0x600, s30  }
.LBB2_1:
0x14: {  	[spmem:s11], [sflag:s5] =	dma.local [hbm:s4], $0x30D4  }
0x15: {  	_ =	swait.ge [sflag:s12], $0x30D4  }
0x16: {  	[sflag:s12] =	ssyncset.done $0x0  }
0x17: {  	[sflag:s12] =	ssyncadd.s32 $0xFFFFCF2C  }
0x18: {  	[bflag:$0x0] =	sbarrier.arrive $0xFFFF  }
0x19: {  	[tilespmem:s3], [sflag:$0x1] =	stream.linear.gather [hbm4b:s10+s3], $0x80, $0x38;
	[tilespmem:$0x1C8A0] =	vst v63  }
0x1a: {  	s23 =	sadd.s32 $0x0, s8  }
0x1b: {  	[tilespmem:s13], [sflag:$0x1] =	stream.linear.gather [hbm4b:s23+s3], $0x1000, $0x38;
	[tilespmem:$0x1C8A0] =	vst v63  }
0x1c: {  	s24 =	sadd.s32 $0xFFFFFC00, s9  }
0x1d: {  	[tilespmem:s14], [sflag:$0x1] =	stream.linear.gather [hbm4b:s24+s3], $0x80, $0x38;
	[tilespmem:$0x1C8A0] =	vst v63  }
0x1e: {  	s29 =	sadd.s32 $0x4000, s23  }
0x1f: {  	[tilespmem:s15], [sflag:$0x1] =	stream.linear.gather [hbm4b:s29+s3], $0x1000, $0x38;
	[tilespmem:$0x1C8A0] =	vst v63  }
0x20: {  	s30 =	sadd.s32 $0xFFFFFE00, s9  }
0x21: {  	[tilespmem:s16], [sflag:$0x1] =	stream.linear.gather [hbm4b:s30+s3], $0x80, $0x38;
	[tilespmem:$0x1C8A0] =	vst v63  }
0x22: {  	s31 =	sadd.s32 $0x8000, s23  }
0x23: {  	[tilespmem:s17], [sflag:$0x1] =	stream.linear.gather [hbm4b:s31+s3], $0x1000, $0x38;
	[tilespmem:$0x1C8A0] =	vst v63  }
0x24: {  	_ = 	snop  }
0x25: {  	[tilespmem:s18], [sflag:$0x1] =	stream.linear.gather [hbm4b:s9+s3], $0x80, $0x38;
	[tilespmem:$0x1C8A0] =	vst v63  }
0x26: {  	s23 =	sadd.s32 $0xC000, s23  }
0x27: {  	[tilespmem:s19], [sflag:$0x1] =	stream.linear.gather [hbm4b:s23+s3], $0x1000, $0x38;
	[tilespmem:$0x1C8A0] =	vst v63  }
0x28: {  	_ =	swait.ge [sflag:s20], $0x80  }
0x29: {  	[sflag:s20] =	ssyncset.done $0x0  }
0x2a: {  	[sflag:s20] =	ssyncadd.s32 $0xFFFFFF80  }
0x2b: {  	_ =	swait.ge [sflag:s20], $0x1000  }
0x2c: {  	[sflag:s20] =	ssyncset.done $0x0  }
0x2d: {  	[sflag:s20] =	ssyncadd.s32 $0xFFFFF000  }
0x2e: {  	_ =	swait.ge [sflag:s20], $0x80  }
0x2f: {  	[sflag:s20] =	ssyncset.done $0x0  }
0x30: {  	[sflag:s20] =	ssyncadd.s32 $0xFFFFFF80  }
0x31: {  	_ =	swait.ge [sflag:s20], $0x1000  }
0x32: {  	[sflag:s20] =	ssyncset.done $0x0  }
0x33: {  	[sflag:s20] =	ssyncadd.s32 $0xFFFFF000  }
0x34: {  	_ =	swait.ge [sflag:s20], $0x80  }
0x35: {  	[sflag:s20] =	ssyncset.done $0x0  }
0x36: {  	[sflag:s20] =	ssyncadd.s32 $0xFFFFFF80  }
0x37: {  	_ =	swait.ge [sflag:s20], $0x1000  }
0x38: {  	[sflag:s20] =	ssyncset.done $0x0  }
0x39: {  	[sflag:s20] =	ssyncadd.s32 $0xFFFFF000  }
0x3a: {  	_ =	swait.ge [sflag:s20], $0x80  }
0x3b: {  	[sflag:s20] =	ssyncset.done $0x0  }
0x3c: {  	[sflag:s20] =	ssyncadd.s32 $0xFFFFFF80  }
0x3d: {  	_ =	swait.ge [sflag:s20], $0x1000  }
0x3e: {  	[sflag:s20] =	ssyncset.done $0x0  }
0x3f: {  	[sflag:s20] =	ssyncadd.s32 $0xFFFFF000  }
0x40: {  	[spmem:s2] =	stream.indirect.scatter.add.f32 [tilespmem:s13], [sflag:$0x2], $0x20, s3, s14, $0xb8;
	[tilespmem:$0x1C8A0] =	vst v63  }
0x41: {  	_ = 	snop  }
0x42: {  	[spmem:s2] =	stream.indirect.scatter.add.f32 [tilespmem:s15], [sflag:$0x2], $0x20, s14, s14, $0xb8;
	[tilespmem:$0x1C8A0] =	vst v63  }
0x43: {  	_ = 	snop  }
0x44: {  	[spmem:s2] =	stream.indirect.scatter.add.f32 [tilespmem:s17], [sflag:$0x2], $0x20, s16, s14, $0xb8;
	[tilespmem:$0x1C8A0] =	vst v63  }
0x45: {  	_ = 	snop  }
0x46: {  	[spmem:s2] =	stream.indirect.scatter.add.f32 [tilespmem:s19], [sflag:$0x2], $0x20, s18, s14, $0xb8;
	[tilespmem:$0x1C8A0] =	vst v63  }
0x47: {  	_ =	swait.ge [sflag:s21], $0x1000  }
0x48: {  	[sflag:s21] =	ssyncset.done $0x0  }
0x49: {  	[sflag:s21] =	ssyncadd.s32 $0xFFFFF000  }
0x4a: {  	_ =	swait.ge [sflag:s21], $0x1000  }
0x4b: {  	[sflag:s21] =	ssyncset.done $0x0  }
0x4c: {  	[sflag:s21] =	ssyncadd.s32 $0xFFFFF000  }
0x4d: {  	_ =	swait.ge [sflag:s21], $0x1000  }
0x4e: {  	[sflag:s21] =	ssyncset.done $0x0  }
0x4f: {  	[sflag:s21] =	ssyncadd.s32 $0xFFFFF000  }
0x50: {  	s25 =	smov.u32 s10;
	_ =	swait.ge [sflag:s21], $0x1000  }
0x51: {  	s24 =	smov.u32 s9;
	s23 =	simm.s32 $0x10000;
	[sflag:s21] =	ssyncset.done $0x0  }
.LBB2_2:
0x52: {  	[sflag:s21] =	ssyncadd.s32 $0xFFFFF000;
	s24 =	sadd.s32 $0x800, s24;
	s25 =	sadd.s32 $0x800, s25  }
0x53: {  	[tilespmem:s3], [sflag:$0x1] =	stream.linear.gather [hbm4b:s25+s3], $0x80, $0x38;
	[tilespmem:$0x1C8A0] =	vst v63  }
0x54: {  	s26 =	sadd.s32 s23, s8;
	p0 =	sne.s32 s23, $0x310000;
	s23 =	sadd.s32 $0x10000, s23  }
0x55: {  	[tilespmem:s13], [sflag:$0x1] =	stream.linear.gather [hbm4b:s26+s3], $0x1000, $0x38;
	[tilespmem:$0x1C8A0] =	vst v63  }
0x56: {  	s28 =	sadd.s32 $0xFFFFFC00, s24  }
0x57: {  	[tilespmem:s14], [sflag:$0x1] =	stream.linear.gather [hbm4b:s28+s3], $0x80, $0x38;
	[tilespmem:$0x1C8A0] =	vst v63  }
0x58: {  	s28 =	sadd.s32 $0x4000, s26  }
0x59: {  	[tilespmem:s15], [sflag:$0x1] =	stream.linear.gather [hbm4b:s28+s3], $0x1000, $0x38;
	[tilespmem:$0x1C8A0] =	vst v63  }
0x5a: {  	s28 =	sadd.s32 $0xFFFFFE00, s24  }
0x5b: {  	[tilespmem:s16], [sflag:$0x1] =	stream.linear.gather [hbm4b:s28+s3], $0x80, $0x38;
	[tilespmem:$0x1C8A0] =	vst v63  }
0x5c: {  	s28 =	sadd.s32 $0x8000, s26  }
0x5d: {  	[tilespmem:s17], [sflag:$0x1] =	stream.linear.gather [hbm4b:s28+s3], $0x1000, $0x38;
	[tilespmem:$0x1C8A0] =	vst v63  }
0x5e: {  	_ = 	snop  }
0x5f: {  	[tilespmem:s18], [sflag:$0x1] =	stream.linear.gather [hbm4b:s24+s3], $0x80, $0x38;
	[tilespmem:$0x1C8A0] =	vst v63  }
0x60: {  	s26 =	sadd.s32 $0xC000, s26  }
0x61: {  	[tilespmem:s19], [sflag:$0x1] =	stream.linear.gather [hbm4b:s26+s3], $0x1000, $0x38;
	[tilespmem:$0x1C8A0] =	vst v63  }
0x62: {  	_ =	swait.ge [sflag:s20], $0x80  }
0x63: {  	[sflag:s20] =	ssyncset.done $0x0  }
0x64: {  	[sflag:s20] =	ssyncadd.s32 $0xFFFFFF80  }
0x65: {  	_ =	swait.ge [sflag:s20], $0x1000  }
0x66: {  	[sflag:s20] =	ssyncset.done $0x0  }
0x67: {  	[sflag:s20] =	ssyncadd.s32 $0xFFFFF000  }
0x68: {  	_ =	swait.ge [sflag:s20], $0x80  }
0x69: {  	[sflag:s20] =	ssyncset.done $0x0  }
0x6a: {  	[sflag:s20] =	ssyncadd.s32 $0xFFFFFF80  }
0x6b: {  	_ =	swait.ge [sflag:s20], $0x1000  }
0x6c: {  	[sflag:s20] =	ssyncset.done $0x0  }
0x6d: {  	[sflag:s20] =	ssyncadd.s32 $0xFFFFF000  }
0x6e: {  	_ =	swait.ge [sflag:s20], $0x80  }
0x6f: {  	[sflag:s20] =	ssyncset.done $0x0  }
0x70: {  	[sflag:s20] =	ssyncadd.s32 $0xFFFFFF80  }
0x71: {  	_ =	swait.ge [sflag:s20], $0x1000  }
0x72: {  	[sflag:s20] =	ssyncset.done $0x0  }
0x73: {  	[sflag:s20] =	ssyncadd.s32 $0xFFFFF000  }
0x74: {  	_ =	swait.ge [sflag:s20], $0x80  }
0x75: {  	[sflag:s20] =	ssyncset.done $0x0  }
0x76: {  	[sflag:s20] =	ssyncadd.s32 $0xFFFFFF80  }
0x77: {  	_ =	swait.ge [sflag:s20], $0x1000  }
0x78: {  	[sflag:s20] =	ssyncset.done $0x0  }
0x79: {  	[sflag:s20] =	ssyncadd.s32 $0xFFFFF000  }
0x7a: {  	[spmem:s2] =	stream.indirect.scatter.add.f32 [tilespmem:s13], [sflag:$0x2], $0x20, s3, s14, $0xb8;
	[tilespmem:$0x1C8A0] =	vst v63  }
0x7b: {  	_ = 	snop  }
0x7c: {  	[spmem:s2] =	stream.indirect.scatter.add.f32 [tilespmem:s15], [sflag:$0x2], $0x20, s14, s14, $0xb8;
	[tilespmem:$0x1C8A0] =	vst v63  }
0x7d: {  	_ = 	snop  }
0x7e: {  	[spmem:s2] =	stream.indirect.scatter.add.f32 [tilespmem:s17], [sflag:$0x2], $0x20, s16, s14, $0xb8;
	[tilespmem:$0x1C8A0] =	vst v63  }
0x7f: {  	_ = 	snop  }
0x80: {  	[spmem:s2] =	stream.indirect.scatter.add.f32 [tilespmem:s19], [sflag:$0x2], $0x20, s18, s14, $0xb8;
	[tilespmem:$0x1C8A0] =	vst v63  }
0x81: {  	_ =	swait.ge [sflag:s21], $0x1000  }
0x82: {  	[sflag:s21] =	ssyncset.done $0x0  }
0x83: {  	[sflag:s21] =	ssyncadd.s32 $0xFFFFF000  }
0x84: {  	_ =	swait.ge [sflag:s21], $0x1000  }
0x85: {  	[sflag:s21] =	ssyncset.done $0x0  }
0x86: {  	[sflag:s21] =	ssyncadd.s32 $0xFFFFF000  }
.Ltmp0:
0x87: {  	_ =	swait.ge [sflag:s21], $0x1000;
	(pc) =	sbr.rel @p0 .LBB2_2-.Ltmp0, $4  }
0x88: {  	[sflag:s21] =	ssyncset.done $0x0  }
0x89: {  	[sflag:s21] =	ssyncadd.s32 $0xFFFFF000  }
0x8a: {  	_ =	swait.ge [sflag:s21], $0x1000  }
0x8b: {  	[sflag:s21] =	ssyncset.done $0x0  }
0x8c: {  	s22 =	sadd.s32 $0x1, s22  }
0x8d: {  	[sflag:s21] =	ssyncadd.s32 $0xFFFFF000;
	p0 =	sne.s32 s22, s7  }
.Ltmp1:
0x8e: {  	[bflag:$0x0] =	sbarrier.arrive $0xFFFF;
	(pc) =	sbr.rel @p0 .LBB2_1-.Ltmp1, $4  }
0x8f: {  	[hbm:s6], [sflag:s5] =	dma.local [spmem:s11], $0x30D4  }
0x90: {  	_ =	swait.ge [sflag:s12], $0x30D4  }
0x91: {  	[sflag:s12] =	ssyncset.done $0x0  }
0x92: {  	[sflag:s12] =	ssyncadd.s32 $0xFFFFCF2C  }
0x93: {  	_ =	sfence.sel $0x180000  }
0x94: {  	[bflag:$0x0] =	sbarrier.arrive $0xFFFF  }
0x95: {  	p0 =	sne.s32 s1, $0x0;
	_ =	strace $0x90000050  }
0x96: {  	s0 =	sadd.s32 @!p0 $0x100000, s0;
	[bflag:$0x2] =	sbarrier.arrive $0xFFFF  }
0x97: {  	[sflag:s0] =	ssyncadd.tile.s32 @!p0 $0x1;
	_ =	shalt  }
.Lfunc_end2:
_tile_overlayer_lowered:
.L_overlay_start_2:
0x98: {  	(tag) =	ssettag $0x2  }
0x99: {  	s0 =	rddreg [dreg:$0x0];
	s2 =	stileid.u32  }
0x9a: {  	s1 =	rddreg [dreg:$0x1];
	p0 =	sne.s32 s2, $0x0  }
0x9b: {  	s3 =	rddreg [dreg:$0x2];
	[bflag:$0x3] =	sbarrier.arrive $0xFFFF;
	s2 =	simm.s32 @!p0 $0x1C03  }
0x9c: {  	[timem:s3], [sflag:s2] =	dma.local @!p0 [hbm:s0], s1  }
0x9d: {  	s0 =	simm.s32 @!p0 $0x3  }
0x9e: {  	_ =	swait.ge @!p0 [sflag:s0], s1  }
0x9f: {  	s1 =	ssub.s32 @!p0 $0x0, s1;
	[sflag:s0] =	ssyncset.done @!p0 $0x0  }
0xa0: {  	[sflag:s0] =	ssyncadd.s32 @!p0 s1  }
0xa1: {  	[bflag:$0x3] =	sbarrier.arrive $0xFFFF  }
0xa2: {  	_ =	shalt  }

</sc_bundles>
